<compile_context>
chip_gen: v7x
topology: tpu7x:2x2x1
jax: 0.10.2.dev20260603
libtpu: 0.0.44.dev20260713+nightly
codegen_flags: <defaults>
</compile_context>

<pallas_src>
import functools

import jax
import jax.numpy as jnp
from jax import lax
from jax.experimental import pallas as pl
from jax.experimental.pallas import tpu as pltpu
from jax.experimental.pallas import tpu_sc as plsc

EMB = 32
BLKW = 128
NUM_CORES = 2
NUM_SUBCORES = 16
LANES = 16
NUM_WORKERS = NUM_CORES * NUM_SUBCORES
HALF = 4


def _mf_sc(user_id, game_id, user_table_t, game_table_t):
    batch = user_id.shape[0]
    bpw = batch // NUM_WORKERS
    rounds = bpw // HALF
    mesh = plsc.VectorSubcoreMesh(core_axis_name="c", subcore_axis_name="s")

    @functools.partial(
        pl.kernel,
        mesh=mesh,
        out_type=jax.ShapeDtypeStruct((batch,), jnp.float32),
        compiler_params=pltpu.CompilerParams(
            needs_layout_passes=False, skip_device_barrier=True),
        scratch_types=[
            pltpu.VMEM((bpw,), jnp.int32),
            pltpu.VMEM((bpw,), jnp.int32),
            pltpu.VMEM((4 * HALF, EMB, BLKW), jnp.float32),
            pltpu.VMEM((bpw,), jnp.float32),
            pltpu.SemaphoreType.DMA,
            pltpu.SemaphoreType.DMA,
        ],
    )
    def mf_kernel(uid_hbm, gid_hbm, ut_hbm, gt_hbm, out_hbm,
                  uid_v, gid_v, blk_v, o_v, sem_a, sem_b):
        wid = lax.axis_index("s") * NUM_CORES + lax.axis_index("c")
        base = wid * bpw
        pltpu.sync_copy(uid_hbm.at[pl.ds(base, bpw)], uid_v)
        pltpu.sync_copy(gid_hbm.at[pl.ds(base, bpw)], gid_v)

        lanes = lax.iota(jnp.int32, LANES)
        dup4 = lax.bitwise_and(lanes, jnp.int32(HALF - 1))
        quad = lax.shift_right_logical(lanes, 2)
        sems = (sem_a, sem_b)

        def issue(g, set_i):
            b = 2 * HALF * set_i
            idu = plsc.load_gather(uid_v, [dup4 + g * HALF])
            idg = plsc.load_gather(gid_v, [dup4 + g * HALF])
            ublk = lax.shift_right_logical(idu, 7)
            gblk = lax.shift_right_logical(idg, 7)
            for j in range(HALF):
                pltpu.async_copy(
                    ut_hbm.at[:, pl.ds(ublk[j] * BLKW, BLKW)],
                    blk_v.at[b + j], sems[set_i])
                pltpu.async_copy(
                    gt_hbm.at[:, pl.ds(gblk[j] * BLKW, BLKW)],
                    blk_v.at[b + HALF + j], sems[set_i])

        def drain(set_i):
            b = 2 * HALF * set_i
            for j in range(2 * HALF):
                pltpu.make_async_copy(
                    ut_hbm.at[:, pl.ds(0, BLKW)],
                    blk_v.at[b + j], sems[set_i]).wait()

        issue(0, 0)
        issue(1, 1)

        @pl.loop(0, rounds, step=4)
        def _(r0):
            accs = []
            for s in range(4):
                set_i = s % 2
                b = 2 * HALF * set_i
                drain(set_i)
                g = r0 + s
                idu = plsc.load_gather(uid_v, [dup4 + g * HALF])
                idg = plsc.load_gather(gid_v, [dup4 + g * HALF])
                ucols = lax.bitwise_and(idu, jnp.int32(BLKW - 1))
                gcols = lax.bitwise_and(idg, jnp.int32(BLKW - 1))
                slots_u = dup4 + b
                slots_g = dup4 + b + HALF
                acc = jnp.zeros((LANES,), jnp.float32)
                for c in range(EMB):
                    c_b = jnp.full((LANES,), c, jnp.int32)
                    vu = plsc.load_gather(blk_v, [slots_u, c_b, ucols])
                    vg = plsc.load_gather(blk_v, [slots_g, c_b, gcols])
                    acc = acc + vu * vg
                accs.append(acc)

                @pl.when(r0 + s + 2 < rounds)
                def _():
                    issue(g + 2, set_i)

            out = jnp.where(
                quad == 0, accs[0],
                jnp.where(quad == 1, accs[1],
                          jnp.where(quad == 2, accs[2], accs[3])))
            o_v[pl.ds(r0 * HALF, LANES)] = 10.0 / (1.0 + jnp.exp(-out))

        pltpu.sync_copy(o_v, out_hbm.at[pl.ds(base, bpw)])

    return mf_kernel(user_id, game_id, user_table_t, game_table_t)


def kernel(user_id, game_id, user_table, game_table):
    user_id = user_id.astype(jnp.int32)
    game_id = game_id.astype(jnp.int32)
    return _mf_sc(user_id, game_id, user_table.T, game_table.T)

# --- scband reference (transcript-rebuilt; emitter-appended) ---
"""Pipeline reference for scband-mf-87058987090521 (READ-ONLY COPY).

The authoritative reference and input builder live on the scoring server;
editing this copy changes nothing except your own understanding.
"""

import jax, jax.numpy as jnp
import numpy as np

NUM_USERS = 1000000
NUM_GAMES = 1000000
EMB = 32
BATCH = 16384


def setup_inputs(seed: int = 0) -> dict:
    key = jax.random.key(seed)
    k1, k2, k3, k4 = jax.random.split(key, 4)
    user_id = jax.random.randint(k1, (BATCH,), 0, NUM_USERS, dtype=jnp.int64) if jax.config.jax_enable_x64 else jax.random.randint(k1, (BATCH,), 0, NUM_USERS, dtype=jnp.int32)
    game_id = jax.random.randint(k2, (BATCH,), 0, NUM_GAMES, dtype=jnp.int32)
    user_table = jax.random.uniform(k3, (NUM_USERS, EMB), dtype=jnp.float32, minval=0.0, maxval=0.5)
    game_table = jax.random.uniform(k4, (NUM_GAMES, EMB), dtype=jnp.float32, minval=0.0, maxval=0.5)
    return {"user_id": user_id, "game_id": game_id, "user_table": user_table, "game_table": game_table}


def reference(user_id, game_id, user_table, game_table):
    user_emb = jnp.take(user_table, user_id, axis=0)
    game_emb = jnp.take(game_table, game_id, axis=0)
    dot_product = jnp.sum(user_emb * game_emb, axis=1)
    dot_product = jax.nn.sigmoid(dot_product) * 10.0
    return dot_product

if __name__ == "__main__":
    import jax
    _d = setup_inputs()
    print(jax.jit(kernel)(*tuple(_d.values())))

</pallas_src>

<mosaic_0001>
#map = affine_map<(d0, d1) -> (0)>
#map1 = affine_map<(d0, d1) -> (0, 0)>
module attributes {stable_mosaic.version = 14 : i64} {
  func.func @mf_kernel(%arg0: i32, %arg1: i32, %arg2: memref<16384xi32, #tpu.memory_space<hbm>>, %arg3: memref<16384xi32, #tpu.memory_space<hbm>>, %arg4: memref<32x1000000xf32, #tpu.memory_space<hbm>>, %arg5: memref<32x1000000xf32, #tpu.memory_space<hbm>>, %arg6: memref<16384xf32, #tpu.memory_space<hbm>>, %arg7: memref<512xi32, #tpu.memory_space<vmem>>, %arg8: memref<512xi32, #tpu.memory_space<vmem>>, %arg9: memref<16x32x128xf32, #tpu.memory_space<vmem>>, %arg10: memref<512xf32, #tpu.memory_space<vmem>>, %arg11: memref<!tpu.dma_semaphore, #tpu.memory_space<semaphore_mem>>, %arg12: memref<!tpu.dma_semaphore, #tpu.memory_space<semaphore_mem>>) attributes {dimension_semantics = [#tpu.dimension_semantics<core_parallel>, #tpu.dimension_semantics<subcore_parallel>], iteration_bounds = array<i64: 2, 16>, scalar_prefetch = 0 : i64, scratch_operands = 6 : i64, tpu.core_type = #tpu.core_type<sc_vector_subcore>, window_params = [{transform_indices = #map}, {transform_indices = #map}, {transform_indices = #map1}, {transform_indices = #map1}, {transform_indices = #map}]} {
    %mul3A = arith.constant 2 : i32
    %mul3A_0 = arith.muli %arg1, %mul3A : i32
    %add3A = arith.addi %mul3A_0, %arg0 : i32
    %mul3A_1 = arith.constant 512 : i32
    %mul3A_2 = arith.muli %add3A, %mul3A_1 : i32
    "tpu.region"() ({
      %run_scoped3A = tpu.sem_alloc : memref<!tpu.dma_semaphore, #tpu.memory_space<semaphore_mem>>
      %dma_start3A_307 = tpu.memref_slice %arg2[%mul3A_2] : memref<16384xi32, #tpu.memory_space<hbm>> -> memref<512xi32, #tpu.memory_space<hbm>>
      %dma_start3A_308 = tpu.memref_slice %arg2[%mul3A_2] : memref<16384xi32, #tpu.memory_space<hbm>> -> memref<512xi32, #tpu.memory_space<hbm>>
      tpu.enqueue_dma source(%dma_start3A_308 : memref<512xi32, #tpu.memory_space<hbm>>) target(%arg7 : memref<512xi32, #tpu.memory_space<vmem>>) target_semaphore(%run_scoped3A : memref<!tpu.dma_semaphore, #tpu.memory_space<semaphore_mem>>)
      %dma_wait3A = tpu.memref_slice %arg2[%mul3A_2] : memref<16384xi32, #tpu.memory_space<hbm>> -> memref<512xi32, #tpu.memory_space<hbm>>
      %dma_wait3A_309 = tpu.memref_slice %arg2[%mul3A_2] : memref<16384xi32, #tpu.memory_space<hbm>> -> memref<512xi32, #tpu.memory_space<hbm>>
      tpu.wait_dma2 semaphore(%run_scoped3A : memref<!tpu.dma_semaphore, #tpu.memory_space<semaphore_mem>>) src(%dma_wait3A_309 : memref<512xi32, #tpu.memory_space<hbm>>) dst(%arg7 : memref<512xi32, #tpu.memory_space<vmem>>)
      tpu.yield
    }) : () -> ()
    "tpu.region"() ({
      %run_scoped3A = tpu.sem_alloc : memref<!tpu.dma_semaphore, #tpu.memory_space<semaphore_mem>>
      %dma_start3A_307 = tpu.memref_slice %arg3[%mul3A_2] : memref<16384xi32, #tpu.memory_space<hbm>> -> memref<512xi32, #tpu.memory_space<hbm>>
      %dma_start3A_308 = tpu.memref_slice %arg3[%mul3A_2] : memref<16384xi32, #tpu.memory_space<hbm>> -> memref<512xi32, #tpu.memory_space<hbm>>
      tpu.enqueue_dma source(%dma_start3A_308 : memref<512xi32, #tpu.memory_space<hbm>>) target(%arg8 : memref<512xi32, #tpu.memory_space<vmem>>) target_semaphore(%run_scoped3A : memref<!tpu.dma_semaphore, #tpu.memory_space<semaphore_mem>>)
      %dma_wait3A = tpu.memref_slice %arg3[%mul3A_2] : memref<16384xi32, #tpu.memory_space<hbm>> -> memref<512xi32, #tpu.memory_space<hbm>>
      %dma_wait3A_309 = tpu.memref_slice %arg3[%mul3A_2] : memref<16384xi32, #tpu.memory_space<hbm>> -> memref<512xi32, #tpu.memory_space<hbm>>
      tpu.wait_dma2 semaphore(%run_scoped3A : memref<!tpu.dma_semaphore, #tpu.memory_space<semaphore_mem>>) src(%dma_wait3A_309 : memref<512xi32, #tpu.memory_space<hbm>>) dst(%arg8 : memref<512xi32, #tpu.memory_space<vmem>>)
      tpu.yield
    }) : () -> ()
    %iota3A = tpu.iota {dimensions = array<i32: 0>} : vector<16xi32>
    %and3A = arith.constant 3 : i32
    %and3A_3 = vector.broadcast %and3A : i32 to vector<16xi32>
    %and3A_4 = arith.andi %iota3A, %and3A_3 : vector<16xi32>
    %shift_right_logical3A = arith.constant 2 : i32
    %shift_right_logical3A_5 = vector.broadcast %shift_right_logical3A : i32 to vector<16xi32>
    %shift_right_logical3A_6 = arith.shrui %iota3A, %shift_right_logical3A_5 : vector<16xi32>
    %add3A_7 = arith.constant 0 : i32
    %add3A_8 = vector.broadcast %add3A_7 : i32 to vector<16xi32>
    %add3A_9 = arith.addi %and3A_4, %add3A_8 : vector<16xi32>
    %gather3A = tpu.vector_load_idx %arg7[%add3A_9] : memref<512xi32, #tpu.memory_space<vmem>>[vector<16xi32>], vector<16xi32>,
    %add3A_10 = arith.constant 0 : i32
    %add3A_11 = vector.broadcast %add3A_10 : i32 to vector<16xi32>
    %add3A_12 = arith.addi %and3A_4, %add3A_11 : vector<16xi32>
    %gather3A_13 = tpu.vector_load_idx %arg8[%add3A_12] : memref<512xi32, #tpu.memory_space<vmem>>[vector<16xi32>], vector<16xi32>,
    %shift_right_logical3A_14 = arith.constant 7 : i32
    %shift_right_logical3A_15 = vector.broadcast %shift_right_logical3A_14 : i32 to vector<16xi32>
    %shift_right_logical3A_16 = arith.shrui %gather3A, %shift_right_logical3A_15 : vector<16xi32>
    %shift_right_logical3A_17 = arith.constant 7 : i32
    %shift_right_logical3A_18 = vector.broadcast %shift_right_logical3A_17 : i32 to vector<16xi32>
    %shift_right_logical3A_19 = arith.shrui %gather3A_13, %shift_right_logical3A_18 : vector<16xi32>
    %slice3A = vector.extract_strided_slice %shift_right_logical3A_16 {offsets = [0], sizes = [1], strides = [1]} : vector<16xi32> to vector<1xi32>
    %squeeze3A = vector.extract %slice3A[0] : i32 from vector<1xi32>
    %mul3A_20 = arith.constant 128 : i32
    %mul3A_21 = arith.muli %squeeze3A, %mul3A_20 : i32
    %dma_start3A = arith.constant 0 : i32
    %dma_start3A_22 = arith.constant 0 : i32
    %dma_start3A_23 = arith.constant 0 : i32
    %dma_start3A_24 = tpu.memref_slice %arg9[%dma_start3A, %dma_start3A_22, %dma_start3A_23] : memref<16x32x128xf32, #tpu.memory_space<vmem>> -> memref<1x32x128xf32, #tpu.memory_space<vmem>>
    %dma_start3A_25 = tpu.memref_squeeze %dma_start3A_24 : memref<1x32x128xf32, #tpu.memory_space<vmem>> -> memref<32x128xf32, #tpu.memory_space<vmem>>
    %dma_start3A_26 = arith.constant 0 : i32
    %dma_start3A_27 = tpu.memref_slice %arg4[%dma_start3A_26, %mul3A_21] : memref<32x1000000xf32, #tpu.memory_space<hbm>> -> memref<32x128xf32, #tpu.memory_space<hbm>>
    %dma_start3A_28 = arith.constant 0 : i32
    %dma_start3A_29 = arith.constant 0 : i32
    %dma_start3A_30 = tpu.memref_slice %arg9[%dma_start3A, %dma_start3A_28, %dma_start3A_29] : memref<16x32x128xf32, #tpu.memory_space<vmem>> -> memref<1x32x128xf32, #tpu.memory_space<vmem>>
    %dma_start3A_31 = tpu.memref_squeeze %dma_start3A_30 : memref<1x32x128xf32, #tpu.memory_space<vmem>> -> memref<32x128xf32, #tpu.memory_space<vmem>>
    %dma_start3A_32 = arith.constant 0 : i32
    %dma_start3A_33 = tpu.memref_slice %arg4[%dma_start3A_32, %mul3A_21] : memref<32x1000000xf32, #tpu.memory_space<hbm>> -> memref<32x128xf32, #tpu.memory_space<hbm>>
    tpu.enqueue_dma source(%dma_start3A_33 : memref<32x128xf32, #tpu.memory_space<hbm>>) target(%dma_start3A_31 : memref<32x128xf32, #tpu.memory_space<vmem>>) target_semaphore(%arg11 : memref<!tpu.dma_semaphore, #tpu.memory_space<semaphore_mem>>)
    %slice3A_34 = vector.extract_strided_slice %shift_right_logical3A_19 {offsets = [0], sizes = [1], strides = [1]} : vector<16xi32> to vector<1xi32>
    %squeeze3A_35 = vector.extract %slice3A_34[0] : i32 from vector<1xi32>
    %mul3A_36 = arith.constant 128 : i32
    %mul3A_37 = arith.muli %squeeze3A_35, %mul3A_36 : i32
    %dma_start3A_38 = arith.constant 4 : i32
    %dma_start3A_39 = arith.constant 0 : i32
    %dma_start3A_40 = arith.constant 0 : i32
    %dma_start3A_41 = tpu.memref_slice %arg9[%dma_start3A_38, %dma_start3A_39, %dma_start3A_40] : memref<16x32x128xf32, #tpu.memory_space<vmem>> -> memref<1x32x128xf32, #tpu.memory_space<vmem>>
    %dma_start3A_42 = tpu.memref_squeeze %dma_start3A_41 : memref<1x32x128xf32, #tpu.memory_space<vmem>> -> memref<32x128xf32, #tpu.memory_space<vmem>>
    %dma_start3A_43 = arith.constant 0 : i32
    %dma_start3A_44 = tpu.memref_slice %arg5[%dma_start3A_43, %mul3A_37] : memref<32x1000000xf32, #tpu.memory_space<hbm>> -> memref<32x128xf32, #tpu.memory_space<hbm>>
    %dma_start3A_45 = arith.constant 0 : i32
    %dma_start3A_46 = arith.constant 0 : i32
    %dma_start3A_47 = tpu.memref_slice %arg9[%dma_start3A_38, %dma_start3A_45, %dma_start3A_46] : memref<16x32x128xf32, #tpu.memory_space<vmem>> -> memref<1x32x128xf32, #tpu.memory_space<vmem>>
    %dma_start3A_48 = tpu.memref_squeeze %dma_start3A_47 : memref<1x32x128xf32, #tpu.memory_space<vmem>> -> memref<32x128xf32, #tpu.memory_space<vmem>>
    %dma_start3A_49 = arith.constant 0 : i32
    %dma_start3A_50 = tpu.memref_slice %arg5[%dma_start3A_49, %mul3A_37] : memref<32x1000000xf32, #tpu.memory_space<hbm>> -> memref<32x128xf32, #tpu.memory_space<hbm>>
    tpu.enqueue_dma source(%dma_start3A_50 : memref<32x128xf32, #tpu.memory_space<hbm>>) target(%dma_start3A_48 : memref<32x128xf32, #tpu.memory_space<vmem>>) target_semaphore(%arg11 : memref<!tpu.dma_semaphore, #tpu.memory_space<semaphore_mem>>)
    %slice3A_51 = vector.extract_strided_slice %shift_right_logical3A_16 {offsets = [1], sizes = [1], strides = [1]} : vector<16xi32> to vector<1xi32>
    %squeeze3A_52 = vector.extract %slice3A_51[0] : i32 from vector<1xi32>
    %mul3A_53 = arith.constant 128 : i32
    %mul3A_54 = arith.muli %squeeze3A_52, %mul3A_53 : i32
    %dma_start3A_55 = arith.constant 1 : i32
    %dma_start3A_56 = arith.constant 0 : i32
    %dma_start3A_57 = arith.constant 0 : i32
    %dma_start3A_58 = tpu.memref_slice %arg9[%dma_start3A_55, %dma_start3A_56, %dma_start3A_57] : memref<16x32x128xf32, #tpu.memory_space<vmem>> -> memref<1x32x128xf32, #tpu.memory_space<vmem>>
    %dma_start3A_59 = tpu.memref_squeeze %dma_start3A_58 : memref<1x32x128xf32, #tpu.memory_space<vmem>> -> memref<32x128xf32, #tpu.memory_space<vmem>>
    %dma_start3A_60 = arith.constant 0 : i32
    %dma_start3A_61 = tpu.memref_slice %arg4[%dma_start3A_60, %mul3A_54] : memref<32x1000000xf32, #tpu.memory_space<hbm>> -> memref<32x128xf32, #tpu.memory_space<hbm>>
    %dma_start3A_62 = arith.constant 0 : i32
    %dma_start3A_63 = arith.constant 0 : i32
    %dma_start3A_64 = tpu.memref_slice %arg9[%dma_start3A_55, %dma_start3A_62, %dma_start3A_63] : memref<16x32x128xf32, #tpu.memory_space<vmem>> -> memref<1x32x128xf32, #tpu.memory_space<vmem>>
    %dma_start3A_65 = tpu.memref_squeeze %dma_start3A_64 : memref<1x32x128xf32, #tpu.memory_space<vmem>> -> memref<32x128xf32, #tpu.memory_space<vmem>>
    %dma_start3A_66 = arith.constant 0 : i32
    %dma_start3A_67 = tpu.memref_slice %arg4[%dma_start3A_66, %mul3A_54] : memref<32x1000000xf32, #tpu.memory_space<hbm>> -> memref<32x128xf32, #tpu.memory_space<hbm>>
    tpu.enqueue_dma source(%dma_start3A_67 : memref<32x128xf32, #tpu.memory_space<hbm>>) target(%dma_start3A_65 : memref<32x128xf32, #tpu.memory_space<vmem>>) target_semaphore(%arg11 : memref<!tpu.dma_semaphore, #tpu.memory_space<semaphore_mem>>)
    %slice3A_68 = vector.extract_strided_slice %shift_right_logical3A_19 {offsets = [1], sizes = [1], strides = [1]} : vector<16xi32> to vector<1xi32>
    %squeeze3A_69 = vector.extract %slice3A_68[0] : i32 from vector<1xi32>
    %mul3A_70 = arith.constant 128 : i32
    %mul3A_71 = arith.muli %squeeze3A_69, %mul3A_70 : i32
    %dma_start3A_72 = arith.constant 5 : i32
    %dma_start3A_73 = arith.constant 0 : i32
    %dma_start3A_74 = arith.constant 0 : i32
    %dma_start3A_75 = tpu.memref_slice %arg9[%dma_start3A_72, %dma_start3A_73, %dma_start3A_74] : memref<16x32x128xf32, #tpu.memory_space<vmem>> -> memref<1x32x128xf32, #tpu.memory_space<vmem>>
    %dma_start3A_76 = tpu.memref_squeeze %dma_start3A_75 : memref<1x32x128xf32, #tpu.memory_space<vmem>> -> memref<32x128xf32, #tpu.memory_space<vmem>>
    %dma_start3A_77 = arith.constant 0 : i32
    %dma_start3A_78 = tpu.memref_slice %arg5[%dma_start3A_77, %mul3A_71] : memref<32x1000000xf32, #tpu.memory_space<hbm>> -> memref<32x128xf32, #tpu.memory_space<hbm>>
    %dma_start3A_79 = arith.constant 0 : i32
    %dma_start3A_80 = arith.constant 0 : i32
    %dma_start3A_81 = tpu.memref_slice %arg9[%dma_start3A_72, %dma_start3A_79, %dma_start3A_80] : memref<16x32x128xf32, #tpu.memory_space<vmem>> -> memref<1x32x128xf32, #tpu.memory_space<vmem>>
    %dma_start3A_82 = tpu.memref_squeeze %dma_start3A_81 : memref<1x32x128xf32, #tpu.memory_space<vmem>> -> memref<32x128xf32, #tpu.memory_space<vmem>>
    %dma_start3A_83 = arith.constant 0 : i32
    %dma_start3A_84 = tpu.memref_slice %arg5[%dma_start3A_83, %mul3A_71] : memref<32x1000000xf32, #tpu.memory_space<hbm>> -> memref<32x128xf32, #tpu.memory_space<hbm>>
    tpu.enqueue_dma source(%dma_start3A_84 : memref<32x128xf32, #tpu.memory_space<hbm>>) target(%dma_start3A_82 : memref<32x128xf32, #tpu.memory_space<vmem>>) target_semaphore(%arg11 : memref<!tpu.dma_semaphore, #tpu.memory_space<semaphore_mem>>)
    %slice3A_85 = vector.extract_strided_slice %shift_right_logical3A_16 {offsets = [2], sizes = [1], strides = [1]} : vector<16xi32> to vector<1xi32>
    %squeeze3A_86 = vector.extract %slice3A_85[0] : i32 from vector<1xi32>
    %mul3A_87 = arith.constant 128 : i32
    %mul3A_88 = arith.muli %squeeze3A_86, %mul3A_87 : i32
    %dma_start3A_89 = arith.constant 2 : i32
    %dma_start3A_90 = arith.constant 0 : i32
    %dma_start3A_91 = arith.constant 0 : i32
    %dma_start3A_92 = tpu.memref_slice %arg9[%dma_start3A_89, %dma_start3A_90, %dma_start3A_91] : memref<16x32x128xf32, #tpu.memory_space<vmem>> -> memref<1x32x128xf32, #tpu.memory_space<vmem>>
    %dma_start3A_93 = tpu.memref_squeeze %dma_start3A_92 : memref<1x32x128xf32, #tpu.memory_space<vmem>> -> memref<32x128xf32, #tpu.memory_space<vmem>>
    %dma_start3A_94 = arith.constant 0 : i32
    %dma_start3A_95 = tpu.memref_slice %arg4[%dma_start3A_94, %mul3A_88] : memref<32x1000000xf32, #tpu.memory_space<hbm>> -> memref<32x128xf32, #tpu.memory_space<hbm>>
    %dma_start3A_96 = arith.constant 0 : i32
    %dma_start3A_97 = arith.constant 0 : i32
    %dma_start3A_98 = tpu.memref_slice %arg9[%dma_start3A_89, %dma_start3A_96, %dma_start3A_97] : memref<16x32x128xf32, #tpu.memory_space<vmem>> -> memref<1x32x128xf32, #tpu.memory_space<vmem>>
    %dma_start3A_99 = tpu.memref_squeeze %dma_start3A_98 : memref<1x32x128xf32, #tpu.memory_space<vmem>> -> memref<32x128xf32, #tpu.memory_space<vmem>>
    %dma_start3A_100 = arith.constant 0 : i32
    %dma_start3A_101 = tpu.memref_slice %arg4[%dma_start3A_100, %mul3A_88] : memref<32x1000000xf32, #tpu.memory_space<hbm>> -> memref<32x128xf32, #tpu.memory_space<hbm>>
    tpu.enqueue_dma source(%dma_start3A_101 : memref<32x128xf32, #tpu.memory_space<hbm>>) target(%dma_start3A_99 : memref<32x128xf32, #tpu.memory_space<vmem>>) target_semaphore(%arg11 : memref<!tpu.dma_semaphore, #tpu.memory_space<semaphore_mem>>)
    %slice3A_102 = vector.extract_strided_slice %shift_right_logical3A_19 {offsets = [2], sizes = [1], strides = [1]} : vector<16xi32> to vector<1xi32>
    %squeeze3A_103 = vector.extract %slice3A_102[0] : i32 from vector<1xi32>
    %mul3A_104 = arith.constant 128 : i32
    %mul3A_105 = arith.muli %squeeze3A_103, %mul3A_104 : i32
    %dma_start3A_106 = arith.constant 6 : i32
    %dma_start3A_107 = arith.constant 0 : i32
    %dma_start3A_108 = arith.constant 0 : i32
    %dma_start3A_109 = tpu.memref_slice %arg9[%dma_start3A_106, %dma_start3A_107, %dma_start3A_108] : memref<16x32x128xf32, #tpu.memory_space<vmem>> -> memref<1x32x128xf32, #tpu.memory_space<vmem>>
    %dma_start3A_110 = tpu.memref_squeeze %dma_start3A_109 : memref<1x32x128xf32, #tpu.memory_space<vmem>> -> memref<32x128xf32, #tpu.memory_space<vmem>>
    %dma_start3A_111 = arith.constant 0 : i32
    %dma_start3A_112 = tpu.memref_slice %arg5[%dma_start3A_111, %mul3A_105] : memref<32x1000000xf32, #tpu.memory_space<hbm>> -> memref<32x128xf32, #tpu.memory_space<hbm>>
    %dma_start3A_113 = arith.constant 0 : i32
    %dma_start3A_114 = arith.constant 0 : i32
    %dma_start3A_115 = tpu.memref_slice %arg9[%dma_start3A_106, %dma_start3A_113, %dma_start3A_114] : memref<16x32x128xf32, #tpu.memory_space<vmem>> -> memref<1x32x128xf32, #tpu.memory_space<vmem>>
    %dma_start3A_116 = tpu.memref_squeeze %dma_start3A_115 : memref<1x32x128xf32, #tpu.memory_space<vmem>> -> memref<32x128xf32, #tpu.memory_space<vmem>>
    %dma_start3A_117 = arith.constant 0 : i32
    %dma_start3A_118 = tpu.memref_slice %arg5[%dma_start3A_117, %mul3A_105] : memref<32x1000000xf32, #tpu.memory_space<hbm>> -> memref<32x128xf32, #tpu.memory_space<hbm>>
    tpu.enqueue_dma source(%dma_start3A_118 : memref<32x128xf32, #tpu.memory_space<hbm>>) target(%dma_start3A_116 : memref<32x128xf32, #tpu.memory_space<vmem>>) target_semaphore(%arg11 : memref<!tpu.dma_semaphore, #tpu.memory_space<semaphore_mem>>)
    %slice3A_119 = vector.extract_strided_slice %shift_right_logical3A_16 {offsets = [3], sizes = [1], strides = [1]} : vector<16xi32> to vector<1xi32>
    %squeeze3A_120 = vector.extract %slice3A_119[0] : i32 from vector<1xi32>
    %mul3A_121 = arith.constant 128 : i32
    %mul3A_122 = arith.muli %squeeze3A_120, %mul3A_121 : i32
    %dma_start3A_123 = arith.constant 3 : i32
    %dma_start3A_124 = arith.constant 0 : i32
    %dma_start3A_125 = arith.constant 0 : i32
    %dma_start3A_126 = tpu.memref_slice %arg9[%dma_start3A_123, %dma_start3A_124, %dma_start3A_125] : memref<16x32x128xf32, #tpu.memory_space<vmem>> -> memref<1x32x128xf32, #tpu.memory_space<vmem>>
    %dma_start3A_127 = tpu.memref_squeeze %dma_start3A_126 : memref<1x32x128xf32, #tpu.memory_space<vmem>> -> memref<32x128xf32, #tpu.memory_space<vmem>>
    %dma_start3A_128 = arith.constant 0 : i32
    %dma_start3A_129 = tpu.memref_slice %arg4[%dma_start3A_128, %mul3A_122] : memref<32x1000000xf32, #tpu.memory_space<hbm>> -> memref<32x128xf32, #tpu.memory_space<hbm>>
    %dma_start3A_130 = arith.constant 0 : i32
    %dma_start3A_131 = arith.constant 0 : i32
    %dma_start3A_132 = tpu.memref_slice %arg9[%dma_start3A_123, %dma_start3A_130, %dma_start3A_131] : memref<16x32x128xf32, #tpu.memory_space<vmem>> -> memref<1x32x128xf32, #tpu.memory_space<vmem>>
    %dma_start3A_133 = tpu.memref_squeeze %dma_start3A_132 : memref<1x32x128xf32, #tpu.memory_space<vmem>> -> memref<32x128xf32, #tpu.memory_space<vmem>>
    %dma_start3A_134 = arith.constant 0 : i32
    %dma_start3A_135 = tpu.memref_slice %arg4[%dma_start3A_134, %mul3A_122] : memref<32x1000000xf32, #tpu.memory_space<hbm>> -> memref<32x128xf32, #tpu.memory_space<hbm>>
    tpu.enqueue_dma source(%dma_start3A_135 : memref<32x128xf32, #tpu.memory_space<hbm>>) target(%dma_start3A_133 : memref<32x128xf32, #tpu.memory_space<vmem>>) target_semaphore(%arg11 : memref<!tpu.dma_semaphore, #tpu.memory_space<semaphore_mem>>)
    %slice3A_136 = vector.extract_strided_slice %shift_right_logical3A_19 {offsets = [3], sizes = [1], strides = [1]} : vector<16xi32> to vector<1xi32>
    %squeeze3A_137 = vector.extract %slice3A_136[0] : i32 from vector<1xi32>
    %mul3A_138 = arith.constant 128 : i32
    %mul3A_139 = arith.muli %squeeze3A_137, %mul3A_138 : i32
    %dma_start3A_140 = arith.constant 7 : i32
    %dma_start3A_141 = arith.constant 0 : i32
    %dma_start3A_142 = arith.constant 0 : i32
    %dma_start3A_143 = tpu.memref_slice %arg9[%dma_start3A_140, %dma_start3A_141, %dma_start3A_142] : memref<16x32x128xf32, #tpu.memory_space<vmem>> -> memref<1x32x128xf32, #tpu.memory_space<vmem>>
    %dma_start3A_144 = tpu.memref_squeeze %dma_start3A_143 : memref<1x32x128xf32, #tpu.memory_space<vmem>> -> memref<32x128xf32, #tpu.memory_space<vmem>>
    %dma_start3A_145 = arith.constant 0 : i32
    %dma_start3A_146 = tpu.memref_slice %arg5[%dma_start3A_145, %mul3A_139] : memref<32x1000000xf32, #tpu.memory_space<hbm>> -> memref<32x128xf32, #tpu.memory_space<hbm>>
    %dma_start3A_147 = arith.constant 0 : i32
    %dma_start3A_148 = arith.constant 0 : i32
    %dma_start3A_149 = tpu.memref_slice %arg9[%dma_start3A_140, %dma_start3A_147, %dma_start3A_148] : memref<16x32x128xf32, #tpu.memory_space<vmem>> -> memref<1x32x128xf32, #tpu.memory_space<vmem>>
    %dma_start3A_150 = tpu.memref_squeeze %dma_start3A_149 : memref<1x32x128xf32, #tpu.memory_space<vmem>> -> memref<32x128xf32, #tpu.memory_space<vmem>>
    %dma_start3A_151 = arith.constant 0 : i32
    %dma_start3A_152 = tpu.memref_slice %arg5[%dma_start3A_151, %mul3A_139] : memref<32x1000000xf32, #tpu.memory_space<hbm>> -> memref<32x128xf32, #tpu.memory_space<hbm>>
    tpu.enqueue_dma source(%dma_start3A_152 : memref<32x128xf32, #tpu.memory_space<hbm>>) target(%dma_start3A_150 : memref<32x128xf32, #tpu.memory_space<vmem>>) target_semaphore(%arg11 : memref<!tpu.dma_semaphore, #tpu.memory_space<semaphore_mem>>)
    %add3A_153 = arith.constant 4 : i32
    %add3A_154 = vector.broadcast %add3A_153 : i32 to vector<16xi32>
    %add3A_155 = arith.addi %and3A_4, %add3A_154 : vector<16xi32>
    %gather3A_156 = tpu.vector_load_idx %arg7[%add3A_155] : memref<512xi32, #tpu.memory_space<vmem>>[vector<16xi32>], vector<16xi32>,
    %add3A_157 = arith.constant 4 : i32
    %add3A_158 = vector.broadcast %add3A_157 : i32 to vector<16xi32>
    %add3A_159 = arith.addi %and3A_4, %add3A_158 : vector<16xi32>
    %gather3A_160 = tpu.vector_load_idx %arg8[%add3A_159] : memref<512xi32, #tpu.memory_space<vmem>>[vector<16xi32>], vector<16xi32>,
    %shift_right_logical3A_161 = arith.constant 7 : i32
    %shift_right_logical3A_162 = vector.broadcast %shift_right_logical3A_161 : i32 to vector<16xi32>
    %shift_right_logical3A_163 = arith.shrui %gather3A_156, %shift_right_logical3A_162 : vector<16xi32>
    %shift_right_logical3A_164 = arith.constant 7 : i32
    %shift_right_logical3A_165 = vector.broadcast %shift_right_logical3A_164 : i32 to vector<16xi32>
    %shift_right_logical3A_166 = arith.shrui %gather3A_160, %shift_right_logical3A_165 : vector<16xi32>
    %slice3A_167 = vector.extract_strided_slice %shift_right_logical3A_163 {offsets = [0], sizes = [1], strides = [1]} : vector<16xi32> to vector<1xi32>
    %squeeze3A_168 = vector.extract %slice3A_167[0] : i32 from vector<1xi32>
    %mul3A_169 = arith.constant 128 : i32
    %mul3A_170 = arith.muli %squeeze3A_168, %mul3A_169 : i32
    %dma_start3A_171 = arith.constant 8 : i32
    %dma_start3A_172 = arith.constant 0 : i32
    %dma_start3A_173 = arith.constant 0 : i32
    %dma_start3A_174 = tpu.memref_slice %arg9[%dma_start3A_171, %dma_start3A_172, %dma_start3A_173] : memref<16x32x128xf32, #tpu.memory_space<vmem>> -> memref<1x32x128xf32, #tpu.memory_space<vmem>>
    %dma_start3A_175 = tpu.memref_squeeze %dma_start3A_174 : memref<1x32x128xf32, #tpu.memory_space<vmem>> -> memref<32x128xf32, #tpu.memory_space<vmem>>
    %dma_start3A_176 = arith.constant 0 : i32
    %dma_start3A_177 = tpu.memref_slice %arg4[%dma_start3A_176, %mul3A_170] : memref<32x1000000xf32, #tpu.memory_space<hbm>> -> memref<32x128xf32, #tpu.memory_space<hbm>>
    %dma_start3A_178 = arith.constant 0 : i32
    %dma_start3A_179 = arith.constant 0 : i32
    %dma_start3A_180 = tpu.memref_slice %arg9[%dma_start3A_171, %dma_start3A_178, %dma_start3A_179] : memref<16x32x128xf32, #tpu.memory_space<vmem>> -> memref<1x32x128xf32, #tpu.memory_space<vmem>>
    %dma_start3A_181 = tpu.memref_squeeze %dma_start3A_180 : memref<1x32x128xf32, #tpu.memory_space<vmem>> -> memref<32x128xf32, #tpu.memory_space<vmem>>
    %dma_start3A_182 = arith.constant 0 : i32
    %dma_start3A_183 = tpu.memref_slice %arg4[%dma_start3A_182, %mul3A_170] : memref<32x1000000xf32, #tpu.memory_space<hbm>> -> memref<32x128xf32, #tpu.memory_space<hbm>>
    tpu.enqueue_dma source(%dma_start3A_183 : memref<32x128xf32, #tpu.memory_space<hbm>>) target(%dma_start3A_181 : memref<32x128xf32, #tpu.memory_space<vmem>>) target_semaphore(%arg12 : memref<!tpu.dma_semaphore, #tpu.memory_space<semaphore_mem>>)
    %slice3A_184 = vector.extract_strided_slice %shift_right_logical3A_166 {offsets = [0], sizes = [1], strides = [1]} : vector<16xi32> to vector<1xi32>
    %squeeze3A_185 = vector.extract %slice3A_184[0] : i32 from vector<1xi32>
    %mul3A_186 = arith.constant 128 : i32
    %mul3A_187 = arith.muli %squeeze3A_185, %mul3A_186 : i32
    %dma_start3A_188 = arith.constant 12 : i32
    %dma_start3A_189 = arith.constant 0 : i32
    %dma_start3A_190 = arith.constant 0 : i32
    %dma_start3A_191 = tpu.memref_slice %arg9[%dma_start3A_188, %dma_start3A_189, %dma_start3A_190] : memref<16x32x128xf32, #tpu.memory_space<vmem>> -> memref<1x32x128xf32, #tpu.memory_space<vmem>>
    %dma_start3A_192 = tpu.memref_squeeze %dma_start3A_191 : memref<1x32x128xf32, #tpu.memory_space<vmem>> -> memref<32x128xf32, #tpu.memory_space<vmem>>
    %dma_start3A_193 = arith.constant 0 : i32
    %dma_start3A_194 = tpu.memref_slice %arg5[%dma_start3A_193, %mul3A_187] : memref<32x1000000xf32, #tpu.memory_space<hbm>> -> memref<32x128xf32, #tpu.memory_space<hbm>>
    %dma_start3A_195 = arith.constant 0 : i32
    %dma_start3A_196 = arith.constant 0 : i32
    %dma_start3A_197 = tpu.memref_slice %arg9[%dma_start3A_188, %dma_start3A_195, %dma_start3A_196] : memref<16x32x128xf32, #tpu.memory_space<vmem>> -> memref<1x32x128xf32, #tpu.memory_space<vmem>>
    %dma_start3A_198 = tpu.memref_squeeze %dma_start3A_197 : memref<1x32x128xf32, #tpu.memory_space<vmem>> -> memref<32x128xf32, #tpu.memory_space<vmem>>
    %dma_start3A_199 = arith.constant 0 : i32
    %dma_start3A_200 = tpu.memref_slice %arg5[%dma_start3A_199, %mul3A_187] : memref<32x1000000xf32, #tpu.memory_space<hbm>> -> memref<32x128xf32, #tpu.memory_space<hbm>>
    tpu.enqueue_dma source(%dma_start3A_200 : memref<32x128xf32, #tpu.memory_space<hbm>>) target(%dma_start3A_198 : memref<32x128xf32, #tpu.memory_space<vmem>>) target_semaphore(%arg12 : memref<!tpu.dma_semaphore, #tpu.memory_space<semaphore_mem>>)
    %slice3A_201 = vector.extract_strided_slice %shift_right_logical3A_163 {offsets = [1], sizes = [1], strides = [1]} : vector<16xi32> to vector<1xi32>
    %squeeze3A_202 = vector.extract %slice3A_201[0] : i32 from vector<1xi32>
    %mul3A_203 = arith.constant 128 : i32
    %mul3A_204 = arith.muli %squeeze3A_202, %mul3A_203 : i32
    %dma_start3A_205 = arith.constant 9 : i32
    %dma_start3A_206 = arith.constant 0 : i32
    %dma_start3A_207 = arith.constant 0 : i32
    %dma_start3A_208 = tpu.memref_slice %arg9[%dma_start3A_205, %dma_start3A_206, %dma_start3A_207] : memref<16x32x128xf32, #tpu.memory_space<vmem>> -> memref<1x32x128xf32, #tpu.memory_space<vmem>>
    %dma_start3A_209 = tpu.memref_squeeze %dma_start3A_208 : memref<1x32x128xf32, #tpu.memory_space<vmem>> -> memref<32x128xf32, #tpu.memory_space<vmem>>
    %dma_start3A_210 = arith.constant 0 : i32
    %dma_start3A_211 = tpu.memref_slice %arg4[%dma_start3A_210, %mul3A_204] : memref<32x1000000xf32, #tpu.memory_space<hbm>> -> memref<32x128xf32, #tpu.memory_space<hbm>>
    %dma_start3A_212 = arith.constant 0 : i32
    %dma_start3A_213 = arith.constant 0 : i32
    %dma_start3A_214 = tpu.memref_slice %arg9[%dma_start3A_205, %dma_start3A_212, %dma_start3A_213] : memref<16x32x128xf32, #tpu.memory_space<vmem>> -> memref<1x32x128xf32, #tpu.memory_space<vmem>>
    %dma_start3A_215 = tpu.memref_squeeze %dma_start3A_214 : memref<1x32x128xf32, #tpu.memory_space<vmem>> -> memref<32x128xf32, #tpu.memory_space<vmem>>
    %dma_start3A_216 = arith.constant 0 : i32
    %dma_start3A_217 = tpu.memref_slice %arg4[%dma_start3A_216, %mul3A_204] : memref<32x1000000xf32, #tpu.memory_space<hbm>> -> memref<32x128xf32, #tpu.memory_space<hbm>>
    tpu.enqueue_dma source(%dma_start3A_217 : memref<32x128xf32, #tpu.memory_space<hbm>>) target(%dma_start3A_215 : memref<32x128xf32, #tpu.memory_space<vmem>>) target_semaphore(%arg12 : memref<!tpu.dma_semaphore, #tpu.memory_space<semaphore_mem>>)
    %slice3A_218 = vector.extract_strided_slice %shift_right_logical3A_166 {offsets = [1], sizes = [1], strides = [1]} : vector<16xi32> to vector<1xi32>
    %squeeze3A_219 = vector.extract %slice3A_218[0] : i32 from vector<1xi32>
    %mul3A_220 = arith.constant 128 : i32
    %mul3A_221 = arith.muli %squeeze3A_219, %mul3A_220 : i32
    %dma_start3A_222 = arith.constant 13 : i32
    %dma_start3A_223 = arith.constant 0 : i32
    %dma_start3A_224 = arith.constant 0 : i32
    %dma_start3A_225 = tpu.memref_slice %arg9[%dma_start3A_222, %dma_start3A_223, %dma_start3A_224] : memref<16x32x128xf32, #tpu.memory_space<vmem>> -> memref<1x32x128xf32, #tpu.memory_space<vmem>>
    %dma_start3A_226 = tpu.memref_squeeze %dma_start3A_225 : memref<1x32x128xf32, #tpu.memory_space<vmem>> -> memref<32x128xf32, #tpu.memory_space<vmem>>
    %dma_start3A_227 = arith.constant 0 : i32
    %dma_start3A_228 = tpu.memref_slice %arg5[%dma_start3A_227, %mul3A_221] : memref<32x1000000xf32, #tpu.memory_space<hbm>> -> memref<32x128xf32, #tpu.memory_space<hbm>>
    %dma_start3A_229 = arith.constant 0 : i32
    %dma_start3A_230 = arith.constant 0 : i32
    %dma_start3A_231 = tpu.memref_slice %arg9[%dma_start3A_222, %dma_start3A_229, %dma_start3A_230] : memref<16x32x128xf32, #tpu.memory_space<vmem>> -> memref<1x32x128xf32, #tpu.memory_space<vmem>>
    %dma_start3A_232 = tpu.memref_squeeze %dma_start3A_231 : memref<1x32x128xf32, #tpu.memory_space<vmem>> -> memref<32x128xf32, #tpu.memory_space<vmem>>
    %dma_start3A_233 = arith.constant 0 : i32
    %dma_start3A_234 = tpu.memref_slice %arg5[%dma_start3A_233, %mul3A_221] : memref<32x1000000xf32, #tpu.memory_space<hbm>> -> memref<32x128xf32, #tpu.memory_space<hbm>>
    tpu.enqueue_dma source(%dma_start3A_234 : memref<32x128xf32, #tpu.memory_space<hbm>>) target(%dma_start3A_232 : memref<32x128xf32, #tpu.memory_space<vmem>>) target_semaphore(%arg12 : memref<!tpu.dma_semaphore, #tpu.memory_space<semaphore_mem>>)
    %slice3A_235 = vector.extract_strided_slice %shift_right_logical3A_163 {offsets = [2], sizes = [1], strides = [1]} : vector<16xi32> to vector<1xi32>
    %squeeze3A_236 = vector.extract %slice3A_235[0] : i32 from vector<1xi32>
    %mul3A_237 = arith.constant 128 : i32
    %mul3A_238 = arith.muli %squeeze3A_236, %mul3A_237 : i32
    %dma_start3A_239 = arith.constant 10 : i32
    %dma_start3A_240 = arith.constant 0 : i32
    %dma_start3A_241 = arith.constant 0 : i32
    %dma_start3A_242 = tpu.memref_slice %arg9[%dma_start3A_239, %dma_start3A_240, %dma_start3A_241] : memref<16x32x128xf32, #tpu.memory_space<vmem>> -> memref<1x32x128xf32, #tpu.memory_space<vmem>>
    %dma_start3A_243 = tpu.memref_squeeze %dma_start3A_242 : memref<1x32x128xf32, #tpu.memory_space<vmem>> -> memref<32x128xf32, #tpu.memory_space<vmem>>
    %dma_start3A_244 = arith.constant 0 : i32
    %dma_start3A_245 = tpu.memref_slice %arg4[%dma_start3A_244, %mul3A_238] : memref<32x1000000xf32, #tpu.memory_space<hbm>> -> memref<32x128xf32, #tpu.memory_space<hbm>>
    %dma_start3A_246 = arith.constant 0 : i32
    %dma_start3A_247 = arith.constant 0 : i32
    %dma_start3A_248 = tpu.memref_slice %arg9[%dma_start3A_239, %dma_start3A_246, %dma_start3A_247] : memref<16x32x128xf32, #tpu.memory_space<vmem>> -> memref<1x32x128xf32, #tpu.memory_space<vmem>>
    %dma_start3A_249 = tpu.memref_squeeze %dma_start3A_248 : memref<1x32x128xf32, #tpu.memory_space<vmem>> -> memref<32x128xf32, #tpu.memory_space<vmem>>
    %dma_start3A_250 = arith.constant 0 : i32
    %dma_start3A_251 = tpu.memref_slice %arg4[%dma_start3A_250, %mul3A_238] : memref<32x1000000xf32, #tpu.memory_space<hbm>> -> memref<32x128xf32, #tpu.memory_space<hbm>>
    tpu.enqueue_dma source(%dma_start3A_251 : memref<32x128xf32, #tpu.memory_space<hbm>>) target(%dma_start3A_249 : memref<32x128xf32, #tpu.memory_space<vmem>>) target_semaphore(%arg12 : memref<!tpu.dma_semaphore, #tpu.memory_space<semaphore_mem>>)
    %slice3A_252 = vector.extract_strided_slice %shift_right_logical3A_166 {offsets = [2], sizes = [1], strides = [1]} : vector<16xi32> to vector<1xi32>
    %squeeze3A_253 = vector.extract %slice3A_252[0] : i32 from vector<1xi32>
    %mul3A_254 = arith.constant 128 : i32
    %mul3A_255 = arith.muli %squeeze3A_253, %mul3A_254 : i32
    %dma_start3A_256 = arith.constant 14 : i32
    %dma_start3A_257 = arith.constant 0 : i32
    %dma_start3A_258 = arith.constant 0 : i32
    %dma_start3A_259 = tpu.memref_slice %arg9[%dma_start3A_256, %dma_start3A_257, %dma_start3A_258] : memref<16x32x128xf32, #tpu.memory_space<vmem>> -> memref<1x32x128xf32, #tpu.memory_space<vmem>>
    %dma_start3A_260 = tpu.memref_squeeze %dma_start3A_259 : memref<1x32x128xf32, #tpu.memory_space<vmem>> -> memref<32x128xf32, #tpu.memory_space<vmem>>
    %dma_start3A_261 = arith.constant 0 : i32
    %dma_start3A_262 = tpu.memref_slice %arg5[%dma_start3A_261, %mul3A_255] : memref<32x1000000xf32, #tpu.memory_space<hbm>> -> memref<32x128xf32, #tpu.memory_space<hbm>>
    %dma_start3A_263 = arith.constant 0 : i32
    %dma_start3A_264 = arith.constant 0 : i32
    %dma_start3A_265 = tpu.memref_slice %arg9[%dma_start3A_256, %dma_start3A_263, %dma_start3A_264] : memref<16x32x128xf32, #tpu.memory_space<vmem>> -> memref<1x32x128xf32, #tpu.memory_space<vmem>>
    %dma_start3A_266 = tpu.memref_squeeze %dma_start3A_265 : memref<1x32x128xf32, #tpu.memory_space<vmem>> -> memref<32x128xf32, #tpu.memory_space<vmem>>
    %dma_start3A_267 = arith.constant 0 : i32
    %dma_start3A_268 = tpu.memref_slice %arg5[%dma_start3A_267, %mul3A_255] : memref<32x1000000xf32, #tpu.memory_space<hbm>> -> memref<32x128xf32, #tpu.memory_space<hbm>>
    tpu.enqueue_dma source(%dma_start3A_268 : memref<32x128xf32, #tpu.memory_space<hbm>>) target(%dma_start3A_266 : memref<32x128xf32, #tpu.memory_space<vmem>>) target_semaphore(%arg12 : memref<!tpu.dma_semaphore, #tpu.memory_space<semaphore_mem>>)
    %slice3A_269 = vector.extract_strided_slice %shift_right_logical3A_163 {offsets = [3], sizes = [1], strides = [1]} : vector<16xi32> to vector<1xi32>
    %squeeze3A_270 = vector.extract %slice3A_269[0] : i32 from vector<1xi32>
    %mul3A_271 = arith.constant 128 : i32
    %mul3A_272 = arith.muli %squeeze3A_270, %mul3A_271 : i32
    %dma_start3A_273 = arith.constant 11 : i32
    %dma_start3A_274 = arith.constant 0 : i32
    %dma_start3A_275 = arith.constant 0 : i32
    %dma_start3A_276 = tpu.memref_slice %arg9[%dma_start3A_273, %dma_start3A_274, %dma_start3A_275] : memref<16x32x128xf32, #tpu.memory_space<vmem>> -> memref<1x32x128xf32, #tpu.memory_space<vmem>>
    %dma_start3A_277 = tpu.memref_squeeze %dma_start3A_276 : memref<1x32x128xf32, #tpu.memory_space<vmem>> -> memref<32x128xf32, #tpu.memory_space<vmem>>
    %dma_start3A_278 = arith.constant 0 : i32
    %dma_start3A_279 = tpu.memref_slice %arg4[%dma_start3A_278, %mul3A_272] : memref<32x1000000xf32, #tpu.memory_space<hbm>> -> memref<32x128xf32, #tpu.memory_space<hbm>>
    %dma_start3A_280 = arith.constant 0 : i32
    %dma_start3A_281 = arith.constant 0 : i32
    %dma_start3A_282 = tpu.memref_slice %arg9[%dma_start3A_273, %dma_start3A_280, %dma_start3A_281] : memref<16x32x128xf32, #tpu.memory_space<vmem>> -> memref<1x32x128xf32, #tpu.memory_space<vmem>>
    %dma_start3A_283 = tpu.memref_squeeze %dma_start3A_282 : memref<1x32x128xf32, #tpu.memory_space<vmem>> -> memref<32x128xf32, #tpu.memory_space<vmem>>
    %dma_start3A_284 = arith.constant 0 : i32
    %dma_start3A_285 = tpu.memref_slice %arg4[%dma_start3A_284, %mul3A_272] : memref<32x1000000xf32, #tpu.memory_space<hbm>> -> memref<32x128xf32, #tpu.memory_space<hbm>>
    tpu.enqueue_dma source(%dma_start3A_285 : memref<32x128xf32, #tpu.memory_space<hbm>>) target(%dma_start3A_283 : memref<32x128xf32, #tpu.memory_space<vmem>>) target_semaphore(%arg12 : memref<!tpu.dma_semaphore, #tpu.memory_space<semaphore_mem>>)
    %slice3A_286 = vector.extract_strided_slice %shift_right_logical3A_166 {offsets = [3], sizes = [1], strides = [1]} : vector<16xi32> to vector<1xi32>
    %squeeze3A_287 = vector.extract %slice3A_286[0] : i32 from vector<1xi32>
    %mul3A_288 = arith.constant 128 : i32
    %mul3A_289 = arith.muli %squeeze3A_287, %mul3A_288 : i32
    %dma_start3A_290 = arith.constant 15 : i32
    %dma_start3A_291 = arith.constant 0 : i32
    %dma_start3A_292 = arith.constant 0 : i32
    %dma_start3A_293 = tpu.memref_slice %arg9[%dma_start3A_290, %dma_start3A_291, %dma_start3A_292] : memref<16x32x128xf32, #tpu.memory_space<vmem>> -> memref<1x32x128xf32, #tpu.memory_space<vmem>>
    %dma_start3A_294 = tpu.memref_squeeze %dma_start3A_293 : memref<1x32x128xf32, #tpu.memory_space<vmem>> -> memref<32x128xf32, #tpu.memory_space<vmem>>
    %dma_start3A_295 = arith.constant 0 : i32
    %dma_start3A_296 = tpu.memref_slice %arg5[%dma_start3A_295, %mul3A_289] : memref<32x1000000xf32, #tpu.memory_space<hbm>> -> memref<32x128xf32, #tpu.memory_space<hbm>>
    %dma_start3A_297 = arith.constant 0 : i32
    %dma_start3A_298 = arith.constant 0 : i32
    %dma_start3A_299 = tpu.memref_slice %arg9[%dma_start3A_290, %dma_start3A_297, %dma_start3A_298] : memref<16x32x128xf32, #tpu.memory_space<vmem>> -> memref<1x32x128xf32, #tpu.memory_space<vmem>>
    %dma_start3A_300 = tpu.memref_squeeze %dma_start3A_299 : memref<1x32x128xf32, #tpu.memory_space<vmem>> -> memref<32x128xf32, #tpu.memory_space<vmem>>
    %dma_start3A_301 = arith.constant 0 : i32
    %dma_start3A_302 = tpu.memref_slice %arg5[%dma_start3A_301, %mul3A_289] : memref<32x1000000xf32, #tpu.memory_space<hbm>> -> memref<32x128xf32, #tpu.memory_space<hbm>>
    tpu.enqueue_dma source(%dma_start3A_302 : memref<32x128xf32, #tpu.memory_space<hbm>>) target(%dma_start3A_300 : memref<32x128xf32, #tpu.memory_space<vmem>>) target_semaphore(%arg12 : memref<!tpu.dma_semaphore, #tpu.memory_space<semaphore_mem>>)
    %scan3A = arith.constant 0 : i32
    %scan3A_303 = arith.constant 32 : i32
    %scan3A_304 = arith.addi %scan3A, %scan3A_303 : i32
    %scan3A_305 = arith.constant 1 : i32
    scf.for %scan3A_307 = %scan3A to %scan3A_304 step %scan3A_305  : i32 {
      %mul3A_308 = arith.constant 4 : i32
      %mul3A_309 = arith.muli %scan3A_307, %mul3A_308 : i32
      %add3A_310 = arith.constant 0 : i32
      %add3A_311 = arith.addi %add3A_310, %mul3A_309 : i32
      %dma_wait3A = arith.constant 0 : i32
      %dma_wait3A_312 = arith.constant 0 : i32
      %dma_wait3A_313 = arith.constant 0 : i32
      %dma_wait3A_314 = tpu.memref_slice %arg9[%dma_wait3A, %dma_wait3A_312, %dma_wait3A_313] : memref<16x32x128xf32, #tpu.memory_space<vmem>> -> memref<1x32x128xf32, #tpu.memory_space<vmem>>
      %dma_wait3A_315 = tpu.memref_squeeze %dma_wait3A_314 : memref<1x32x128xf32, #tpu.memory_space<vmem>> -> memref<32x128xf32, #tpu.memory_space<vmem>>
      %dma_wait3A_316 = arith.constant 0 : i32
      %dma_wait3A_317 = arith.constant 0 : i32
      %dma_wait3A_318 = tpu.memref_slice %arg4[%dma_wait3A_316, %dma_wait3A_317] : memref<32x1000000xf32, #tpu.memory_space<hbm>> -> memref<32x128xf32, #tpu.memory_space<hbm>>
      %dma_wait3A_319 = arith.constant 0 : i32
      %dma_wait3A_320 = arith.constant 0 : i32
      %dma_wait3A_321 = tpu.memref_slice %arg9[%dma_wait3A, %dma_wait3A_319, %dma_wait3A_320] : memref<16x32x128xf32, #tpu.memory_space<vmem>> -> memref<1x32x128xf32, #tpu.memory_space<vmem>>
      %dma_wait3A_322 = tpu.memref_squeeze %dma_wait3A_321 : memref<1x32x128xf32, #tpu.memory_space<vmem>> -> memref<32x128xf32, #tpu.memory_space<vmem>>
      %dma_wait3A_323 = arith.constant 0 : i32
      %dma_wait3A_324 = arith.constant 0 : i32
      %dma_wait3A_325 = tpu.memref_slice %arg4[%dma_wait3A_323, %dma_wait3A_324] : memref<32x1000000xf32, #tpu.memory_space<hbm>> -> memref<32x128xf32, #tpu.memory_space<hbm>>
      tpu.wait_dma2 semaphore(%arg11 : memref<!tpu.dma_semaphore, #tpu.memory_space<semaphore_mem>>) src(%dma_wait3A_325 : memref<32x128xf32, #tpu.memory_space<hbm>>) dst(%dma_wait3A_322 : memref<32x128xf32, #tpu.memory_space<vmem>>)
      %dma_wait3A_326 = arith.constant 1 : i32
      %dma_wait3A_327 = arith.constant 0 : i32
      %dma_wait3A_328 = arith.constant 0 : i32
      %dma_wait3A_329 = tpu.memref_slice %arg9[%dma_wait3A_326, %dma_wait3A_327, %dma_wait3A_328] : memref<16x32x128xf32, #tpu.memory_space<vmem>> -> memref<1x32x128xf32, #tpu.memory_space<vmem>>
      %dma_wait3A_330 = tpu.memref_squeeze %dma_wait3A_329 : memref<1x32x128xf32, #tpu.memory_space<vmem>> -> memref<32x128xf32, #tpu.memory_space<vmem>>
      %dma_wait3A_331 = arith.constant 0 : i32
      %dma_wait3A_332 = arith.constant 0 : i32
      %dma_wait3A_333 = tpu.memref_slice %arg4[%dma_wait3A_331, %dma_wait3A_332] : memref<32x1000000xf32, #tpu.memory_space<hbm>> -> memref<32x128xf32, #tpu.memory_space<hbm>>
      %dma_wait3A_334 = arith.constant 0 : i32
      %dma_wait3A_335 = arith.constant 0 : i32
      %dma_wait3A_336 = tpu.memref_slice %arg9[%dma_wait3A_326, %dma_wait3A_334, %dma_wait3A_335] : memref<16x32x128xf32, #tpu.memory_space<vmem>> -> memref<1x32x128xf32, #tpu.memory_space<vmem>>
      %dma_wait3A_337 = tpu.memref_squeeze %dma_wait3A_336 : memref<1x32x128xf32, #tpu.memory_space<vmem>> -> memref<32x128xf32, #tpu.memory_space<vmem>>
      %dma_wait3A_338 = arith.constant 0 : i32
      %dma_wait3A_339 = arith.constant 0 : i32
      %dma_wait3A_340 = tpu.memref_slice %arg4[%dma_wait3A_338, %dma_wait3A_339] : memref<32x1000000xf32, #tpu.memory_space<hbm>> -> memref<32x128xf32, #tpu.memory_space<hbm>>
      tpu.wait_dma2 semaphore(%arg11 : memref<!tpu.dma_semaphore, #tpu.memory_space<semaphore_mem>>) src(%dma_wait3A_340 : memref<32x128xf32, #tpu.memory_space<hbm>>) dst(%dma_wait3A_337 : memref<32x128xf32, #tpu.memory_space<vmem>>)
      %dma_wait3A_341 = arith.constant 2 : i32
      %dma_wait3A_342 = arith.constant 0 : i32
      %dma_wait3A_343 = arith.constant 0 : i32
      %dma_wait3A_344 = tpu.memref_slice %arg9[%dma_wait3A_341, %dma_wait3A_342, %dma_wait3A_343] : memref<16x32x128xf32, #tpu.memory_space<vmem>> -> memref<1x32x128xf32, #tpu.memory_space<vmem>>
      %dma_wait3A_345 = tpu.memref_squeeze %dma_wait3A_344 : memref<1x32x128xf32, #tpu.memory_space<vmem>> -> memref<32x128xf32, #tpu.memory_space<vmem>>
      %dma_wait3A_346 = arith.constant 0 : i32
      %dma_wait3A_347 = arith.constant 0 : i32
      %dma_wait3A_348 = tpu.memref_slice %arg4[%dma_wait3A_346, %dma_wait3A_347] : memref<32x1000000xf32, #tpu.memory_space<hbm>> -> memref<32x128xf32, #tpu.memory_space<hbm>>
      %dma_wait3A_349 = arith.constant 0 : i32
      %dma_wait3A_350 = arith.constant 0 : i32
      %dma_wait3A_351 = tpu.memref_slice %arg9[%dma_wait3A_341, %dma_wait3A_349, %dma_wait3A_350] : memref<16x32x128xf32, #tpu.memory_space<vmem>> -> memref<1x32x128xf32, #tpu.memory_space<vmem>>
      %dma_wait3A_352 = tpu.memref_squeeze %dma_wait3A_351 : memref<1x32x128xf32, #tpu.memory_space<vmem>> -> memref<32x128xf32, #tpu.memory_space<vmem>>
      %dma_wait3A_353 = arith.constant 0 : i32
      %dma_wait3A_354 = arith.constant 0 : i32
      %dma_wait3A_355 = tpu.memref_slice %arg4[%dma_wait3A_353, %dma_wait3A_354] : memref<32x1000000xf32, #tpu.memory_space<hbm>> -> memref<32x128xf32, #tpu.memory_space<hbm>>
      tpu.wait_dma2 semaphore(%arg11 : memref<!tpu.dma_semaphore, #tpu.memory_space<semaphore_mem>>) src(%dma_wait3A_355 : memref<32x128xf32, #tpu.memory_space<hbm>>) dst(%dma_wait3A_352 : memref<32x128xf32, #tpu.memory_space<vmem>>)
      %dma_wait3A_356 = arith.constant 3 : i32
      %dma_wait3A_357 = arith.constant 0 : i32
      %dma_wait3A_358 = arith.constant 0 : i32
      %dma_wait3A_359 = tpu.memref_slice %arg9[%dma_wait3A_356, %dma_wait3A_357, %dma_wait3A_358] : memref<16x32x128xf32, #tpu.memory_space<vmem>> -> memref<1x32x128xf32, #tpu.memory_space<vmem>>
      %dma_wait3A_360 = tpu.memref_squeeze %dma_wait3A_359 : memref<1x32x128xf32, #tpu.memory_space<vmem>> -> memref<32x128xf32, #tpu.memory_space<vmem>>
      %dma_wait3A_361 = arith.constant 0 : i32
      %dma_wait3A_362 = arith.constant 0 : i32
      %dma_wait3A_363 = tpu.memref_slice %arg4[%dma_wait3A_361, %dma_wait3A_362] : memref<32x1000000xf32, #tpu.memory_space<hbm>> -> memref<32x128xf32, #tpu.memory_space<hbm>>
      %dma_wait3A_364 = arith.constant 0 : i32
      %dma_wait3A_365 = arith.constant 0 : i32
      %dma_wait3A_366 = tpu.memref_slice %arg9[%dma_wait3A_356, %dma_wait3A_364, %dma_wait3A_365] : memref<16x32x128xf32, #tpu.memory_space<vmem>> -> memref<1x32x128xf32, #tpu.memory_space<vmem>>
      %dma_wait3A_367 = tpu.memref_squeeze %dma_wait3A_366 : memref<1x32x128xf32, #tpu.memory_space<vmem>> -> memref<32x128xf32, #tpu.memory_space<vmem>>
      %dma_wait3A_368 = arith.constant 0 : i32
      %dma_wait3A_369 = arith.constant 0 : i32
      %dma_wait3A_370 = tpu.memref_slice %arg4[%dma_wait3A_368, %dma_wait3A_369] : memref<32x1000000xf32, #tpu.memory_space<hbm>> -> memref<32x128xf32, #tpu.memory_space<hbm>>
      tpu.wait_dma2 semaphore(%arg11 : memref<!tpu.dma_semaphore, #tpu.memory_space<semaphore_mem>>) src(%dma_wait3A_370 : memref<32x128xf32, #tpu.memory_space<hbm>>) dst(%dma_wait3A_367 : memref<32x128xf32, #tpu.memory_space<vmem>>)
      %dma_wait3A_371 = arith.constant 4 : i32
      %dma_wait3A_372 = arith.constant 0 : i32
      %dma_wait3A_373 = arith.constant 0 : i32
      %dma_wait3A_374 = tpu.memref_slice %arg9[%dma_wait3A_371, %dma_wait3A_372, %dma_wait3A_373] : memref<16x32x128xf32, #tpu.memory_space<vmem>> -> memref<1x32x128xf32, #tpu.memory_space<vmem>>
      %dma_wait3A_375 = tpu.memref_squeeze %dma_wait3A_374 : memref<1x32x128xf32, #tpu.memory_space<vmem>> -> memref<32x128xf32, #tpu.memory_space<vmem>>
      %dma_wait3A_376 = arith.constant 0 : i32
      %dma_wait3A_377 = arith.constant 0 : i32
      %dma_wait3A_378 = tpu.memref_slice %arg4[%dma_wait3A_376, %dma_wait3A_377] : memref<32x1000000xf32, #tpu.memory_space<hbm>> -> memref<32x128xf32, #tpu.memory_space<hbm>>
      %dma_wait3A_379 = arith.constant 0 : i32
      %dma_wait3A_380 = arith.constant 0 : i32
      %dma_wait3A_381 = tpu.memref_slice %arg9[%dma_wait3A_371, %dma_wait3A_379, %dma_wait3A_380] : memref<16x32x128xf32, #tpu.memory_space<vmem>> -> memref<1x32x128xf32, #tpu.memory_space<vmem>>
      %dma_wait3A_382 = tpu.memref_squeeze %dma_wait3A_381 : memref<1x32x128xf32, #tpu.memory_space<vmem>> -> memref<32x128xf32, #tpu.memory_space<vmem>>
      %dma_wait3A_383 = arith.constant 0 : i32
      %dma_wait3A_384 = arith.constant 0 : i32
      %dma_wait3A_385 = tpu.memref_slice %arg4[%dma_wait3A_383, %dma_wait3A_384] : memref<32x1000000xf32, #tpu.memory_space<hbm>> -> memref<32x128xf32, #tpu.memory_space<hbm>>
      tpu.wait_dma2 semaphore(%arg11 : memref<!tpu.dma_semaphore, #tpu.memory_space<semaphore_mem>>) src(%dma_wait3A_385 : memref<32x128xf32, #tpu.memory_space<hbm>>) dst(%dma_wait3A_382 : memref<32x128xf32, #tpu.memory_space<vmem>>)
      %dma_wait3A_386 = arith.constant 5 : i32
      %dma_wait3A_387 = arith.constant 0 : i32
      %dma_wait3A_388 = arith.constant 0 : i32
      %dma_wait3A_389 = tpu.memref_slice %arg9[%dma_wait3A_386, %dma_wait3A_387, %dma_wait3A_388] : memref<16x32x128xf32, #tpu.memory_space<vmem>> -> memref<1x32x128xf32, #tpu.memory_space<vmem>>
      %dma_wait3A_390 = tpu.memref_squeeze %dma_wait3A_389 : memref<1x32x128xf32, #tpu.memory_space<vmem>> -> memref<32x128xf32, #tpu.memory_space<vmem>>
      %dma_wait3A_391 = arith.constant 0 : i32
      %dma_wait3A_392 = arith.constant 0 : i32
      %dma_wait3A_393 = tpu.memref_slice %arg4[%dma_wait3A_391, %dma_wait3A_392] : memref<32x1000000xf32, #tpu.memory_space<hbm>> -> memref<32x128xf32, #tpu.memory_space<hbm>>
      %dma_wait3A_394 = arith.constant 0 : i32
      %dma_wait3A_395 = arith.constant 0 : i32
      %dma_wait3A_396 = tpu.memref_slice %arg9[%dma_wait3A_386, %dma_wait3A_394, %dma_wait3A_395] : memref<16x32x128xf32, #tpu.memory_space<vmem>> -> memref<1x32x128xf32, #tpu.memory_space<vmem>>
      %dma_wait3A_397 = tpu.memref_squeeze %dma_wait3A_396 : memref<1x32x128xf32, #tpu.memory_space<vmem>> -> memref<32x128xf32, #tpu.memory_space<vmem>>
      %dma_wait3A_398 = arith.constant 0 : i32
      %dma_wait3A_399 = arith.constant 0 : i32
      %dma_wait3A_400 = tpu.memref_slice %arg4[%dma_wait3A_398, %dma_wait3A_399] : memref<32x1000000xf32, #tpu.memory_space<hbm>> -> memref<32x128xf32, #tpu.memory_space<hbm>>
      tpu.wait_dma2 semaphore(%arg11 : memref<!tpu.dma_semaphore, #tpu.memory_space<semaphore_mem>>) src(%dma_wait3A_400 : memref<32x128xf32, #tpu.memory_space<hbm>>) dst(%dma_wait3A_397 : memref<32x128xf32, #tpu.memory_space<vmem>>)
      %dma_wait3A_401 = arith.constant 6 : i32
      %dma_wait3A_402 = arith.constant 0 : i32
      %dma_wait3A_403 = arith.constant 0 : i32
      %dma_wait3A_404 = tpu.memref_slice %arg9[%dma_wait3A_401, %dma_wait3A_402, %dma_wait3A_403] : memref<16x32x128xf32, #tpu.memory_space<vmem>> -> memref<1x32x128xf32, #tpu.memory_space<vmem>>
      %dma_wait3A_405 = tpu.memref_squeeze %dma_wait3A_404 : memref<1x32x128xf32, #tpu.memory_space<vmem>> -> memref<32x128xf32, #tpu.memory_space<vmem>>
      %dma_wait3A_406 = arith.constant 0 : i32
      %dma_wait3A_407 = arith.constant 0 : i32
      %dma_wait3A_408 = tpu.memref_slice %arg4[%dma_wait3A_406, %dma_wait3A_407] : memref<32x1000000xf32, #tpu.memory_space<hbm>> -> memref<32x128xf32, #tpu.memory_space<hbm>>
      %dma_wait3A_409 = arith.constant 0 : i32
      %dma_wait3A_410 = arith.constant 0 : i32
      %dma_wait3A_411 = tpu.memref_slice %arg9[%dma_wait3A_401, %dma_wait3A_409, %dma_wait3A_410] : memref<16x32x128xf32, #tpu.memory_space<vmem>> -> memref<1x32x128xf32, #tpu.memory_space<vmem>>
      %dma_wait3A_412 = tpu.memref_squeeze %dma_wait3A_411 : memref<1x32x128xf32, #tpu.memory_space<vmem>> -> memref<32x128xf32, #tpu.memory_space<vmem>>
      %dma_wait3A_413 = arith.constant 0 : i32
      %dma_wait3A_414 = arith.constant 0 : i32
      %dma_wait3A_415 = tpu.memref_slice %arg4[%dma_wait3A_413, %dma_wait3A_414] : memref<32x1000000xf32, #tpu.memory_space<hbm>> -> memref<32x128xf32, #tpu.memory_space<hbm>>
      tpu.wait_dma2 semaphore(%arg11 : memref<!tpu.dma_semaphore, #tpu.memory_space<semaphore_mem>>) src(%dma_wait3A_415 : memref<32x128xf32, #tpu.memory_space<hbm>>) dst(%dma_wait3A_412 : memref<32x128xf32, #tpu.memory_space<vmem>>)
      %dma_wait3A_416 = arith.constant 7 : i32
      %dma_wait3A_417 = arith.constant 0 : i32
      %dma_wait3A_418 = arith.constant 0 : i32
      %dma_wait3A_419 = tpu.memref_slice %arg9[%dma_wait3A_416, %dma_wait3A_417, %dma_wait3A_418] : memref<16x32x128xf32, #tpu.memory_space<vmem>> -> memref<1x32x128xf32, #tpu.memory_space<vmem>>
      %dma_wait3A_420 = tpu.memref_squeeze %dma_wait3A_419 : memref<1x32x128xf32, #tpu.memory_space<vmem>> -> memref<32x128xf32, #tpu.memory_space<vmem>>
      %dma_wait3A_421 = arith.constant 0 : i32
      %dma_wait3A_422 = arith.constant 0 : i32
      %dma_wait3A_423 = tpu.memref_slice %arg4[%dma_wait3A_421, %dma_wait3A_422] : memref<32x1000000xf32, #tpu.memory_space<hbm>> -> memref<32x128xf32, #tpu.memory_space<hbm>>
      %dma_wait3A_424 = arith.constant 0 : i32
      %dma_wait3A_425 = arith.constant 0 : i32
      %dma_wait3A_426 = tpu.memref_slice %arg9[%dma_wait3A_416, %dma_wait3A_424, %dma_wait3A_425] : memref<16x32x128xf32, #tpu.memory_space<vmem>> -> memref<1x32x128xf32, #tpu.memory_space<vmem>>
      %dma_wait3A_427 = tpu.memref_squeeze %dma_wait3A_426 : memref<1x32x128xf32, #tpu.memory_space<vmem>> -> memref<32x128xf32, #tpu.memory_space<vmem>>
      %dma_wait3A_428 = arith.constant 0 : i32
      %dma_wait3A_429 = arith.constant 0 : i32
      %dma_wait3A_430 = tpu.memref_slice %arg4[%dma_wait3A_428, %dma_wait3A_429] : memref<32x1000000xf32, #tpu.memory_space<hbm>> -> memref<32x128xf32, #tpu.memory_space<hbm>>
      tpu.wait_dma2 semaphore(%arg11 : memref<!tpu.dma_semaphore, #tpu.memory_space<semaphore_mem>>) src(%dma_wait3A_430 : memref<32x128xf32, #tpu.memory_space<hbm>>) dst(%dma_wait3A_427 : memref<32x128xf32, #tpu.memory_space<vmem>>)
      %add3A_431 = arith.constant 0 : i32
      %add3A_432 = arith.addi %add3A_311, %add3A_431 : i32
      %mul3A_433 = arith.constant 4 : i32
      %mul3A_434 = arith.muli %add3A_432, %mul3A_433 : i32
      %add3A_435 = vector.broadcast %mul3A_434 : i32 to vector<16xi32>
      %add3A_436 = arith.addi %and3A_4, %add3A_435 : vector<16xi32>
      %gather3A_437 = tpu.vector_load_idx %arg7[%add3A_436] : memref<512xi32, #tpu.memory_space<vmem>>[vector<16xi32>], vector<16xi32>,
      %mul3A_438 = arith.constant 4 : i32
      %mul3A_439 = arith.muli %add3A_432, %mul3A_438 : i32
      %add3A_440 = vector.broadcast %mul3A_439 : i32 to vector<16xi32>
      %add3A_441 = arith.addi %and3A_4, %add3A_440 : vector<16xi32>
      %gather3A_442 = tpu.vector_load_idx %arg8[%add3A_441] : memref<512xi32, #tpu.memory_space<vmem>>[vector<16xi32>], vector<16xi32>,
      %and3A_443 = arith.constant 127 : i32
      %and3A_444 = vector.broadcast %and3A_443 : i32 to vector<16xi32>
      %and3A_445 = arith.andi %gather3A_437, %and3A_444 : vector<16xi32>
      %and3A_446 = arith.constant 127 : i32
      %and3A_447 = vector.broadcast %and3A_446 : i32 to vector<16xi32>
      %and3A_448 = arith.andi %gather3A_442, %and3A_447 : vector<16xi32>
      %add3A_449 = arith.constant 0 : i32
      %add3A_450 = vector.broadcast %add3A_449 : i32 to vector<16xi32>
      %add3A_451 = arith.addi %and3A_4, %add3A_450 : vector<16xi32>
      %add3A_452 = arith.constant 0 : i32
      %add3A_453 = vector.broadcast %add3A_452 : i32 to vector<16xi32>
      %add3A_454 = arith.addi %and3A_4, %add3A_453 : vector<16xi32>
      %add3A_455 = arith.constant 4 : i32
      %add3A_456 = vector.broadcast %add3A_455 : i32 to vector<16xi32>
      %add3A_457 = arith.addi %add3A_454, %add3A_456 : vector<16xi32>
      %broadcast_in_dim3A = arith.constant 0.000000e+00 : f32
      %broadcast_in_dim3A_458 = vector.broadcast %broadcast_in_dim3A : f32 to vector<16xf32>
      %broadcast_in_dim3A_459 = arith.constant 0 : i32
      %broadcast_in_dim3A_460 = vector.broadcast %broadcast_in_dim3A_459 : i32 to vector<16xi32>
      %gather3A_461 = tpu.vector_load_idx %arg9[%add3A_451, %broadcast_in_dim3A_460, %and3A_445] : memref<16x32x128xf32, #tpu.memory_space<vmem>>[vector<16xi32>, vector<16xi32>, vector<16xi32>], vector<16xf32>,
      %gather3A_462 = tpu.vector_load_idx %arg9[%add3A_457, %broadcast_in_dim3A_460, %and3A_448] : memref<16x32x128xf32, #tpu.memory_space<vmem>>[vector<16xi32>, vector<16xi32>, vector<16xi32>], vector<16xf32>,
      %mul3A_463 = arith.mulf %gather3A_461, %gather3A_462 : vector<16xf32>
      %add3A_464 = arith.addf %broadcast_in_dim3A_458, %mul3A_463 : vector<16xf32>
      %broadcast_in_dim3A_465 = arith.constant 1 : i32
      %broadcast_in_dim3A_466 = vector.broadcast %broadcast_in_dim3A_465 : i32 to vector<16xi32>
      %gather3A_467 = tpu.vector_load_idx %arg9[%add3A_451, %broadcast_in_dim3A_466, %and3A_445] : memref<16x32x128xf32, #tpu.memory_space<vmem>>[vector<16xi32>, vector<16xi32>, vector<16xi32>], vector<16xf32>,
      %gather3A_468 = tpu.vector_load_idx %arg9[%add3A_457, %broadcast_in_dim3A_466, %and3A_448] : memref<16x32x128xf32, #tpu.memory_space<vmem>>[vector<16xi32>, vector<16xi32>, vector<16xi32>], vector<16xf32>,
      %mul3A_469 = arith.mulf %gather3A_467, %gather3A_468 : vector<16xf32>
      %add3A_470 = arith.addf %add3A_464, %mul3A_469 : vector<16xf32>
      %broadcast_in_dim3A_471 = arith.constant 2 : i32
      %broadcast_in_dim3A_472 = vector.broadcast %broadcast_in_dim3A_471 : i32 to vector<16xi32>
      %gather3A_473 = tpu.vector_load_idx %arg9[%add3A_451, %broadcast_in_dim3A_472, %and3A_445] : memref<16x32x128xf32, #tpu.memory_space<vmem>>[vector<16xi32>, vector<16xi32>, vector<16xi32>], vector<16xf32>,
      %gather3A_474 = tpu.vector_load_idx %arg9[%add3A_457, %broadcast_in_dim3A_472, %and3A_448] : memref<16x32x128xf32, #tpu.memory_space<vmem>>[vector<16xi32>, vector<16xi32>, vector<16xi32>], vector<16xf32>,
      %mul3A_475 = arith.mulf %gather3A_473, %gather3A_474 : vector<16xf32>
      %add3A_476 = arith.addf %add3A_470, %mul3A_475 : vector<16xf32>
      %broadcast_in_dim3A_477 = arith.constant 3 : i32
      %broadcast_in_dim3A_478 = vector.broadcast %broadcast_in_dim3A_477 : i32 to vector<16xi32>
      %gather3A_479 = tpu.vector_load_idx %arg9[%add3A_451, %broadcast_in_dim3A_478, %and3A_445] : memref<16x32x128xf32, #tpu.memory_space<vmem>>[vector<16xi32>, vector<16xi32>, vector<16xi32>], vector<16xf32>,
      %gather3A_480 = tpu.vector_load_idx %arg9[%add3A_457, %broadcast_in_dim3A_478, %and3A_448] : memref<16x32x128xf32, #tpu.memory_space<vmem>>[vector<16xi32>, vector<16xi32>, vector<16xi32>], vector<16xf32>,
      %mul3A_481 = arith.mulf %gather3A_479, %gather3A_480 : vector<16xf32>
      %add3A_482 = arith.addf %add3A_476, %mul3A_481 : vector<16xf32>
      %broadcast_in_dim3A_483 = arith.constant 4 : i32
      %broadcast_in_dim3A_484 = vector.broadcast %broadcast_in_dim3A_483 : i32 to vector<16xi32>
      %gather3A_485 = tpu.vector_load_idx %arg9[%add3A_451, %broadcast_in_dim3A_484, %and3A_445] : memref<16x32x128xf32, #tpu.memory_space<vmem>>[vector<16xi32>, vector<16xi32>, vector<16xi32>], vector<16xf32>,
      %gather3A_486 = tpu.vector_load_idx %arg9[%add3A_457, %broadcast_in_dim3A_484, %and3A_448] : memref<16x32x128xf32, #tpu.memory_space<vmem>>[vector<16xi32>, vector<16xi32>, vector<16xi32>], vector<16xf32>,
      %mul3A_487 = arith.mulf %gather3A_485, %gather3A_486 : vector<16xf32>
      %add3A_488 = arith.addf %add3A_482, %mul3A_487 : vector<16xf32>
      %broadcast_in_dim3A_489 = arith.constant 5 : i32
      %broadcast_in_dim3A_490 = vector.broadcast %broadcast_in_dim3A_489 : i32 to vector<16xi32>
      %gather3A_491 = tpu.vector_load_idx %arg9[%add3A_451, %broadcast_in_dim3A_490, %and3A_445] : memref<16x32x128xf32, #tpu.memory_space<vmem>>[vector<16xi32>, vector<16xi32>, vector<16xi32>], vector<16xf32>,
      %gather3A_492 = tpu.vector_load_idx %arg9[%add3A_457, %broadcast_in_dim3A_490, %and3A_448] : memref<16x32x128xf32, #tpu.memory_space<vmem>>[vector<16xi32>, vector<16xi32>, vector<16xi32>], vector<16xf32>,
      %mul3A_493 = arith.mulf %gather3A_491, %gather3A_492 : vector<16xf32>
      %add3A_494 = arith.addf %add3A_488, %mul3A_493 : vector<16xf32>
      %broadcast_in_dim3A_495 = arith.constant 6 : i32
      %broadcast_in_dim3A_496 = vector.broadcast %broadcast_in_dim3A_495 : i32 to vector<16xi32>
      %gather3A_497 = tpu.vector_load_idx %arg9[%add3A_451, %broadcast_in_dim3A_496, %and3A_445] : memref<16x32x128xf32, #tpu.memory_space<vmem>>[vector<16xi32>, vector<16xi32>, vector<16xi32>], vector<16xf32>,
      %gather3A_498 = tpu.vector_load_idx %arg9[%add3A_457, %broadcast_in_dim3A_496, %and3A_448] : memref<16x32x128xf32, #tpu.memory_space<vmem>>[vector<16xi32>, vector<16xi32>, vector<16xi32>], vector<16xf32>,
      %mul3A_499 = arith.mulf %gather3A_497, %gather3A_498 : vector<16xf32>
      %add3A_500 = arith.addf %add3A_494, %mul3A_499 : vector<16xf32>
      %broadcast_in_dim3A_501 = arith.constant 7 : i32
      %broadcast_in_dim3A_502 = vector.broadcast %broadcast_in_dim3A_501 : i32 to vector<16xi32>
      %gather3A_503 = tpu.vector_load_idx %arg9[%add3A_451, %broadcast_in_dim3A_502, %and3A_445] : memref<16x32x128xf32, #tpu.memory_space<vmem>>[vector<16xi32>, vector<16xi32>, vector<16xi32>], vector<16xf32>,
      %gather3A_504 = tpu.vector_load_idx %arg9[%add3A_457, %broadcast_in_dim3A_502, %and3A_448] : memref<16x32x128xf32, #tpu.memory_space<vmem>>[vector<16xi32>, vector<16xi32>, vector<16xi32>], vector<16xf32>,
      %mul3A_505 = arith.mulf %gather3A_503, %gather3A_504 : vector<16xf32>
      %add3A_506 = arith.addf %add3A_500, %mul3A_505 : vector<16xf32>
      %broadcast_in_dim3A_507 = arith.constant 8 : i32
      %broadcast_in_dim3A_508 = vector.broadcast %broadcast_in_dim3A_507 : i32 to vector<16xi32>
      %gather3A_509 = tpu.vector_load_idx %arg9[%add3A_451, %broadcast_in_dim3A_508, %and3A_445] : memref<16x32x128xf32, #tpu.memory_space<vmem>>[vector<16xi32>, vector<16xi32>, vector<16xi32>], vector<16xf32>,
      %gather3A_510 = tpu.vector_load_idx %arg9[%add3A_457, %broadcast_in_dim3A_508, %and3A_448] : memref<16x32x128xf32, #tpu.memory_space<vmem>>[vector<16xi32>, vector<16xi32>, vector<16xi32>], vector<16xf32>,
      %mul3A_511 = arith.mulf %gather3A_509, %gather3A_510 : vector<16xf32>
      %add3A_512 = arith.addf %add3A_506, %mul3A_511 : vector<16xf32>
      %broadcast_in_dim3A_513 = arith.constant 9 : i32
      %broadcast_in_dim3A_514 = vector.broadcast %broadcast_in_dim3A_513 : i32 to vector<16xi32>
      %gather3A_515 = tpu.vector_load_idx %arg9[%add3A_451, %broadcast_in_dim3A_514, %and3A_445] : memref<16x32x128xf32, #tpu.memory_space<vmem>>[vector<16xi32>, vector<16xi32>, vector<16xi32>], vector<16xf32>,
      %gather3A_516 = tpu.vector_load_idx %arg9[%add3A_457, %broadcast_in_dim3A_514, %and3A_448] : memref<16x32x128xf32, #tpu.memory_space<vmem>>[vector<16xi32>, vector<16xi32>, vector<16xi32>], vector<16xf32>,
      %mul3A_517 = arith.mulf %gather3A_515, %gather3A_516 : vector<16xf32>
      %add3A_518 = arith.addf %add3A_512, %mul3A_517 : vector<16xf32>
      %broadcast_in_dim3A_519 = arith.constant 10 : i32
      %broadcast_in_dim3A_520 = vector.broadcast %broadcast_in_dim3A_519 : i32 to vector<16xi32>
      %gather3A_521 = tpu.vector_load_idx %arg9[%add3A_451, %broadcast_in_dim3A_520, %and3A_445] : memref<16x32x128xf32, #tpu.memory_space<vmem>>[vector<16xi32>, vector<16xi32>, vector<16xi32>], vector<16xf32>,
      %gather3A_522 = tpu.vector_load_idx %arg9[%add3A_457, %broadcast_in_dim3A_520, %and3A_448] : memref<16x32x128xf32, #tpu.memory_space<vmem>>[vector<16xi32>, vector<16xi32>, vector<16xi32>], vector<16xf32>,
      %mul3A_523 = arith.mulf %gather3A_521, %gather3A_522 : vector<16xf32>
      %add3A_524 = arith.addf %add3A_518, %mul3A_523 : vector<16xf32>
      %broadcast_in_dim3A_525 = arith.constant 11 : i32
      %broadcast_in_dim3A_526 = vector.broadcast %broadcast_in_dim3A_525 : i32 to vector<16xi32>
      %gather3A_527 = tpu.vector_load_idx %arg9[%add3A_451, %broadcast_in_dim3A_526, %and3A_445] : memref<16x32x128xf32, #tpu.memory_space<vmem>>[vector<16xi32>, vector<16xi32>, vector<16xi32>], vector<16xf32>,
      %gather3A_528 = tpu.vector_load_idx %arg9[%add3A_457, %broadcast_in_dim3A_526, %and3A_448] : memref<16x32x128xf32, #tpu.memory_space<vmem>>[vector<16xi32>, vector<16xi32>, vector<16xi32>], vector<16xf32>,
      %mul3A_529 = arith.mulf %gather3A_527, %gather3A_528 : vector<16xf32>
      %add3A_530 = arith.addf %add3A_524, %mul3A_529 : vector<16xf32>
      %broadcast_in_dim3A_531 = arith.constant 12 : i32
      %broadcast_in_dim3A_532 = vector.broadcast %broadcast_in_dim3A_531 : i32 to vector<16xi32>
      %gather3A_533 = tpu.vector_load_idx %arg9[%add3A_451, %broadcast_in_dim3A_532, %and3A_445] : memref<16x32x128xf32, #tpu.memory_space<vmem>>[vector<16xi32>, vector<16xi32>, vector<16xi32>], vector<16xf32>,
      %gather3A_534 = tpu.vector_load_idx %arg9[%add3A_457, %broadcast_in_dim3A_532, %and3A_448] : memref<16x32x128xf32, #tpu.memory_space<vmem>>[vector<16xi32>, vector<16xi32>, vector<16xi32>], vector<16xf32>,
      %mul3A_535 = arith.mulf %gather3A_533, %gather3A_534 : vector<16xf32>
      %add3A_536 = arith.addf %add3A_530, %mul3A_535 : vector<16xf32>
      %broadcast_in_dim3A_537 = arith.constant 13 : i32
      %broadcast_in_dim3A_538 = vector.broadcast %broadcast_in_dim3A_537 : i32 to vector<16xi32>
      %gather3A_539 = tpu.vector_load_idx %arg9[%add3A_451, %broadcast_in_dim3A_538, %and3A_445] : memref<16x32x128xf32, #tpu.memory_space<vmem>>[vector<16xi32>, vector<16xi32>, vector<16xi32>], vector<16xf32>,
      %gather3A_540 = tpu.vector_load_idx %arg9[%add3A_457, %broadcast_in_dim3A_538, %and3A_448] : memref<16x32x128xf32, #tpu.memory_space<vmem>>[vector<16xi32>, vector<16xi32>, vector<16xi32>], vector<16xf32>,
      %mul3A_541 = arith.mulf %gather3A_539, %gather3A_540 : vector<16xf32>
      %add3A_542 = arith.addf %add3A_536, %mul3A_541 : vector<16xf32>
      %broadcast_in_dim3A_543 = arith.constant 14 : i32
      %broadcast_in_dim3A_544 = vector.broadcast %broadcast_in_dim3A_543 : i32 to vector<16xi32>
      %gather3A_545 = tpu.vector_load_idx %arg9[%add3A_451, %broadcast_in_dim3A_544, %and3A_445] : memref<16x32x128xf32, #tpu.memory_space<vmem>>[vector<16xi32>, vector<16xi32>, vector<16xi32>], vector<16xf32>,
      %gather3A_546 = tpu.vector_load_idx %arg9[%add3A_457, %broadcast_in_dim3A_544, %and3A_448] : memref<16x32x128xf32, #tpu.memory_space<vmem>>[vector<16xi32>, vector<16xi32>, vector<16xi32>], vector<16xf32>,
      %mul3A_547 = arith.mulf %gather3A_545, %gather3A_546 : vector<16xf32>
      %add3A_548 = arith.addf %add3A_542, %mul3A_547 : vector<16xf32>
      %broadcast_in_dim3A_549 = arith.constant 15 : i32
      %broadcast_in_dim3A_550 = vector.broadcast %broadcast_in_dim3A_549 : i32 to vector<16xi32>
      %gather3A_551 = tpu.vector_load_idx %arg9[%add3A_451, %broadcast_in_dim3A_550, %and3A_445] : memref<16x32x128xf32, #tpu.memory_space<vmem>>[vector<16xi32>, vector<16xi32>, vector<16xi32>], vector<16xf32>,
      %gather3A_552 = tpu.vector_load_idx %arg9[%add3A_457, %broadcast_in_dim3A_550, %and3A_448] : memref<16x32x128xf32, #tpu.memory_space<vmem>>[vector<16xi32>, vector<16xi32>, vector<16xi32>], vector<16xf32>,
      %mul3A_553 = arith.mulf %gather3A_551, %gather3A_552 : vector<16xf32>
      %add3A_554 = arith.addf %add3A_548, %mul3A_553 : vector<16xf32>
      %broadcast_in_dim3A_555 = arith.constant 16 : i32
      %broadcast_in_dim3A_556 = vector.broadcast %broadcast_in_dim3A_555 : i32 to vector<16xi32>
      %gather3A_557 = tpu.vector_load_idx %arg9[%add3A_451, %broadcast_in_dim3A_556, %and3A_445] : memref<16x32x128xf32, #tpu.memory_space<vmem>>[vector<16xi32>, vector<16xi32>, vector<16xi32>], vector<16xf32>,
      %gather3A_558 = tpu.vector_load_idx %arg9[%add3A_457, %broadcast_in_dim3A_556, %and3A_448] : memref<16x32x128xf32, #tpu.memory_space<vmem>>[vector<16xi32>, vector<16xi32>, vector<16xi32>], vector<16xf32>,
      %mul3A_559 = arith.mulf %gather3A_557, %gather3A_558 : vector<16xf32>
      %add3A_560 = arith.addf %add3A_554, %mul3A_559 : vector<16xf32>
      %broadcast_in_dim3A_561 = arith.constant 17 : i32
      %broadcast_in_dim3A_562 = vector.broadcast %broadcast_in_dim3A_561 : i32 to vector<16xi32>
      %gather3A_563 = tpu.vector_load_idx %arg9[%add3A_451, %broadcast_in_dim3A_562, %and3A_445] : memref<16x32x128xf32, #tpu.memory_space<vmem>>[vector<16xi32>, vector<16xi32>, vector<16xi32>], vector<16xf32>,
      %gather3A_564 = tpu.vector_load_idx %arg9[%add3A_457, %broadcast_in_dim3A_562, %and3A_448] : memref<16x32x128xf32, #tpu.memory_space<vmem>>[vector<16xi32>, vector<16xi32>, vector<16xi32>], vector<16xf32>,
      %mul3A_565 = arith.mulf %gather3A_563, %gather3A_564 : vector<16xf32>
      %add3A_566 = arith.addf %add3A_560, %mul3A_565 : vector<16xf32>
      %broadcast_in_dim3A_567 = arith.constant 18 : i32
      %broadcast_in_dim3A_568 = vector.broadcast %broadcast_in_dim3A_567 : i32 to vector<16xi32>
      %gather3A_569 = tpu.vector_load_idx %arg9[%add3A_451, %broadcast_in_dim3A_568, %and3A_445] : memref<16x32x128xf32, #tpu.memory_space<vmem>>[vector<16xi32>, vector<16xi32>, vector<16xi32>], vector<16xf32>,
      %gather3A_570 = tpu.vector_load_idx %arg9[%add3A_457, %broadcast_in_dim3A_568, %and3A_448] : memref<16x32x128xf32, #tpu.memory_space<vmem>>[vector<16xi32>, vector<16xi32>, vector<16xi32>], vector<16xf32>,
      %mul3A_571 = arith.mulf %gather3A_569, %gather3A_570 : vector<16xf32>
      %add3A_572 = arith.addf %add3A_566, %mul3A_571 : vector<16xf32>
      %broadcast_in_dim3A_573 = arith.constant 19 : i32
      %broadcast_in_dim3A_574 = vector.broadcast %broadcast_in_dim3A_573 : i32 to vector<16xi32>
      %gather3A_575 = tpu.vector_load_idx %arg9[%add3A_451, %broadcast_in_dim3A_574, %and3A_445] : memref<16x32x128xf32, #tpu.memory_space<vmem>>[vector<16xi32>, vector<16xi32>, vector<16xi32>], vector<16xf32>,
      %gather3A_576 = tpu.vector_load_idx %arg9[%add3A_457, %broadcast_in_dim3A_574, %and3A_448] : memref<16x32x128xf32, #tpu.memory_space<vmem>>[vector<16xi32>, vector<16xi32>, vector<16xi32>], vector<16xf32>,
      %mul3A_577 = arith.mulf %gather3A_575, %gather3A_576 : vector<16xf32>
      %add3A_578 = arith.addf %add3A_572, %mul3A_577 : vector<16xf32>
      %broadcast_in_dim3A_579 = arith.constant 20 : i32
      %broadcast_in_dim3A_580 = vector.broadcast %broadcast_in_dim3A_579 : i32 to vector<16xi32>
      %gather3A_581 = tpu.vector_load_idx %arg9[%add3A_451, %broadcast_in_dim3A_580, %and3A_445] : memref<16x32x128xf32, #tpu.memory_space<vmem>>[vector<16xi32>, vector<16xi32>, vector<16xi32>], vector<16xf32>,
      %gather3A_582 = tpu.vector_load_idx %arg9[%add3A_457, %broadcast_in_dim3A_580, %and3A_448] : memref<16x32x128xf32, #tpu.memory_space<vmem>>[vector<16xi32>, vector<16xi32>, vector<16xi32>], vector<16xf32>,
      %mul3A_583 = arith.mulf %gather3A_581, %gather3A_582 : vector<16xf32>
      %add3A_584 = arith.addf %add3A_578, %mul3A_583 : vector<16xf32>
      %broadcast_in_dim3A_585 = arith.constant 21 : i32
      %broadcast_in_dim3A_586 = vector.broadcast %broadcast_in_dim3A_585 : i32 to vector<16xi32>
      %gather3A_587 = tpu.vector_load_idx %arg9[%add3A_451, %broadcast_in_dim3A_586, %and3A_445] : memref<16x32x128xf32, #tpu.memory_space<vmem>>[vector<16xi32>, vector<16xi32>, vector<16xi32>], vector<16xf32>,
      %gather3A_588 = tpu.vector_load_idx %arg9[%add3A_457, %broadcast_in_dim3A_586, %and3A_448] : memref<16x32x128xf32, #tpu.memory_space<vmem>>[vector<16xi32>, vector<16xi32>, vector<16xi32>], vector<16xf32>,
      %mul3A_589 = arith.mulf %gather3A_587, %gather3A_588 : vector<16xf32>
      %add3A_590 = arith.addf %add3A_584, %mul3A_589 : vector<16xf32>
      %broadcast_in_dim3A_591 = arith.constant 22 : i32
      %broadcast_in_dim3A_592 = vector.broadcast %broadcast_in_dim3A_591 : i32 to vector<16xi32>
      %gather3A_593 = tpu.vector_load_idx %arg9[%add3A_451, %broadcast_in_dim3A_592, %and3A_445] : memref<16x32x128xf32, #tpu.memory_space<vmem>>[vector<16xi32>, vector<16xi32>, vector<16xi32>], vector<16xf32>,
      %gather3A_594 = tpu.vector_load_idx %arg9[%add3A_457, %broadcast_in_dim3A_592, %and3A_448] : memref<16x32x128xf32, #tpu.memory_space<vmem>>[vector<16xi32>, vector<16xi32>, vector<16xi32>], vector<16xf32>,
      %mul3A_595 = arith.mulf %gather3A_593, %gather3A_594 : vector<16xf32>
      %add3A_596 = arith.addf %add3A_590, %mul3A_595 : vector<16xf32>
      %broadcast_in_dim3A_597 = arith.constant 23 : i32
      %broadcast_in_dim3A_598 = vector.broadcast %broadcast_in_dim3A_597 : i32 to vector<16xi32>
      %gather3A_599 = tpu.vector_load_idx %arg9[%add3A_451, %broadcast_in_dim3A_598, %and3A_445] : memref<16x32x128xf32, #tpu.memory_space<vmem>>[vector<16xi32>, vector<16xi32>, vector<16xi32>], vector<16xf32>,
      %gather3A_600 = tpu.vector_load_idx %arg9[%add3A_457, %broadcast_in_dim3A_598, %and3A_448] : memref<16x32x128xf32, #tpu.memory_space<vmem>>[vector<16xi32>, vector<16xi32>, vector<16xi32>], vector<16xf32>,
      %mul3A_601 = arith.mulf %gather3A_599, %gather3A_600 : vector<16xf32>
      %add3A_602 = arith.addf %add3A_596, %mul3A_601 : vector<16xf32>
      %broadcast_in_dim3A_603 = arith.constant 24 : i32
      %broadcast_in_dim3A_604 = vector.broadcast %broadcast_in_dim3A_603 : i32 to vector<16xi32>
      %gather3A_605 = tpu.vector_load_idx %arg9[%add3A_451, %broadcast_in_dim3A_604, %and3A_445] : memref<16x32x128xf32, #tpu.memory_space<vmem>>[vector<16xi32>, vector<16xi32>, vector<16xi32>], vector<16xf32>,
      %gather3A_606 = tpu.vector_load_idx %arg9[%add3A_457, %broadcast_in_dim3A_604, %and3A_448] : memref<16x32x128xf32, #tpu.memory_space<vmem>>[vector<16xi32>, vector<16xi32>, vector<16xi32>], vector<16xf32>,
      %mul3A_607 = arith.mulf %gather3A_605, %gather3A_606 : vector<16xf32>
      %add3A_608 = arith.addf %add3A_602, %mul3A_607 : vector<16xf32>
      %broadcast_in_dim3A_609 = arith.constant 25 : i32
      %broadcast_in_dim3A_610 = vector.broadcast %broadcast_in_dim3A_609 : i32 to vector<16xi32>
      %gather3A_611 = tpu.vector_load_idx %arg9[%add3A_451, %broadcast_in_dim3A_610, %and3A_445] : memref<16x32x128xf32, #tpu.memory_space<vmem>>[vector<16xi32>, vector<16xi32>, vector<16xi32>], vector<16xf32>,
      %gather3A_612 = tpu.vector_load_idx %arg9[%add3A_457, %broadcast_in_dim3A_610, %and3A_448] : memref<16x32x128xf32, #tpu.memory_space<vmem>>[vector<16xi32>, vector<16xi32>, vector<16xi32>], vector<16xf32>,
      %mul3A_613 = arith.mulf %gather3A_611, %gather3A_612 : vector<16xf32>
      %add3A_614 = arith.addf %add3A_608, %mul3A_613 : vector<16xf32>
      %broadcast_in_dim3A_615 = arith.constant 26 : i32
      %broadcast_in_dim3A_616 = vector.broadcast %broadcast_in_dim3A_615 : i32 to vector<16xi32>
      %gather3A_617 = tpu.vector_load_idx %arg9[%add3A_451, %broadcast_in_dim3A_616, %and3A_445] : memref<16x32x128xf32, #tpu.memory_space<vmem>>[vector<16xi32>, vector<16xi32>, vector<16xi32>], vector<16xf32>,
      %gather3A_618 = tpu.vector_load_idx %arg9[%add3A_457, %broadcast_in_dim3A_616, %and3A_448] : memref<16x32x128xf32, #tpu.memory_space<vmem>>[vector<16xi32>, vector<16xi32>, vector<16xi32>], vector<16xf32>,
      %mul3A_619 = arith.mulf %gather3A_617, %gather3A_618 : vector<16xf32>
      %add3A_620 = arith.addf %add3A_614, %mul3A_619 : vector<16xf32>
      %broadcast_in_dim3A_621 = arith.constant 27 : i32
      %broadcast_in_dim3A_622 = vector.broadcast %broadcast_in_dim3A_621 : i32 to vector<16xi32>
      %gather3A_623 = tpu.vector_load_idx %arg9[%add3A_451, %broadcast_in_dim3A_622, %and3A_445] : memref<16x32x128xf32, #tpu.memory_space<vmem>>[vector<16xi32>, vector<16xi32>, vector<16xi32>], vector<16xf32>,
      %gather3A_624 = tpu.vector_load_idx %arg9[%add3A_457, %broadcast_in_dim3A_622, %and3A_448] : memref<16x32x128xf32, #tpu.memory_space<vmem>>[vector<16xi32>, vector<16xi32>, vector<16xi32>], vector<16xf32>,
      %mul3A_625 = arith.mulf %gather3A_623, %gather3A_624 : vector<16xf32>
      %add3A_626 = arith.addf %add3A_620, %mul3A_625 : vector<16xf32>
      %broadcast_in_dim3A_627 = arith.constant 28 : i32
      %broadcast_in_dim3A_628 = vector.broadcast %broadcast_in_dim3A_627 : i32 to vector<16xi32>
      %gather3A_629 = tpu.vector_load_idx %arg9[%add3A_451, %broadcast_in_dim3A_628, %and3A_445] : memref<16x32x128xf32, #tpu.memory_space<vmem>>[vector<16xi32>, vector<16xi32>, vector<16xi32>], vector<16xf32>,
      %gather3A_630 = tpu.vector_load_idx %arg9[%add3A_457, %broadcast_in_dim3A_628, %and3A_448] : memref<16x32x128xf32, #tpu.memory_space<vmem>>[vector<16xi32>, vector<16xi32>, vector<16xi32>], vector<16xf32>,
      %mul3A_631 = arith.mulf %gather3A_629, %gather3A_630 : vector<16xf32>
      %add3A_632 = arith.addf %add3A_626, %mul3A_631 : vector<16xf32>
      %broadcast_in_dim3A_633 = arith.constant 29 : i32
      %broadcast_in_dim3A_634 = vector.broadcast %broadcast_in_dim3A_633 : i32 to vector<16xi32>
      %gather3A_635 = tpu.vector_load_idx %arg9[%add3A_451, %broadcast_in_dim3A_634, %and3A_445] : memref<16x32x128xf32, #tpu.memory_space<vmem>>[vector<16xi32>, vector<16xi32>, vector<16xi32>], vector<16xf32>,
      %gather3A_636 = tpu.vector_load_idx %arg9[%add3A_457, %broadcast_in_dim3A_634, %and3A_448] : memref<16x32x128xf32, #tpu.memory_space<vmem>>[vector<16xi32>, vector<16xi32>, vector<16xi32>], vector<16xf32>,
      %mul3A_637 = arith.mulf %gather3A_635, %gather3A_636 : vector<16xf32>
      %add3A_638 = arith.addf %add3A_632, %mul3A_637 : vector<16xf32>
      %broadcast_in_dim3A_639 = arith.constant 30 : i32
      %broadcast_in_dim3A_640 = vector.broadcast %broadcast_in_dim3A_639 : i32 to vector<16xi32>
      %gather3A_641 = tpu.vector_load_idx %arg9[%add3A_451, %broadcast_in_dim3A_640, %and3A_445] : memref<16x32x128xf32, #tpu.memory_space<vmem>>[vector<16xi32>, vector<16xi32>, vector<16xi32>], vector<16xf32>,
      %gather3A_642 = tpu.vector_load_idx %arg9[%add3A_457, %broadcast_in_dim3A_640, %and3A_448] : memref<16x32x128xf32, #tpu.memory_space<vmem>>[vector<16xi32>, vector<16xi32>, vector<16xi32>], vector<16xf32>,
      %mul3A_643 = arith.mulf %gather3A_641, %gather3A_642 : vector<16xf32>
      %add3A_644 = arith.addf %add3A_638, %mul3A_643 : vector<16xf32>
      %broadcast_in_dim3A_645 = arith.constant 31 : i32
      %broadcast_in_dim3A_646 = vector.broadcast %broadcast_in_dim3A_645 : i32 to vector<16xi32>
      %gather3A_647 = tpu.vector_load_idx %arg9[%add3A_451, %broadcast_in_dim3A_646, %and3A_445] : memref<16x32x128xf32, #tpu.memory_space<vmem>>[vector<16xi32>, vector<16xi32>, vector<16xi32>], vector<16xf32>,
      %gather3A_648 = tpu.vector_load_idx %arg9[%add3A_457, %broadcast_in_dim3A_646, %and3A_448] : memref<16x32x128xf32, #tpu.memory_space<vmem>>[vector<16xi32>, vector<16xi32>, vector<16xi32>], vector<16xf32>,
      %mul3A_649 = arith.mulf %gather3A_647, %gather3A_648 : vector<16xf32>
      %add3A_650 = arith.addf %add3A_644, %mul3A_649 : vector<16xf32>
      %add3A_651 = arith.constant 0 : i32
      %add3A_652 = arith.addi %add3A_311, %add3A_651 : i32
      %add3A_653 = arith.constant 2 : i32
      %add3A_654 = arith.addi %add3A_652, %add3A_653 : i32
      %lt3A = arith.constant 128 : i32
      %lt3A_655 = arith.cmpi slt, %add3A_654, %lt3A : i32
      %convert_element_type3A = arith.extui %lt3A_655 : i1 to i32
      %cond3A = arith.constant 0 : i32
      %cond3A_656 = arith.cmpi ne, %convert_element_type3A, %cond3A : i32
      scf.if %cond3A_656 {
        %add3A_1727 = arith.constant 2 : i32
        %add3A_1728 = arith.addi %add3A_432, %add3A_1727 : i32
        %mul3A_1729 = arith.constant 4 : i32
        %mul3A_1730 = arith.muli %add3A_1728, %mul3A_1729 : i32
        %add3A_1731 = vector.broadcast %mul3A_1730 : i32 to vector<16xi32>
        %add3A_1732 = arith.addi %and3A_4, %add3A_1731 : vector<16xi32>
        %gather3A_1733 = tpu.vector_load_idx %arg7[%add3A_1732] : memref<512xi32, #tpu.memory_space<vmem>>[vector<16xi32>], vector<16xi32>,
        %mul3A_1734 = arith.constant 4 : i32
        %mul3A_1735 = arith.muli %add3A_1728, %mul3A_1734 : i32
        %add3A_1736 = vector.broadcast %mul3A_1735 : i32 to vector<16xi32>
        %add3A_1737 = arith.addi %and3A_4, %add3A_1736 : vector<16xi32>
        %gather3A_1738 = tpu.vector_load_idx %arg8[%add3A_1737] : memref<512xi32, #tpu.memory_space<vmem>>[vector<16xi32>], vector<16xi32>,
        %shift_right_logical3A_1739 = arith.constant 7 : i32
        %shift_right_logical3A_1740 = vector.broadcast %shift_right_logical3A_1739 : i32 to vector<16xi32>
        %shift_right_logical3A_1741 = arith.shrui %gather3A_1733, %shift_right_logical3A_1740 : vector<16xi32>
        %shift_right_logical3A_1742 = arith.constant 7 : i32
        %shift_right_logical3A_1743 = vector.broadcast %shift_right_logical3A_1742 : i32 to vector<16xi32>
        %shift_right_logical3A_1744 = arith.shrui %gather3A_1738, %shift_right_logical3A_1743 : vector<16xi32>
        %slice3A_1745 = vector.extract_strided_slice %shift_right_logical3A_1741 {offsets = [0], sizes = [1], strides = [1]} : vector<16xi32> to vector<1xi32>
        %squeeze3A_1746 = vector.extract %slice3A_1745[0] : i32 from vector<1xi32>
        %mul3A_1747 = arith.constant 128 : i32
        %mul3A_1748 = arith.muli %squeeze3A_1746, %mul3A_1747 : i32
        %dma_start3A_1749 = arith.constant 0 : i32
        %dma_start3A_1750 = arith.constant 0 : i32
        %dma_start3A_1751 = arith.constant 0 : i32
        %dma_start3A_1752 = tpu.memref_slice %arg9[%dma_start3A_1749, %dma_start3A_1750, %dma_start3A_1751] : memref<16x32x128xf32, #tpu.memory_space<vmem>> -> memref<1x32x128xf32, #tpu.memory_space<vmem>>
        %dma_start3A_1753 = tpu.memref_squeeze %dma_start3A_1752 : memref<1x32x128xf32, #tpu.memory_space<vmem>> -> memref<32x128xf32, #tpu.memory_space<vmem>>
        %dma_start3A_1754 = arith.constant 0 : i32
        %dma_start3A_1755 = tpu.memref_slice %arg4[%dma_start3A_1754, %mul3A_1748] : memref<32x1000000xf32, #tpu.memory_space<hbm>> -> memref<32x128xf32, #tpu.memory_space<hbm>>
        %dma_start3A_1756 = arith.constant 0 : i32
        %dma_start3A_1757 = arith.constant 0 : i32
        %dma_start3A_1758 = tpu.memref_slice %arg9[%dma_start3A_1749, %dma_start3A_1756, %dma_start3A_1757] : memref<16x32x128xf32, #tpu.memory_space<vmem>> -> memref<1x32x128xf32, #tpu.memory_space<vmem>>
        %dma_start3A_1759 = tpu.memref_squeeze %dma_start3A_1758 : memref<1x32x128xf32, #tpu.memory_space<vmem>> -> memref<32x128xf32, #tpu.memory_space<vmem>>
        %dma_start3A_1760 = arith.constant 0 : i32
        %dma_start3A_1761 = tpu.memref_slice %arg4[%dma_start3A_1760, %mul3A_1748] : memref<32x1000000xf32, #tpu.memory_space<hbm>> -> memref<32x128xf32, #tpu.memory_space<hbm>>
        tpu.enqueue_dma source(%dma_start3A_1761 : memref<32x128xf32, #tpu.memory_space<hbm>>) target(%dma_start3A_1759 : memref<32x128xf32, #tpu.memory_space<vmem>>) target_semaphore(%arg11 : memref<!tpu.dma_semaphore, #tpu.memory_space<semaphore_mem>>)
        %slice3A_1762 = vector.extract_strided_slice %shift_right_logical3A_1744 {offsets = [0], sizes = [1], strides = [1]} : vector<16xi32> to vector<1xi32>
        %squeeze3A_1763 = vector.extract %slice3A_1762[0] : i32 from vector<1xi32>
        %mul3A_1764 = arith.constant 128 : i32
        %mul3A_1765 = arith.muli %squeeze3A_1763, %mul3A_1764 : i32
        %dma_start3A_1766 = arith.constant 4 : i32
        %dma_start3A_1767 = arith.constant 0 : i32
        %dma_start3A_1768 = arith.constant 0 : i32
        %dma_start3A_1769 = tpu.memref_slice %arg9[%dma_start3A_1766, %dma_start3A_1767, %dma_start3A_1768] : memref<16x32x128xf32, #tpu.memory_space<vmem>> -> memref<1x32x128xf32, #tpu.memory_space<vmem>>
        %dma_start3A_1770 = tpu.memref_squeeze %dma_start3A_1769 : memref<1x32x128xf32, #tpu.memory_space<vmem>> -> memref<32x128xf32, #tpu.memory_space<vmem>>
        %dma_start3A_1771 = arith.constant 0 : i32
        %dma_start3A_1772 = tpu.memref_slice %arg5[%dma_start3A_1771, %mul3A_1765] : memref<32x1000000xf32, #tpu.memory_space<hbm>> -> memref<32x128xf32, #tpu.memory_space<hbm>>
        %dma_start3A_1773 = arith.constant 0 : i32
        %dma_start3A_1774 = arith.constant 0 : i32
        %dma_start3A_1775 = tpu.memref_slice %arg9[%dma_start3A_1766, %dma_start3A_1773, %dma_start3A_1774] : memref<16x32x128xf32, #tpu.memory_space<vmem>> -> memref<1x32x128xf32, #tpu.memory_space<vmem>>
        %dma_start3A_1776 = tpu.memref_squeeze %dma_start3A_1775 : memref<1x32x128xf32, #tpu.memory_space<vmem>> -> memref<32x128xf32, #tpu.memory_space<vmem>>
        %dma_start3A_1777 = arith.constant 0 : i32
        %dma_start3A_1778 = tpu.memref_slice %arg5[%dma_start3A_1777, %mul3A_1765] : memref<32x1000000xf32, #tpu.memory_space<hbm>> -> memref<32x128xf32, #tpu.memory_space<hbm>>
        tpu.enqueue_dma source(%dma_start3A_1778 : memref<32x128xf32, #tpu.memory_space<hbm>>) target(%dma_start3A_1776 : memref<32x128xf32, #tpu.memory_space<vmem>>) target_semaphore(%arg11 : memref<!tpu.dma_semaphore, #tpu.memory_space<semaphore_mem>>)
        %slice3A_1779 = vector.extract_strided_slice %shift_right_logical3A_1741 {offsets = [1], sizes = [1], strides = [1]} : vector<16xi32> to vector<1xi32>
        %squeeze3A_1780 = vector.extract %slice3A_1779[0] : i32 from vector<1xi32>
        %mul3A_1781 = arith.constant 128 : i32
        %mul3A_1782 = arith.muli %squeeze3A_1780, %mul3A_1781 : i32
        %dma_start3A_1783 = arith.constant 1 : i32
        %dma_start3A_1784 = arith.constant 0 : i32
        %dma_start3A_1785 = arith.constant 0 : i32
        %dma_start3A_1786 = tpu.memref_slice %arg9[%dma_start3A_1783, %dma_start3A_1784, %dma_start3A_1785] : memref<16x32x128xf32, #tpu.memory_space<vmem>> -> memref<1x32x128xf32, #tpu.memory_space<vmem>>
        %dma_start3A_1787 = tpu.memref_squeeze %dma_start3A_1786 : memref<1x32x128xf32, #tpu.memory_space<vmem>> -> memref<32x128xf32, #tpu.memory_space<vmem>>
        %dma_start3A_1788 = arith.constant 0 : i32
        %dma_start3A_1789 = tpu.memref_slice %arg4[%dma_start3A_1788, %mul3A_1782] : memref<32x1000000xf32, #tpu.memory_space<hbm>> -> memref<32x128xf32, #tpu.memory_space<hbm>>
        %dma_start3A_1790 = arith.constant 0 : i32
        %dma_start3A_1791 = arith.constant 0 : i32
        %dma_start3A_1792 = tpu.memref_slice %arg9[%dma_start3A_1783, %dma_start3A_1790, %dma_start3A_1791] : memref<16x32x128xf32, #tpu.memory_space<vmem>> -> memref<1x32x128xf32, #tpu.memory_space<vmem>>
        %dma_start3A_1793 = tpu.memref_squeeze %dma_start3A_1792 : memref<1x32x128xf32, #tpu.memory_space<vmem>> -> memref<32x128xf32, #tpu.memory_space<vmem>>
        %dma_start3A_1794 = arith.constant 0 : i32
        %dma_start3A_1795 = tpu.memref_slice %arg4[%dma_start3A_1794, %mul3A_1782] : memref<32x1000000xf32, #tpu.memory_space<hbm>> -> memref<32x128xf32, #tpu.memory_space<hbm>>
        tpu.enqueue_dma source(%dma_start3A_1795 : memref<32x128xf32, #tpu.memory_space<hbm>>) target(%dma_start3A_1793 : memref<32x128xf32, #tpu.memory_space<vmem>>) target_semaphore(%arg11 : memref<!tpu.dma_semaphore, #tpu.memory_space<semaphore_mem>>)
        %slice3A_1796 = vector.extract_strided_slice %shift_right_logical3A_1744 {offsets = [1], sizes = [1], strides = [1]} : vector<16xi32> to vector<1xi32>
        %squeeze3A_1797 = vector.extract %slice3A_1796[0] : i32 from vector<1xi32>
        %mul3A_1798 = arith.constant 128 : i32
        %mul3A_1799 = arith.muli %squeeze3A_1797, %mul3A_1798 : i32
        %dma_start3A_1800 = arith.constant 5 : i32
        %dma_start3A_1801 = arith.constant 0 : i32
        %dma_start3A_1802 = arith.constant 0 : i32
        %dma_start3A_1803 = tpu.memref_slice %arg9[%dma_start3A_1800, %dma_start3A_1801, %dma_start3A_1802] : memref<16x32x128xf32, #tpu.memory_space<vmem>> -> memref<1x32x128xf32, #tpu.memory_space<vmem>>
        %dma_start3A_1804 = tpu.memref_squeeze %dma_start3A_1803 : memref<1x32x128xf32, #tpu.memory_space<vmem>> -> memref<32x128xf32, #tpu.memory_space<vmem>>
        %dma_start3A_1805 = arith.constant 0 : i32
        %dma_start3A_1806 = tpu.memref_slice %arg5[%dma_start3A_1805, %mul3A_1799] : memref<32x1000000xf32, #tpu.memory_space<hbm>> -> memref<32x128xf32, #tpu.memory_space<hbm>>
        %dma_start3A_1807 = arith.constant 0 : i32
        %dma_start3A_1808 = arith.constant 0 : i32
        %dma_start3A_1809 = tpu.memref_slice %arg9[%dma_start3A_1800, %dma_start3A_1807, %dma_start3A_1808] : memref<16x32x128xf32, #tpu.memory_space<vmem>> -> memref<1x32x128xf32, #tpu.memory_space<vmem>>
        %dma_start3A_1810 = tpu.memref_squeeze %dma_start3A_1809 : memref<1x32x128xf32, #tpu.memory_space<vmem>> -> memref<32x128xf32, #tpu.memory_space<vmem>>
        %dma_start3A_1811 = arith.constant 0 : i32
        %dma_start3A_1812 = tpu.memref_slice %arg5[%dma_start3A_1811, %mul3A_1799] : memref<32x1000000xf32, #tpu.memory_space<hbm>> -> memref<32x128xf32, #tpu.memory_space<hbm>>
        tpu.enqueue_dma source(%dma_start3A_1812 : memref<32x128xf32, #tpu.memory_space<hbm>>) target(%dma_start3A_1810 : memref<32x128xf32, #tpu.memory_space<vmem>>) target_semaphore(%arg11 : memref<!tpu.dma_semaphore, #tpu.memory_space<semaphore_mem>>)
        %slice3A_1813 = vector.extract_strided_slice %shift_right_logical3A_1741 {offsets = [2], sizes = [1], strides = [1]} : vector<16xi32> to vector<1xi32>
        %squeeze3A_1814 = vector.extract %slice3A_1813[0] : i32 from vector<1xi32>
        %mul3A_1815 = arith.constant 128 : i32
        %mul3A_1816 = arith.muli %squeeze3A_1814, %mul3A_1815 : i32
        %dma_start3A_1817 = arith.constant 2 : i32
        %dma_start3A_1818 = arith.constant 0 : i32
        %dma_start3A_1819 = arith.constant 0 : i32
        %dma_start3A_1820 = tpu.memref_slice %arg9[%dma_start3A_1817, %dma_start3A_1818, %dma_start3A_1819] : memref<16x32x128xf32, #tpu.memory_space<vmem>> -> memref<1x32x128xf32, #tpu.memory_space<vmem>>
        %dma_start3A_1821 = tpu.memref_squeeze %dma_start3A_1820 : memref<1x32x128xf32, #tpu.memory_space<vmem>> -> memref<32x128xf32, #tpu.memory_space<vmem>>
        %dma_start3A_1822 = arith.constant 0 : i32
        %dma_start3A_1823 = tpu.memref_slice %arg4[%dma_start3A_1822, %mul3A_1816] : memref<32x1000000xf32, #tpu.memory_space<hbm>> -> memref<32x128xf32, #tpu.memory_space<hbm>>
        %dma_start3A_1824 = arith.constant 0 : i32
        %dma_start3A_1825 = arith.constant 0 : i32
        %dma_start3A_1826 = tpu.memref_slice %arg9[%dma_start3A_1817, %dma_start3A_1824, %dma_start3A_1825] : memref<16x32x128xf32, #tpu.memory_space<vmem>> -> memref<1x32x128xf32, #tpu.memory_space<vmem>>
        %dma_start3A_1827 = tpu.memref_squeeze %dma_start3A_1826 : memref<1x32x128xf32, #tpu.memory_space<vmem>> -> memref<32x128xf32, #tpu.memory_space<vmem>>
        %dma_start3A_1828 = arith.constant 0 : i32
        %dma_start3A_1829 = tpu.memref_slice %arg4[%dma_start3A_1828, %mul3A_1816] : memref<32x1000000xf32, #tpu.memory_space<hbm>> -> memref<32x128xf32, #tpu.memory_space<hbm>>
        tpu.enqueue_dma source(%dma_start3A_1829 : memref<32x128xf32, #tpu.memory_space<hbm>>) target(%dma_start3A_1827 : memref<32x128xf32, #tpu.memory_space<vmem>>) target_semaphore(%arg11 : memref<!tpu.dma_semaphore, #tpu.memory_space<semaphore_mem>>)
        %slice3A_1830 = vector.extract_strided_slice %shift_right_logical3A_1744 {offsets = [2], sizes = [1], strides = [1]} : vector<16xi32> to vector<1xi32>
        %squeeze3A_1831 = vector.extract %slice3A_1830[0] : i32 from vector<1xi32>
        %mul3A_1832 = arith.constant 128 : i32
        %mul3A_1833 = arith.muli %squeeze3A_1831, %mul3A_1832 : i32
        %dma_start3A_1834 = arith.constant 6 : i32
        %dma_start3A_1835 = arith.constant 0 : i32
        %dma_start3A_1836 = arith.constant 0 : i32
        %dma_start3A_1837 = tpu.memref_slice %arg9[%dma_start3A_1834, %dma_start3A_1835, %dma_start3A_1836] : memref<16x32x128xf32, #tpu.memory_space<vmem>> -> memref<1x32x128xf32, #tpu.memory_space<vmem>>
        %dma_start3A_1838 = tpu.memref_squeeze %dma_start3A_1837 : memref<1x32x128xf32, #tpu.memory_space<vmem>> -> memref<32x128xf32, #tpu.memory_space<vmem>>
        %dma_start3A_1839 = arith.constant 0 : i32
        %dma_start3A_1840 = tpu.memref_slice %arg5[%dma_start3A_1839, %mul3A_1833] : memref<32x1000000xf32, #tpu.memory_space<hbm>> -> memref<32x128xf32, #tpu.memory_space<hbm>>
        %dma_start3A_1841 = arith.constant 0 : i32
        %dma_start3A_1842 = arith.constant 0 : i32
        %dma_start3A_1843 = tpu.memref_slice %arg9[%dma_start3A_1834, %dma_start3A_1841, %dma_start3A_1842] : memref<16x32x128xf32, #tpu.memory_space<vmem>> -> memref<1x32x128xf32, #tpu.memory_space<vmem>>
        %dma_start3A_1844 = tpu.memref_squeeze %dma_start3A_1843 : memref<1x32x128xf32, #tpu.memory_space<vmem>> -> memref<32x128xf32, #tpu.memory_space<vmem>>
        %dma_start3A_1845 = arith.constant 0 : i32
        %dma_start3A_1846 = tpu.memref_slice %arg5[%dma_start3A_1845, %mul3A_1833] : memref<32x1000000xf32, #tpu.memory_space<hbm>> -> memref<32x128xf32, #tpu.memory_space<hbm>>
        tpu.enqueue_dma source(%dma_start3A_1846 : memref<32x128xf32, #tpu.memory_space<hbm>>) target(%dma_start3A_1844 : memref<32x128xf32, #tpu.memory_space<vmem>>) target_semaphore(%arg11 : memref<!tpu.dma_semaphore, #tpu.memory_space<semaphore_mem>>)
        %slice3A_1847 = vector.extract_strided_slice %shift_right_logical3A_1741 {offsets = [3], sizes = [1], strides = [1]} : vector<16xi32> to vector<1xi32>
        %squeeze3A_1848 = vector.extract %slice3A_1847[0] : i32 from vector<1xi32>
        %mul3A_1849 = arith.constant 128 : i32
        %mul3A_1850 = arith.muli %squeeze3A_1848, %mul3A_1849 : i32
        %dma_start3A_1851 = arith.constant 3 : i32
        %dma_start3A_1852 = arith.constant 0 : i32
        %dma_start3A_1853 = arith.constant 0 : i32
        %dma_start3A_1854 = tpu.memref_slice %arg9[%dma_start3A_1851, %dma_start3A_1852, %dma_start3A_1853] : memref<16x32x128xf32, #tpu.memory_space<vmem>> -> memref<1x32x128xf32, #tpu.memory_space<vmem>>
        %dma_start3A_1855 = tpu.memref_squeeze %dma_start3A_1854 : memref<1x32x128xf32, #tpu.memory_space<vmem>> -> memref<32x128xf32, #tpu.memory_space<vmem>>
        %dma_start3A_1856 = arith.constant 0 : i32
        %dma_start3A_1857 = tpu.memref_slice %arg4[%dma_start3A_1856, %mul3A_1850] : memref<32x1000000xf32, #tpu.memory_space<hbm>> -> memref<32x128xf32, #tpu.memory_space<hbm>>
        %dma_start3A_1858 = arith.constant 0 : i32
        %dma_start3A_1859 = arith.constant 0 : i32
        %dma_start3A_1860 = tpu.memref_slice %arg9[%dma_start3A_1851, %dma_start3A_1858, %dma_start3A_1859] : memref<16x32x128xf32, #tpu.memory_space<vmem>> -> memref<1x32x128xf32, #tpu.memory_space<vmem>>
        %dma_start3A_1861 = tpu.memref_squeeze %dma_start3A_1860 : memref<1x32x128xf32, #tpu.memory_space<vmem>> -> memref<32x128xf32, #tpu.memory_space<vmem>>
        %dma_start3A_1862 = arith.constant 0 : i32
        %dma_start3A_1863 = tpu.memref_slice %arg4[%dma_start3A_1862, %mul3A_1850] : memref<32x1000000xf32, #tpu.memory_space<hbm>> -> memref<32x128xf32, #tpu.memory_space<hbm>>
        tpu.enqueue_dma source(%dma_start3A_1863 : memref<32x128xf32, #tpu.memory_space<hbm>>) target(%dma_start3A_1861 : memref<32x128xf32, #tpu.memory_space<vmem>>) target_semaphore(%arg11 : memref<!tpu.dma_semaphore, #tpu.memory_space<semaphore_mem>>)
        %slice3A_1864 = vector.extract_strided_slice %shift_right_logical3A_1744 {offsets = [3], sizes = [1], strides = [1]} : vector<16xi32> to vector<1xi32>
        %squeeze3A_1865 = vector.extract %slice3A_1864[0] : i32 from vector<1xi32>
        %mul3A_1866 = arith.constant 128 : i32
        %mul3A_1867 = arith.muli %squeeze3A_1865, %mul3A_1866 : i32
        %dma_start3A_1868 = arith.constant 7 : i32
        %dma_start3A_1869 = arith.constant 0 : i32
        %dma_start3A_1870 = arith.constant 0 : i32
        %dma_start3A_1871 = tpu.memref_slice %arg9[%dma_start3A_1868, %dma_start3A_1869, %dma_start3A_1870] : memref<16x32x128xf32, #tpu.memory_space<vmem>> -> memref<1x32x128xf32, #tpu.memory_space<vmem>>
        %dma_start3A_1872 = tpu.memref_squeeze %dma_start3A_1871 : memref<1x32x128xf32, #tpu.memory_space<vmem>> -> memref<32x128xf32, #tpu.memory_space<vmem>>
        %dma_start3A_1873 = arith.constant 0 : i32
        %dma_start3A_1874 = tpu.memref_slice %arg5[%dma_start3A_1873, %mul3A_1867] : memref<32x1000000xf32, #tpu.memory_space<hbm>> -> memref<32x128xf32, #tpu.memory_space<hbm>>
        %dma_start3A_1875 = arith.constant 0 : i32
        %dma_start3A_1876 = arith.constant 0 : i32
        %dma_start3A_1877 = tpu.memref_slice %arg9[%dma_start3A_1868, %dma_start3A_1875, %dma_start3A_1876] : memref<16x32x128xf32, #tpu.memory_space<vmem>> -> memref<1x32x128xf32, #tpu.memory_space<vmem>>
        %dma_start3A_1878 = tpu.memref_squeeze %dma_start3A_1877 : memref<1x32x128xf32, #tpu.memory_space<vmem>> -> memref<32x128xf32, #tpu.memory_space<vmem>>
        %dma_start3A_1879 = arith.constant 0 : i32
        %dma_start3A_1880 = tpu.memref_slice %arg5[%dma_start3A_1879, %mul3A_1867] : memref<32x1000000xf32, #tpu.memory_space<hbm>> -> memref<32x128xf32, #tpu.memory_space<hbm>>
        tpu.enqueue_dma source(%dma_start3A_1880 : memref<32x128xf32, #tpu.memory_space<hbm>>) target(%dma_start3A_1878 : memref<32x128xf32, #tpu.memory_space<vmem>>) target_semaphore(%arg11 : memref<!tpu.dma_semaphore, #tpu.memory_space<semaphore_mem>>)
      } else {
      }
      %dma_wait3A_657 = arith.constant 8 : i32
      %dma_wait3A_658 = arith.constant 0 : i32
      %dma_wait3A_659 = arith.constant 0 : i32
      %dma_wait3A_660 = tpu.memref_slice %arg9[%dma_wait3A_657, %dma_wait3A_658, %dma_wait3A_659] : memref<16x32x128xf32, #tpu.memory_space<vmem>> -> memref<1x32x128xf32, #tpu.memory_space<vmem>>
      %dma_wait3A_661 = tpu.memref_squeeze %dma_wait3A_660 : memref<1x32x128xf32, #tpu.memory_space<vmem>> -> memref<32x128xf32, #tpu.memory_space<vmem>>
      %dma_wait3A_662 = arith.constant 0 : i32
      %dma_wait3A_663 = arith.constant 0 : i32
      %dma_wait3A_664 = tpu.memref_slice %arg4[%dma_wait3A_662, %dma_wait3A_663] : memref<32x1000000xf32, #tpu.memory_space<hbm>> -> memref<32x128xf32, #tpu.memory_space<hbm>>
      %dma_wait3A_665 = arith.constant 0 : i32
      %dma_wait3A_666 = arith.constant 0 : i32
      %dma_wait3A_667 = tpu.memref_slice %arg9[%dma_wait3A_657, %dma_wait3A_665, %dma_wait3A_666] : memref<16x32x128xf32, #tpu.memory_space<vmem>> -> memref<1x32x128xf32, #tpu.memory_space<vmem>>
      %dma_wait3A_668 = tpu.memref_squeeze %dma_wait3A_667 : memref<1x32x128xf32, #tpu.memory_space<vmem>> -> memref<32x128xf32, #tpu.memory_space<vmem>>
      %dma_wait3A_669 = arith.constant 0 : i32
      %dma_wait3A_670 = arith.constant 0 : i32
      %dma_wait3A_671 = tpu.memref_slice %arg4[%dma_wait3A_669, %dma_wait3A_670] : memref<32x1000000xf32, #tpu.memory_space<hbm>> -> memref<32x128xf32, #tpu.memory_space<hbm>>
      tpu.wait_dma2 semaphore(%arg12 : memref<!tpu.dma_semaphore, #tpu.memory_space<semaphore_mem>>) src(%dma_wait3A_671 : memref<32x128xf32, #tpu.memory_space<hbm>>) dst(%dma_wait3A_668 : memref<32x128xf32, #tpu.memory_space<vmem>>)
      %dma_wait3A_672 = arith.constant 9 : i32
      %dma_wait3A_673 = arith.constant 0 : i32
      %dma_wait3A_674 = arith.constant 0 : i32
      %dma_wait3A_675 = tpu.memref_slice %arg9[%dma_wait3A_672, %dma_wait3A_673, %dma_wait3A_674] : memref<16x32x128xf32, #tpu.memory_space<vmem>> -> memref<1x32x128xf32, #tpu.memory_space<vmem>>
      %dma_wait3A_676 = tpu.memref_squeeze %dma_wait3A_675 : memref<1x32x128xf32, #tpu.memory_space<vmem>> -> memref<32x128xf32, #tpu.memory_space<vmem>>
      %dma_wait3A_677 = arith.constant 0 : i32
      %dma_wait3A_678 = arith.constant 0 : i32
      %dma_wait3A_679 = tpu.memref_slice %arg4[%dma_wait3A_677, %dma_wait3A_678] : memref<32x1000000xf32, #tpu.memory_space<hbm>> -> memref<32x128xf32, #tpu.memory_space<hbm>>
      %dma_wait3A_680 = arith.constant 0 : i32
      %dma_wait3A_681 = arith.constant 0 : i32
      %dma_wait3A_682 = tpu.memref_slice %arg9[%dma_wait3A_672, %dma_wait3A_680, %dma_wait3A_681] : memref<16x32x128xf32, #tpu.memory_space<vmem>> -> memref<1x32x128xf32, #tpu.memory_space<vmem>>
      %dma_wait3A_683 = tpu.memref_squeeze %dma_wait3A_682 : memref<1x32x128xf32, #tpu.memory_space<vmem>> -> memref<32x128xf32, #tpu.memory_space<vmem>>
      %dma_wait3A_684 = arith.constant 0 : i32
      %dma_wait3A_685 = arith.constant 0 : i32
      %dma_wait3A_686 = tpu.memref_slice %arg4[%dma_wait3A_684, %dma_wait3A_685] : memref<32x1000000xf32, #tpu.memory_space<hbm>> -> memref<32x128xf32, #tpu.memory_space<hbm>>
      tpu.wait_dma2 semaphore(%arg12 : memref<!tpu.dma_semaphore, #tpu.memory_space<semaphore_mem>>) src(%dma_wait3A_686 : memref<32x128xf32, #tpu.memory_space<hbm>>) dst(%dma_wait3A_683 : memref<32x128xf32, #tpu.memory_space<vmem>>)
      %dma_wait3A_687 = arith.constant 10 : i32
      %dma_wait3A_688 = arith.constant 0 : i32
      %dma_wait3A_689 = arith.constant 0 : i32
      %dma_wait3A_690 = tpu.memref_slice %arg9[%dma_wait3A_687, %dma_wait3A_688, %dma_wait3A_689] : memref<16x32x128xf32, #tpu.memory_space<vmem>> -> memref<1x32x128xf32, #tpu.memory_space<vmem>>
      %dma_wait3A_691 = tpu.memref_squeeze %dma_wait3A_690 : memref<1x32x128xf32, #tpu.memory_space<vmem>> -> memref<32x128xf32, #tpu.memory_space<vmem>>
      %dma_wait3A_692 = arith.constant 0 : i32
      %dma_wait3A_693 = arith.constant 0 : i32
      %dma_wait3A_694 = tpu.memref_slice %arg4[%dma_wait3A_692, %dma_wait3A_693] : memref<32x1000000xf32, #tpu.memory_space<hbm>> -> memref<32x128xf32, #tpu.memory_space<hbm>>
      %dma_wait3A_695 = arith.constant 0 : i32
      %dma_wait3A_696 = arith.constant 0 : i32
      %dma_wait3A_697 = tpu.memref_slice %arg9[%dma_wait3A_687, %dma_wait3A_695, %dma_wait3A_696] : memref<16x32x128xf32, #tpu.memory_space<vmem>> -> memref<1x32x128xf32, #tpu.memory_space<vmem>>
      %dma_wait3A_698 = tpu.memref_squeeze %dma_wait3A_697 : memref<1x32x128xf32, #tpu.memory_space<vmem>> -> memref<32x128xf32, #tpu.memory_space<vmem>>
      %dma_wait3A_699 = arith.constant 0 : i32
      %dma_wait3A_700 = arith.constant 0 : i32
      %dma_wait3A_701 = tpu.memref_slice %arg4[%dma_wait3A_699, %dma_wait3A_700] : memref<32x1000000xf32, #tpu.memory_space<hbm>> -> memref<32x128xf32, #tpu.memory_space<hbm>>
      tpu.wait_dma2 semaphore(%arg12 : memref<!tpu.dma_semaphore, #tpu.memory_space<semaphore_mem>>) src(%dma_wait3A_701 : memref<32x128xf32, #tpu.memory_space<hbm>>) dst(%dma_wait3A_698 : memref<32x128xf32, #tpu.memory_space<vmem>>)
      %dma_wait3A_702 = arith.constant 11 : i32
      %dma_wait3A_703 = arith.constant 0 : i32
      %dma_wait3A_704 = arith.constant 0 : i32
      %dma_wait3A_705 = tpu.memref_slice %arg9[%dma_wait3A_702, %dma_wait3A_703, %dma_wait3A_704] : memref<16x32x128xf32, #tpu.memory_space<vmem>> -> memref<1x32x128xf32, #tpu.memory_space<vmem>>
      %dma_wait3A_706 = tpu.memref_squeeze %dma_wait3A_705 : memref<1x32x128xf32, #tpu.memory_space<vmem>> -> memref<32x128xf32, #tpu.memory_space<vmem>>
      %dma_wait3A_707 = arith.constant 0 : i32
      %dma_wait3A_708 = arith.constant 0 : i32
      %dma_wait3A_709 = tpu.memref_slice %arg4[%dma_wait3A_707, %dma_wait3A_708] : memref<32x1000000xf32, #tpu.memory_space<hbm>> -> memref<32x128xf32, #tpu.memory_space<hbm>>
      %dma_wait3A_710 = arith.constant 0 : i32
      %dma_wait3A_711 = arith.constant 0 : i32
      %dma_wait3A_712 = tpu.memref_slice %arg9[%dma_wait3A_702, %dma_wait3A_710, %dma_wait3A_711] : memref<16x32x128xf32, #tpu.memory_space<vmem>> -> memref<1x32x128xf32, #tpu.memory_space<vmem>>
      %dma_wait3A_713 = tpu.memref_squeeze %dma_wait3A_712 : memref<1x32x128xf32, #tpu.memory_space<vmem>> -> memref<32x128xf32, #tpu.memory_space<vmem>>
      %dma_wait3A_714 = arith.constant 0 : i32
      %dma_wait3A_715 = arith.constant 0 : i32
      %dma_wait3A_716 = tpu.memref_slice %arg4[%dma_wait3A_714, %dma_wait3A_715] : memref<32x1000000xf32, #tpu.memory_space<hbm>> -> memref<32x128xf32, #tpu.memory_space<hbm>>
      tpu.wait_dma2 semaphore(%arg12 : memref<!tpu.dma_semaphore, #tpu.memory_space<semaphore_mem>>) src(%dma_wait3A_716 : memref<32x128xf32, #tpu.memory_space<hbm>>) dst(%dma_wait3A_713 : memref<32x128xf32, #tpu.memory_space<vmem>>)
      %dma_wait3A_717 = arith.constant 12 : i32
      %dma_wait3A_718 = arith.constant 0 : i32
      %dma_wait3A_719 = arith.constant 0 : i32
      %dma_wait3A_720 = tpu.memref_slice %arg9[%dma_wait3A_717, %dma_wait3A_718, %dma_wait3A_719] : memref<16x32x128xf32, #tpu.memory_space<vmem>> -> memref<1x32x128xf32, #tpu.memory_space<vmem>>
      %dma_wait3A_721 = tpu.memref_squeeze %dma_wait3A_720 : memref<1x32x128xf32, #tpu.memory_space<vmem>> -> memref<32x128xf32, #tpu.memory_space<vmem>>
      %dma_wait3A_722 = arith.constant 0 : i32
      %dma_wait3A_723 = arith.constant 0 : i32
      %dma_wait3A_724 = tpu.memref_slice %arg4[%dma_wait3A_722, %dma_wait3A_723] : memref<32x1000000xf32, #tpu.memory_space<hbm>> -> memref<32x128xf32, #tpu.memory_space<hbm>>
      %dma_wait3A_725 = arith.constant 0 : i32
      %dma_wait3A_726 = arith.constant 0 : i32
      %dma_wait3A_727 = tpu.memref_slice %arg9[%dma_wait3A_717, %dma_wait3A_725, %dma_wait3A_726] : memref<16x32x128xf32, #tpu.memory_space<vmem>> -> memref<1x32x128xf32, #tpu.memory_space<vmem>>
      %dma_wait3A_728 = tpu.memref_squeeze %dma_wait3A_727 : memref<1x32x128xf32, #tpu.memory_space<vmem>> -> memref<32x128xf32, #tpu.memory_space<vmem>>
      %dma_wait3A_729 = arith.constant 0 : i32
      %dma_wait3A_730 = arith.constant 0 : i32
      %dma_wait3A_731 = tpu.memref_slice %arg4[%dma_wait3A_729, %dma_wait3A_730] : memref<32x1000000xf32, #tpu.memory_space<hbm>> -> memref<32x128xf32, #tpu.memory_space<hbm>>
      tpu.wait_dma2 semaphore(%arg12 : memref<!tpu.dma_semaphore, #tpu.memory_space<semaphore_mem>>) src(%dma_wait3A_731 : memref<32x128xf32, #tpu.memory_space<hbm>>) dst(%dma_wait3A_728 : memref<32x128xf32, #tpu.memory_space<vmem>>)
      %dma_wait3A_732 = arith.constant 13 : i32
      %dma_wait3A_733 = arith.constant 0 : i32
      %dma_wait3A_734 = arith.constant 0 : i32
      %dma_wait3A_735 = tpu.memref_slice %arg9[%dma_wait3A_732, %dma_wait3A_733, %dma_wait3A_734] : memref<16x32x128xf32, #tpu.memory_space<vmem>> -> memref<1x32x128xf32, #tpu.memory_space<vmem>>
      %dma_wait3A_736 = tpu.memref_squeeze %dma_wait3A_735 : memref<1x32x128xf32, #tpu.memory_space<vmem>> -> memref<32x128xf32, #tpu.memory_space<vmem>>
      %dma_wait3A_737 = arith.constant 0 : i32
      %dma_wait3A_738 = arith.constant 0 : i32
      %dma_wait3A_739 = tpu.memref_slice %arg4[%dma_wait3A_737, %dma_wait3A_738] : memref<32x1000000xf32, #tpu.memory_space<hbm>> -> memref<32x128xf32, #tpu.memory_space<hbm>>
      %dma_wait3A_740 = arith.constant 0 : i32
      %dma_wait3A_741 = arith.constant 0 : i32
      %dma_wait3A_742 = tpu.memref_slice %arg9[%dma_wait3A_732, %dma_wait3A_740, %dma_wait3A_741] : memref<16x32x128xf32, #tpu.memory_space<vmem>> -> memref<1x32x128xf32, #tpu.memory_space<vmem>>
      %dma_wait3A_743 = tpu.memref_squeeze %dma_wait3A_742 : memref<1x32x128xf32, #tpu.memory_space<vmem>> -> memref<32x128xf32, #tpu.memory_space<vmem>>
      %dma_wait3A_744 = arith.constant 0 : i32
      %dma_wait3A_745 = arith.constant 0 : i32
      %dma_wait3A_746 = tpu.memref_slice %arg4[%dma_wait3A_744, %dma_wait3A_745] : memref<32x1000000xf32, #tpu.memory_space<hbm>> -> memref<32x128xf32, #tpu.memory_space<hbm>>
      tpu.wait_dma2 semaphore(%arg12 : memref<!tpu.dma_semaphore, #tpu.memory_space<semaphore_mem>>) src(%dma_wait3A_746 : memref<32x128xf32, #tpu.memory_space<hbm>>) dst(%dma_wait3A_743 : memref<32x128xf32, #tpu.memory_space<vmem>>)
      %dma_wait3A_747 = arith.constant 14 : i32
      %dma_wait3A_748 = arith.constant 0 : i32
      %dma_wait3A_749 = arith.constant 0 : i32
      %dma_wait3A_750 = tpu.memref_slice %arg9[%dma_wait3A_747, %dma_wait3A_748, %dma_wait3A_749] : memref<16x32x128xf32, #tpu.memory_space<vmem>> -> memref<1x32x128xf32, #tpu.memory_space<vmem>>
      %dma_wait3A_751 = tpu.memref_squeeze %dma_wait3A_750 : memref<1x32x128xf32, #tpu.memory_space<vmem>> -> memref<32x128xf32, #tpu.memory_space<vmem>>
      %dma_wait3A_752 = arith.constant 0 : i32
      %dma_wait3A_753 = arith.constant 0 : i32
      %dma_wait3A_754 = tpu.memref_slice %arg4[%dma_wait3A_752, %dma_wait3A_753] : memref<32x1000000xf32, #tpu.memory_space<hbm>> -> memref<32x128xf32, #tpu.memory_space<hbm>>
      %dma_wait3A_755 = arith.constant 0 : i32
      %dma_wait3A_756 = arith.constant 0 : i32
      %dma_wait3A_757 = tpu.memref_slice %arg9[%dma_wait3A_747, %dma_wait3A_755, %dma_wait3A_756] : memref<16x32x128xf32, #tpu.memory_space<vmem>> -> memref<1x32x128xf32, #tpu.memory_space<vmem>>
      %dma_wait3A_758 = tpu.memref_squeeze %dma_wait3A_757 : memref<1x32x128xf32, #tpu.memory_space<vmem>> -> memref<32x128xf32, #tpu.memory_space<vmem>>
      %dma_wait3A_759 = arith.constant 0 : i32
      %dma_wait3A_760 = arith.constant 0 : i32
      %dma_wait3A_761 = tpu.memref_slice %arg4[%dma_wait3A_759, %dma_wait3A_760] : memref<32x1000000xf32, #tpu.memory_space<hbm>> -> memref<32x128xf32, #tpu.memory_space<hbm>>
      tpu.wait_dma2 semaphore(%arg12 : memref<!tpu.dma_semaphore, #tpu.memory_space<semaphore_mem>>) src(%dma_wait3A_761 : memref<32x128xf32, #tpu.memory_space<hbm>>) dst(%dma_wait3A_758 : memref<32x128xf32, #tpu.memory_space<vmem>>)
      %dma_wait3A_762 = arith.constant 15 : i32
      %dma_wait3A_763 = arith.constant 0 : i32
      %dma_wait3A_764 = arith.constant 0 : i32
      %dma_wait3A_765 = tpu.memref_slice %arg9[%dma_wait3A_762, %dma_wait3A_763, %dma_wait3A_764] : memref<16x32x128xf32, #tpu.memory_space<vmem>> -> memref<1x32x128xf32, #tpu.memory_space<vmem>>
      %dma_wait3A_766 = tpu.memref_squeeze %dma_wait3A_765 : memref<1x32x128xf32, #tpu.memory_space<vmem>> -> memref<32x128xf32, #tpu.memory_space<vmem>>
      %dma_wait3A_767 = arith.constant 0 : i32
      %dma_wait3A_768 = arith.constant 0 : i32
      %dma_wait3A_769 = tpu.memref_slice %arg4[%dma_wait3A_767, %dma_wait3A_768] : memref<32x1000000xf32, #tpu.memory_space<hbm>> -> memref<32x128xf32, #tpu.memory_space<hbm>>
      %dma_wait3A_770 = arith.constant 0 : i32
      %dma_wait3A_771 = arith.constant 0 : i32
      %dma_wait3A_772 = tpu.memref_slice %arg9[%dma_wait3A_762, %dma_wait3A_770, %dma_wait3A_771] : memref<16x32x128xf32, #tpu.memory_space<vmem>> -> memref<1x32x128xf32, #tpu.memory_space<vmem>>
      %dma_wait3A_773 = tpu.memref_squeeze %dma_wait3A_772 : memref<1x32x128xf32, #tpu.memory_space<vmem>> -> memref<32x128xf32, #tpu.memory_space<vmem>>
      %dma_wait3A_774 = arith.constant 0 : i32
      %dma_wait3A_775 = arith.constant 0 : i32
      %dma_wait3A_776 = tpu.memref_slice %arg4[%dma_wait3A_774, %dma_wait3A_775] : memref<32x1000000xf32, #tpu.memory_space<hbm>> -> memref<32x128xf32, #tpu.memory_space<hbm>>
      tpu.wait_dma2 semaphore(%arg12 : memref<!tpu.dma_semaphore, #tpu.memory_space<semaphore_mem>>) src(%dma_wait3A_776 : memref<32x128xf32, #tpu.memory_space<hbm>>) dst(%dma_wait3A_773 : memref<32x128xf32, #tpu.memory_space<vmem>>)
      %add3A_777 = arith.constant 1 : i32
      %add3A_778 = arith.addi %add3A_311, %add3A_777 : i32
      %mul3A_779 = arith.constant 4 : i32
      %mul3A_780 = arith.muli %add3A_778, %mul3A_779 : i32
      %add3A_781 = vector.broadcast %mul3A_780 : i32 to vector<16xi32>
      %add3A_782 = arith.addi %and3A_4, %add3A_781 : vector<16xi32>
      %gather3A_783 = tpu.vector_load_idx %arg7[%add3A_782] : memref<512xi32, #tpu.memory_space<vmem>>[vector<16xi32>], vector<16xi32>,
      %mul3A_784 = arith.constant 4 : i32
      %mul3A_785 = arith.muli %add3A_778, %mul3A_784 : i32
      %add3A_786 = vector.broadcast %mul3A_785 : i32 to vector<16xi32>
      %add3A_787 = arith.addi %and3A_4, %add3A_786 : vector<16xi32>
      %gather3A_788 = tpu.vector_load_idx %arg8[%add3A_787] : memref<512xi32, #tpu.memory_space<vmem>>[vector<16xi32>], vector<16xi32>,
      %and3A_789 = arith.constant 127 : i32
      %and3A_790 = vector.broadcast %and3A_789 : i32 to vector<16xi32>
      %and3A_791 = arith.andi %gather3A_783, %and3A_790 : vector<16xi32>
      %and3A_792 = arith.constant 127 : i32
      %and3A_793 = vector.broadcast %and3A_792 : i32 to vector<16xi32>
      %and3A_794 = arith.andi %gather3A_788, %and3A_793 : vector<16xi32>
      %add3A_795 = arith.constant 8 : i32
      %add3A_796 = vector.broadcast %add3A_795 : i32 to vector<16xi32>
      %add3A_797 = arith.addi %and3A_4, %add3A_796 : vector<16xi32>
      %add3A_798 = arith.constant 8 : i32
      %add3A_799 = vector.broadcast %add3A_798 : i32 to vector<16xi32>
      %add3A_800 = arith.addi %and3A_4, %add3A_799 : vector<16xi32>
      %add3A_801 = arith.constant 4 : i32
      %add3A_802 = vector.broadcast %add3A_801 : i32 to vector<16xi32>
      %add3A_803 = arith.addi %add3A_800, %add3A_802 : vector<16xi32>
      %broadcast_in_dim3A_804 = arith.constant 0.000000e+00 : f32
      %broadcast_in_dim3A_805 = vector.broadcast %broadcast_in_dim3A_804 : f32 to vector<16xf32>
      %broadcast_in_dim3A_806 = arith.constant 0 : i32
      %broadcast_in_dim3A_807 = vector.broadcast %broadcast_in_dim3A_806 : i32 to vector<16xi32>
      %gather3A_808 = tpu.vector_load_idx %arg9[%add3A_797, %broadcast_in_dim3A_807, %and3A_791] : memref<16x32x128xf32, #tpu.memory_space<vmem>>[vector<16xi32>, vector<16xi32>, vector<16xi32>], vector<16xf32>,
      %gather3A_809 = tpu.vector_load_idx %arg9[%add3A_803, %broadcast_in_dim3A_807, %and3A_794] : memref<16x32x128xf32, #tpu.memory_space<vmem>>[vector<16xi32>, vector<16xi32>, vector<16xi32>], vector<16xf32>,
      %mul3A_810 = arith.mulf %gather3A_808, %gather3A_809 : vector<16xf32>
      %add3A_811 = arith.addf %broadcast_in_dim3A_805, %mul3A_810 : vector<16xf32>
      %broadcast_in_dim3A_812 = arith.constant 1 : i32
      %broadcast_in_dim3A_813 = vector.broadcast %broadcast_in_dim3A_812 : i32 to vector<16xi32>
      %gather3A_814 = tpu.vector_load_idx %arg9[%add3A_797, %broadcast_in_dim3A_813, %and3A_791] : memref<16x32x128xf32, #tpu.memory_space<vmem>>[vector<16xi32>, vector<16xi32>, vector<16xi32>], vector<16xf32>,
      %gather3A_815 = tpu.vector_load_idx %arg9[%add3A_803, %broadcast_in_dim3A_813, %and3A_794] : memref<16x32x128xf32, #tpu.memory_space<vmem>>[vector<16xi32>, vector<16xi32>, vector<16xi32>], vector<16xf32>,
      %mul3A_816 = arith.mulf %gather3A_814, %gather3A_815 : vector<16xf32>
      %add3A_817 = arith.addf %add3A_811, %mul3A_816 : vector<16xf32>
      %broadcast_in_dim3A_818 = arith.constant 2 : i32
      %broadcast_in_dim3A_819 = vector.broadcast %broadcast_in_dim3A_818 : i32 to vector<16xi32>
      %gather3A_820 = tpu.vector_load_idx %arg9[%add3A_797, %broadcast_in_dim3A_819, %and3A_791] : memref<16x32x128xf32, #tpu.memory_space<vmem>>[vector<16xi32>, vector<16xi32>, vector<16xi32>], vector<16xf32>,
      %gather3A_821 = tpu.vector_load_idx %arg9[%add3A_803, %broadcast_in_dim3A_819, %and3A_794] : memref<16x32x128xf32, #tpu.memory_space<vmem>>[vector<16xi32>, vector<16xi32>, vector<16xi32>], vector<16xf32>,
      %mul3A_822 = arith.mulf %gather3A_820, %gather3A_821 : vector<16xf32>
      %add3A_823 = arith.addf %add3A_817, %mul3A_822 : vector<16xf32>
      %broadcast_in_dim3A_824 = arith.constant 3 : i32
      %broadcast_in_dim3A_825 = vector.broadcast %broadcast_in_dim3A_824 : i32 to vector<16xi32>
      %gather3A_826 = tpu.vector_load_idx %arg9[%add3A_797, %broadcast_in_dim3A_825, %and3A_791] : memref<16x32x128xf32, #tpu.memory_space<vmem>>[vector<16xi32>, vector<16xi32>, vector<16xi32>], vector<16xf32>,
      %gather3A_827 = tpu.vector_load_idx %arg9[%add3A_803, %broadcast_in_dim3A_825, %and3A_794] : memref<16x32x128xf32, #tpu.memory_space<vmem>>[vector<16xi32>, vector<16xi32>, vector<16xi32>], vector<16xf32>,
      %mul3A_828 = arith.mulf %gather3A_826, %gather3A_827 : vector<16xf32>
      %add3A_829 = arith.addf %add3A_823, %mul3A_828 : vector<16xf32>
      %broadcast_in_dim3A_830 = arith.constant 4 : i32
      %broadcast_in_dim3A_831 = vector.broadcast %broadcast_in_dim3A_830 : i32 to vector<16xi32>
      %gather3A_832 = tpu.vector_load_idx %arg9[%add3A_797, %broadcast_in_dim3A_831, %and3A_791] : memref<16x32x128xf32, #tpu.memory_space<vmem>>[vector<16xi32>, vector<16xi32>, vector<16xi32>], vector<16xf32>,
      %gather3A_833 = tpu.vector_load_idx %arg9[%add3A_803, %broadcast_in_dim3A_831, %and3A_794] : memref<16x32x128xf32, #tpu.memory_space<vmem>>[vector<16xi32>, vector<16xi32>, vector<16xi32>], vector<16xf32>,
      %mul3A_834 = arith.mulf %gather3A_832, %gather3A_833 : vector<16xf32>
      %add3A_835 = arith.addf %add3A_829, %mul3A_834 : vector<16xf32>
      %broadcast_in_dim3A_836 = arith.constant 5 : i32
      %broadcast_in_dim3A_837 = vector.broadcast %broadcast_in_dim3A_836 : i32 to vector<16xi32>
      %gather3A_838 = tpu.vector_load_idx %arg9[%add3A_797, %broadcast_in_dim3A_837, %and3A_791] : memref<16x32x128xf32, #tpu.memory_space<vmem>>[vector<16xi32>, vector<16xi32>, vector<16xi32>], vector<16xf32>,
      %gather3A_839 = tpu.vector_load_idx %arg9[%add3A_803, %broadcast_in_dim3A_837, %and3A_794] : memref<16x32x128xf32, #tpu.memory_space<vmem>>[vector<16xi32>, vector<16xi32>, vector<16xi32>], vector<16xf32>,
      %mul3A_840 = arith.mulf %gather3A_838, %gather3A_839 : vector<16xf32>
      %add3A_841 = arith.addf %add3A_835, %mul3A_840 : vector<16xf32>
      %broadcast_in_dim3A_842 = arith.constant 6 : i32
      %broadcast_in_dim3A_843 = vector.broadcast %broadcast_in_dim3A_842 : i32 to vector<16xi32>
      %gather3A_844 = tpu.vector_load_idx %arg9[%add3A_797, %broadcast_in_dim3A_843, %and3A_791] : memref<16x32x128xf32, #tpu.memory_space<vmem>>[vector<16xi32>, vector<16xi32>, vector<16xi32>], vector<16xf32>,
      %gather3A_845 = tpu.vector_load_idx %arg9[%add3A_803, %broadcast_in_dim3A_843, %and3A_794] : memref<16x32x128xf32, #tpu.memory_space<vmem>>[vector<16xi32>, vector<16xi32>, vector<16xi32>], vector<16xf32>,
      %mul3A_846 = arith.mulf %gather3A_844, %gather3A_845 : vector<16xf32>
      %add3A_847 = arith.addf %add3A_841, %mul3A_846 : vector<16xf32>
      %broadcast_in_dim3A_848 = arith.constant 7 : i32
      %broadcast_in_dim3A_849 = vector.broadcast %broadcast_in_dim3A_848 : i32 to vector<16xi32>
      %gather3A_850 = tpu.vector_load_idx %arg9[%add3A_797, %broadcast_in_dim3A_849, %and3A_791] : memref<16x32x128xf32, #tpu.memory_space<vmem>>[vector<16xi32>, vector<16xi32>, vector<16xi32>], vector<16xf32>,
      %gather3A_851 = tpu.vector_load_idx %arg9[%add3A_803, %broadcast_in_dim3A_849, %and3A_794] : memref<16x32x128xf32, #tpu.memory_space<vmem>>[vector<16xi32>, vector<16xi32>, vector<16xi32>], vector<16xf32>,
      %mul3A_852 = arith.mulf %gather3A_850, %gather3A_851 : vector<16xf32>
      %add3A_853 = arith.addf %add3A_847, %mul3A_852 : vector<16xf32>
      %broadcast_in_dim3A_854 = arith.constant 8 : i32
      %broadcast_in_dim3A_855 = vector.broadcast %broadcast_in_dim3A_854 : i32 to vector<16xi32>
      %gather3A_856 = tpu.vector_load_idx %arg9[%add3A_797, %broadcast_in_dim3A_855, %and3A_791] : memref<16x32x128xf32, #tpu.memory_space<vmem>>[vector<16xi32>, vector<16xi32>, vector<16xi32>], vector<16xf32>,
      %gather3A_857 = tpu.vector_load_idx %arg9[%add3A_803, %broadcast_in_dim3A_855, %and3A_794] : memref<16x32x128xf32, #tpu.memory_space<vmem>>[vector<16xi32>, vector<16xi32>, vector<16xi32>], vector<16xf32>,
      %mul3A_858 = arith.mulf %gather3A_856, %gather3A_857 : vector<16xf32>
      %add3A_859 = arith.addf %add3A_853, %mul3A_858 : vector<16xf32>
      %broadcast_in_dim3A_860 = arith.constant 9 : i32
      %broadcast_in_dim3A_861 = vector.broadcast %broadcast_in_dim3A_860 : i32 to vector<16xi32>
      %gather3A_862 = tpu.vector_load_idx %arg9[%add3A_797, %broadcast_in_dim3A_861, %and3A_791] : memref<16x32x128xf32, #tpu.memory_space<vmem>>[vector<16xi32>, vector<16xi32>, vector<16xi32>], vector<16xf32>,
      %gather3A_863 = tpu.vector_load_idx %arg9[%add3A_803, %broadcast_in_dim3A_861, %and3A_794] : memref<16x32x128xf32, #tpu.memory_space<vmem>>[vector<16xi32>, vector<16xi32>, vector<16xi32>], vector<16xf32>,
      %mul3A_864 = arith.mulf %gather3A_862, %gather3A_863 : vector<16xf32>
      %add3A_865 = arith.addf %add3A_859, %mul3A_864 : vector<16xf32>
      %broadcast_in_dim3A_866 = arith.constant 10 : i32
      %broadcast_in_dim3A_867 = vector.broadcast %broadcast_in_dim3A_866 : i32 to vector<16xi32>
      %gather3A_868 = tpu.vector_load_idx %arg9[%add3A_797, %broadcast_in_dim3A_867, %and3A_791] : memref<16x32x128xf32, #tpu.memory_space<vmem>>[vector<16xi32>, vector<16xi32>, vector<16xi32>], vector<16xf32>,
      %gather3A_869 = tpu.vector_load_idx %arg9[%add3A_803, %broadcast_in_dim3A_867, %and3A_794] : memref<16x32x128xf32, #tpu.memory_space<vmem>>[vector<16xi32>, vector<16xi32>, vector<16xi32>], vector<16xf32>,
      %mul3A_870 = arith.mulf %gather3A_868, %gather3A_869 : vector<16xf32>
      %add3A_871 = arith.addf %add3A_865, %mul3A_870 : vector<16xf32>
      %broadcast_in_dim3A_872 = arith.constant 11 : i32
      %broadcast_in_dim3A_873 = vector.broadcast %broadcast_in_dim3A_872 : i32 to vector<16xi32>
      %gather3A_874 = tpu.vector_load_idx %arg9[%add3A_797, %broadcast_in_dim3A_873, %and3A_791] : memref<16x32x128xf32, #tpu.memory_space<vmem>>[vector<16xi32>, vector<16xi32>, vector<16xi32>], vector<16xf32>,
      %gather3A_875 = tpu.vector_load_idx %arg9[%add3A_803, %broadcast_in_dim3A_873, %and3A_794] : memref<16x32x128xf32, #tpu.memory_space<vmem>>[vector<16xi32>, vector<16xi32>, vector<16xi32>], vector<16xf32>,
      %mul3A_876 = arith.mulf %gather3A_874, %gather3A_875 : vector<16xf32>
      %add3A_877 = arith.addf %add3A_871, %mul3A_876 : vector<16xf32>
      %broadcast_in_dim3A_878 = arith.constant 12 : i32
      %broadcast_in_dim3A_879 = vector.broadcast %broadcast_in_dim3A_878 : i32 to vector<16xi32>
      %gather3A_880 = tpu.vector_load_idx %arg9[%add3A_797, %broadcast_in_dim3A_879, %and3A_791] : memref<16x32x128xf32, #tpu.memory_space<vmem>>[vector<16xi32>, vector<16xi32>, vector<16xi32>], vector<16xf32>,
      %gather3A_881 = tpu.vector_load_idx %arg9[%add3A_803, %broadcast_in_dim3A_879, %and3A_794] : memref<16x32x128xf32, #tpu.memory_space<vmem>>[vector<16xi32>, vector<16xi32>, vector<16xi32>], vector<16xf32>,
      %mul3A_882 = arith.mulf %gather3A_880, %gather3A_881 : vector<16xf32>
      %add3A_883 = arith.addf %add3A_877, %mul3A_882 : vector<16xf32>
      %broadcast_in_dim3A_884 = arith.constant 13 : i32
      %broadcast_in_dim3A_885 = vector.broadcast %broadcast_in_dim3A_884 : i32 to vector<16xi32>
      %gather3A_886 = tpu.vector_load_idx %arg9[%add3A_797, %broadcast_in_dim3A_885, %and3A_791] : memref<16x32x128xf32, #tpu.memory_space<vmem>>[vector<16xi32>, vector<16xi32>, vector<16xi32>], vector<16xf32>,
      %gather3A_887 = tpu.vector_load_idx %arg9[%add3A_803, %broadcast_in_dim3A_885, %and3A_794] : memref<16x32x128xf32, #tpu.memory_space<vmem>>[vector<16xi32>, vector<16xi32>, vector<16xi32>], vector<16xf32>,
      %mul3A_888 = arith.mulf %gather3A_886, %gather3A_887 : vector<16xf32>
      %add3A_889 = arith.addf %add3A_883, %mul3A_888 : vector<16xf32>
      %broadcast_in_dim3A_890 = arith.constant 14 : i32
      %broadcast_in_dim3A_891 = vector.broadcast %broadcast_in_dim3A_890 : i32 to vector<16xi32>
      %gather3A_892 = tpu.vector_load_idx %arg9[%add3A_797, %broadcast_in_dim3A_891, %and3A_791] : memref<16x32x128xf32, #tpu.memory_space<vmem>>[vector<16xi32>, vector<16xi32>, vector<16xi32>], vector<16xf32>,
      %gather3A_893 = tpu.vector_load_idx %arg9[%add3A_803, %broadcast_in_dim3A_891, %and3A_794] : memref<16x32x128xf32, #tpu.memory_space<vmem>>[vector<16xi32>, vector<16xi32>, vector<16xi32>], vector<16xf32>,
      %mul3A_894 = arith.mulf %gather3A_892, %gather3A_893 : vector<16xf32>
      %add3A_895 = arith.addf %add3A_889, %mul3A_894 : vector<16xf32>
      %broadcast_in_dim3A_896 = arith.constant 15 : i32
      %broadcast_in_dim3A_897 = vector.broadcast %broadcast_in_dim3A_896 : i32 to vector<16xi32>
      %gather3A_898 = tpu.vector_load_idx %arg9[%add3A_797, %broadcast_in_dim3A_897, %and3A_791] : memref<16x32x128xf32, #tpu.memory_space<vmem>>[vector<16xi32>, vector<16xi32>, vector<16xi32>], vector<16xf32>,
      %gather3A_899 = tpu.vector_load_idx %arg9[%add3A_803, %broadcast_in_dim3A_897, %and3A_794] : memref<16x32x128xf32, #tpu.memory_space<vmem>>[vector<16xi32>, vector<16xi32>, vector<16xi32>], vector<16xf32>,
      %mul3A_900 = arith.mulf %gather3A_898, %gather3A_899 : vector<16xf32>
      %add3A_901 = arith.addf %add3A_895, %mul3A_900 : vector<16xf32>
      %broadcast_in_dim3A_902 = arith.constant 16 : i32
      %broadcast_in_dim3A_903 = vector.broadcast %broadcast_in_dim3A_902 : i32 to vector<16xi32>
      %gather3A_904 = tpu.vector_load_idx %arg9[%add3A_797, %broadcast_in_dim3A_903, %and3A_791] : memref<16x32x128xf32, #tpu.memory_space<vmem>>[vector<16xi32>, vector<16xi32>, vector<16xi32>], vector<16xf32>,
      %gather3A_905 = tpu.vector_load_idx %arg9[%add3A_803, %broadcast_in_dim3A_903, %and3A_794] : memref<16x32x128xf32, #tpu.memory_space<vmem>>[vector<16xi32>, vector<16xi32>, vector<16xi32>], vector<16xf32>,
      %mul3A_906 = arith.mulf %gather3A_904, %gather3A_905 : vector<16xf32>
      %add3A_907 = arith.addf %add3A_901, %mul3A_906 : vector<16xf32>
      %broadcast_in_dim3A_908 = arith.constant 17 : i32
      %broadcast_in_dim3A_909 = vector.broadcast %broadcast_in_dim3A_908 : i32 to vector<16xi32>
      %gather3A_910 = tpu.vector_load_idx %arg9[%add3A_797, %broadcast_in_dim3A_909, %and3A_791] : memref<16x32x128xf32, #tpu.memory_space<vmem>>[vector<16xi32>, vector<16xi32>, vector<16xi32>], vector<16xf32>,
      %gather3A_911 = tpu.vector_load_idx %arg9[%add3A_803, %broadcast_in_dim3A_909, %and3A_794] : memref<16x32x128xf32, #tpu.memory_space<vmem>>[vector<16xi32>, vector<16xi32>, vector<16xi32>], vector<16xf32>,
      %mul3A_912 = arith.mulf %gather3A_910, %gather3A_911 : vector<16xf32>
      %add3A_913 = arith.addf %add3A_907, %mul3A_912 : vector<16xf32>
      %broadcast_in_dim3A_914 = arith.constant 18 : i32
      %broadcast_in_dim3A_915 = vector.broadcast %broadcast_in_dim3A_914 : i32 to vector<16xi32>
      %gather3A_916 = tpu.vector_load_idx %arg9[%add3A_797, %broadcast_in_dim3A_915, %and3A_791] : memref<16x32x128xf32, #tpu.memory_space<vmem>>[vector<16xi32>, vector<16xi32>, vector<16xi32>], vector<16xf32>,
      %gather3A_917 = tpu.vector_load_idx %arg9[%add3A_803, %broadcast_in_dim3A_915, %and3A_794] : memref<16x32x128xf32, #tpu.memory_space<vmem>>[vector<16xi32>, vector<16xi32>, vector<16xi32>], vector<16xf32>,
      %mul3A_918 = arith.mulf %gather3A_916, %gather3A_917 : vector<16xf32>
      %add3A_919 = arith.addf %add3A_913, %mul3A_918 : vector<16xf32>
      %broadcast_in_dim3A_920 = arith.constant 19 : i32
      %broadcast_in_dim3A_921 = vector.broadcast %broadcast_in_dim3A_920 : i32 to vector<16xi32>
      %gather3A_922 = tpu.vector_load_idx %arg9[%add3A_797, %broadcast_in_dim3A_921, %and3A_791] : memref<16x32x128xf32, #tpu.memory_space<vmem>>[vector<16xi32>, vector<16xi32>, vector<16xi32>], vector<16xf32>,
      %gather3A_923 = tpu.vector_load_idx %arg9[%add3A_803, %broadcast_in_dim3A_921, %and3A_794] : memref<16x32x128xf32, #tpu.memory_space<vmem>>[vector<16xi32>, vector<16xi32>, vector<16xi32>], vector<16xf32>,
      %mul3A_924 = arith.mulf %gather3A_922, %gather3A_923 : vector<16xf32>
      %add3A_925 = arith.addf %add3A_919, %mul3A_924 : vector<16xf32>
      %broadcast_in_dim3A_926 = arith.constant 20 : i32
      %broadcast_in_dim3A_927 = vector.broadcast %broadcast_in_dim3A_926 : i32 to vector<16xi32>
      %gather3A_928 = tpu.vector_load_idx %arg9[%add3A_797, %broadcast_in_dim3A_927, %and3A_791] : memref<16x32x128xf32, #tpu.memory_space<vmem>>[vector<16xi32>, vector<16xi32>, vector<16xi32>], vector<16xf32>,
      %gather3A_929 = tpu.vector_load_idx %arg9[%add3A_803, %broadcast_in_dim3A_927, %and3A_794] : memref<16x32x128xf32, #tpu.memory_space<vmem>>[vector<16xi32>, vector<16xi32>, vector<16xi32>], vector<16xf32>,
      %mul3A_930 = arith.mulf %gather3A_928, %gather3A_929 : vector<16xf32>
      %add3A_931 = arith.addf %add3A_925, %mul3A_930 : vector<16xf32>
      %broadcast_in_dim3A_932 = arith.constant 21 : i32
      %broadcast_in_dim3A_933 = vector.broadcast %broadcast_in_dim3A_932 : i32 to vector<16xi32>
      %gather3A_934 = tpu.vector_load_idx %arg9[%add3A_797, %broadcast_in_dim3A_933, %and3A_791] : memref<16x32x128xf32, #tpu.memory_space<vmem>>[vector<16xi32>, vector<16xi32>, vector<16xi32>], vector<16xf32>,
      %gather3A_935 = tpu.vector_load_idx %arg9[%add3A_803, %broadcast_in_dim3A_933, %and3A_794] : memref<16x32x128xf32, #tpu.memory_space<vmem>>[vector<16xi32>, vector<16xi32>, vector<16xi32>], vector<16xf32>,
      %mul3A_936 = arith.mulf %gather3A_934, %gather3A_935 : vector<16xf32>
      %add3A_937 = arith.addf %add3A_931, %mul3A_936 : vector<16xf32>
      %broadcast_in_dim3A_938 = arith.constant 22 : i32
      %broadcast_in_dim3A_939 = vector.broadcast %broadcast_in_dim3A_938 : i32 to vector<16xi32>
      %gather3A_940 = tpu.vector_load_idx %arg9[%add3A_797, %broadcast_in_dim3A_939, %and3A_791] : memref<16x32x128xf32, #tpu.memory_space<vmem>>[vector<16xi32>, vector<16xi32>, vector<16xi32>], vector<16xf32>,
      %gather3A_941 = tpu.vector_load_idx %arg9[%add3A_803, %broadcast_in_dim3A_939, %and3A_794] : memref<16x32x128xf32, #tpu.memory_space<vmem>>[vector<16xi32>, vector<16xi32>, vector<16xi32>], vector<16xf32>,
      %mul3A_942 = arith.mulf %gather3A_940, %gather3A_941 : vector<16xf32>
      %add3A_943 = arith.addf %add3A_937, %mul3A_942 : vector<16xf32>
      %broadcast_in_dim3A_944 = arith.constant 23 : i32
      %broadcast_in_dim3A_945 = vector.broadcast %broadcast_in_dim3A_944 : i32 to vector<16xi32>
      %gather3A_946 = tpu.vector_load_idx %arg9[%add3A_797, %broadcast_in_dim3A_945, %and3A_791] : memref<16x32x128xf32, #tpu.memory_space<vmem>>[vector<16xi32>, vector<16xi32>, vector<16xi32>], vector<16xf32>,
      %gather3A_947 = tpu.vector_load_idx %arg9[%add3A_803, %broadcast_in_dim3A_945, %and3A_794] : memref<16x32x128xf32, #tpu.memory_space<vmem>>[vector<16xi32>, vector<16xi32>, vector<16xi32>], vector<16xf32>,
      %mul3A_948 = arith.mulf %gather3A_946, %gather3A_947 : vector<16xf32>
      %add3A_949 = arith.addf %add3A_943, %mul3A_948 : vector<16xf32>
      %broadcast_in_dim3A_950 = arith.constant 24 : i32
      %broadcast_in_dim3A_951 = vector.broadcast %broadcast_in_dim3A_950 : i32 to vector<16xi32>
      %gather3A_952 = tpu.vector_load_idx %arg9[%add3A_797, %broadcast_in_dim3A_951, %and3A_791] : memref<16x32x128xf32, #tpu.memory_space<vmem>>[vector<16xi32>, vector<16xi32>, vector<16xi32>], vector<16xf32>,
      %gather3A_953 = tpu.vector_load_idx %arg9[%add3A_803, %broadcast_in_dim3A_951, %and3A_794] : memref<16x32x128xf32, #tpu.memory_space<vmem>>[vector<16xi32>, vector<16xi32>, vector<16xi32>], vector<16xf32>,
      %mul3A_954 = arith.mulf %gather3A_952, %gather3A_953 : vector<16xf32>
      %add3A_955 = arith.addf %add3A_949, %mul3A_954 : vector<16xf32>
      %broadcast_in_dim3A_956 = arith.constant 25 : i32
      %broadcast_in_dim3A_957 = vector.broadcast %broadcast_in_dim3A_956 : i32 to vector<16xi32>
      %gather3A_958 = tpu.vector_load_idx %arg9[%add3A_797, %broadcast_in_dim3A_957, %and3A_791] : memref<16x32x128xf32, #tpu.memory_space<vmem>>[vector<16xi32>, vector<16xi32>, vector<16xi32>], vector<16xf32>,
      %gather3A_959 = tpu.vector_load_idx %arg9[%add3A_803, %broadcast_in_dim3A_957, %and3A_794] : memref<16x32x128xf32, #tpu.memory_space<vmem>>[vector<16xi32>, vector<16xi32>, vector<16xi32>], vector<16xf32>,
      %mul3A_960 = arith.mulf %gather3A_958, %gather3A_959 : vector<16xf32>
      %add3A_961 = arith.addf %add3A_955, %mul3A_960 : vector<16xf32>
      %broadcast_in_dim3A_962 = arith.constant 26 : i32
      %broadcast_in_dim3A_963 = vector.broadcast %broadcast_in_dim3A_962 : i32 to vector<16xi32>
      %gather3A_964 = tpu.vector_load_idx %arg9[%add3A_797, %broadcast_in_dim3A_963, %and3A_791] : memref<16x32x128xf32, #tpu.memory_space<vmem>>[vector<16xi32>, vector<16xi32>, vector<16xi32>], vector<16xf32>,
      %gather3A_965 = tpu.vector_load_idx %arg9[%add3A_803, %broadcast_in_dim3A_963, %and3A_794] : memref<16x32x128xf32, #tpu.memory_space<vmem>>[vector<16xi32>, vector<16xi32>, vector<16xi32>], vector<16xf32>,
      %mul3A_966 = arith.mulf %gather3A_964, %gather3A_965 : vector<16xf32>
      %add3A_967 = arith.addf %add3A_961, %mul3A_966 : vector<16xf32>
      %broadcast_in_dim3A_968 = arith.constant 27 : i32
      %broadcast_in_dim3A_969 = vector.broadcast %broadcast_in_dim3A_968 : i32 to vector<16xi32>
      %gather3A_970 = tpu.vector_load_idx %arg9[%add3A_797, %broadcast_in_dim3A_969, %and3A_791] : memref<16x32x128xf32, #tpu.memory_space<vmem>>[vector<16xi32>, vector<16xi32>, vector<16xi32>], vector<16xf32>,
      %gather3A_971 = tpu.vector_load_idx %arg9[%add3A_803, %broadcast_in_dim3A_969, %and3A_794] : memref<16x32x128xf32, #tpu.memory_space<vmem>>[vector<16xi32>, vector<16xi32>, vector<16xi32>], vector<16xf32>,
      %mul3A_972 = arith.mulf %gather3A_970, %gather3A_971 : vector<16xf32>
      %add3A_973 = arith.addf %add3A_967, %mul3A_972 : vector<16xf32>
      %broadcast_in_dim3A_974 = arith.constant 28 : i32
      %broadcast_in_dim3A_975 = vector.broadcast %broadcast_in_dim3A_974 : i32 to vector<16xi32>
      %gather3A_976 = tpu.vector_load_idx %arg9[%add3A_797, %broadcast_in_dim3A_975, %and3A_791] : memref<16x32x128xf32, #tpu.memory_space<vmem>>[vector<16xi32>, vector<16xi32>, vector<16xi32>], vector<16xf32>,
      %gather3A_977 = tpu.vector_load_idx %arg9[%add3A_803, %broadcast_in_dim3A_975, %and3A_794] : memref<16x32x128xf32, #tpu.memory_space<vmem>>[vector<16xi32>, vector<16xi32>, vector<16xi32>], vector<16xf32>,
      %mul3A_978 = arith.mulf %gather3A_976, %gather3A_977 : vector<16xf32>
      %add3A_979 = arith.addf %add3A_973, %mul3A_978 : vector<16xf32>
      %broadcast_in_dim3A_980 = arith.constant 29 : i32
      %broadcast_in_dim3A_981 = vector.broadcast %broadcast_in_dim3A_980 : i32 to vector<16xi32>
      %gather3A_982 = tpu.vector_load_idx %arg9[%add3A_797, %broadcast_in_dim3A_981, %and3A_791] : memref<16x32x128xf32, #tpu.memory_space<vmem>>[vector<16xi32>, vector<16xi32>, vector<16xi32>], vector<16xf32>,
      %gather3A_983 = tpu.vector_load_idx %arg9[%add3A_803, %broadcast_in_dim3A_981, %and3A_794] : memref<16x32x128xf32, #tpu.memory_space<vmem>>[vector<16xi32>, vector<16xi32>, vector<16xi32>], vector<16xf32>,
      %mul3A_984 = arith.mulf %gather3A_982, %gather3A_983 : vector<16xf32>
      %add3A_985 = arith.addf %add3A_979, %mul3A_984 : vector<16xf32>
      %broadcast_in_dim3A_986 = arith.constant 30 : i32
      %broadcast_in_dim3A_987 = vector.broadcast %broadcast_in_dim3A_986 : i32 to vector<16xi32>
      %gather3A_988 = tpu.vector_load_idx %arg9[%add3A_797, %broadcast_in_dim3A_987, %and3A_791] : memref<16x32x128xf32, #tpu.memory_space<vmem>>[vector<16xi32>, vector<16xi32>, vector<16xi32>], vector<16xf32>,
      %gather3A_989 = tpu.vector_load_idx %arg9[%add3A_803, %broadcast_in_dim3A_987, %and3A_794] : memref<16x32x128xf32, #tpu.memory_space<vmem>>[vector<16xi32>, vector<16xi32>, vector<16xi32>], vector<16xf32>,
      %mul3A_990 = arith.mulf %gather3A_988, %gather3A_989 : vector<16xf32>
      %add3A_991 = arith.addf %add3A_985, %mul3A_990 : vector<16xf32>
      %broadcast_in_dim3A_992 = arith.constant 31 : i32
      %broadcast_in_dim3A_993 = vector.broadcast %broadcast_in_dim3A_992 : i32 to vector<16xi32>
      %gather3A_994 = tpu.vector_load_idx %arg9[%add3A_797, %broadcast_in_dim3A_993, %and3A_791] : memref<16x32x128xf32, #tpu.memory_space<vmem>>[vector<16xi32>, vector<16xi32>, vector<16xi32>], vector<16xf32>,
      %gather3A_995 = tpu.vector_load_idx %arg9[%add3A_803, %broadcast_in_dim3A_993, %and3A_794] : memref<16x32x128xf32, #tpu.memory_space<vmem>>[vector<16xi32>, vector<16xi32>, vector<16xi32>], vector<16xf32>,
      %mul3A_996 = arith.mulf %gather3A_994, %gather3A_995 : vector<16xf32>
      %add3A_997 = arith.addf %add3A_991, %mul3A_996 : vector<16xf32>
      %add3A_998 = arith.constant 1 : i32
      %add3A_999 = arith.addi %add3A_311, %add3A_998 : i32
      %add3A_1000 = arith.constant 2 : i32
      %add3A_1001 = arith.addi %add3A_999, %add3A_1000 : i32
      %lt3A_1002 = arith.constant 128 : i32
      %lt3A_1003 = arith.cmpi slt, %add3A_1001, %lt3A_1002 : i32
      %convert_element_type3A_1004 = arith.extui %lt3A_1003 : i1 to i32
      %cond3A_1005 = arith.constant 0 : i32
      %cond3A_1006 = arith.cmpi ne, %convert_element_type3A_1004, %cond3A_1005 : i32
      scf.if %cond3A_1006 {
        %add3A_1727 = arith.constant 2 : i32
        %add3A_1728 = arith.addi %add3A_778, %add3A_1727 : i32
        %mul3A_1729 = arith.constant 4 : i32
        %mul3A_1730 = arith.muli %add3A_1728, %mul3A_1729 : i32
        %add3A_1731 = vector.broadcast %mul3A_1730 : i32 to vector<16xi32>
        %add3A_1732 = arith.addi %and3A_4, %add3A_1731 : vector<16xi32>
        %gather3A_1733 = tpu.vector_load_idx %arg7[%add3A_1732] : memref<512xi32, #tpu.memory_space<vmem>>[vector<16xi32>], vector<16xi32>,
        %mul3A_1734 = arith.constant 4 : i32
        %mul3A_1735 = arith.muli %add3A_1728, %mul3A_1734 : i32
        %add3A_1736 = vector.broadcast %mul3A_1735 : i32 to vector<16xi32>
        %add3A_1737 = arith.addi %and3A_4, %add3A_1736 : vector<16xi32>
        %gather3A_1738 = tpu.vector_load_idx %arg8[%add3A_1737] : memref<512xi32, #tpu.memory_space<vmem>>[vector<16xi32>], vector<16xi32>,
        %shift_right_logical3A_1739 = arith.constant 7 : i32
        %shift_right_logical3A_1740 = vector.broadcast %shift_right_logical3A_1739 : i32 to vector<16xi32>
        %shift_right_logical3A_1741 = arith.shrui %gather3A_1733, %shift_right_logical3A_1740 : vector<16xi32>
        %shift_right_logical3A_1742 = arith.constant 7 : i32
        %shift_right_logical3A_1743 = vector.broadcast %shift_right_logical3A_1742 : i32 to vector<16xi32>
        %shift_right_logical3A_1744 = arith.shrui %gather3A_1738, %shift_right_logical3A_1743 : vector<16xi32>
        %slice3A_1745 = vector.extract_strided_slice %shift_right_logical3A_1741 {offsets = [0], sizes = [1], strides = [1]} : vector<16xi32> to vector<1xi32>
        %squeeze3A_1746 = vector.extract %slice3A_1745[0] : i32 from vector<1xi32>
        %mul3A_1747 = arith.constant 128 : i32
        %mul3A_1748 = arith.muli %squeeze3A_1746, %mul3A_1747 : i32
        %dma_start3A_1749 = arith.constant 8 : i32
        %dma_start3A_1750 = arith.constant 0 : i32
        %dma_start3A_1751 = arith.constant 0 : i32
        %dma_start3A_1752 = tpu.memref_slice %arg9[%dma_start3A_1749, %dma_start3A_1750, %dma_start3A_1751] : memref<16x32x128xf32, #tpu.memory_space<vmem>> -> memref<1x32x128xf32, #tpu.memory_space<vmem>>
        %dma_start3A_1753 = tpu.memref_squeeze %dma_start3A_1752 : memref<1x32x128xf32, #tpu.memory_space<vmem>> -> memref<32x128xf32, #tpu.memory_space<vmem>>
        %dma_start3A_1754 = arith.constant 0 : i32
        %dma_start3A_1755 = tpu.memref_slice %arg4[%dma_start3A_1754, %mul3A_1748] : memref<32x1000000xf32, #tpu.memory_space<hbm>> -> memref<32x128xf32, #tpu.memory_space<hbm>>
        %dma_start3A_1756 = arith.constant 0 : i32
        %dma_start3A_1757 = arith.constant 0 : i32
        %dma_start3A_1758 = tpu.memref_slice %arg9[%dma_start3A_1749, %dma_start3A_1756, %dma_start3A_1757] : memref<16x32x128xf32, #tpu.memory_space<vmem>> -> memref<1x32x128xf32, #tpu.memory_space<vmem>>
        %dma_start3A_1759 = tpu.memref_squeeze %dma_start3A_1758 : memref<1x32x128xf32, #tpu.memory_space<vmem>> -> memref<32x128xf32, #tpu.memory_space<vmem>>
        %dma_start3A_1760 = arith.constant 0 : i32
        %dma_start3A_1761 = tpu.memref_slice %arg4[%dma_start3A_1760, %mul3A_1748] : memref<32x1000000xf32, #tpu.memory_space<hbm>> -> memref<32x128xf32, #tpu.memory_space<hbm>>
        tpu.enqueue_dma source(%dma_start3A_1761 : memref<32x128xf32, #tpu.memory_space<hbm>>) target(%dma_start3A_1759 : memref<32x128xf32, #tpu.memory_space<vmem>>) target_semaphore(%arg12 : memref<!tpu.dma_semaphore, #tpu.memory_space<semaphore_mem>>)
        %slice3A_1762 = vector.extract_strided_slice %shift_right_logical3A_1744 {offsets = [0], sizes = [1], strides = [1]} : vector<16xi32> to vector<1xi32>
        %squeeze3A_1763 = vector.extract %slice3A_1762[0] : i32 from vector<1xi32>
        %mul3A_1764 = arith.constant 128 : i32
        %mul3A_1765 = arith.muli %squeeze3A_1763, %mul3A_1764 : i32
        %dma_start3A_1766 = arith.constant 12 : i32
        %dma_start3A_1767 = arith.constant 0 : i32
        %dma_start3A_1768 = arith.constant 0 : i32
        %dma_start3A_1769 = tpu.memref_slice %arg9[%dma_start3A_1766, %dma_start3A_1767, %dma_start3A_1768] : memref<16x32x128xf32, #tpu.memory_space<vmem>> -> memref<1x32x128xf32, #tpu.memory_space<vmem>>
        %dma_start3A_1770 = tpu.memref_squeeze %dma_start3A_1769 : memref<1x32x128xf32, #tpu.memory_space<vmem>> -> memref<32x128xf32, #tpu.memory_space<vmem>>
        %dma_start3A_1771 = arith.constant 0 : i32
        %dma_start3A_1772 = tpu.memref_slice %arg5[%dma_start3A_1771, %mul3A_1765] : memref<32x1000000xf32, #tpu.memory_space<hbm>> -> memref<32x128xf32, #tpu.memory_space<hbm>>
        %dma_start3A_1773 = arith.constant 0 : i32
        %dma_start3A_1774 = arith.constant 0 : i32
        %dma_start3A_1775 = tpu.memref_slice %arg9[%dma_start3A_1766, %dma_start3A_1773, %dma_start3A_1774] : memref<16x32x128xf32, #tpu.memory_space<vmem>> -> memref<1x32x128xf32, #tpu.memory_space<vmem>>
        %dma_start3A_1776 = tpu.memref_squeeze %dma_start3A_1775 : memref<1x32x128xf32, #tpu.memory_space<vmem>> -> memref<32x128xf32, #tpu.memory_space<vmem>>
        %dma_start3A_1777 = arith.constant 0 : i32
        %dma_start3A_1778 = tpu.memref_slice %arg5[%dma_start3A_1777, %mul3A_1765] : memref<32x1000000xf32, #tpu.memory_space<hbm>> -> memref<32x128xf32, #tpu.memory_space<hbm>>
        tpu.enqueue_dma source(%dma_start3A_1778 : memref<32x128xf32, #tpu.memory_space<hbm>>) target(%dma_start3A_1776 : memref<32x128xf32, #tpu.memory_space<vmem>>) target_semaphore(%arg12 : memref<!tpu.dma_semaphore, #tpu.memory_space<semaphore_mem>>)
        %slice3A_1779 = vector.extract_strided_slice %shift_right_logical3A_1741 {offsets = [1], sizes = [1], strides = [1]} : vector<16xi32> to vector<1xi32>
        %squeeze3A_1780 = vector.extract %slice3A_1779[0] : i32 from vector<1xi32>
        %mul3A_1781 = arith.constant 128 : i32
        %mul3A_1782 = arith.muli %squeeze3A_1780, %mul3A_1781 : i32
        %dma_start3A_1783 = arith.constant 9 : i32
        %dma_start3A_1784 = arith.constant 0 : i32
        %dma_start3A_1785 = arith.constant 0 : i32
        %dma_start3A_1786 = tpu.memref_slice %arg9[%dma_start3A_1783, %dma_start3A_1784, %dma_start3A_1785] : memref<16x32x128xf32, #tpu.memory_space<vmem>> -> memref<1x32x128xf32, #tpu.memory_space<vmem>>
        %dma_start3A_1787 = tpu.memref_squeeze %dma_start3A_1786 : memref<1x32x128xf32, #tpu.memory_space<vmem>> -> memref<32x128xf32, #tpu.memory_space<vmem>>
        %dma_start3A_1788 = arith.constant 0 : i32
        %dma_start3A_1789 = tpu.memref_slice %arg4[%dma_start3A_1788, %mul3A_1782] : memref<32x1000000xf32, #tpu.memory_space<hbm>> -> memref<32x128xf32, #tpu.memory_space<hbm>>
        %dma_start3A_1790 = arith.constant 0 : i32
        %dma_start3A_1791 = arith.constant 0 : i32
        %dma_start3A_1792 = tpu.memref_slice %arg9[%dma_start3A_1783, %dma_start3A_1790, %dma_start3A_1791] : memref<16x32x128xf32, #tpu.memory_space<vmem>> -> memref<1x32x128xf32, #tpu.memory_space<vmem>>
        %dma_start3A_1793 = tpu.memref_squeeze %dma_start3A_1792 : memref<1x32x128xf32, #tpu.memory_space<vmem>> -> memref<32x128xf32, #tpu.memory_space<vmem>>
        %dma_start3A_1794 = arith.constant 0 : i32
        %dma_start3A_1795 = tpu.memref_slice %arg4[%dma_start3A_1794, %mul3A_1782] : memref<32x1000000xf32, #tpu.memory_space<hbm>> -> memref<32x128xf32, #tpu.memory_space<hbm>>
        tpu.enqueue_dma source(%dma_start3A_1795 : memref<32x128xf32, #tpu.memory_space<hbm>>) target(%dma_start3A_1793 : memref<32x128xf32, #tpu.memory_space<vmem>>) target_semaphore(%arg12 : memref<!tpu.dma_semaphore, #tpu.memory_space<semaphore_mem>>)
        %slice3A_1796 = vector.extract_strided_slice %shift_right_logical3A_1744 {offsets = [1], sizes = [1], strides = [1]} : vector<16xi32> to vector<1xi32>
        %squeeze3A_1797 = vector.extract %slice3A_1796[0] : i32 from vector<1xi32>
        %mul3A_1798 = arith.constant 128 : i32
        %mul3A_1799 = arith.muli %squeeze3A_1797, %mul3A_1798 : i32
        %dma_start3A_1800 = arith.constant 13 : i32
        %dma_start3A_1801 = arith.constant 0 : i32
        %dma_start3A_1802 = arith.constant 0 : i32
        %dma_start3A_1803 = tpu.memref_slice %arg9[%dma_start3A_1800, %dma_start3A_1801, %dma_start3A_1802] : memref<16x32x128xf32, #tpu.memory_space<vmem>> -> memref<1x32x128xf32, #tpu.memory_space<vmem>>
        %dma_start3A_1804 = tpu.memref_squeeze %dma_start3A_1803 : memref<1x32x128xf32, #tpu.memory_space<vmem>> -> memref<32x128xf32, #tpu.memory_space<vmem>>
        %dma_start3A_1805 = arith.constant 0 : i32
        %dma_start3A_1806 = tpu.memref_slice %arg5[%dma_start3A_1805, %mul3A_1799] : memref<32x1000000xf32, #tpu.memory_space<hbm>> -> memref<32x128xf32, #tpu.memory_space<hbm>>
        %dma_start3A_1807 = arith.constant 0 : i32
        %dma_start3A_1808 = arith.constant 0 : i32
        %dma_start3A_1809 = tpu.memref_slice %arg9[%dma_start3A_1800, %dma_start3A_1807, %dma_start3A_1808] : memref<16x32x128xf32, #tpu.memory_space<vmem>> -> memref<1x32x128xf32, #tpu.memory_space<vmem>>
        %dma_start3A_1810 = tpu.memref_squeeze %dma_start3A_1809 : memref<1x32x128xf32, #tpu.memory_space<vmem>> -> memref<32x128xf32, #tpu.memory_space<vmem>>
        %dma_start3A_1811 = arith.constant 0 : i32
        %dma_start3A_1812 = tpu.memref_slice %arg5[%dma_start3A_1811, %mul3A_1799] : memref<32x1000000xf32, #tpu.memory_space<hbm>> -> memref<32x128xf32, #tpu.memory_space<hbm>>
        tpu.enqueue_dma source(%dma_start3A_1812 : memref<32x128xf32, #tpu.memory_space<hbm>>) target(%dma_start3A_1810 : memref<32x128xf32, #tpu.memory_space<vmem>>) target_semaphore(%arg12 : memref<!tpu.dma_semaphore, #tpu.memory_space<semaphore_mem>>)
        %slice3A_1813 = vector.extract_strided_slice %shift_right_logical3A_1741 {offsets = [2], sizes = [1], strides = [1]} : vector<16xi32> to vector<1xi32>
        %squeeze3A_1814 = vector.extract %slice3A_1813[0] : i32 from vector<1xi32>
        %mul3A_1815 = arith.constant 128 : i32
        %mul3A_1816 = arith.muli %squeeze3A_1814, %mul3A_1815 : i32
        %dma_start3A_1817 = arith.constant 10 : i32
        %dma_start3A_1818 = arith.constant 0 : i32
        %dma_start3A_1819 = arith.constant 0 : i32
        %dma_start3A_1820 = tpu.memref_slice %arg9[%dma_start3A_1817, %dma_start3A_1818, %dma_start3A_1819] : memref<16x32x128xf32, #tpu.memory_space<vmem>> -> memref<1x32x128xf32, #tpu.memory_space<vmem>>
        %dma_start3A_1821 = tpu.memref_squeeze %dma_start3A_1820 : memref<1x32x128xf32, #tpu.memory_space<vmem>> -> memref<32x128xf32, #tpu.memory_space<vmem>>
        %dma_start3A_1822 = arith.constant 0 : i32
        %dma_start3A_1823 = tpu.memref_slice %arg4[%dma_start3A_1822, %mul3A_1816] : memref<32x1000000xf32, #tpu.memory_space<hbm>> -> memref<32x128xf32, #tpu.memory_space<hbm>>
        %dma_start3A_1824 = arith.constant 0 : i32
        %dma_start3A_1825 = arith.constant 0 : i32
        %dma_start3A_1826 = tpu.memref_slice %arg9[%dma_start3A_1817, %dma_start3A_1824, %dma_start3A_1825] : memref<16x32x128xf32, #tpu.memory_space<vmem>> -> memref<1x32x128xf32, #tpu.memory_space<vmem>>
        %dma_start3A_1827 = tpu.memref_squeeze %dma_start3A_1826 : memref<1x32x128xf32, #tpu.memory_space<vmem>> -> memref<32x128xf32, #tpu.memory_space<vmem>>
        %dma_start3A_1828 = arith.constant 0 : i32
        %dma_start3A_1829 = tpu.memref_slice %arg4[%dma_start3A_1828, %mul3A_1816] : memref<32x1000000xf32, #tpu.memory_space<hbm>> -> memref<32x128xf32, #tpu.memory_space<hbm>>
        tpu.enqueue_dma source(%dma_start3A_1829 : memref<32x128xf32, #tpu.memory_space<hbm>>) target(%dma_start3A_1827 : memref<32x128xf32, #tpu.memory_space<vmem>>) target_semaphore(%arg12 : memref<!tpu.dma_semaphore, #tpu.memory_space<semaphore_mem>>)
        %slice3A_1830 = vector.extract_strided_slice %shift_right_logical3A_1744 {offsets = [2], sizes = [1], strides = [1]} : vector<16xi32> to vector<1xi32>
        %squeeze3A_1831 = vector.extract %slice3A_1830[0] : i32 from vector<1xi32>
        %mul3A_1832 = arith.constant 128 : i32
        %mul3A_1833 = arith.muli %squeeze3A_1831, %mul3A_1832 : i32
        %dma_start3A_1834 = arith.constant 14 : i32
        %dma_start3A_1835 = arith.constant 0 : i32
        %dma_start3A_1836 = arith.constant 0 : i32
        %dma_start3A_1837 = tpu.memref_slice %arg9[%dma_start3A_1834, %dma_start3A_1835, %dma_start3A_1836] : memref<16x32x128xf32, #tpu.memory_space<vmem>> -> memref<1x32x128xf32, #tpu.memory_space<vmem>>
        %dma_start3A_1838 = tpu.memref_squeeze %dma_start3A_1837 : memref<1x32x128xf32, #tpu.memory_space<vmem>> -> memref<32x128xf32, #tpu.memory_space<vmem>>
        %dma_start3A_1839 = arith.constant 0 : i32
        %dma_start3A_1840 = tpu.memref_slice %arg5[%dma_start3A_1839, %mul3A_1833] : memref<32x1000000xf32, #tpu.memory_space<hbm>> -> memref<32x128xf32, #tpu.memory_space<hbm>>
        %dma_start3A_1841 = arith.constant 0 : i32
        %dma_start3A_1842 = arith.constant 0 : i32
        %dma_start3A_1843 = tpu.memref_slice %arg9[%dma_start3A_1834, %dma_start3A_1841, %dma_start3A_1842] : memref<16x32x128xf32, #tpu.memory_space<vmem>> -> memref<1x32x128xf32, #tpu.memory_space<vmem>>
        %dma_start3A_1844 = tpu.memref_squeeze %dma_start3A_1843 : memref<1x32x128xf32, #tpu.memory_space<vmem>> -> memref<32x128xf32, #tpu.memory_space<vmem>>
        %dma_start3A_1845 = arith.constant 0 : i32
        %dma_start3A_1846 = tpu.memref_slice %arg5[%dma_start3A_1845, %mul3A_1833] : memref<32x1000000xf32, #tpu.memory_space<hbm>> -> memref<32x128xf32, #tpu.memory_space<hbm>>
        tpu.enqueue_dma source(%dma_start3A_1846 : memref<32x128xf32, #tpu.memory_space<hbm>>) target(%dma_start3A_1844 : memref<32x128xf32, #tpu.memory_space<vmem>>) target_semaphore(%arg12 : memref<!tpu.dma_semaphore, #tpu.memory_space<semaphore_mem>>)
        %slice3A_1847 = vector.extract_strided_slice %shift_right_logical3A_1741 {offsets = [3], sizes = [1], strides = [1]} : vector<16xi32> to vector<1xi32>
        %squeeze3A_1848 = vector.extract %slice3A_1847[0] : i32 from vector<1xi32>
        %mul3A_1849 = arith.constant 128 : i32
        %mul3A_1850 = arith.muli %squeeze3A_1848, %mul3A_1849 : i32
        %dma_start3A_1851 = arith.constant 11 : i32
        %dma_start3A_1852 = arith.constant 0 : i32
        %dma_start3A_1853 = arith.constant 0 : i32
        %dma_start3A_1854 = tpu.memref_slice %arg9[%dma_start3A_1851, %dma_start3A_1852, %dma_start3A_1853] : memref<16x32x128xf32, #tpu.memory_space<vmem>> -> memref<1x32x128xf32, #tpu.memory_space<vmem>>
        %dma_start3A_1855 = tpu.memref_squeeze %dma_start3A_1854 : memref<1x32x128xf32, #tpu.memory_space<vmem>> -> memref<32x128xf32, #tpu.memory_space<vmem>>
        %dma_start3A_1856 = arith.constant 0 : i32
        %dma_start3A_1857 = tpu.memref_slice %arg4[%dma_start3A_1856, %mul3A_1850] : memref<32x1000000xf32, #tpu.memory_space<hbm>> -> memref<32x128xf32, #tpu.memory_space<hbm>>
        %dma_start3A_1858 = arith.constant 0 : i32
        %dma_start3A_1859 = arith.constant 0 : i32
        %dma_start3A_1860 = tpu.memref_slice %arg9[%dma_start3A_1851, %dma_start3A_1858, %dma_start3A_1859] : memref<16x32x128xf32, #tpu.memory_space<vmem>> -> memref<1x32x128xf32, #tpu.memory_space<vmem>>
        %dma_start3A_1861 = tpu.memref_squeeze %dma_start3A_1860 : memref<1x32x128xf32, #tpu.memory_space<vmem>> -> memref<32x128xf32, #tpu.memory_space<vmem>>
        %dma_start3A_1862 = arith.constant 0 : i32
        %dma_start3A_1863 = tpu.memref_slice %arg4[%dma_start3A_1862, %mul3A_1850] : memref<32x1000000xf32, #tpu.memory_space<hbm>> -> memref<32x128xf32, #tpu.memory_space<hbm>>
        tpu.enqueue_dma source(%dma_start3A_1863 : memref<32x128xf32, #tpu.memory_space<hbm>>) target(%dma_start3A_1861 : memref<32x128xf32, #tpu.memory_space<vmem>>) target_semaphore(%arg12 : memref<!tpu.dma_semaphore, #tpu.memory_space<semaphore_mem>>)
        %slice3A_1864 = vector.extract_strided_slice %shift_right_logical3A_1744 {offsets = [3], sizes = [1], strides = [1]} : vector<16xi32> to vector<1xi32>
        %squeeze3A_1865 = vector.extract %slice3A_1864[0] : i32 from vector<1xi32>
        %mul3A_1866 = arith.constant 128 : i32
        %mul3A_1867 = arith.muli %squeeze3A_1865, %mul3A_1866 : i32
        %dma_start3A_1868 = arith.constant 15 : i32
        %dma_start3A_1869 = arith.constant 0 : i32
        %dma_start3A_1870 = arith.constant 0 : i32
        %dma_start3A_1871 = tpu.memref_slice %arg9[%dma_start3A_1868, %dma_start3A_1869, %dma_start3A_1870] : memref<16x32x128xf32, #tpu.memory_space<vmem>> -> memref<1x32x128xf32, #tpu.memory_space<vmem>>
        %dma_start3A_1872 = tpu.memref_squeeze %dma_start3A_1871 : memref<1x32x128xf32, #tpu.memory_space<vmem>> -> memref<32x128xf32, #tpu.memory_space<vmem>>
        %dma_start3A_1873 = arith.constant 0 : i32
        %dma_start3A_1874 = tpu.memref_slice %arg5[%dma_start3A_1873, %mul3A_1867] : memref<32x1000000xf32, #tpu.memory_space<hbm>> -> memref<32x128xf32, #tpu.memory_space<hbm>>
        %dma_start3A_1875 = arith.constant 0 : i32
        %dma_start3A_1876 = arith.constant 0 : i32
        %dma_start3A_1877 = tpu.memref_slice %arg9[%dma_start3A_1868, %dma_start3A_1875, %dma_start3A_1876] : memref<16x32x128xf32, #tpu.memory_space<vmem>> -> memref<1x32x128xf32, #tpu.memory_space<vmem>>
        %dma_start3A_1878 = tpu.memref_squeeze %dma_start3A_1877 : memref<1x32x128xf32, #tpu.memory_space<vmem>> -> memref<32x128xf32, #tpu.memory_space<vmem>>
        %dma_start3A_1879 = arith.constant 0 : i32
        %dma_start3A_1880 = tpu.memref_slice %arg5[%dma_start3A_1879, %mul3A_1867] : memref<32x1000000xf32, #tpu.memory_space<hbm>> -> memref<32x128xf32, #tpu.memory_space<hbm>>
        tpu.enqueue_dma source(%dma_start3A_1880 : memref<32x128xf32, #tpu.memory_space<hbm>>) target(%dma_start3A_1878 : memref<32x128xf32, #tpu.memory_space<vmem>>) target_semaphore(%arg12 : memref<!tpu.dma_semaphore, #tpu.memory_space<semaphore_mem>>)
      } else {
      }
      %dma_wait3A_1007 = arith.constant 0 : i32
      %dma_wait3A_1008 = arith.constant 0 : i32
      %dma_wait3A_1009 = arith.constant 0 : i32
      %dma_wait3A_1010 = tpu.memref_slice %arg9[%dma_wait3A_1007, %dma_wait3A_1008, %dma_wait3A_1009] : memref<16x32x128xf32, #tpu.memory_space<vmem>> -> memref<1x32x128xf32, #tpu.memory_space<vmem>>
      %dma_wait3A_1011 = tpu.memref_squeeze %dma_wait3A_1010 : memref<1x32x128xf32, #tpu.memory_space<vmem>> -> memref<32x128xf32, #tpu.memory_space<vmem>>
      %dma_wait3A_1012 = arith.constant 0 : i32
      %dma_wait3A_1013 = arith.constant 0 : i32
      %dma_wait3A_1014 = tpu.memref_slice %arg4[%dma_wait3A_1012, %dma_wait3A_1013] : memref<32x1000000xf32, #tpu.memory_space<hbm>> -> memref<32x128xf32, #tpu.memory_space<hbm>>
      %dma_wait3A_1015 = arith.constant 0 : i32
      %dma_wait3A_1016 = arith.constant 0 : i32
      %dma_wait3A_1017 = tpu.memref_slice %arg9[%dma_wait3A_1007, %dma_wait3A_1015, %dma_wait3A_1016] : memref<16x32x128xf32, #tpu.memory_space<vmem>> -> memref<1x32x128xf32, #tpu.memory_space<vmem>>
      %dma_wait3A_1018 = tpu.memref_squeeze %dma_wait3A_1017 : memref<1x32x128xf32, #tpu.memory_space<vmem>> -> memref<32x128xf32, #tpu.memory_space<vmem>>
      %dma_wait3A_1019 = arith.constant 0 : i32
      %dma_wait3A_1020 = arith.constant 0 : i32
      %dma_wait3A_1021 = tpu.memref_slice %arg4[%dma_wait3A_1019, %dma_wait3A_1020] : memref<32x1000000xf32, #tpu.memory_space<hbm>> -> memref<32x128xf32, #tpu.memory_space<hbm>>
      tpu.wait_dma2 semaphore(%arg11 : memref<!tpu.dma_semaphore, #tpu.memory_space<semaphore_mem>>) src(%dma_wait3A_1021 : memref<32x128xf32, #tpu.memory_space<hbm>>) dst(%dma_wait3A_1018 : memref<32x128xf32, #tpu.memory_space<vmem>>)
      %dma_wait3A_1022 = arith.constant 1 : i32
      %dma_wait3A_1023 = arith.constant 0 : i32
      %dma_wait3A_1024 = arith.constant 0 : i32
      %dma_wait3A_1025 = tpu.memref_slice %arg9[%dma_wait3A_1022, %dma_wait3A_1023, %dma_wait3A_1024] : memref<16x32x128xf32, #tpu.memory_space<vmem>> -> memref<1x32x128xf32, #tpu.memory_space<vmem>>
      %dma_wait3A_1026 = tpu.memref_squeeze %dma_wait3A_1025 : memref<1x32x128xf32, #tpu.memory_space<vmem>> -> memref<32x128xf32, #tpu.memory_space<vmem>>
      %dma_wait3A_1027 = arith.constant 0 : i32
      %dma_wait3A_1028 = arith.constant 0 : i32
      %dma_wait3A_1029 = tpu.memref_slice %arg4[%dma_wait3A_1027, %dma_wait3A_1028] : memref<32x1000000xf32, #tpu.memory_space<hbm>> -> memref<32x128xf32, #tpu.memory_space<hbm>>
      %dma_wait3A_1030 = arith.constant 0 : i32
      %dma_wait3A_1031 = arith.constant 0 : i32
      %dma_wait3A_1032 = tpu.memref_slice %arg9[%dma_wait3A_1022, %dma_wait3A_1030, %dma_wait3A_1031] : memref<16x32x128xf32, #tpu.memory_space<vmem>> -> memref<1x32x128xf32, #tpu.memory_space<vmem>>
      %dma_wait3A_1033 = tpu.memref_squeeze %dma_wait3A_1032 : memref<1x32x128xf32, #tpu.memory_space<vmem>> -> memref<32x128xf32, #tpu.memory_space<vmem>>
      %dma_wait3A_1034 = arith.constant 0 : i32
      %dma_wait3A_1035 = arith.constant 0 : i32
      %dma_wait3A_1036 = tpu.memref_slice %arg4[%dma_wait3A_1034, %dma_wait3A_1035] : memref<32x1000000xf32, #tpu.memory_space<hbm>> -> memref<32x128xf32, #tpu.memory_space<hbm>>
      tpu.wait_dma2 semaphore(%arg11 : memref<!tpu.dma_semaphore, #tpu.memory_space<semaphore_mem>>) src(%dma_wait3A_1036 : memref<32x128xf32, #tpu.memory_space<hbm>>) dst(%dma_wait3A_1033 : memref<32x128xf32, #tpu.memory_space<vmem>>)
      %dma_wait3A_1037 = arith.constant 2 : i32
      %dma_wait3A_1038 = arith.constant 0 : i32
      %dma_wait3A_1039 = arith.constant 0 : i32
      %dma_wait3A_1040 = tpu.memref_slice %arg9[%dma_wait3A_1037, %dma_wait3A_1038, %dma_wait3A_1039] : memref<16x32x128xf32, #tpu.memory_space<vmem>> -> memref<1x32x128xf32, #tpu.memory_space<vmem>>
      %dma_wait3A_1041 = tpu.memref_squeeze %dma_wait3A_1040 : memref<1x32x128xf32, #tpu.memory_space<vmem>> -> memref<32x128xf32, #tpu.memory_space<vmem>>
      %dma_wait3A_1042 = arith.constant 0 : i32
      %dma_wait3A_1043 = arith.constant 0 : i32
      %dma_wait3A_1044 = tpu.memref_slice %arg4[%dma_wait3A_1042, %dma_wait3A_1043] : memref<32x1000000xf32, #tpu.memory_space<hbm>> -> memref<32x128xf32, #tpu.memory_space<hbm>>
      %dma_wait3A_1045 = arith.constant 0 : i32
      %dma_wait3A_1046 = arith.constant 0 : i32
      %dma_wait3A_1047 = tpu.memref_slice %arg9[%dma_wait3A_1037, %dma_wait3A_1045, %dma_wait3A_1046] : memref<16x32x128xf32, #tpu.memory_space<vmem>> -> memref<1x32x128xf32, #tpu.memory_space<vmem>>
      %dma_wait3A_1048 = tpu.memref_squeeze %dma_wait3A_1047 : memref<1x32x128xf32, #tpu.memory_space<vmem>> -> memref<32x128xf32, #tpu.memory_space<vmem>>
      %dma_wait3A_1049 = arith.constant 0 : i32
      %dma_wait3A_1050 = arith.constant 0 : i32
      %dma_wait3A_1051 = tpu.memref_slice %arg4[%dma_wait3A_1049, %dma_wait3A_1050] : memref<32x1000000xf32, #tpu.memory_space<hbm>> -> memref<32x128xf32, #tpu.memory_space<hbm>>
      tpu.wait_dma2 semaphore(%arg11 : memref<!tpu.dma_semaphore, #tpu.memory_space<semaphore_mem>>) src(%dma_wait3A_1051 : memref<32x128xf32, #tpu.memory_space<hbm>>) dst(%dma_wait3A_1048 : memref<32x128xf32, #tpu.memory_space<vmem>>)
      %dma_wait3A_1052 = arith.constant 3 : i32
      %dma_wait3A_1053 = arith.constant 0 : i32
      %dma_wait3A_1054 = arith.constant 0 : i32
      %dma_wait3A_1055 = tpu.memref_slice %arg9[%dma_wait3A_1052, %dma_wait3A_1053, %dma_wait3A_1054] : memref<16x32x128xf32, #tpu.memory_space<vmem>> -> memref<1x32x128xf32, #tpu.memory_space<vmem>>
      %dma_wait3A_1056 = tpu.memref_squeeze %dma_wait3A_1055 : memref<1x32x128xf32, #tpu.memory_space<vmem>> -> memref<32x128xf32, #tpu.memory_space<vmem>>
      %dma_wait3A_1057 = arith.constant 0 : i32
      %dma_wait3A_1058 = arith.constant 0 : i32
      %dma_wait3A_1059 = tpu.memref_slice %arg4[%dma_wait3A_1057, %dma_wait3A_1058] : memref<32x1000000xf32, #tpu.memory_space<hbm>> -> memref<32x128xf32, #tpu.memory_space<hbm>>
      %dma_wait3A_1060 = arith.constant 0 : i32
      %dma_wait3A_1061 = arith.constant 0 : i32
      %dma_wait3A_1062 = tpu.memref_slice %arg9[%dma_wait3A_1052, %dma_wait3A_1060, %dma_wait3A_1061] : memref<16x32x128xf32, #tpu.memory_space<vmem>> -> memref<1x32x128xf32, #tpu.memory_space<vmem>>
      %dma_wait3A_1063 = tpu.memref_squeeze %dma_wait3A_1062 : memref<1x32x128xf32, #tpu.memory_space<vmem>> -> memref<32x128xf32, #tpu.memory_space<vmem>>
      %dma_wait3A_1064 = arith.constant 0 : i32
      %dma_wait3A_1065 = arith.constant 0 : i32
      %dma_wait3A_1066 = tpu.memref_slice %arg4[%dma_wait3A_1064, %dma_wait3A_1065] : memref<32x1000000xf32, #tpu.memory_space<hbm>> -> memref<32x128xf32, #tpu.memory_space<hbm>>
      tpu.wait_dma2 semaphore(%arg11 : memref<!tpu.dma_semaphore, #tpu.memory_space<semaphore_mem>>) src(%dma_wait3A_1066 : memref<32x128xf32, #tpu.memory_space<hbm>>) dst(%dma_wait3A_1063 : memref<32x128xf32, #tpu.memory_space<vmem>>)
      %dma_wait3A_1067 = arith.constant 4 : i32
      %dma_wait3A_1068 = arith.constant 0 : i32
      %dma_wait3A_1069 = arith.constant 0 : i32
      %dma_wait3A_1070 = tpu.memref_slice %arg9[%dma_wait3A_1067, %dma_wait3A_1068, %dma_wait3A_1069] : memref<16x32x128xf32, #tpu.memory_space<vmem>> -> memref<1x32x128xf32, #tpu.memory_space<vmem>>
      %dma_wait3A_1071 = tpu.memref_squeeze %dma_wait3A_1070 : memref<1x32x128xf32, #tpu.memory_space<vmem>> -> memref<32x128xf32, #tpu.memory_space<vmem>>
      %dma_wait3A_1072 = arith.constant 0 : i32
      %dma_wait3A_1073 = arith.constant 0 : i32
      %dma_wait3A_1074 = tpu.memref_slice %arg4[%dma_wait3A_1072, %dma_wait3A_1073] : memref<32x1000000xf32, #tpu.memory_space<hbm>> -> memref<32x128xf32, #tpu.memory_space<hbm>>
      %dma_wait3A_1075 = arith.constant 0 : i32
      %dma_wait3A_1076 = arith.constant 0 : i32
      %dma_wait3A_1077 = tpu.memref_slice %arg9[%dma_wait3A_1067, %dma_wait3A_1075, %dma_wait3A_1076] : memref<16x32x128xf32, #tpu.memory_space<vmem>> -> memref<1x32x128xf32, #tpu.memory_space<vmem>>
      %dma_wait3A_1078 = tpu.memref_squeeze %dma_wait3A_1077 : memref<1x32x128xf32, #tpu.memory_space<vmem>> -> memref<32x128xf32, #tpu.memory_space<vmem>>
      %dma_wait3A_1079 = arith.constant 0 : i32
      %dma_wait3A_1080 = arith.constant 0 : i32
      %dma_wait3A_1081 = tpu.memref_slice %arg4[%dma_wait3A_1079, %dma_wait3A_1080] : memref<32x1000000xf32, #tpu.memory_space<hbm>> -> memref<32x128xf32, #tpu.memory_space<hbm>>
      tpu.wait_dma2 semaphore(%arg11 : memref<!tpu.dma_semaphore, #tpu.memory_space<semaphore_mem>>) src(%dma_wait3A_1081 : memref<32x128xf32, #tpu.memory_space<hbm>>) dst(%dma_wait3A_1078 : memref<32x128xf32, #tpu.memory_space<vmem>>)
      %dma_wait3A_1082 = arith.constant 5 : i32
      %dma_wait3A_1083 = arith.constant 0 : i32
      %dma_wait3A_1084 = arith.constant 0 : i32
      %dma_wait3A_1085 = tpu.memref_slice %arg9[%dma_wait3A_1082, %dma_wait3A_1083, %dma_wait3A_1084] : memref<16x32x128xf32, #tpu.memory_space<vmem>> -> memref<1x32x128xf32, #tpu.memory_space<vmem>>
      %dma_wait3A_1086 = tpu.memref_squeeze %dma_wait3A_1085 : memref<1x32x128xf32, #tpu.memory_space<vmem>> -> memref<32x128xf32, #tpu.memory_space<vmem>>
      %dma_wait3A_1087 = arith.constant 0 : i32
      %dma_wait3A_1088 = arith.constant 0 : i32
      %dma_wait3A_1089 = tpu.memref_slice %arg4[%dma_wait3A_1087, %dma_wait3A_1088] : memref<32x1000000xf32, #tpu.memory_space<hbm>> -> memref<32x128xf32, #tpu.memory_space<hbm>>
      %dma_wait3A_1090 = arith.constant 0 : i32
      %dma_wait3A_1091 = arith.constant 0 : i32
      %dma_wait3A_1092 = tpu.memref_slice %arg9[%dma_wait3A_1082, %dma_wait3A_1090, %dma_wait3A_1091] : memref<16x32x128xf32, #tpu.memory_space<vmem>> -> memref<1x32x128xf32, #tpu.memory_space<vmem>>
      %dma_wait3A_1093 = tpu.memref_squeeze %dma_wait3A_1092 : memref<1x32x128xf32, #tpu.memory_space<vmem>> -> memref<32x128xf32, #tpu.memory_space<vmem>>
      %dma_wait3A_1094 = arith.constant 0 : i32
      %dma_wait3A_1095 = arith.constant 0 : i32
      %dma_wait3A_1096 = tpu.memref_slice %arg4[%dma_wait3A_1094, %dma_wait3A_1095] : memref<32x1000000xf32, #tpu.memory_space<hbm>> -> memref<32x128xf32, #tpu.memory_space<hbm>>
      tpu.wait_dma2 semaphore(%arg11 : memref<!tpu.dma_semaphore, #tpu.memory_space<semaphore_mem>>) src(%dma_wait3A_1096 : memref<32x128xf32, #tpu.memory_space<hbm>>) dst(%dma_wait3A_1093 : memref<32x128xf32, #tpu.memory_space<vmem>>)
      %dma_wait3A_1097 = arith.constant 6 : i32
      %dma_wait3A_1098 = arith.constant 0 : i32
      %dma_wait3A_1099 = arith.constant 0 : i32
      %dma_wait3A_1100 = tpu.memref_slice %arg9[%dma_wait3A_1097, %dma_wait3A_1098, %dma_wait3A_1099] : memref<16x32x128xf32, #tpu.memory_space<vmem>> -> memref<1x32x128xf32, #tpu.memory_space<vmem>>
      %dma_wait3A_1101 = tpu.memref_squeeze %dma_wait3A_1100 : memref<1x32x128xf32, #tpu.memory_space<vmem>> -> memref<32x128xf32, #tpu.memory_space<vmem>>
      %dma_wait3A_1102 = arith.constant 0 : i32
      %dma_wait3A_1103 = arith.constant 0 : i32
      %dma_wait3A_1104 = tpu.memref_slice %arg4[%dma_wait3A_1102, %dma_wait3A_1103] : memref<32x1000000xf32, #tpu.memory_space<hbm>> -> memref<32x128xf32, #tpu.memory_space<hbm>>
      %dma_wait3A_1105 = arith.constant 0 : i32
      %dma_wait3A_1106 = arith.constant 0 : i32
      %dma_wait3A_1107 = tpu.memref_slice %arg9[%dma_wait3A_1097, %dma_wait3A_1105, %dma_wait3A_1106] : memref<16x32x128xf32, #tpu.memory_space<vmem>> -> memref<1x32x128xf32, #tpu.memory_space<vmem>>
      %dma_wait3A_1108 = tpu.memref_squeeze %dma_wait3A_1107 : memref<1x32x128xf32, #tpu.memory_space<vmem>> -> memref<32x128xf32, #tpu.memory_space<vmem>>
      %dma_wait3A_1109 = arith.constant 0 : i32
      %dma_wait3A_1110 = arith.constant 0 : i32
      %dma_wait3A_1111 = tpu.memref_slice %arg4[%dma_wait3A_1109, %dma_wait3A_1110] : memref<32x1000000xf32, #tpu.memory_space<hbm>> -> memref<32x128xf32, #tpu.memory_space<hbm>>
      tpu.wait_dma2 semaphore(%arg11 : memref<!tpu.dma_semaphore, #tpu.memory_space<semaphore_mem>>) src(%dma_wait3A_1111 : memref<32x128xf32, #tpu.memory_space<hbm>>) dst(%dma_wait3A_1108 : memref<32x128xf32, #tpu.memory_space<vmem>>)
      %dma_wait3A_1112 = arith.constant 7 : i32
      %dma_wait3A_1113 = arith.constant 0 : i32
      %dma_wait3A_1114 = arith.constant 0 : i32
      %dma_wait3A_1115 = tpu.memref_slice %arg9[%dma_wait3A_1112, %dma_wait3A_1113, %dma_wait3A_1114] : memref<16x32x128xf32, #tpu.memory_space<vmem>> -> memref<1x32x128xf32, #tpu.memory_space<vmem>>
      %dma_wait3A_1116 = tpu.memref_squeeze %dma_wait3A_1115 : memref<1x32x128xf32, #tpu.memory_space<vmem>> -> memref<32x128xf32, #tpu.memory_space<vmem>>
      %dma_wait3A_1117 = arith.constant 0 : i32
      %dma_wait3A_1118 = arith.constant 0 : i32
      %dma_wait3A_1119 = tpu.memref_slice %arg4[%dma_wait3A_1117, %dma_wait3A_1118] : memref<32x1000000xf32, #tpu.memory_space<hbm>> -> memref<32x128xf32, #tpu.memory_space<hbm>>
      %dma_wait3A_1120 = arith.constant 0 : i32
      %dma_wait3A_1121 = arith.constant 0 : i32
      %dma_wait3A_1122 = tpu.memref_slice %arg9[%dma_wait3A_1112, %dma_wait3A_1120, %dma_wait3A_1121] : memref<16x32x128xf32, #tpu.memory_space<vmem>> -> memref<1x32x128xf32, #tpu.memory_space<vmem>>
      %dma_wait3A_1123 = tpu.memref_squeeze %dma_wait3A_1122 : memref<1x32x128xf32, #tpu.memory_space<vmem>> -> memref<32x128xf32, #tpu.memory_space<vmem>>
      %dma_wait3A_1124 = arith.constant 0 : i32
      %dma_wait3A_1125 = arith.constant 0 : i32
      %dma_wait3A_1126 = tpu.memref_slice %arg4[%dma_wait3A_1124, %dma_wait3A_1125] : memref<32x1000000xf32, #tpu.memory_space<hbm>> -> memref<32x128xf32, #tpu.memory_space<hbm>>
      tpu.wait_dma2 semaphore(%arg11 : memref<!tpu.dma_semaphore, #tpu.memory_space<semaphore_mem>>) src(%dma_wait3A_1126 : memref<32x128xf32, #tpu.memory_space<hbm>>) dst(%dma_wait3A_1123 : memref<32x128xf32, #tpu.memory_space<vmem>>)
      %add3A_1127 = arith.constant 2 : i32
      %add3A_1128 = arith.addi %add3A_311, %add3A_1127 : i32
      %mul3A_1129 = arith.constant 4 : i32
      %mul3A_1130 = arith.muli %add3A_1128, %mul3A_1129 : i32
      %add3A_1131 = vector.broadcast %mul3A_1130 : i32 to vector<16xi32>
      %add3A_1132 = arith.addi %and3A_4, %add3A_1131 : vector<16xi32>
      %gather3A_1133 = tpu.vector_load_idx %arg7[%add3A_1132] : memref<512xi32, #tpu.memory_space<vmem>>[vector<16xi32>], vector<16xi32>,
      %mul3A_1134 = arith.constant 4 : i32
      %mul3A_1135 = arith.muli %add3A_1128, %mul3A_1134 : i32
      %add3A_1136 = vector.broadcast %mul3A_1135 : i32 to vector<16xi32>
      %add3A_1137 = arith.addi %and3A_4, %add3A_1136 : vector<16xi32>
      %gather3A_1138 = tpu.vector_load_idx %arg8[%add3A_1137] : memref<512xi32, #tpu.memory_space<vmem>>[vector<16xi32>], vector<16xi32>,
      %and3A_1139 = arith.constant 127 : i32
      %and3A_1140 = vector.broadcast %and3A_1139 : i32 to vector<16xi32>
      %and3A_1141 = arith.andi %gather3A_1133, %and3A_1140 : vector<16xi32>
      %and3A_1142 = arith.constant 127 : i32
      %and3A_1143 = vector.broadcast %and3A_1142 : i32 to vector<16xi32>
      %and3A_1144 = arith.andi %gather3A_1138, %and3A_1143 : vector<16xi32>
      %add3A_1145 = arith.constant 0 : i32
      %add3A_1146 = vector.broadcast %add3A_1145 : i32 to vector<16xi32>
      %add3A_1147 = arith.addi %and3A_4, %add3A_1146 : vector<16xi32>
      %add3A_1148 = arith.constant 0 : i32
      %add3A_1149 = vector.broadcast %add3A_1148 : i32 to vector<16xi32>
      %add3A_1150 = arith.addi %and3A_4, %add3A_1149 : vector<16xi32>
      %add3A_1151 = arith.constant 4 : i32
      %add3A_1152 = vector.broadcast %add3A_1151 : i32 to vector<16xi32>
      %add3A_1153 = arith.addi %add3A_1150, %add3A_1152 : vector<16xi32>
      %broadcast_in_dim3A_1154 = arith.constant 0.000000e+00 : f32
      %broadcast_in_dim3A_1155 = vector.broadcast %broadcast_in_dim3A_1154 : f32 to vector<16xf32>
      %broadcast_in_dim3A_1156 = arith.constant 0 : i32
      %broadcast_in_dim3A_1157 = vector.broadcast %broadcast_in_dim3A_1156 : i32 to vector<16xi32>
      %gather3A_1158 = tpu.vector_load_idx %arg9[%add3A_1147, %broadcast_in_dim3A_1157, %and3A_1141] : memref<16x32x128xf32, #tpu.memory_space<vmem>>[vector<16xi32>, vector<16xi32>, vector<16xi32>], vector<16xf32>,
      %gather3A_1159 = tpu.vector_load_idx %arg9[%add3A_1153, %broadcast_in_dim3A_1157, %and3A_1144] : memref<16x32x128xf32, #tpu.memory_space<vmem>>[vector<16xi32>, vector<16xi32>, vector<16xi32>], vector<16xf32>,
      %mul3A_1160 = arith.mulf %gather3A_1158, %gather3A_1159 : vector<16xf32>
      %add3A_1161 = arith.addf %broadcast_in_dim3A_1155, %mul3A_1160 : vector<16xf32>
      %broadcast_in_dim3A_1162 = arith.constant 1 : i32
      %broadcast_in_dim3A_1163 = vector.broadcast %broadcast_in_dim3A_1162 : i32 to vector<16xi32>
      %gather3A_1164 = tpu.vector_load_idx %arg9[%add3A_1147, %broadcast_in_dim3A_1163, %and3A_1141] : memref<16x32x128xf32, #tpu.memory_space<vmem>>[vector<16xi32>, vector<16xi32>, vector<16xi32>], vector<16xf32>,
      %gather3A_1165 = tpu.vector_load_idx %arg9[%add3A_1153, %broadcast_in_dim3A_1163, %and3A_1144] : memref<16x32x128xf32, #tpu.memory_space<vmem>>[vector<16xi32>, vector<16xi32>, vector<16xi32>], vector<16xf32>,
      %mul3A_1166 = arith.mulf %gather3A_1164, %gather3A_1165 : vector<16xf32>
      %add3A_1167 = arith.addf %add3A_1161, %mul3A_1166 : vector<16xf32>
      %broadcast_in_dim3A_1168 = arith.constant 2 : i32
      %broadcast_in_dim3A_1169 = vector.broadcast %broadcast_in_dim3A_1168 : i32 to vector<16xi32>
      %gather3A_1170 = tpu.vector_load_idx %arg9[%add3A_1147, %broadcast_in_dim3A_1169, %and3A_1141] : memref<16x32x128xf32, #tpu.memory_space<vmem>>[vector<16xi32>, vector<16xi32>, vector<16xi32>], vector<16xf32>,
      %gather3A_1171 = tpu.vector_load_idx %arg9[%add3A_1153, %broadcast_in_dim3A_1169, %and3A_1144] : memref<16x32x128xf32, #tpu.memory_space<vmem>>[vector<16xi32>, vector<16xi32>, vector<16xi32>], vector<16xf32>,
      %mul3A_1172 = arith.mulf %gather3A_1170, %gather3A_1171 : vector<16xf32>
      %add3A_1173 = arith.addf %add3A_1167, %mul3A_1172 : vector<16xf32>
      %broadcast_in_dim3A_1174 = arith.constant 3 : i32
      %broadcast_in_dim3A_1175 = vector.broadcast %broadcast_in_dim3A_1174 : i32 to vector<16xi32>
      %gather3A_1176 = tpu.vector_load_idx %arg9[%add3A_1147, %broadcast_in_dim3A_1175, %and3A_1141] : memref<16x32x128xf32, #tpu.memory_space<vmem>>[vector<16xi32>, vector<16xi32>, vector<16xi32>], vector<16xf32>,
      %gather3A_1177 = tpu.vector_load_idx %arg9[%add3A_1153, %broadcast_in_dim3A_1175, %and3A_1144] : memref<16x32x128xf32, #tpu.memory_space<vmem>>[vector<16xi32>, vector<16xi32>, vector<16xi32>], vector<16xf32>,
      %mul3A_1178 = arith.mulf %gather3A_1176, %gather3A_1177 : vector<16xf32>
      %add3A_1179 = arith.addf %add3A_1173, %mul3A_1178 : vector<16xf32>
      %broadcast_in_dim3A_1180 = arith.constant 4 : i32
      %broadcast_in_dim3A_1181 = vector.broadcast %broadcast_in_dim3A_1180 : i32 to vector<16xi32>
      %gather3A_1182 = tpu.vector_load_idx %arg9[%add3A_1147, %broadcast_in_dim3A_1181, %and3A_1141] : memref<16x32x128xf32, #tpu.memory_space<vmem>>[vector<16xi32>, vector<16xi32>, vector<16xi32>], vector<16xf32>,
      %gather3A_1183 = tpu.vector_load_idx %arg9[%add3A_1153, %broadcast_in_dim3A_1181, %and3A_1144] : memref<16x32x128xf32, #tpu.memory_space<vmem>>[vector<16xi32>, vector<16xi32>, vector<16xi32>], vector<16xf32>,
      %mul3A_1184 = arith.mulf %gather3A_1182, %gather3A_1183 : vector<16xf32>
      %add3A_1185 = arith.addf %add3A_1179, %mul3A_1184 : vector<16xf32>
      %broadcast_in_dim3A_1186 = arith.constant 5 : i32
      %broadcast_in_dim3A_1187 = vector.broadcast %broadcast_in_dim3A_1186 : i32 to vector<16xi32>
      %gather3A_1188 = tpu.vector_load_idx %arg9[%add3A_1147, %broadcast_in_dim3A_1187, %and3A_1141] : memref<16x32x128xf32, #tpu.memory_space<vmem>>[vector<16xi32>, vector<16xi32>, vector<16xi32>], vector<16xf32>,
      %gather3A_1189 = tpu.vector_load_idx %arg9[%add3A_1153, %broadcast_in_dim3A_1187, %and3A_1144] : memref<16x32x128xf32, #tpu.memory_space<vmem>>[vector<16xi32>, vector<16xi32>, vector<16xi32>], vector<16xf32>,
      %mul3A_1190 = arith.mulf %gather3A_1188, %gather3A_1189 : vector<16xf32>
      %add3A_1191 = arith.addf %add3A_1185, %mul3A_1190 : vector<16xf32>
      %broadcast_in_dim3A_1192 = arith.constant 6 : i32
      %broadcast_in_dim3A_1193 = vector.broadcast %broadcast_in_dim3A_1192 : i32 to vector<16xi32>
      %gather3A_1194 = tpu.vector_load_idx %arg9[%add3A_1147, %broadcast_in_dim3A_1193, %and3A_1141] : memref<16x32x128xf32, #tpu.memory_space<vmem>>[vector<16xi32>, vector<16xi32>, vector<16xi32>], vector<16xf32>,
      %gather3A_1195 = tpu.vector_load_idx %arg9[%add3A_1153, %broadcast_in_dim3A_1193, %and3A_1144] : memref<16x32x128xf32, #tpu.memory_space<vmem>>[vector<16xi32>, vector<16xi32>, vector<16xi32>], vector<16xf32>,
      %mul3A_1196 = arith.mulf %gather3A_1194, %gather3A_1195 : vector<16xf32>
      %add3A_1197 = arith.addf %add3A_1191, %mul3A_1196 : vector<16xf32>
      %broadcast_in_dim3A_1198 = arith.constant 7 : i32
      %broadcast_in_dim3A_1199 = vector.broadcast %broadcast_in_dim3A_1198 : i32 to vector<16xi32>
      %gather3A_1200 = tpu.vector_load_idx %arg9[%add3A_1147, %broadcast_in_dim3A_1199, %and3A_1141] : memref<16x32x128xf32, #tpu.memory_space<vmem>>[vector<16xi32>, vector<16xi32>, vector<16xi32>], vector<16xf32>,
      %gather3A_1201 = tpu.vector_load_idx %arg9[%add3A_1153, %broadcast_in_dim3A_1199, %and3A_1144] : memref<16x32x128xf32, #tpu.memory_space<vmem>>[vector<16xi32>, vector<16xi32>, vector<16xi32>], vector<16xf32>,
      %mul3A_1202 = arith.mulf %gather3A_1200, %gather3A_1201 : vector<16xf32>
      %add3A_1203 = arith.addf %add3A_1197, %mul3A_1202 : vector<16xf32>
      %broadcast_in_dim3A_1204 = arith.constant 8 : i32
      %broadcast_in_dim3A_1205 = vector.broadcast %broadcast_in_dim3A_1204 : i32 to vector<16xi32>
      %gather3A_1206 = tpu.vector_load_idx %arg9[%add3A_1147, %broadcast_in_dim3A_1205, %and3A_1141] : memref<16x32x128xf32, #tpu.memory_space<vmem>>[vector<16xi32>, vector<16xi32>, vector<16xi32>], vector<16xf32>,
      %gather3A_1207 = tpu.vector_load_idx %arg9[%add3A_1153, %broadcast_in_dim3A_1205, %and3A_1144] : memref<16x32x128xf32, #tpu.memory_space<vmem>>[vector<16xi32>, vector<16xi32>, vector<16xi32>], vector<16xf32>,
      %mul3A_1208 = arith.mulf %gather3A_1206, %gather3A_1207 : vector<16xf32>
      %add3A_1209 = arith.addf %add3A_1203, %mul3A_1208 : vector<16xf32>
      %broadcast_in_dim3A_1210 = arith.constant 9 : i32
      %broadcast_in_dim3A_1211 = vector.broadcast %broadcast_in_dim3A_1210 : i32 to vector<16xi32>
      %gather3A_1212 = tpu.vector_load_idx %arg9[%add3A_1147, %broadcast_in_dim3A_1211, %and3A_1141] : memref<16x32x128xf32, #tpu.memory_space<vmem>>[vector<16xi32>, vector<16xi32>, vector<16xi32>], vector<16xf32>,
      %gather3A_1213 = tpu.vector_load_idx %arg9[%add3A_1153, %broadcast_in_dim3A_1211, %and3A_1144] : memref<16x32x128xf32, #tpu.memory_space<vmem>>[vector<16xi32>, vector<16xi32>, vector<16xi32>], vector<16xf32>,
      %mul3A_1214 = arith.mulf %gather3A_1212, %gather3A_1213 : vector<16xf32>
      %add3A_1215 = arith.addf %add3A_1209, %mul3A_1214 : vector<16xf32>
      %broadcast_in_dim3A_1216 = arith.constant 10 : i32
      %broadcast_in_dim3A_1217 = vector.broadcast %broadcast_in_dim3A_1216 : i32 to vector<16xi32>
      %gather3A_1218 = tpu.vector_load_idx %arg9[%add3A_1147, %broadcast_in_dim3A_1217, %and3A_1141] : memref<16x32x128xf32, #tpu.memory_space<vmem>>[vector<16xi32>, vector<16xi32>, vector<16xi32>], vector<16xf32>,
      %gather3A_1219 = tpu.vector_load_idx %arg9[%add3A_1153, %broadcast_in_dim3A_1217, %and3A_1144] : memref<16x32x128xf32, #tpu.memory_space<vmem>>[vector<16xi32>, vector<16xi32>, vector<16xi32>], vector<16xf32>,
      %mul3A_1220 = arith.mulf %gather3A_1218, %gather3A_1219 : vector<16xf32>
      %add3A_1221 = arith.addf %add3A_1215, %mul3A_1220 : vector<16xf32>
      %broadcast_in_dim3A_1222 = arith.constant 11 : i32
      %broadcast_in_dim3A_1223 = vector.broadcast %broadcast_in_dim3A_1222 : i32 to vector<16xi32>
      %gather3A_1224 = tpu.vector_load_idx %arg9[%add3A_1147, %broadcast_in_dim3A_1223, %and3A_1141] : memref<16x32x128xf32, #tpu.memory_space<vmem>>[vector<16xi32>, vector<16xi32>, vector<16xi32>], vector<16xf32>,
      %gather3A_1225 = tpu.vector_load_idx %arg9[%add3A_1153, %broadcast_in_dim3A_1223, %and3A_1144] : memref<16x32x128xf32, #tpu.memory_space<vmem>>[vector<16xi32>, vector<16xi32>, vector<16xi32>], vector<16xf32>,
      %mul3A_1226 = arith.mulf %gather3A_1224, %gather3A_1225 : vector<16xf32>
      %add3A_1227 = arith.addf %add3A_1221, %mul3A_1226 : vector<16xf32>
      %broadcast_in_dim3A_1228 = arith.constant 12 : i32
      %broadcast_in_dim3A_1229 = vector.broadcast %broadcast_in_dim3A_1228 : i32 to vector<16xi32>
      %gather3A_1230 = tpu.vector_load_idx %arg9[%add3A_1147, %broadcast_in_dim3A_1229, %and3A_1141] : memref<16x32x128xf32, #tpu.memory_space<vmem>>[vector<16xi32>, vector<16xi32>, vector<16xi32>], vector<16xf32>,
      %gather3A_1231 = tpu.vector_load_idx %arg9[%add3A_1153, %broadcast_in_dim3A_1229, %and3A_1144] : memref<16x32x128xf32, #tpu.memory_space<vmem>>[vector<16xi32>, vector<16xi32>, vector<16xi32>], vector<16xf32>,
      %mul3A_1232 = arith.mulf %gather3A_1230, %gather3A_1231 : vector<16xf32>
      %add3A_1233 = arith.addf %add3A_1227, %mul3A_1232 : vector<16xf32>
      %broadcast_in_dim3A_1234 = arith.constant 13 : i32
      %broadcast_in_dim3A_1235 = vector.broadcast %broadcast_in_dim3A_1234 : i32 to vector<16xi32>
      %gather3A_1236 = tpu.vector_load_idx %arg9[%add3A_1147, %broadcast_in_dim3A_1235, %and3A_1141] : memref<16x32x128xf32, #tpu.memory_space<vmem>>[vector<16xi32>, vector<16xi32>, vector<16xi32>], vector<16xf32>,
      %gather3A_1237 = tpu.vector_load_idx %arg9[%add3A_1153, %broadcast_in_dim3A_1235, %and3A_1144] : memref<16x32x128xf32, #tpu.memory_space<vmem>>[vector<16xi32>, vector<16xi32>, vector<16xi32>], vector<16xf32>,
      %mul3A_1238 = arith.mulf %gather3A_1236, %gather3A_1237 : vector<16xf32>
      %add3A_1239 = arith.addf %add3A_1233, %mul3A_1238 : vector<16xf32>
      %broadcast_in_dim3A_1240 = arith.constant 14 : i32
      %broadcast_in_dim3A_1241 = vector.broadcast %broadcast_in_dim3A_1240 : i32 to vector<16xi32>
      %gather3A_1242 = tpu.vector_load_idx %arg9[%add3A_1147, %broadcast_in_dim3A_1241, %and3A_1141] : memref<16x32x128xf32, #tpu.memory_space<vmem>>[vector<16xi32>, vector<16xi32>, vector<16xi32>], vector<16xf32>,
      %gather3A_1243 = tpu.vector_load_idx %arg9[%add3A_1153, %broadcast_in_dim3A_1241, %and3A_1144] : memref<16x32x128xf32, #tpu.memory_space<vmem>>[vector<16xi32>, vector<16xi32>, vector<16xi32>], vector<16xf32>,
      %mul3A_1244 = arith.mulf %gather3A_1242, %gather3A_1243 : vector<16xf32>
      %add3A_1245 = arith.addf %add3A_1239, %mul3A_1244 : vector<16xf32>
      %broadcast_in_dim3A_1246 = arith.constant 15 : i32
      %broadcast_in_dim3A_1247 = vector.broadcast %broadcast_in_dim3A_1246 : i32 to vector<16xi32>
      %gather3A_1248 = tpu.vector_load_idx %arg9[%add3A_1147, %broadcast_in_dim3A_1247, %and3A_1141] : memref<16x32x128xf32, #tpu.memory_space<vmem>>[vector<16xi32>, vector<16xi32>, vector<16xi32>], vector<16xf32>,
      %gather3A_1249 = tpu.vector_load_idx %arg9[%add3A_1153, %broadcast_in_dim3A_1247, %and3A_1144] : memref<16x32x128xf32, #tpu.memory_space<vmem>>[vector<16xi32>, vector<16xi32>, vector<16xi32>], vector<16xf32>,
      %mul3A_1250 = arith.mulf %gather3A_1248, %gather3A_1249 : vector<16xf32>
      %add3A_1251 = arith.addf %add3A_1245, %mul3A_1250 : vector<16xf32>
      %broadcast_in_dim3A_1252 = arith.constant 16 : i32
      %broadcast_in_dim3A_1253 = vector.broadcast %broadcast_in_dim3A_1252 : i32 to vector<16xi32>
      %gather3A_1254 = tpu.vector_load_idx %arg9[%add3A_1147, %broadcast_in_dim3A_1253, %and3A_1141] : memref<16x32x128xf32, #tpu.memory_space<vmem>>[vector<16xi32>, vector<16xi32>, vector<16xi32>], vector<16xf32>,
      %gather3A_1255 = tpu.vector_load_idx %arg9[%add3A_1153, %broadcast_in_dim3A_1253, %and3A_1144] : memref<16x32x128xf32, #tpu.memory_space<vmem>>[vector<16xi32>, vector<16xi32>, vector<16xi32>], vector<16xf32>,
      %mul3A_1256 = arith.mulf %gather3A_1254, %gather3A_1255 : vector<16xf32>
      %add3A_1257 = arith.addf %add3A_1251, %mul3A_1256 : vector<16xf32>
      %broadcast_in_dim3A_1258 = arith.constant 17 : i32
      %broadcast_in_dim3A_1259 = vector.broadcast %broadcast_in_dim3A_1258 : i32 to vector<16xi32>
      %gather3A_1260 = tpu.vector_load_idx %arg9[%add3A_1147, %broadcast_in_dim3A_1259, %and3A_1141] : memref<16x32x128xf32, #tpu.memory_space<vmem>>[vector<16xi32>, vector<16xi32>, vector<16xi32>], vector<16xf32>,
      %gather3A_1261 = tpu.vector_load_idx %arg9[%add3A_1153, %broadcast_in_dim3A_1259, %and3A_1144] : memref<16x32x128xf32, #tpu.memory_space<vmem>>[vector<16xi32>, vector<16xi32>, vector<16xi32>], vector<16xf32>,
      %mul3A_1262 = arith.mulf %gather3A_1260, %gather3A_1261 : vector<16xf32>
      %add3A_1263 = arith.addf %add3A_1257, %mul3A_1262 : vector<16xf32>
      %broadcast_in_dim3A_1264 = arith.constant 18 : i32
      %broadcast_in_dim3A_1265 = vector.broadcast %broadcast_in_dim3A_1264 : i32 to vector<16xi32>
      %gather3A_1266 = tpu.vector_load_idx %arg9[%add3A_1147, %broadcast_in_dim3A_1265, %and3A_1141] : memref<16x32x128xf32, #tpu.memory_space<vmem>>[vector<16xi32>, vector<16xi32>, vector<16xi32>], vector<16xf32>,
      %gather3A_1267 = tpu.vector_load_idx %arg9[%add3A_1153, %broadcast_in_dim3A_1265, %and3A_1144] : memref<16x32x128xf32, #tpu.memory_space<vmem>>[vector<16xi32>, vector<16xi32>, vector<16xi32>], vector<16xf32>,
      %mul3A_1268 = arith.mulf %gather3A_1266, %gather3A_1267 : vector<16xf32>
      %add3A_1269 = arith.addf %add3A_1263, %mul3A_1268 : vector<16xf32>
      %broadcast_in_dim3A_1270 = arith.constant 19 : i32
      %broadcast_in_dim3A_1271 = vector.broadcast %broadcast_in_dim3A_1270 : i32 to vector<16xi32>
      %gather3A_1272 = tpu.vector_load_idx %arg9[%add3A_1147, %broadcast_in_dim3A_1271, %and3A_1141] : memref<16x32x128xf32, #tpu.memory_space<vmem>>[vector<16xi32>, vector<16xi32>, vector<16xi32>], vector<16xf32>,
      %gather3A_1273 = tpu.vector_load_idx %arg9[%add3A_1153, %broadcast_in_dim3A_1271, %and3A_1144] : memref<16x32x128xf32, #tpu.memory_space<vmem>>[vector<16xi32>, vector<16xi32>, vector<16xi32>], vector<16xf32>,
      %mul3A_1274 = arith.mulf %gather3A_1272, %gather3A_1273 : vector<16xf32>
      %add3A_1275 = arith.addf %add3A_1269, %mul3A_1274 : vector<16xf32>
      %broadcast_in_dim3A_1276 = arith.constant 20 : i32
      %broadcast_in_dim3A_1277 = vector.broadcast %broadcast_in_dim3A_1276 : i32 to vector<16xi32>
      %gather3A_1278 = tpu.vector_load_idx %arg9[%add3A_1147, %broadcast_in_dim3A_1277, %and3A_1141] : memref<16x32x128xf32, #tpu.memory_space<vmem>>[vector<16xi32>, vector<16xi32>, vector<16xi32>], vector<16xf32>,
      %gather3A_1279 = tpu.vector_load_idx %arg9[%add3A_1153, %broadcast_in_dim3A_1277, %and3A_1144] : memref<16x32x128xf32, #tpu.memory_space<vmem>>[vector<16xi32>, vector<16xi32>, vector<16xi32>], vector<16xf32>,
      %mul3A_1280 = arith.mulf %gather3A_1278, %gather3A_1279 : vector<16xf32>
      %add3A_1281 = arith.addf %add3A_1275, %mul3A_1280 : vector<16xf32>
      %broadcast_in_dim3A_1282 = arith.constant 21 : i32
      %broadcast_in_dim3A_1283 = vector.broadcast %broadcast_in_dim3A_1282 : i32 to vector<16xi32>
      %gather3A_1284 = tpu.vector_load_idx %arg9[%add3A_1147, %broadcast_in_dim3A_1283, %and3A_1141] : memref<16x32x128xf32, #tpu.memory_space<vmem>>[vector<16xi32>, vector<16xi32>, vector<16xi32>], vector<16xf32>,
      %gather3A_1285 = tpu.vector_load_idx %arg9[%add3A_1153, %broadcast_in_dim3A_1283, %and3A_1144] : memref<16x32x128xf32, #tpu.memory_space<vmem>>[vector<16xi32>, vector<16xi32>, vector<16xi32>], vector<16xf32>,
      %mul3A_1286 = arith.mulf %gather3A_1284, %gather3A_1285 : vector<16xf32>
      %add3A_1287 = arith.addf %add3A_1281, %mul3A_1286 : vector<16xf32>
      %broadcast_in_dim3A_1288 = arith.constant 22 : i32
      %broadcast_in_dim3A_1289 = vector.broadcast %broadcast_in_dim3A_1288 : i32 to vector<16xi32>
      %gather3A_1290 = tpu.vector_load_idx %arg9[%add3A_1147, %broadcast_in_dim3A_1289, %and3A_1141] : memref<16x32x128xf32, #tpu.memory_space<vmem>>[vector<16xi32>, vector<16xi32>, vector<16xi32>], vector<16xf32>,
      %gather3A_1291 = tpu.vector_load_idx %arg9[%add3A_1153, %broadcast_in_dim3A_1289, %and3A_1144] : memref<16x32x128xf32, #tpu.memory_space<vmem>>[vector<16xi32>, vector<16xi32>, vector<16xi32>], vector<16xf32>,
      %mul3A_1292 = arith.mulf %gather3A_1290, %gather3A_1291 : vector<16xf32>
      %add3A_1293 = arith.addf %add3A_1287, %mul3A_1292 : vector<16xf32>
      %broadcast_in_dim3A_1294 = arith.constant 23 : i32
      %broadcast_in_dim3A_1295 = vector.broadcast %broadcast_in_dim3A_1294 : i32 to vector<16xi32>
      %gather3A_1296 = tpu.vector_load_idx %arg9[%add3A_1147, %broadcast_in_dim3A_1295, %and3A_1141] : memref<16x32x128xf32, #tpu.memory_space<vmem>>[vector<16xi32>, vector<16xi32>, vector<16xi32>], vector<16xf32>,
      %gather3A_1297 = tpu.vector_load_idx %arg9[%add3A_1153, %broadcast_in_dim3A_1295, %and3A_1144] : memref<16x32x128xf32, #tpu.memory_space<vmem>>[vector<16xi32>, vector<16xi32>, vector<16xi32>], vector<16xf32>,
      %mul3A_1298 = arith.mulf %gather3A_1296, %gather3A_1297 : vector<16xf32>
      %add3A_1299 = arith.addf %add3A_1293, %mul3A_1298 : vector<16xf32>
      %broadcast_in_dim3A_1300 = arith.constant 24 : i32
      %broadcast_in_dim3A_1301 = vector.broadcast %broadcast_in_dim3A_1300 : i32 to vector<16xi32>
      %gather3A_1302 = tpu.vector_load_idx %arg9[%add3A_1147, %broadcast_in_dim3A_1301, %and3A_1141] : memref<16x32x128xf32, #tpu.memory_space<vmem>>[vector<16xi32>, vector<16xi32>, vector<16xi32>], vector<16xf32>,
      %gather3A_1303 = tpu.vector_load_idx %arg9[%add3A_1153, %broadcast_in_dim3A_1301, %and3A_1144] : memref<16x32x128xf32, #tpu.memory_space<vmem>>[vector<16xi32>, vector<16xi32>, vector<16xi32>], vector<16xf32>,
      %mul3A_1304 = arith.mulf %gather3A_1302, %gather3A_1303 : vector<16xf32>
      %add3A_1305 = arith.addf %add3A_1299, %mul3A_1304 : vector<16xf32>
      %broadcast_in_dim3A_1306 = arith.constant 25 : i32
      %broadcast_in_dim3A_1307 = vector.broadcast %broadcast_in_dim3A_1306 : i32 to vector<16xi32>
      %gather3A_1308 = tpu.vector_load_idx %arg9[%add3A_1147, %broadcast_in_dim3A_1307, %and3A_1141] : memref<16x32x128xf32, #tpu.memory_space<vmem>>[vector<16xi32>, vector<16xi32>, vector<16xi32>], vector<16xf32>,
      %gather3A_1309 = tpu.vector_load_idx %arg9[%add3A_1153, %broadcast_in_dim3A_1307, %and3A_1144] : memref<16x32x128xf32, #tpu.memory_space<vmem>>[vector<16xi32>, vector<16xi32>, vector<16xi32>], vector<16xf32>,
      %mul3A_1310 = arith.mulf %gather3A_1308, %gather3A_1309 : vector<16xf32>
      %add3A_1311 = arith.addf %add3A_1305, %mul3A_1310 : vector<16xf32>
      %broadcast_in_dim3A_1312 = arith.constant 26 : i32
      %broadcast_in_dim3A_1313 = vector.broadcast %broadcast_in_dim3A_1312 : i32 to vector<16xi32>
      %gather3A_1314 = tpu.vector_load_idx %arg9[%add3A_1147, %broadcast_in_dim3A_1313, %and3A_1141] : memref<16x32x128xf32, #tpu.memory_space<vmem>>[vector<16xi32>, vector<16xi32>, vector<16xi32>], vector<16xf32>,
      %gather3A_1315 = tpu.vector_load_idx %arg9[%add3A_1153, %broadcast_in_dim3A_1313, %and3A_1144] : memref<16x32x128xf32, #tpu.memory_space<vmem>>[vector<16xi32>, vector<16xi32>, vector<16xi32>], vector<16xf32>,
      %mul3A_1316 = arith.mulf %gather3A_1314, %gather3A_1315 : vector<16xf32>
      %add3A_1317 = arith.addf %add3A_1311, %mul3A_1316 : vector<16xf32>
      %broadcast_in_dim3A_1318 = arith.constant 27 : i32
      %broadcast_in_dim3A_1319 = vector.broadcast %broadcast_in_dim3A_1318 : i32 to vector<16xi32>
      %gather3A_1320 = tpu.vector_load_idx %arg9[%add3A_1147, %broadcast_in_dim3A_1319, %and3A_1141] : memref<16x32x128xf32, #tpu.memory_space<vmem>>[vector<16xi32>, vector<16xi32>, vector<16xi32>], vector<16xf32>,
      %gather3A_1321 = tpu.vector_load_idx %arg9[%add3A_1153, %broadcast_in_dim3A_1319, %and3A_1144] : memref<16x32x128xf32, #tpu.memory_space<vmem>>[vector<16xi32>, vector<16xi32>, vector<16xi32>], vector<16xf32>,
      %mul3A_1322 = arith.mulf %gather3A_1320, %gather3A_1321 : vector<16xf32>
      %add3A_1323 = arith.addf %add3A_1317, %mul3A_1322 : vector<16xf32>
      %broadcast_in_dim3A_1324 = arith.constant 28 : i32
      %broadcast_in_dim3A_1325 = vector.broadcast %broadcast_in_dim3A_1324 : i32 to vector<16xi32>
      %gather3A_1326 = tpu.vector_load_idx %arg9[%add3A_1147, %broadcast_in_dim3A_1325, %and3A_1141] : memref<16x32x128xf32, #tpu.memory_space<vmem>>[vector<16xi32>, vector<16xi32>, vector<16xi32>], vector<16xf32>,
      %gather3A_1327 = tpu.vector_load_idx %arg9[%add3A_1153, %broadcast_in_dim3A_1325, %and3A_1144] : memref<16x32x128xf32, #tpu.memory_space<vmem>>[vector<16xi32>, vector<16xi32>, vector<16xi32>], vector<16xf32>,
      %mul3A_1328 = arith.mulf %gather3A_1326, %gather3A_1327 : vector<16xf32>
      %add3A_1329 = arith.addf %add3A_1323, %mul3A_1328 : vector<16xf32>
      %broadcast_in_dim3A_1330 = arith.constant 29 : i32
      %broadcast_in_dim3A_1331 = vector.broadcast %broadcast_in_dim3A_1330 : i32 to vector<16xi32>
      %gather3A_1332 = tpu.vector_load_idx %arg9[%add3A_1147, %broadcast_in_dim3A_1331, %and3A_1141] : memref<16x32x128xf32, #tpu.memory_space<vmem>>[vector<16xi32>, vector<16xi32>, vector<16xi32>], vector<16xf32>,
      %gather3A_1333 = tpu.vector_load_idx %arg9[%add3A_1153, %broadcast_in_dim3A_1331, %and3A_1144] : memref<16x32x128xf32, #tpu.memory_space<vmem>>[vector<16xi32>, vector<16xi32>, vector<16xi32>], vector<16xf32>,
      %mul3A_1334 = arith.mulf %gather3A_1332, %gather3A_1333 : vector<16xf32>
      %add3A_1335 = arith.addf %add3A_1329, %mul3A_1334 : vector<16xf32>
      %broadcast_in_dim3A_1336 = arith.constant 30 : i32
      %broadcast_in_dim3A_1337 = vector.broadcast %broadcast_in_dim3A_1336 : i32 to vector<16xi32>
      %gather3A_1338 = tpu.vector_load_idx %arg9[%add3A_1147, %broadcast_in_dim3A_1337, %and3A_1141] : memref<16x32x128xf32, #tpu.memory_space<vmem>>[vector<16xi32>, vector<16xi32>, vector<16xi32>], vector<16xf32>,
      %gather3A_1339 = tpu.vector_load_idx %arg9[%add3A_1153, %broadcast_in_dim3A_1337, %and3A_1144] : memref<16x32x128xf32, #tpu.memory_space<vmem>>[vector<16xi32>, vector<16xi32>, vector<16xi32>], vector<16xf32>,
      %mul3A_1340 = arith.mulf %gather3A_1338, %gather3A_1339 : vector<16xf32>
      %add3A_1341 = arith.addf %add3A_1335, %mul3A_1340 : vector<16xf32>
      %broadcast_in_dim3A_1342 = arith.constant 31 : i32
      %broadcast_in_dim3A_1343 = vector.broadcast %broadcast_in_dim3A_1342 : i32 to vector<16xi32>
      %gather3A_1344 = tpu.vector_load_idx %arg9[%add3A_1147, %broadcast_in_dim3A_1343, %and3A_1141] : memref<16x32x128xf32, #tpu.memory_space<vmem>>[vector<16xi32>, vector<16xi32>, vector<16xi32>], vector<16xf32>,
      %gather3A_1345 = tpu.vector_load_idx %arg9[%add3A_1153, %broadcast_in_dim3A_1343, %and3A_1144] : memref<16x32x128xf32, #tpu.memory_space<vmem>>[vector<16xi32>, vector<16xi32>, vector<16xi32>], vector<16xf32>,
      %mul3A_1346 = arith.mulf %gather3A_1344, %gather3A_1345 : vector<16xf32>
      %add3A_1347 = arith.addf %add3A_1341, %mul3A_1346 : vector<16xf32>
      %add3A_1348 = arith.constant 2 : i32
      %add3A_1349 = arith.addi %add3A_311, %add3A_1348 : i32
      %add3A_1350 = arith.constant 2 : i32
      %add3A_1351 = arith.addi %add3A_1349, %add3A_1350 : i32
      %lt3A_1352 = arith.constant 128 : i32
      %lt3A_1353 = arith.cmpi slt, %add3A_1351, %lt3A_1352 : i32
      %convert_element_type3A_1354 = arith.extui %lt3A_1353 : i1 to i32
      %cond3A_1355 = arith.constant 0 : i32
      %cond3A_1356 = arith.cmpi ne, %convert_element_type3A_1354, %cond3A_1355 : i32
      scf.if %cond3A_1356 {
        %add3A_1727 = arith.constant 2 : i32
        %add3A_1728 = arith.addi %add3A_1128, %add3A_1727 : i32
        %mul3A_1729 = arith.constant 4 : i32
        %mul3A_1730 = arith.muli %add3A_1728, %mul3A_1729 : i32
        %add3A_1731 = vector.broadcast %mul3A_1730 : i32 to vector<16xi32>
        %add3A_1732 = arith.addi %and3A_4, %add3A_1731 : vector<16xi32>
        %gather3A_1733 = tpu.vector_load_idx %arg7[%add3A_1732] : memref<512xi32, #tpu.memory_space<vmem>>[vector<16xi32>], vector<16xi32>,
        %mul3A_1734 = arith.constant 4 : i32
        %mul3A_1735 = arith.muli %add3A_1728, %mul3A_1734 : i32
        %add3A_1736 = vector.broadcast %mul3A_1735 : i32 to vector<16xi32>
        %add3A_1737 = arith.addi %and3A_4, %add3A_1736 : vector<16xi32>
        %gather3A_1738 = tpu.vector_load_idx %arg8[%add3A_1737] : memref<512xi32, #tpu.memory_space<vmem>>[vector<16xi32>], vector<16xi32>,
        %shift_right_logical3A_1739 = arith.constant 7 : i32
        %shift_right_logical3A_1740 = vector.broadcast %shift_right_logical3A_1739 : i32 to vector<16xi32>
        %shift_right_logical3A_1741 = arith.shrui %gather3A_1733, %shift_right_logical3A_1740 : vector<16xi32>
        %shift_right_logical3A_1742 = arith.constant 7 : i32
        %shift_right_logical3A_1743 = vector.broadcast %shift_right_logical3A_1742 : i32 to vector<16xi32>
        %shift_right_logical3A_1744 = arith.shrui %gather3A_1738, %shift_right_logical3A_1743 : vector<16xi32>
        %slice3A_1745 = vector.extract_strided_slice %shift_right_logical3A_1741 {offsets = [0], sizes = [1], strides = [1]} : vector<16xi32> to vector<1xi32>
        %squeeze3A_1746 = vector.extract %slice3A_1745[0] : i32 from vector<1xi32>
        %mul3A_1747 = arith.constant 128 : i32
        %mul3A_1748 = arith.muli %squeeze3A_1746, %mul3A_1747 : i32
        %dma_start3A_1749 = arith.constant 0 : i32
        %dma_start3A_1750 = arith.constant 0 : i32
        %dma_start3A_1751 = arith.constant 0 : i32
        %dma_start3A_1752 = tpu.memref_slice %arg9[%dma_start3A_1749, %dma_start3A_1750, %dma_start3A_1751] : memref<16x32x128xf32, #tpu.memory_space<vmem>> -> memref<1x32x128xf32, #tpu.memory_space<vmem>>
        %dma_start3A_1753 = tpu.memref_squeeze %dma_start3A_1752 : memref<1x32x128xf32, #tpu.memory_space<vmem>> -> memref<32x128xf32, #tpu.memory_space<vmem>>
        %dma_start3A_1754 = arith.constant 0 : i32
        %dma_start3A_1755 = tpu.memref_slice %arg4[%dma_start3A_1754, %mul3A_1748] : memref<32x1000000xf32, #tpu.memory_space<hbm>> -> memref<32x128xf32, #tpu.memory_space<hbm>>
        %dma_start3A_1756 = arith.constant 0 : i32
        %dma_start3A_1757 = arith.constant 0 : i32
        %dma_start3A_1758 = tpu.memref_slice %arg9[%dma_start3A_1749, %dma_start3A_1756, %dma_start3A_1757] : memref<16x32x128xf32, #tpu.memory_space<vmem>> -> memref<1x32x128xf32, #tpu.memory_space<vmem>>
        %dma_start3A_1759 = tpu.memref_squeeze %dma_start3A_1758 : memref<1x32x128xf32, #tpu.memory_space<vmem>> -> memref<32x128xf32, #tpu.memory_space<vmem>>
        %dma_start3A_1760 = arith.constant 0 : i32
        %dma_start3A_1761 = tpu.memref_slice %arg4[%dma_start3A_1760, %mul3A_1748] : memref<32x1000000xf32, #tpu.memory_space<hbm>> -> memref<32x128xf32, #tpu.memory_space<hbm>>
        tpu.enqueue_dma source(%dma_start3A_1761 : memref<32x128xf32, #tpu.memory_space<hbm>>) target(%dma_start3A_1759 : memref<32x128xf32, #tpu.memory_space<vmem>>) target_semaphore(%arg11 : memref<!tpu.dma_semaphore, #tpu.memory_space<semaphore_mem>>)
        %slice3A_1762 = vector.extract_strided_slice %shift_right_logical3A_1744 {offsets = [0], sizes = [1], strides = [1]} : vector<16xi32> to vector<1xi32>
        %squeeze3A_1763 = vector.extract %slice3A_1762[0] : i32 from vector<1xi32>
        %mul3A_1764 = arith.constant 128 : i32
        %mul3A_1765 = arith.muli %squeeze3A_1763, %mul3A_1764 : i32
        %dma_start3A_1766 = arith.constant 4 : i32
        %dma_start3A_1767 = arith.constant 0 : i32
        %dma_start3A_1768 = arith.constant 0 : i32
        %dma_start3A_1769 = tpu.memref_slice %arg9[%dma_start3A_1766, %dma_start3A_1767, %dma_start3A_1768] : memref<16x32x128xf32, #tpu.memory_space<vmem>> -> memref<1x32x128xf32, #tpu.memory_space<vmem>>
        %dma_start3A_1770 = tpu.memref_squeeze %dma_start3A_1769 : memref<1x32x128xf32, #tpu.memory_space<vmem>> -> memref<32x128xf32, #tpu.memory_space<vmem>>
        %dma_start3A_1771 = arith.constant 0 : i32
        %dma_start3A_1772 = tpu.memref_slice %arg5[%dma_start3A_1771, %mul3A_1765] : memref<32x1000000xf32, #tpu.memory_space<hbm>> -> memref<32x128xf32, #tpu.memory_space<hbm>>
        %dma_start3A_1773 = arith.constant 0 : i32
        %dma_start3A_1774 = arith.constant 0 : i32
        %dma_start3A_1775 = tpu.memref_slice %arg9[%dma_start3A_1766, %dma_start3A_1773, %dma_start3A_1774] : memref<16x32x128xf32, #tpu.memory_space<vmem>> -> memref<1x32x128xf32, #tpu.memory_space<vmem>>
        %dma_start3A_1776 = tpu.memref_squeeze %dma_start3A_1775 : memref<1x32x128xf32, #tpu.memory_space<vmem>> -> memref<32x128xf32, #tpu.memory_space<vmem>>
        %dma_start3A_1777 = arith.constant 0 : i32
        %dma_start3A_1778 = tpu.memref_slice %arg5[%dma_start3A_1777, %mul3A_1765] : memref<32x1000000xf32, #tpu.memory_space<hbm>> -> memref<32x128xf32, #tpu.memory_space<hbm>>
        tpu.enqueue_dma source(%dma_start3A_1778 : memref<32x128xf32, #tpu.memory_space<hbm>>) target(%dma_start3A_1776 : memref<32x128xf32, #tpu.memory_space<vmem>>) target_semaphore(%arg11 : memref<!tpu.dma_semaphore, #tpu.memory_space<semaphore_mem>>)
        %slice3A_1779 = vector.extract_strided_slice %shift_right_logical3A_1741 {offsets = [1], sizes = [1], strides = [1]} : vector<16xi32> to vector<1xi32>
        %squeeze3A_1780 = vector.extract %slice3A_1779[0] : i32 from vector<1xi32>
        %mul3A_1781 = arith.constant 128 : i32
        %mul3A_1782 = arith.muli %squeeze3A_1780, %mul3A_1781 : i32
        %dma_start3A_1783 = arith.constant 1 : i32
        %dma_start3A_1784 = arith.constant 0 : i32
        %dma_start3A_1785 = arith.constant 0 : i32
        %dma_start3A_1786 = tpu.memref_slice %arg9[%dma_start3A_1783, %dma_start3A_1784, %dma_start3A_1785] : memref<16x32x128xf32, #tpu.memory_space<vmem>> -> memref<1x32x128xf32, #tpu.memory_space<vmem>>
        %dma_start3A_1787 = tpu.memref_squeeze %dma_start3A_1786 : memref<1x32x128xf32, #tpu.memory_space<vmem>> -> memref<32x128xf32, #tpu.memory_space<vmem>>
        %dma_start3A_1788 = arith.constant 0 : i32
        %dma_start3A_1789 = tpu.memref_slice %arg4[%dma_start3A_1788, %mul3A_1782] : memref<32x1000000xf32, #tpu.memory_space<hbm>> -> memref<32x128xf32, #tpu.memory_space<hbm>>
        %dma_start3A_1790 = arith.constant 0 : i32
        %dma_start3A_1791 = arith.constant 0 : i32
        %dma_start3A_1792 = tpu.memref_slice %arg9[%dma_start3A_1783, %dma_start3A_1790, %dma_start3A_1791] : memref<16x32x128xf32, #tpu.memory_space<vmem>> -> memref<1x32x128xf32, #tpu.memory_space<vmem>>
        %dma_start3A_1793 = tpu.memref_squeeze %dma_start3A_1792 : memref<1x32x128xf32, #tpu.memory_space<vmem>> -> memref<32x128xf32, #tpu.memory_space<vmem>>
        %dma_start3A_1794 = arith.constant 0 : i32
        %dma_start3A_1795 = tpu.memref_slice %arg4[%dma_start3A_1794, %mul3A_1782] : memref<32x1000000xf32, #tpu.memory_space<hbm>> -> memref<32x128xf32, #tpu.memory_space<hbm>>
        tpu.enqueue_dma source(%dma_start3A_1795 : memref<32x128xf32, #tpu.memory_space<hbm>>) target(%dma_start3A_1793 : memref<32x128xf32, #tpu.memory_space<vmem>>) target_semaphore(%arg11 : memref<!tpu.dma_semaphore, #tpu.memory_space<semaphore_mem>>)
        %slice3A_1796 = vector.extract_strided_slice %shift_right_logical3A_1744 {offsets = [1], sizes = [1], strides = [1]} : vector<16xi32> to vector<1xi32>
        %squeeze3A_1797 = vector.extract %slice3A_1796[0] : i32 from vector<1xi32>
        %mul3A_1798 = arith.constant 128 : i32
        %mul3A_1799 = arith.muli %squeeze3A_1797, %mul3A_1798 : i32
        %dma_start3A_1800 = arith.constant 5 : i32
        %dma_start3A_1801 = arith.constant 0 : i32
        %dma_start3A_1802 = arith.constant 0 : i32
        %dma_start3A_1803 = tpu.memref_slice %arg9[%dma_start3A_1800, %dma_start3A_1801, %dma_start3A_1802] : memref<16x32x128xf32, #tpu.memory_space<vmem>> -> memref<1x32x128xf32, #tpu.memory_space<vmem>>
        %dma_start3A_1804 = tpu.memref_squeeze %dma_start3A_1803 : memref<1x32x128xf32, #tpu.memory_space<vmem>> -> memref<32x128xf32, #tpu.memory_space<vmem>>
        %dma_start3A_1805 = arith.constant 0 : i32
        %dma_start3A_1806 = tpu.memref_slice %arg5[%dma_start3A_1805, %mul3A_1799] : memref<32x1000000xf32, #tpu.memory_space<hbm>> -> memref<32x128xf32, #tpu.memory_space<hbm>>
        %dma_start3A_1807 = arith.constant 0 : i32
        %dma_start3A_1808 = arith.constant 0 : i32
        %dma_start3A_1809 = tpu.memref_slice %arg9[%dma_start3A_1800, %dma_start3A_1807, %dma_start3A_1808] : memref<16x32x128xf32, #tpu.memory_space<vmem>> -> memref<1x32x128xf32, #tpu.memory_space<vmem>>
        %dma_start3A_1810 = tpu.memref_squeeze %dma_start3A_1809 : memref<1x32x128xf32, #tpu.memory_space<vmem>> -> memref<32x128xf32, #tpu.memory_space<vmem>>
        %dma_start3A_1811 = arith.constant 0 : i32
        %dma_start3A_1812 = tpu.memref_slice %arg5[%dma_start3A_1811, %mul3A_1799] : memref<32x1000000xf32, #tpu.memory_space<hbm>> -> memref<32x128xf32, #tpu.memory_space<hbm>>
        tpu.enqueue_dma source(%dma_start3A_1812 : memref<32x128xf32, #tpu.memory_space<hbm>>) target(%dma_start3A_1810 : memref<32x128xf32, #tpu.memory_space<vmem>>) target_semaphore(%arg11 : memref<!tpu.dma_semaphore, #tpu.memory_space<semaphore_mem>>)
        %slice3A_1813 = vector.extract_strided_slice %shift_right_logical3A_1741 {offsets = [2], sizes = [1], strides = [1]} : vector<16xi32> to vector<1xi32>
        %squeeze3A_1814 = vector.extract %slice3A_1813[0] : i32 from vector<1xi32>
        %mul3A_1815 = arith.constant 128 : i32
        %mul3A_1816 = arith.muli %squeeze3A_1814, %mul3A_1815 : i32
        %dma_start3A_1817 = arith.constant 2 : i32
        %dma_start3A_1818 = arith.constant 0 : i32
        %dma_start3A_1819 = arith.constant 0 : i32
        %dma_start3A_1820 = tpu.memref_slice %arg9[%dma_start3A_1817, %dma_start3A_1818, %dma_start3A_1819] : memref<16x32x128xf32, #tpu.memory_space<vmem>> -> memref<1x32x128xf32, #tpu.memory_space<vmem>>
        %dma_start3A_1821 = tpu.memref_squeeze %dma_start3A_1820 : memref<1x32x128xf32, #tpu.memory_space<vmem>> -> memref<32x128xf32, #tpu.memory_space<vmem>>
        %dma_start3A_1822 = arith.constant 0 : i32
        %dma_start3A_1823 = tpu.memref_slice %arg4[%dma_start3A_1822, %mul3A_1816] : memref<32x1000000xf32, #tpu.memory_space<hbm>> -> memref<32x128xf32, #tpu.memory_space<hbm>>
        %dma_start3A_1824 = arith.constant 0 : i32
        %dma_start3A_1825 = arith.constant 0 : i32
        %dma_start3A_1826 = tpu.memref_slice %arg9[%dma_start3A_1817, %dma_start3A_1824, %dma_start3A_1825] : memref<16x32x128xf32, #tpu.memory_space<vmem>> -> memref<1x32x128xf32, #tpu.memory_space<vmem>>
        %dma_start3A_1827 = tpu.memref_squeeze %dma_start3A_1826 : memref<1x32x128xf32, #tpu.memory_space<vmem>> -> memref<32x128xf32, #tpu.memory_space<vmem>>
        %dma_start3A_1828 = arith.constant 0 : i32
        %dma_start3A_1829 = tpu.memref_slice %arg4[%dma_start3A_1828, %mul3A_1816] : memref<32x1000000xf32, #tpu.memory_space<hbm>> -> memref<32x128xf32, #tpu.memory_space<hbm>>
        tpu.enqueue_dma source(%dma_start3A_1829 : memref<32x128xf32, #tpu.memory_space<hbm>>) target(%dma_start3A_1827 : memref<32x128xf32, #tpu.memory_space<vmem>>) target_semaphore(%arg11 : memref<!tpu.dma_semaphore, #tpu.memory_space<semaphore_mem>>)
        %slice3A_1830 = vector.extract_strided_slice %shift_right_logical3A_1744 {offsets = [2], sizes = [1], strides = [1]} : vector<16xi32> to vector<1xi32>
        %squeeze3A_1831 = vector.extract %slice3A_1830[0] : i32 from vector<1xi32>
        %mul3A_1832 = arith.constant 128 : i32
        %mul3A_1833 = arith.muli %squeeze3A_1831, %mul3A_1832 : i32
        %dma_start3A_1834 = arith.constant 6 : i32
        %dma_start3A_1835 = arith.constant 0 : i32
        %dma_start3A_1836 = arith.constant 0 : i32
        %dma_start3A_1837 = tpu.memref_slice %arg9[%dma_start3A_1834, %dma_start3A_1835, %dma_start3A_1836] : memref<16x32x128xf32, #tpu.memory_space<vmem>> -> memref<1x32x128xf32, #tpu.memory_space<vmem>>
        %dma_start3A_1838 = tpu.memref_squeeze %dma_start3A_1837 : memref<1x32x128xf32, #tpu.memory_space<vmem>> -> memref<32x128xf32, #tpu.memory_space<vmem>>
        %dma_start3A_1839 = arith.constant 0 : i32
        %dma_start3A_1840 = tpu.memref_slice %arg5[%dma_start3A_1839, %mul3A_1833] : memref<32x1000000xf32, #tpu.memory_space<hbm>> -> memref<32x128xf32, #tpu.memory_space<hbm>>
        %dma_start3A_1841 = arith.constant 0 : i32
        %dma_start3A_1842 = arith.constant 0 : i32
        %dma_start3A_1843 = tpu.memref_slice %arg9[%dma_start3A_1834, %dma_start3A_1841, %dma_start3A_1842] : memref<16x32x128xf32, #tpu.memory_space<vmem>> -> memref<1x32x128xf32, #tpu.memory_space<vmem>>
        %dma_start3A_1844 = tpu.memref_squeeze %dma_start3A_1843 : memref<1x32x128xf32, #tpu.memory_space<vmem>> -> memref<32x128xf32, #tpu.memory_space<vmem>>
        %dma_start3A_1845 = arith.constant 0 : i32
        %dma_start3A_1846 = tpu.memref_slice %arg5[%dma_start3A_1845, %mul3A_1833] : memref<32x1000000xf32, #tpu.memory_space<hbm>> -> memref<32x128xf32, #tpu.memory_space<hbm>>
        tpu.enqueue_dma source(%dma_start3A_1846 : memref<32x128xf32, #tpu.memory_space<hbm>>) target(%dma_start3A_1844 : memref<32x128xf32, #tpu.memory_space<vmem>>) target_semaphore(%arg11 : memref<!tpu.dma_semaphore, #tpu.memory_space<semaphore_mem>>)
        %slice3A_1847 = vector.extract_strided_slice %shift_right_logical3A_1741 {offsets = [3], sizes = [1], strides = [1]} : vector<16xi32> to vector<1xi32>
        %squeeze3A_1848 = vector.extract %slice3A_1847[0] : i32 from vector<1xi32>
        %mul3A_1849 = arith.constant 128 : i32
        %mul3A_1850 = arith.muli %squeeze3A_1848, %mul3A_1849 : i32
        %dma_start3A_1851 = arith.constant 3 : i32
        %dma_start3A_1852 = arith.constant 0 : i32
        %dma_start3A_1853 = arith.constant 0 : i32
        %dma_start3A_1854 = tpu.memref_slice %arg9[%dma_start3A_1851, %dma_start3A_1852, %dma_start3A_1853] : memref<16x32x128xf32, #tpu.memory_space<vmem>> -> memref<1x32x128xf32, #tpu.memory_space<vmem>>
        %dma_start3A_1855 = tpu.memref_squeeze %dma_start3A_1854 : memref<1x32x128xf32, #tpu.memory_space<vmem>> -> memref<32x128xf32, #tpu.memory_space<vmem>>
        %dma_start3A_1856 = arith.constant 0 : i32
        %dma_start3A_1857 = tpu.memref_slice %arg4[%dma_start3A_1856, %mul3A_1850] : memref<32x1000000xf32, #tpu.memory_space<hbm>> -> memref<32x128xf32, #tpu.memory_space<hbm>>
        %dma_start3A_1858 = arith.constant 0 : i32
        %dma_start3A_1859 = arith.constant 0 : i32
        %dma_start3A_1860 = tpu.memref_slice %arg9[%dma_start3A_1851, %dma_start3A_1858, %dma_start3A_1859] : memref<16x32x128xf32, #tpu.memory_space<vmem>> -> memref<1x32x128xf32, #tpu.memory_space<vmem>>
        %dma_start3A_1861 = tpu.memref_squeeze %dma_start3A_1860 : memref<1x32x128xf32, #tpu.memory_space<vmem>> -> memref<32x128xf32, #tpu.memory_space<vmem>>
        %dma_start3A_1862 = arith.constant 0 : i32
        %dma_start3A_1863 = tpu.memref_slice %arg4[%dma_start3A_1862, %mul3A_1850] : memref<32x1000000xf32, #tpu.memory_space<hbm>> -> memref<32x128xf32, #tpu.memory_space<hbm>>
        tpu.enqueue_dma source(%dma_start3A_1863 : memref<32x128xf32, #tpu.memory_space<hbm>>) target(%dma_start3A_1861 : memref<32x128xf32, #tpu.memory_space<vmem>>) target_semaphore(%arg11 : memref<!tpu.dma_semaphore, #tpu.memory_space<semaphore_mem>>)
        %slice3A_1864 = vector.extract_strided_slice %shift_right_logical3A_1744 {offsets = [3], sizes = [1], strides = [1]} : vector<16xi32> to vector<1xi32>
        %squeeze3A_1865 = vector.extract %slice3A_1864[0] : i32 from vector<1xi32>
        %mul3A_1866 = arith.constant 128 : i32
        %mul3A_1867 = arith.muli %squeeze3A_1865, %mul3A_1866 : i32
        %dma_start3A_1868 = arith.constant 7 : i32
        %dma_start3A_1869 = arith.constant 0 : i32
        %dma_start3A_1870 = arith.constant 0 : i32
        %dma_start3A_1871 = tpu.memref_slice %arg9[%dma_start3A_1868, %dma_start3A_1869, %dma_start3A_1870] : memref<16x32x128xf32, #tpu.memory_space<vmem>> -> memref<1x32x128xf32, #tpu.memory_space<vmem>>
        %dma_start3A_1872 = tpu.memref_squeeze %dma_start3A_1871 : memref<1x32x128xf32, #tpu.memory_space<vmem>> -> memref<32x128xf32, #tpu.memory_space<vmem>>
        %dma_start3A_1873 = arith.constant 0 : i32
        %dma_start3A_1874 = tpu.memref_slice %arg5[%dma_start3A_1873, %mul3A_1867] : memref<32x1000000xf32, #tpu.memory_space<hbm>> -> memref<32x128xf32, #tpu.memory_space<hbm>>
        %dma_start3A_1875 = arith.constant 0 : i32
        %dma_start3A_1876 = arith.constant 0 : i32
        %dma_start3A_1877 = tpu.memref_slice %arg9[%dma_start3A_1868, %dma_start3A_1875, %dma_start3A_1876] : memref<16x32x128xf32, #tpu.memory_space<vmem>> -> memref<1x32x128xf32, #tpu.memory_space<vmem>>
        %dma_start3A_1878 = tpu.memref_squeeze %dma_start3A_1877 : memref<1x32x128xf32, #tpu.memory_space<vmem>> -> memref<32x128xf32, #tpu.memory_space<vmem>>
        %dma_start3A_1879 = arith.constant 0 : i32
        %dma_start3A_1880 = tpu.memref_slice %arg5[%dma_start3A_1879, %mul3A_1867] : memref<32x1000000xf32, #tpu.memory_space<hbm>> -> memref<32x128xf32, #tpu.memory_space<hbm>>
        tpu.enqueue_dma source(%dma_start3A_1880 : memref<32x128xf32, #tpu.memory_space<hbm>>) target(%dma_start3A_1878 : memref<32x128xf32, #tpu.memory_space<vmem>>) target_semaphore(%arg11 : memref<!tpu.dma_semaphore, #tpu.memory_space<semaphore_mem>>)
      } else {
      }
      %dma_wait3A_1357 = arith.constant 8 : i32
      %dma_wait3A_1358 = arith.constant 0 : i32
      %dma_wait3A_1359 = arith.constant 0 : i32
      %dma_wait3A_1360 = tpu.memref_slice %arg9[%dma_wait3A_1357, %dma_wait3A_1358, %dma_wait3A_1359] : memref<16x32x128xf32, #tpu.memory_space<vmem>> -> memref<1x32x128xf32, #tpu.memory_space<vmem>>
      %dma_wait3A_1361 = tpu.memref_squeeze %dma_wait3A_1360 : memref<1x32x128xf32, #tpu.memory_space<vmem>> -> memref<32x128xf32, #tpu.memory_space<vmem>>
      %dma_wait3A_1362 = arith.constant 0 : i32
      %dma_wait3A_1363 = arith.constant 0 : i32
      %dma_wait3A_1364 = tpu.memref_slice %arg4[%dma_wait3A_1362, %dma_wait3A_1363] : memref<32x1000000xf32, #tpu.memory_space<hbm>> -> memref<32x128xf32, #tpu.memory_space<hbm>>
      %dma_wait3A_1365 = arith.constant 0 : i32
      %dma_wait3A_1366 = arith.constant 0 : i32
      %dma_wait3A_1367 = tpu.memref_slice %arg9[%dma_wait3A_1357, %dma_wait3A_1365, %dma_wait3A_1366] : memref<16x32x128xf32, #tpu.memory_space<vmem>> -> memref<1x32x128xf32, #tpu.memory_space<vmem>>
      %dma_wait3A_1368 = tpu.memref_squeeze %dma_wait3A_1367 : memref<1x32x128xf32, #tpu.memory_space<vmem>> -> memref<32x128xf32, #tpu.memory_space<vmem>>
      %dma_wait3A_1369 = arith.constant 0 : i32
      %dma_wait3A_1370 = arith.constant 0 : i32
      %dma_wait3A_1371 = tpu.memref_slice %arg4[%dma_wait3A_1369, %dma_wait3A_1370] : memref<32x1000000xf32, #tpu.memory_space<hbm>> -> memref<32x128xf32, #tpu.memory_space<hbm>>
      tpu.wait_dma2 semaphore(%arg12 : memref<!tpu.dma_semaphore, #tpu.memory_space<semaphore_mem>>) src(%dma_wait3A_1371 : memref<32x128xf32, #tpu.memory_space<hbm>>) dst(%dma_wait3A_1368 : memref<32x128xf32, #tpu.memory_space<vmem>>)
      %dma_wait3A_1372 = arith.constant 9 : i32
      %dma_wait3A_1373 = arith.constant 0 : i32
      %dma_wait3A_1374 = arith.constant 0 : i32
      %dma_wait3A_1375 = tpu.memref_slice %arg9[%dma_wait3A_1372, %dma_wait3A_1373, %dma_wait3A_1374] : memref<16x32x128xf32, #tpu.memory_space<vmem>> -> memref<1x32x128xf32, #tpu.memory_space<vmem>>
      %dma_wait3A_1376 = tpu.memref_squeeze %dma_wait3A_1375 : memref<1x32x128xf32, #tpu.memory_space<vmem>> -> memref<32x128xf32, #tpu.memory_space<vmem>>
      %dma_wait3A_1377 = arith.constant 0 : i32
      %dma_wait3A_1378 = arith.constant 0 : i32
      %dma_wait3A_1379 = tpu.memref_slice %arg4[%dma_wait3A_1377, %dma_wait3A_1378] : memref<32x1000000xf32, #tpu.memory_space<hbm>> -> memref<32x128xf32, #tpu.memory_space<hbm>>
      %dma_wait3A_1380 = arith.constant 0 : i32
      %dma_wait3A_1381 = arith.constant 0 : i32
      %dma_wait3A_1382 = tpu.memref_slice %arg9[%dma_wait3A_1372, %dma_wait3A_1380, %dma_wait3A_1381] : memref<16x32x128xf32, #tpu.memory_space<vmem>> -> memref<1x32x128xf32, #tpu.memory_space<vmem>>
      %dma_wait3A_1383 = tpu.memref_squeeze %dma_wait3A_1382 : memref<1x32x128xf32, #tpu.memory_space<vmem>> -> memref<32x128xf32, #tpu.memory_space<vmem>>
      %dma_wait3A_1384 = arith.constant 0 : i32
      %dma_wait3A_1385 = arith.constant 0 : i32
      %dma_wait3A_1386 = tpu.memref_slice %arg4[%dma_wait3A_1384, %dma_wait3A_1385] : memref<32x1000000xf32, #tpu.memory_space<hbm>> -> memref<32x128xf32, #tpu.memory_space<hbm>>
      tpu.wait_dma2 semaphore(%arg12 : memref<!tpu.dma_semaphore, #tpu.memory_space<semaphore_mem>>) src(%dma_wait3A_1386 : memref<32x128xf32, #tpu.memory_space<hbm>>) dst(%dma_wait3A_1383 : memref<32x128xf32, #tpu.memory_space<vmem>>)
      %dma_wait3A_1387 = arith.constant 10 : i32
      %dma_wait3A_1388 = arith.constant 0 : i32
      %dma_wait3A_1389 = arith.constant 0 : i32
      %dma_wait3A_1390 = tpu.memref_slice %arg9[%dma_wait3A_1387, %dma_wait3A_1388, %dma_wait3A_1389] : memref<16x32x128xf32, #tpu.memory_space<vmem>> -> memref<1x32x128xf32, #tpu.memory_space<vmem>>
      %dma_wait3A_1391 = tpu.memref_squeeze %dma_wait3A_1390 : memref<1x32x128xf32, #tpu.memory_space<vmem>> -> memref<32x128xf32, #tpu.memory_space<vmem>>
      %dma_wait3A_1392 = arith.constant 0 : i32
      %dma_wait3A_1393 = arith.constant 0 : i32
      %dma_wait3A_1394 = tpu.memref_slice %arg4[%dma_wait3A_1392, %dma_wait3A_1393] : memref<32x1000000xf32, #tpu.memory_space<hbm>> -> memref<32x128xf32, #tpu.memory_space<hbm>>
      %dma_wait3A_1395 = arith.constant 0 : i32
      %dma_wait3A_1396 = arith.constant 0 : i32
      %dma_wait3A_1397 = tpu.memref_slice %arg9[%dma_wait3A_1387, %dma_wait3A_1395, %dma_wait3A_1396] : memref<16x32x128xf32, #tpu.memory_space<vmem>> -> memref<1x32x128xf32, #tpu.memory_space<vmem>>
      %dma_wait3A_1398 = tpu.memref_squeeze %dma_wait3A_1397 : memref<1x32x128xf32, #tpu.memory_space<vmem>> -> memref<32x128xf32, #tpu.memory_space<vmem>>
      %dma_wait3A_1399 = arith.constant 0 : i32
      %dma_wait3A_1400 = arith.constant 0 : i32
      %dma_wait3A_1401 = tpu.memref_slice %arg4[%dma_wait3A_1399, %dma_wait3A_1400] : memref<32x1000000xf32, #tpu.memory_space<hbm>> -> memref<32x128xf32, #tpu.memory_space<hbm>>
      tpu.wait_dma2 semaphore(%arg12 : memref<!tpu.dma_semaphore, #tpu.memory_space<semaphore_mem>>) src(%dma_wait3A_1401 : memref<32x128xf32, #tpu.memory_space<hbm>>) dst(%dma_wait3A_1398 : memref<32x128xf32, #tpu.memory_space<vmem>>)
      %dma_wait3A_1402 = arith.constant 11 : i32
      %dma_wait3A_1403 = arith.constant 0 : i32
      %dma_wait3A_1404 = arith.constant 0 : i32
      %dma_wait3A_1405 = tpu.memref_slice %arg9[%dma_wait3A_1402, %dma_wait3A_1403, %dma_wait3A_1404] : memref<16x32x128xf32, #tpu.memory_space<vmem>> -> memref<1x32x128xf32, #tpu.memory_space<vmem>>
      %dma_wait3A_1406 = tpu.memref_squeeze %dma_wait3A_1405 : memref<1x32x128xf32, #tpu.memory_space<vmem>> -> memref<32x128xf32, #tpu.memory_space<vmem>>
      %dma_wait3A_1407 = arith.constant 0 : i32
      %dma_wait3A_1408 = arith.constant 0 : i32
      %dma_wait3A_1409 = tpu.memref_slice %arg4[%dma_wait3A_1407, %dma_wait3A_1408] : memref<32x1000000xf32, #tpu.memory_space<hbm>> -> memref<32x128xf32, #tpu.memory_space<hbm>>
      %dma_wait3A_1410 = arith.constant 0 : i32
      %dma_wait3A_1411 = arith.constant 0 : i32
      %dma_wait3A_1412 = tpu.memref_slice %arg9[%dma_wait3A_1402, %dma_wait3A_1410, %dma_wait3A_1411] : memref<16x32x128xf32, #tpu.memory_space<vmem>> -> memref<1x32x128xf32, #tpu.memory_space<vmem>>
      %dma_wait3A_1413 = tpu.memref_squeeze %dma_wait3A_1412 : memref<1x32x128xf32, #tpu.memory_space<vmem>> -> memref<32x128xf32, #tpu.memory_space<vmem>>
      %dma_wait3A_1414 = arith.constant 0 : i32
      %dma_wait3A_1415 = arith.constant 0 : i32
      %dma_wait3A_1416 = tpu.memref_slice %arg4[%dma_wait3A_1414, %dma_wait3A_1415] : memref<32x1000000xf32, #tpu.memory_space<hbm>> -> memref<32x128xf32, #tpu.memory_space<hbm>>
      tpu.wait_dma2 semaphore(%arg12 : memref<!tpu.dma_semaphore, #tpu.memory_space<semaphore_mem>>) src(%dma_wait3A_1416 : memref<32x128xf32, #tpu.memory_space<hbm>>) dst(%dma_wait3A_1413 : memref<32x128xf32, #tpu.memory_space<vmem>>)
      %dma_wait3A_1417 = arith.constant 12 : i32
      %dma_wait3A_1418 = arith.constant 0 : i32
      %dma_wait3A_1419 = arith.constant 0 : i32
      %dma_wait3A_1420 = tpu.memref_slice %arg9[%dma_wait3A_1417, %dma_wait3A_1418, %dma_wait3A_1419] : memref<16x32x128xf32, #tpu.memory_space<vmem>> -> memref<1x32x128xf32, #tpu.memory_space<vmem>>
      %dma_wait3A_1421 = tpu.memref_squeeze %dma_wait3A_1420 : memref<1x32x128xf32, #tpu.memory_space<vmem>> -> memref<32x128xf32, #tpu.memory_space<vmem>>
      %dma_wait3A_1422 = arith.constant 0 : i32
      %dma_wait3A_1423 = arith.constant 0 : i32
      %dma_wait3A_1424 = tpu.memref_slice %arg4[%dma_wait3A_1422, %dma_wait3A_1423] : memref<32x1000000xf32, #tpu.memory_space<hbm>> -> memref<32x128xf32, #tpu.memory_space<hbm>>
      %dma_wait3A_1425 = arith.constant 0 : i32
      %dma_wait3A_1426 = arith.constant 0 : i32
      %dma_wait3A_1427 = tpu.memref_slice %arg9[%dma_wait3A_1417, %dma_wait3A_1425, %dma_wait3A_1426] : memref<16x32x128xf32, #tpu.memory_space<vmem>> -> memref<1x32x128xf32, #tpu.memory_space<vmem>>
      %dma_wait3A_1428 = tpu.memref_squeeze %dma_wait3A_1427 : memref<1x32x128xf32, #tpu.memory_space<vmem>> -> memref<32x128xf32, #tpu.memory_space<vmem>>
      %dma_wait3A_1429 = arith.constant 0 : i32
      %dma_wait3A_1430 = arith.constant 0 : i32
      %dma_wait3A_1431 = tpu.memref_slice %arg4[%dma_wait3A_1429, %dma_wait3A_1430] : memref<32x1000000xf32, #tpu.memory_space<hbm>> -> memref<32x128xf32, #tpu.memory_space<hbm>>
      tpu.wait_dma2 semaphore(%arg12 : memref<!tpu.dma_semaphore, #tpu.memory_space<semaphore_mem>>) src(%dma_wait3A_1431 : memref<32x128xf32, #tpu.memory_space<hbm>>) dst(%dma_wait3A_1428 : memref<32x128xf32, #tpu.memory_space<vmem>>)
      %dma_wait3A_1432 = arith.constant 13 : i32
      %dma_wait3A_1433 = arith.constant 0 : i32
      %dma_wait3A_1434 = arith.constant 0 : i32
      %dma_wait3A_1435 = tpu.memref_slice %arg9[%dma_wait3A_1432, %dma_wait3A_1433, %dma_wait3A_1434] : memref<16x32x128xf32, #tpu.memory_space<vmem>> -> memref<1x32x128xf32, #tpu.memory_space<vmem>>
      %dma_wait3A_1436 = tpu.memref_squeeze %dma_wait3A_1435 : memref<1x32x128xf32, #tpu.memory_space<vmem>> -> memref<32x128xf32, #tpu.memory_space<vmem>>
      %dma_wait3A_1437 = arith.constant 0 : i32
      %dma_wait3A_1438 = arith.constant 0 : i32
      %dma_wait3A_1439 = tpu.memref_slice %arg4[%dma_wait3A_1437, %dma_wait3A_1438] : memref<32x1000000xf32, #tpu.memory_space<hbm>> -> memref<32x128xf32, #tpu.memory_space<hbm>>
      %dma_wait3A_1440 = arith.constant 0 : i32
      %dma_wait3A_1441 = arith.constant 0 : i32
      %dma_wait3A_1442 = tpu.memref_slice %arg9[%dma_wait3A_1432, %dma_wait3A_1440, %dma_wait3A_1441] : memref<16x32x128xf32, #tpu.memory_space<vmem>> -> memref<1x32x128xf32, #tpu.memory_space<vmem>>
      %dma_wait3A_1443 = tpu.memref_squeeze %dma_wait3A_1442 : memref<1x32x128xf32, #tpu.memory_space<vmem>> -> memref<32x128xf32, #tpu.memory_space<vmem>>
      %dma_wait3A_1444 = arith.constant 0 : i32
      %dma_wait3A_1445 = arith.constant 0 : i32
      %dma_wait3A_1446 = tpu.memref_slice %arg4[%dma_wait3A_1444, %dma_wait3A_1445] : memref<32x1000000xf32, #tpu.memory_space<hbm>> -> memref<32x128xf32, #tpu.memory_space<hbm>>
      tpu.wait_dma2 semaphore(%arg12 : memref<!tpu.dma_semaphore, #tpu.memory_space<semaphore_mem>>) src(%dma_wait3A_1446 : memref<32x128xf32, #tpu.memory_space<hbm>>) dst(%dma_wait3A_1443 : memref<32x128xf32, #tpu.memory_space<vmem>>)
      %dma_wait3A_1447 = arith.constant 14 : i32
      %dma_wait3A_1448 = arith.constant 0 : i32
      %dma_wait3A_1449 = arith.constant 0 : i32
      %dma_wait3A_1450 = tpu.memref_slice %arg9[%dma_wait3A_1447, %dma_wait3A_1448, %dma_wait3A_1449] : memref<16x32x128xf32, #tpu.memory_space<vmem>> -> memref<1x32x128xf32, #tpu.memory_space<vmem>>
      %dma_wait3A_1451 = tpu.memref_squeeze %dma_wait3A_1450 : memref<1x32x128xf32, #tpu.memory_space<vmem>> -> memref<32x128xf32, #tpu.memory_space<vmem>>
      %dma_wait3A_1452 = arith.constant 0 : i32
      %dma_wait3A_1453 = arith.constant 0 : i32
      %dma_wait3A_1454 = tpu.memref_slice %arg4[%dma_wait3A_1452, %dma_wait3A_1453] : memref<32x1000000xf32, #tpu.memory_space<hbm>> -> memref<32x128xf32, #tpu.memory_space<hbm>>
      %dma_wait3A_1455 = arith.constant 0 : i32
      %dma_wait3A_1456 = arith.constant 0 : i32
      %dma_wait3A_1457 = tpu.memref_slice %arg9[%dma_wait3A_1447, %dma_wait3A_1455, %dma_wait3A_1456] : memref<16x32x128xf32, #tpu.memory_space<vmem>> -> memref<1x32x128xf32, #tpu.memory_space<vmem>>
      %dma_wait3A_1458 = tpu.memref_squeeze %dma_wait3A_1457 : memref<1x32x128xf32, #tpu.memory_space<vmem>> -> memref<32x128xf32, #tpu.memory_space<vmem>>
      %dma_wait3A_1459 = arith.constant 0 : i32
      %dma_wait3A_1460 = arith.constant 0 : i32
      %dma_wait3A_1461 = tpu.memref_slice %arg4[%dma_wait3A_1459, %dma_wait3A_1460] : memref<32x1000000xf32, #tpu.memory_space<hbm>> -> memref<32x128xf32, #tpu.memory_space<hbm>>
      tpu.wait_dma2 semaphore(%arg12 : memref<!tpu.dma_semaphore, #tpu.memory_space<semaphore_mem>>) src(%dma_wait3A_1461 : memref<32x128xf32, #tpu.memory_space<hbm>>) dst(%dma_wait3A_1458 : memref<32x128xf32, #tpu.memory_space<vmem>>)
      %dma_wait3A_1462 = arith.constant 15 : i32
      %dma_wait3A_1463 = arith.constant 0 : i32
      %dma_wait3A_1464 = arith.constant 0 : i32
      %dma_wait3A_1465 = tpu.memref_slice %arg9[%dma_wait3A_1462, %dma_wait3A_1463, %dma_wait3A_1464] : memref<16x32x128xf32, #tpu.memory_space<vmem>> -> memref<1x32x128xf32, #tpu.memory_space<vmem>>
      %dma_wait3A_1466 = tpu.memref_squeeze %dma_wait3A_1465 : memref<1x32x128xf32, #tpu.memory_space<vmem>> -> memref<32x128xf32, #tpu.memory_space<vmem>>
      %dma_wait3A_1467 = arith.constant 0 : i32
      %dma_wait3A_1468 = arith.constant 0 : i32
      %dma_wait3A_1469 = tpu.memref_slice %arg4[%dma_wait3A_1467, %dma_wait3A_1468] : memref<32x1000000xf32, #tpu.memory_space<hbm>> -> memref<32x128xf32, #tpu.memory_space<hbm>>
      %dma_wait3A_1470 = arith.constant 0 : i32
      %dma_wait3A_1471 = arith.constant 0 : i32
      %dma_wait3A_1472 = tpu.memref_slice %arg9[%dma_wait3A_1462, %dma_wait3A_1470, %dma_wait3A_1471] : memref<16x32x128xf32, #tpu.memory_space<vmem>> -> memref<1x32x128xf32, #tpu.memory_space<vmem>>
      %dma_wait3A_1473 = tpu.memref_squeeze %dma_wait3A_1472 : memref<1x32x128xf32, #tpu.memory_space<vmem>> -> memref<32x128xf32, #tpu.memory_space<vmem>>
      %dma_wait3A_1474 = arith.constant 0 : i32
      %dma_wait3A_1475 = arith.constant 0 : i32
      %dma_wait3A_1476 = tpu.memref_slice %arg4[%dma_wait3A_1474, %dma_wait3A_1475] : memref<32x1000000xf32, #tpu.memory_space<hbm>> -> memref<32x128xf32, #tpu.memory_space<hbm>>
      tpu.wait_dma2 semaphore(%arg12 : memref<!tpu.dma_semaphore, #tpu.memory_space<semaphore_mem>>) src(%dma_wait3A_1476 : memref<32x128xf32, #tpu.memory_space<hbm>>) dst(%dma_wait3A_1473 : memref<32x128xf32, #tpu.memory_space<vmem>>)
      %add3A_1477 = arith.constant 3 : i32
      %add3A_1478 = arith.addi %add3A_311, %add3A_1477 : i32
      %mul3A_1479 = arith.constant 4 : i32
      %mul3A_1480 = arith.muli %add3A_1478, %mul3A_1479 : i32
      %add3A_1481 = vector.broadcast %mul3A_1480 : i32 to vector<16xi32>
      %add3A_1482 = arith.addi %and3A_4, %add3A_1481 : vector<16xi32>
      %gather3A_1483 = tpu.vector_load_idx %arg7[%add3A_1482] : memref<512xi32, #tpu.memory_space<vmem>>[vector<16xi32>], vector<16xi32>,
      %mul3A_1484 = arith.constant 4 : i32
      %mul3A_1485 = arith.muli %add3A_1478, %mul3A_1484 : i32
      %add3A_1486 = vector.broadcast %mul3A_1485 : i32 to vector<16xi32>
      %add3A_1487 = arith.addi %and3A_4, %add3A_1486 : vector<16xi32>
      %gather3A_1488 = tpu.vector_load_idx %arg8[%add3A_1487] : memref<512xi32, #tpu.memory_space<vmem>>[vector<16xi32>], vector<16xi32>,
      %and3A_1489 = arith.constant 127 : i32
      %and3A_1490 = vector.broadcast %and3A_1489 : i32 to vector<16xi32>
      %and3A_1491 = arith.andi %gather3A_1483, %and3A_1490 : vector<16xi32>
      %and3A_1492 = arith.constant 127 : i32
      %and3A_1493 = vector.broadcast %and3A_1492 : i32 to vector<16xi32>
      %and3A_1494 = arith.andi %gather3A_1488, %and3A_1493 : vector<16xi32>
      %add3A_1495 = arith.constant 8 : i32
      %add3A_1496 = vector.broadcast %add3A_1495 : i32 to vector<16xi32>
      %add3A_1497 = arith.addi %and3A_4, %add3A_1496 : vector<16xi32>
      %add3A_1498 = arith.constant 8 : i32
      %add3A_1499 = vector.broadcast %add3A_1498 : i32 to vector<16xi32>
      %add3A_1500 = arith.addi %and3A_4, %add3A_1499 : vector<16xi32>
      %add3A_1501 = arith.constant 4 : i32
      %add3A_1502 = vector.broadcast %add3A_1501 : i32 to vector<16xi32>
      %add3A_1503 = arith.addi %add3A_1500, %add3A_1502 : vector<16xi32>
      %broadcast_in_dim3A_1504 = arith.constant 0.000000e+00 : f32
      %broadcast_in_dim3A_1505 = vector.broadcast %broadcast_in_dim3A_1504 : f32 to vector<16xf32>
      %broadcast_in_dim3A_1506 = arith.constant 0 : i32
      %broadcast_in_dim3A_1507 = vector.broadcast %broadcast_in_dim3A_1506 : i32 to vector<16xi32>
      %gather3A_1508 = tpu.vector_load_idx %arg9[%add3A_1497, %broadcast_in_dim3A_1507, %and3A_1491] : memref<16x32x128xf32, #tpu.memory_space<vmem>>[vector<16xi32>, vector<16xi32>, vector<16xi32>], vector<16xf32>,
      %gather3A_1509 = tpu.vector_load_idx %arg9[%add3A_1503, %broadcast_in_dim3A_1507, %and3A_1494] : memref<16x32x128xf32, #tpu.memory_space<vmem>>[vector<16xi32>, vector<16xi32>, vector<16xi32>], vector<16xf32>,
      %mul3A_1510 = arith.mulf %gather3A_1508, %gather3A_1509 : vector<16xf32>
      %add3A_1511 = arith.addf %broadcast_in_dim3A_1505, %mul3A_1510 : vector<16xf32>
      %broadcast_in_dim3A_1512 = arith.constant 1 : i32
      %broadcast_in_dim3A_1513 = vector.broadcast %broadcast_in_dim3A_1512 : i32 to vector<16xi32>
      %gather3A_1514 = tpu.vector_load_idx %arg9[%add3A_1497, %broadcast_in_dim3A_1513, %and3A_1491] : memref<16x32x128xf32, #tpu.memory_space<vmem>>[vector<16xi32>, vector<16xi32>, vector<16xi32>], vector<16xf32>,
      %gather3A_1515 = tpu.vector_load_idx %arg9[%add3A_1503, %broadcast_in_dim3A_1513, %and3A_1494] : memref<16x32x128xf32, #tpu.memory_space<vmem>>[vector<16xi32>, vector<16xi32>, vector<16xi32>], vector<16xf32>,
      %mul3A_1516 = arith.mulf %gather3A_1514, %gather3A_1515 : vector<16xf32>
      %add3A_1517 = arith.addf %add3A_1511, %mul3A_1516 : vector<16xf32>
      %broadcast_in_dim3A_1518 = arith.constant 2 : i32
      %broadcast_in_dim3A_1519 = vector.broadcast %broadcast_in_dim3A_1518 : i32 to vector<16xi32>
      %gather3A_1520 = tpu.vector_load_idx %arg9[%add3A_1497, %broadcast_in_dim3A_1519, %and3A_1491] : memref<16x32x128xf32, #tpu.memory_space<vmem>>[vector<16xi32>, vector<16xi32>, vector<16xi32>], vector<16xf32>,
      %gather3A_1521 = tpu.vector_load_idx %arg9[%add3A_1503, %broadcast_in_dim3A_1519, %and3A_1494] : memref<16x32x128xf32, #tpu.memory_space<vmem>>[vector<16xi32>, vector<16xi32>, vector<16xi32>], vector<16xf32>,
      %mul3A_1522 = arith.mulf %gather3A_1520, %gather3A_1521 : vector<16xf32>
      %add3A_1523 = arith.addf %add3A_1517, %mul3A_1522 : vector<16xf32>
      %broadcast_in_dim3A_1524 = arith.constant 3 : i32
      %broadcast_in_dim3A_1525 = vector.broadcast %broadcast_in_dim3A_1524 : i32 to vector<16xi32>
      %gather3A_1526 = tpu.vector_load_idx %arg9[%add3A_1497, %broadcast_in_dim3A_1525, %and3A_1491] : memref<16x32x128xf32, #tpu.memory_space<vmem>>[vector<16xi32>, vector<16xi32>, vector<16xi32>], vector<16xf32>,
      %gather3A_1527 = tpu.vector_load_idx %arg9[%add3A_1503, %broadcast_in_dim3A_1525, %and3A_1494] : memref<16x32x128xf32, #tpu.memory_space<vmem>>[vector<16xi32>, vector<16xi32>, vector<16xi32>], vector<16xf32>,
      %mul3A_1528 = arith.mulf %gather3A_1526, %gather3A_1527 : vector<16xf32>
      %add3A_1529 = arith.addf %add3A_1523, %mul3A_1528 : vector<16xf32>
      %broadcast_in_dim3A_1530 = arith.constant 4 : i32
      %broadcast_in_dim3A_1531 = vector.broadcast %broadcast_in_dim3A_1530 : i32 to vector<16xi32>
      %gather3A_1532 = tpu.vector_load_idx %arg9[%add3A_1497, %broadcast_in_dim3A_1531, %and3A_1491] : memref<16x32x128xf32, #tpu.memory_space<vmem>>[vector<16xi32>, vector<16xi32>, vector<16xi32>], vector<16xf32>,
      %gather3A_1533 = tpu.vector_load_idx %arg9[%add3A_1503, %broadcast_in_dim3A_1531, %and3A_1494] : memref<16x32x128xf32, #tpu.memory_space<vmem>>[vector<16xi32>, vector<16xi32>, vector<16xi32>], vector<16xf32>,
      %mul3A_1534 = arith.mulf %gather3A_1532, %gather3A_1533 : vector<16xf32>
      %add3A_1535 = arith.addf %add3A_1529, %mul3A_1534 : vector<16xf32>
      %broadcast_in_dim3A_1536 = arith.constant 5 : i32
      %broadcast_in_dim3A_1537 = vector.broadcast %broadcast_in_dim3A_1536 : i32 to vector<16xi32>
      %gather3A_1538 = tpu.vector_load_idx %arg9[%add3A_1497, %broadcast_in_dim3A_1537, %and3A_1491] : memref<16x32x128xf32, #tpu.memory_space<vmem>>[vector<16xi32>, vector<16xi32>, vector<16xi32>], vector<16xf32>,
      %gather3A_1539 = tpu.vector_load_idx %arg9[%add3A_1503, %broadcast_in_dim3A_1537, %and3A_1494] : memref<16x32x128xf32, #tpu.memory_space<vmem>>[vector<16xi32>, vector<16xi32>, vector<16xi32>], vector<16xf32>,
      %mul3A_1540 = arith.mulf %gather3A_1538, %gather3A_1539 : vector<16xf32>
      %add3A_1541 = arith.addf %add3A_1535, %mul3A_1540 : vector<16xf32>
      %broadcast_in_dim3A_1542 = arith.constant 6 : i32
      %broadcast_in_dim3A_1543 = vector.broadcast %broadcast_in_dim3A_1542 : i32 to vector<16xi32>
      %gather3A_1544 = tpu.vector_load_idx %arg9[%add3A_1497, %broadcast_in_dim3A_1543, %and3A_1491] : memref<16x32x128xf32, #tpu.memory_space<vmem>>[vector<16xi32>, vector<16xi32>, vector<16xi32>], vector<16xf32>,
      %gather3A_1545 = tpu.vector_load_idx %arg9[%add3A_1503, %broadcast_in_dim3A_1543, %and3A_1494] : memref<16x32x128xf32, #tpu.memory_space<vmem>>[vector<16xi32>, vector<16xi32>, vector<16xi32>], vector<16xf32>,
      %mul3A_1546 = arith.mulf %gather3A_1544, %gather3A_1545 : vector<16xf32>
      %add3A_1547 = arith.addf %add3A_1541, %mul3A_1546 : vector<16xf32>
      %broadcast_in_dim3A_1548 = arith.constant 7 : i32
      %broadcast_in_dim3A_1549 = vector.broadcast %broadcast_in_dim3A_1548 : i32 to vector<16xi32>
      %gather3A_1550 = tpu.vector_load_idx %arg9[%add3A_1497, %broadcast_in_dim3A_1549, %and3A_1491] : memref<16x32x128xf32, #tpu.memory_space<vmem>>[vector<16xi32>, vector<16xi32>, vector<16xi32>], vector<16xf32>,
      %gather3A_1551 = tpu.vector_load_idx %arg9[%add3A_1503, %broadcast_in_dim3A_1549, %and3A_1494] : memref<16x32x128xf32, #tpu.memory_space<vmem>>[vector<16xi32>, vector<16xi32>, vector<16xi32>], vector<16xf32>,
      %mul3A_1552 = arith.mulf %gather3A_1550, %gather3A_1551 : vector<16xf32>
      %add3A_1553 = arith.addf %add3A_1547, %mul3A_1552 : vector<16xf32>
      %broadcast_in_dim3A_1554 = arith.constant 8 : i32
      %broadcast_in_dim3A_1555 = vector.broadcast %broadcast_in_dim3A_1554 : i32 to vector<16xi32>
      %gather3A_1556 = tpu.vector_load_idx %arg9[%add3A_1497, %broadcast_in_dim3A_1555, %and3A_1491] : memref<16x32x128xf32, #tpu.memory_space<vmem>>[vector<16xi32>, vector<16xi32>, vector<16xi32>], vector<16xf32>,
      %gather3A_1557 = tpu.vector_load_idx %arg9[%add3A_1503, %broadcast_in_dim3A_1555, %and3A_1494] : memref<16x32x128xf32, #tpu.memory_space<vmem>>[vector<16xi32>, vector<16xi32>, vector<16xi32>], vector<16xf32>,
      %mul3A_1558 = arith.mulf %gather3A_1556, %gather3A_1557 : vector<16xf32>
      %add3A_1559 = arith.addf %add3A_1553, %mul3A_1558 : vector<16xf32>
      %broadcast_in_dim3A_1560 = arith.constant 9 : i32
      %broadcast_in_dim3A_1561 = vector.broadcast %broadcast_in_dim3A_1560 : i32 to vector<16xi32>
      %gather3A_1562 = tpu.vector_load_idx %arg9[%add3A_1497, %broadcast_in_dim3A_1561, %and3A_1491] : memref<16x32x128xf32, #tpu.memory_space<vmem>>[vector<16xi32>, vector<16xi32>, vector<16xi32>], vector<16xf32>,
      %gather3A_1563 = tpu.vector_load_idx %arg9[%add3A_1503, %broadcast_in_dim3A_1561, %and3A_1494] : memref<16x32x128xf32, #tpu.memory_space<vmem>>[vector<16xi32>, vector<16xi32>, vector<16xi32>], vector<16xf32>,
      %mul3A_1564 = arith.mulf %gather3A_1562, %gather3A_1563 : vector<16xf32>
      %add3A_1565 = arith.addf %add3A_1559, %mul3A_1564 : vector<16xf32>
      %broadcast_in_dim3A_1566 = arith.constant 10 : i32
      %broadcast_in_dim3A_1567 = vector.broadcast %broadcast_in_dim3A_1566 : i32 to vector<16xi32>
      %gather3A_1568 = tpu.vector_load_idx %arg9[%add3A_1497, %broadcast_in_dim3A_1567, %and3A_1491] : memref<16x32x128xf32, #tpu.memory_space<vmem>>[vector<16xi32>, vector<16xi32>, vector<16xi32>], vector<16xf32>,
      %gather3A_1569 = tpu.vector_load_idx %arg9[%add3A_1503, %broadcast_in_dim3A_1567, %and3A_1494] : memref<16x32x128xf32, #tpu.memory_space<vmem>>[vector<16xi32>, vector<16xi32>, vector<16xi32>], vector<16xf32>,
      %mul3A_1570 = arith.mulf %gather3A_1568, %gather3A_1569 : vector<16xf32>
      %add3A_1571 = arith.addf %add3A_1565, %mul3A_1570 : vector<16xf32>
      %broadcast_in_dim3A_1572 = arith.constant 11 : i32
      %broadcast_in_dim3A_1573 = vector.broadcast %broadcast_in_dim3A_1572 : i32 to vector<16xi32>
      %gather3A_1574 = tpu.vector_load_idx %arg9[%add3A_1497, %broadcast_in_dim3A_1573, %and3A_1491] : memref<16x32x128xf32, #tpu.memory_space<vmem>>[vector<16xi32>, vector<16xi32>, vector<16xi32>], vector<16xf32>,
      %gather3A_1575 = tpu.vector_load_idx %arg9[%add3A_1503, %broadcast_in_dim3A_1573, %and3A_1494] : memref<16x32x128xf32, #tpu.memory_space<vmem>>[vector<16xi32>, vector<16xi32>, vector<16xi32>], vector<16xf32>,
      %mul3A_1576 = arith.mulf %gather3A_1574, %gather3A_1575 : vector<16xf32>
      %add3A_1577 = arith.addf %add3A_1571, %mul3A_1576 : vector<16xf32>
      %broadcast_in_dim3A_1578 = arith.constant 12 : i32
      %broadcast_in_dim3A_1579 = vector.broadcast %broadcast_in_dim3A_1578 : i32 to vector<16xi32>
      %gather3A_1580 = tpu.vector_load_idx %arg9[%add3A_1497, %broadcast_in_dim3A_1579, %and3A_1491] : memref<16x32x128xf32, #tpu.memory_space<vmem>>[vector<16xi32>, vector<16xi32>, vector<16xi32>], vector<16xf32>,
      %gather3A_1581 = tpu.vector_load_idx %arg9[%add3A_1503, %broadcast_in_dim3A_1579, %and3A_1494] : memref<16x32x128xf32, #tpu.memory_space<vmem>>[vector<16xi32>, vector<16xi32>, vector<16xi32>], vector<16xf32>,
      %mul3A_1582 = arith.mulf %gather3A_1580, %gather3A_1581 : vector<16xf32>
      %add3A_1583 = arith.addf %add3A_1577, %mul3A_1582 : vector<16xf32>
      %broadcast_in_dim3A_1584 = arith.constant 13 : i32
      %broadcast_in_dim3A_1585 = vector.broadcast %broadcast_in_dim3A_1584 : i32 to vector<16xi32>
      %gather3A_1586 = tpu.vector_load_idx %arg9[%add3A_1497, %broadcast_in_dim3A_1585, %and3A_1491] : memref<16x32x128xf32, #tpu.memory_space<vmem>>[vector<16xi32>, vector<16xi32>, vector<16xi32>], vector<16xf32>,
      %gather3A_1587 = tpu.vector_load_idx %arg9[%add3A_1503, %broadcast_in_dim3A_1585, %and3A_1494] : memref<16x32x128xf32, #tpu.memory_space<vmem>>[vector<16xi32>, vector<16xi32>, vector<16xi32>], vector<16xf32>,
      %mul3A_1588 = arith.mulf %gather3A_1586, %gather3A_1587 : vector<16xf32>
      %add3A_1589 = arith.addf %add3A_1583, %mul3A_1588 : vector<16xf32>
      %broadcast_in_dim3A_1590 = arith.constant 14 : i32
      %broadcast_in_dim3A_1591 = vector.broadcast %broadcast_in_dim3A_1590 : i32 to vector<16xi32>
      %gather3A_1592 = tpu.vector_load_idx %arg9[%add3A_1497, %broadcast_in_dim3A_1591, %and3A_1491] : memref<16x32x128xf32, #tpu.memory_space<vmem>>[vector<16xi32>, vector<16xi32>, vector<16xi32>], vector<16xf32>,
      %gather3A_1593 = tpu.vector_load_idx %arg9[%add3A_1503, %broadcast_in_dim3A_1591, %and3A_1494] : memref<16x32x128xf32, #tpu.memory_space<vmem>>[vector<16xi32>, vector<16xi32>, vector<16xi32>], vector<16xf32>,
      %mul3A_1594 = arith.mulf %gather3A_1592, %gather3A_1593 : vector<16xf32>
      %add3A_1595 = arith.addf %add3A_1589, %mul3A_1594 : vector<16xf32>
      %broadcast_in_dim3A_1596 = arith.constant 15 : i32
      %broadcast_in_dim3A_1597 = vector.broadcast %broadcast_in_dim3A_1596 : i32 to vector<16xi32>
      %gather3A_1598 = tpu.vector_load_idx %arg9[%add3A_1497, %broadcast_in_dim3A_1597, %and3A_1491] : memref<16x32x128xf32, #tpu.memory_space<vmem>>[vector<16xi32>, vector<16xi32>, vector<16xi32>], vector<16xf32>,
      %gather3A_1599 = tpu.vector_load_idx %arg9[%add3A_1503, %broadcast_in_dim3A_1597, %and3A_1494] : memref<16x32x128xf32, #tpu.memory_space<vmem>>[vector<16xi32>, vector<16xi32>, vector<16xi32>], vector<16xf32>,
      %mul3A_1600 = arith.mulf %gather3A_1598, %gather3A_1599 : vector<16xf32>
      %add3A_1601 = arith.addf %add3A_1595, %mul3A_1600 : vector<16xf32>
      %broadcast_in_dim3A_1602 = arith.constant 16 : i32
      %broadcast_in_dim3A_1603 = vector.broadcast %broadcast_in_dim3A_1602 : i32 to vector<16xi32>
      %gather3A_1604 = tpu.vector_load_idx %arg9[%add3A_1497, %broadcast_in_dim3A_1603, %and3A_1491] : memref<16x32x128xf32, #tpu.memory_space<vmem>>[vector<16xi32>, vector<16xi32>, vector<16xi32>], vector<16xf32>,
      %gather3A_1605 = tpu.vector_load_idx %arg9[%add3A_1503, %broadcast_in_dim3A_1603, %and3A_1494] : memref<16x32x128xf32, #tpu.memory_space<vmem>>[vector<16xi32>, vector<16xi32>, vector<16xi32>], vector<16xf32>,
      %mul3A_1606 = arith.mulf %gather3A_1604, %gather3A_1605 : vector<16xf32>
      %add3A_1607 = arith.addf %add3A_1601, %mul3A_1606 : vector<16xf32>
      %broadcast_in_dim3A_1608 = arith.constant 17 : i32
      %broadcast_in_dim3A_1609 = vector.broadcast %broadcast_in_dim3A_1608 : i32 to vector<16xi32>
      %gather3A_1610 = tpu.vector_load_idx %arg9[%add3A_1497, %broadcast_in_dim3A_1609, %and3A_1491] : memref<16x32x128xf32, #tpu.memory_space<vmem>>[vector<16xi32>, vector<16xi32>, vector<16xi32>], vector<16xf32>,
      %gather3A_1611 = tpu.vector_load_idx %arg9[%add3A_1503, %broadcast_in_dim3A_1609, %and3A_1494] : memref<16x32x128xf32, #tpu.memory_space<vmem>>[vector<16xi32>, vector<16xi32>, vector<16xi32>], vector<16xf32>,
      %mul3A_1612 = arith.mulf %gather3A_1610, %gather3A_1611 : vector<16xf32>
      %add3A_1613 = arith.addf %add3A_1607, %mul3A_1612 : vector<16xf32>
      %broadcast_in_dim3A_1614 = arith.constant 18 : i32
      %broadcast_in_dim3A_1615 = vector.broadcast %broadcast_in_dim3A_1614 : i32 to vector<16xi32>
      %gather3A_1616 = tpu.vector_load_idx %arg9[%add3A_1497, %broadcast_in_dim3A_1615, %and3A_1491] : memref<16x32x128xf32, #tpu.memory_space<vmem>>[vector<16xi32>, vector<16xi32>, vector<16xi32>], vector<16xf32>,
      %gather3A_1617 = tpu.vector_load_idx %arg9[%add3A_1503, %broadcast_in_dim3A_1615, %and3A_1494] : memref<16x32x128xf32, #tpu.memory_space<vmem>>[vector<16xi32>, vector<16xi32>, vector<16xi32>], vector<16xf32>,
      %mul3A_1618 = arith.mulf %gather3A_1616, %gather3A_1617 : vector<16xf32>
      %add3A_1619 = arith.addf %add3A_1613, %mul3A_1618 : vector<16xf32>
      %broadcast_in_dim3A_1620 = arith.constant 19 : i32
      %broadcast_in_dim3A_1621 = vector.broadcast %broadcast_in_dim3A_1620 : i32 to vector<16xi32>
      %gather3A_1622 = tpu.vector_load_idx %arg9[%add3A_1497, %broadcast_in_dim3A_1621, %and3A_1491] : memref<16x32x128xf32, #tpu.memory_space<vmem>>[vector<16xi32>, vector<16xi32>, vector<16xi32>], vector<16xf32>,
      %gather3A_1623 = tpu.vector_load_idx %arg9[%add3A_1503, %broadcast_in_dim3A_1621, %and3A_1494] : memref<16x32x128xf32, #tpu.memory_space<vmem>>[vector<16xi32>, vector<16xi32>, vector<16xi32>], vector<16xf32>,
      %mul3A_1624 = arith.mulf %gather3A_1622, %gather3A_1623 : vector<16xf32>
      %add3A_1625 = arith.addf %add3A_1619, %mul3A_1624 : vector<16xf32>
      %broadcast_in_dim3A_1626 = arith.constant 20 : i32
      %broadcast_in_dim3A_1627 = vector.broadcast %broadcast_in_dim3A_1626 : i32 to vector<16xi32>
      %gather3A_1628 = tpu.vector_load_idx %arg9[%add3A_1497, %broadcast_in_dim3A_1627, %and3A_1491] : memref<16x32x128xf32, #tpu.memory_space<vmem>>[vector<16xi32>, vector<16xi32>, vector<16xi32>], vector<16xf32>,
      %gather3A_1629 = tpu.vector_load_idx %arg9[%add3A_1503, %broadcast_in_dim3A_1627, %and3A_1494] : memref<16x32x128xf32, #tpu.memory_space<vmem>>[vector<16xi32>, vector<16xi32>, vector<16xi32>], vector<16xf32>,
      %mul3A_1630 = arith.mulf %gather3A_1628, %gather3A_1629 : vector<16xf32>
      %add3A_1631 = arith.addf %add3A_1625, %mul3A_1630 : vector<16xf32>
      %broadcast_in_dim3A_1632 = arith.constant 21 : i32
      %broadcast_in_dim3A_1633 = vector.broadcast %broadcast_in_dim3A_1632 : i32 to vector<16xi32>
      %gather3A_1634 = tpu.vector_load_idx %arg9[%add3A_1497, %broadcast_in_dim3A_1633, %and3A_1491] : memref<16x32x128xf32, #tpu.memory_space<vmem>>[vector<16xi32>, vector<16xi32>, vector<16xi32>], vector<16xf32>,
      %gather3A_1635 = tpu.vector_load_idx %arg9[%add3A_1503, %broadcast_in_dim3A_1633, %and3A_1494] : memref<16x32x128xf32, #tpu.memory_space<vmem>>[vector<16xi32>, vector<16xi32>, vector<16xi32>], vector<16xf32>,
      %mul3A_1636 = arith.mulf %gather3A_1634, %gather3A_1635 : vector<16xf32>
      %add3A_1637 = arith.addf %add3A_1631, %mul3A_1636 : vector<16xf32>
      %broadcast_in_dim3A_1638 = arith.constant 22 : i32
      %broadcast_in_dim3A_1639 = vector.broadcast %broadcast_in_dim3A_1638 : i32 to vector<16xi32>
      %gather3A_1640 = tpu.vector_load_idx %arg9[%add3A_1497, %broadcast_in_dim3A_1639, %and3A_1491] : memref<16x32x128xf32, #tpu.memory_space<vmem>>[vector<16xi32>, vector<16xi32>, vector<16xi32>], vector<16xf32>,
      %gather3A_1641 = tpu.vector_load_idx %arg9[%add3A_1503, %broadcast_in_dim3A_1639, %and3A_1494] : memref<16x32x128xf32, #tpu.memory_space<vmem>>[vector<16xi32>, vector<16xi32>, vector<16xi32>], vector<16xf32>,
      %mul3A_1642 = arith.mulf %gather3A_1640, %gather3A_1641 : vector<16xf32>
      %add3A_1643 = arith.addf %add3A_1637, %mul3A_1642 : vector<16xf32>
      %broadcast_in_dim3A_1644 = arith.constant 23 : i32
      %broadcast_in_dim3A_1645 = vector.broadcast %broadcast_in_dim3A_1644 : i32 to vector<16xi32>
      %gather3A_1646 = tpu.vector_load_idx %arg9[%add3A_1497, %broadcast_in_dim3A_1645, %and3A_1491] : memref<16x32x128xf32, #tpu.memory_space<vmem>>[vector<16xi32>, vector<16xi32>, vector<16xi32>], vector<16xf32>,
      %gather3A_1647 = tpu.vector_load_idx %arg9[%add3A_1503, %broadcast_in_dim3A_1645, %and3A_1494] : memref<16x32x128xf32, #tpu.memory_space<vmem>>[vector<16xi32>, vector<16xi32>, vector<16xi32>], vector<16xf32>,
      %mul3A_1648 = arith.mulf %gather3A_1646, %gather3A_1647 : vector<16xf32>
      %add3A_1649 = arith.addf %add3A_1643, %mul3A_1648 : vector<16xf32>
      %broadcast_in_dim3A_1650 = arith.constant 24 : i32
      %broadcast_in_dim3A_1651 = vector.broadcast %broadcast_in_dim3A_1650 : i32 to vector<16xi32>
      %gather3A_1652 = tpu.vector_load_idx %arg9[%add3A_1497, %broadcast_in_dim3A_1651, %and3A_1491] : memref<16x32x128xf32, #tpu.memory_space<vmem>>[vector<16xi32>, vector<16xi32>, vector<16xi32>], vector<16xf32>,
      %gather3A_1653 = tpu.vector_load_idx %arg9[%add3A_1503, %broadcast_in_dim3A_1651, %and3A_1494] : memref<16x32x128xf32, #tpu.memory_space<vmem>>[vector<16xi32>, vector<16xi32>, vector<16xi32>], vector<16xf32>,
      %mul3A_1654 = arith.mulf %gather3A_1652, %gather3A_1653 : vector<16xf32>
      %add3A_1655 = arith.addf %add3A_1649, %mul3A_1654 : vector<16xf32>
      %broadcast_in_dim3A_1656 = arith.constant 25 : i32
      %broadcast_in_dim3A_1657 = vector.broadcast %broadcast_in_dim3A_1656 : i32 to vector<16xi32>
      %gather3A_1658 = tpu.vector_load_idx %arg9[%add3A_1497, %broadcast_in_dim3A_1657, %and3A_1491] : memref<16x32x128xf32, #tpu.memory_space<vmem>>[vector<16xi32>, vector<16xi32>, vector<16xi32>], vector<16xf32>,
      %gather3A_1659 = tpu.vector_load_idx %arg9[%add3A_1503, %broadcast_in_dim3A_1657, %and3A_1494] : memref<16x32x128xf32, #tpu.memory_space<vmem>>[vector<16xi32>, vector<16xi32>, vector<16xi32>], vector<16xf32>,
      %mul3A_1660 = arith.mulf %gather3A_1658, %gather3A_1659 : vector<16xf32>
      %add3A_1661 = arith.addf %add3A_1655, %mul3A_1660 : vector<16xf32>
      %broadcast_in_dim3A_1662 = arith.constant 26 : i32
      %broadcast_in_dim3A_1663 = vector.broadcast %broadcast_in_dim3A_1662 : i32 to vector<16xi32>
      %gather3A_1664 = tpu.vector_load_idx %arg9[%add3A_1497, %broadcast_in_dim3A_1663, %and3A_1491] : memref<16x32x128xf32, #tpu.memory_space<vmem>>[vector<16xi32>, vector<16xi32>, vector<16xi32>], vector<16xf32>,
      %gather3A_1665 = tpu.vector_load_idx %arg9[%add3A_1503, %broadcast_in_dim3A_1663, %and3A_1494] : memref<16x32x128xf32, #tpu.memory_space<vmem>>[vector<16xi32>, vector<16xi32>, vector<16xi32>], vector<16xf32>,
      %mul3A_1666 = arith.mulf %gather3A_1664, %gather3A_1665 : vector<16xf32>
      %add3A_1667 = arith.addf %add3A_1661, %mul3A_1666 : vector<16xf32>
      %broadcast_in_dim3A_1668 = arith.constant 27 : i32
      %broadcast_in_dim3A_1669 = vector.broadcast %broadcast_in_dim3A_1668 : i32 to vector<16xi32>
      %gather3A_1670 = tpu.vector_load_idx %arg9[%add3A_1497, %broadcast_in_dim3A_1669, %and3A_1491] : memref<16x32x128xf32, #tpu.memory_space<vmem>>[vector<16xi32>, vector<16xi32>, vector<16xi32>], vector<16xf32>,
      %gather3A_1671 = tpu.vector_load_idx %arg9[%add3A_1503, %broadcast_in_dim3A_1669, %and3A_1494] : memref<16x32x128xf32, #tpu.memory_space<vmem>>[vector<16xi32>, vector<16xi32>, vector<16xi32>], vector<16xf32>,
      %mul3A_1672 = arith.mulf %gather3A_1670, %gather3A_1671 : vector<16xf32>
      %add3A_1673 = arith.addf %add3A_1667, %mul3A_1672 : vector<16xf32>
      %broadcast_in_dim3A_1674 = arith.constant 28 : i32
      %broadcast_in_dim3A_1675 = vector.broadcast %broadcast_in_dim3A_1674 : i32 to vector<16xi32>
      %gather3A_1676 = tpu.vector_load_idx %arg9[%add3A_1497, %broadcast_in_dim3A_1675, %and3A_1491] : memref<16x32x128xf32, #tpu.memory_space<vmem>>[vector<16xi32>, vector<16xi32>, vector<16xi32>], vector<16xf32>,
      %gather3A_1677 = tpu.vector_load_idx %arg9[%add3A_1503, %broadcast_in_dim3A_1675, %and3A_1494] : memref<16x32x128xf32, #tpu.memory_space<vmem>>[vector<16xi32>, vector<16xi32>, vector<16xi32>], vector<16xf32>,
      %mul3A_1678 = arith.mulf %gather3A_1676, %gather3A_1677 : vector<16xf32>
      %add3A_1679 = arith.addf %add3A_1673, %mul3A_1678 : vector<16xf32>
      %broadcast_in_dim3A_1680 = arith.constant 29 : i32
      %broadcast_in_dim3A_1681 = vector.broadcast %broadcast_in_dim3A_1680 : i32 to vector<16xi32>
      %gather3A_1682 = tpu.vector_load_idx %arg9[%add3A_1497, %broadcast_in_dim3A_1681, %and3A_1491] : memref<16x32x128xf32, #tpu.memory_space<vmem>>[vector<16xi32>, vector<16xi32>, vector<16xi32>], vector<16xf32>,
      %gather3A_1683 = tpu.vector_load_idx %arg9[%add3A_1503, %broadcast_in_dim3A_1681, %and3A_1494] : memref<16x32x128xf32, #tpu.memory_space<vmem>>[vector<16xi32>, vector<16xi32>, vector<16xi32>], vector<16xf32>,
      %mul3A_1684 = arith.mulf %gather3A_1682, %gather3A_1683 : vector<16xf32>
      %add3A_1685 = arith.addf %add3A_1679, %mul3A_1684 : vector<16xf32>
      %broadcast_in_dim3A_1686 = arith.constant 30 : i32
      %broadcast_in_dim3A_1687 = vector.broadcast %broadcast_in_dim3A_1686 : i32 to vector<16xi32>
      %gather3A_1688 = tpu.vector_load_idx %arg9[%add3A_1497, %broadcast_in_dim3A_1687, %and3A_1491] : memref<16x32x128xf32, #tpu.memory_space<vmem>>[vector<16xi32>, vector<16xi32>, vector<16xi32>], vector<16xf32>,
      %gather3A_1689 = tpu.vector_load_idx %arg9[%add3A_1503, %broadcast_in_dim3A_1687, %and3A_1494] : memref<16x32x128xf32, #tpu.memory_space<vmem>>[vector<16xi32>, vector<16xi32>, vector<16xi32>], vector<16xf32>,
      %mul3A_1690 = arith.mulf %gather3A_1688, %gather3A_1689 : vector<16xf32>
      %add3A_1691 = arith.addf %add3A_1685, %mul3A_1690 : vector<16xf32>
      %broadcast_in_dim3A_1692 = arith.constant 31 : i32
      %broadcast_in_dim3A_1693 = vector.broadcast %broadcast_in_dim3A_1692 : i32 to vector<16xi32>
      %gather3A_1694 = tpu.vector_load_idx %arg9[%add3A_1497, %broadcast_in_dim3A_1693, %and3A_1491] : memref<16x32x128xf32, #tpu.memory_space<vmem>>[vector<16xi32>, vector<16xi32>, vector<16xi32>], vector<16xf32>,
      %gather3A_1695 = tpu.vector_load_idx %arg9[%add3A_1503, %broadcast_in_dim3A_1693, %and3A_1494] : memref<16x32x128xf32, #tpu.memory_space<vmem>>[vector<16xi32>, vector<16xi32>, vector<16xi32>], vector<16xf32>,
      %mul3A_1696 = arith.mulf %gather3A_1694, %gather3A_1695 : vector<16xf32>
      %add3A_1697 = arith.addf %add3A_1691, %mul3A_1696 : vector<16xf32>
      %add3A_1698 = arith.constant 3 : i32
      %add3A_1699 = arith.addi %add3A_311, %add3A_1698 : i32
      %add3A_1700 = arith.constant 2 : i32
      %add3A_1701 = arith.addi %add3A_1699, %add3A_1700 : i32
      %lt3A_1702 = arith.constant 128 : i32
      %lt3A_1703 = arith.cmpi slt, %add3A_1701, %lt3A_1702 : i32
      %convert_element_type3A_1704 = arith.extui %lt3A_1703 : i1 to i32
      %cond3A_1705 = arith.constant 0 : i32
      %cond3A_1706 = arith.cmpi ne, %convert_element_type3A_1704, %cond3A_1705 : i32
      scf.if %cond3A_1706 {
        %add3A_1727 = arith.constant 2 : i32
        %add3A_1728 = arith.addi %add3A_1478, %add3A_1727 : i32
        %mul3A_1729 = arith.constant 4 : i32
        %mul3A_1730 = arith.muli %add3A_1728, %mul3A_1729 : i32
        %add3A_1731 = vector.broadcast %mul3A_1730 : i32 to vector<16xi32>
        %add3A_1732 = arith.addi %and3A_4, %add3A_1731 : vector<16xi32>
        %gather3A_1733 = tpu.vector_load_idx %arg7[%add3A_1732] : memref<512xi32, #tpu.memory_space<vmem>>[vector<16xi32>], vector<16xi32>,
        %mul3A_1734 = arith.constant 4 : i32
        %mul3A_1735 = arith.muli %add3A_1728, %mul3A_1734 : i32
        %add3A_1736 = vector.broadcast %mul3A_1735 : i32 to vector<16xi32>
        %add3A_1737 = arith.addi %and3A_4, %add3A_1736 : vector<16xi32>
        %gather3A_1738 = tpu.vector_load_idx %arg8[%add3A_1737] : memref<512xi32, #tpu.memory_space<vmem>>[vector<16xi32>], vector<16xi32>,
        %shift_right_logical3A_1739 = arith.constant 7 : i32
        %shift_right_logical3A_1740 = vector.broadcast %shift_right_logical3A_1739 : i32 to vector<16xi32>
        %shift_right_logical3A_1741 = arith.shrui %gather3A_1733, %shift_right_logical3A_1740 : vector<16xi32>
        %shift_right_logical3A_1742 = arith.constant 7 : i32
        %shift_right_logical3A_1743 = vector.broadcast %shift_right_logical3A_1742 : i32 to vector<16xi32>
        %shift_right_logical3A_1744 = arith.shrui %gather3A_1738, %shift_right_logical3A_1743 : vector<16xi32>
        %slice3A_1745 = vector.extract_strided_slice %shift_right_logical3A_1741 {offsets = [0], sizes = [1], strides = [1]} : vector<16xi32> to vector<1xi32>
        %squeeze3A_1746 = vector.extract %slice3A_1745[0] : i32 from vector<1xi32>
        %mul3A_1747 = arith.constant 128 : i32
        %mul3A_1748 = arith.muli %squeeze3A_1746, %mul3A_1747 : i32
        %dma_start3A_1749 = arith.constant 8 : i32
        %dma_start3A_1750 = arith.constant 0 : i32
        %dma_start3A_1751 = arith.constant 0 : i32
        %dma_start3A_1752 = tpu.memref_slice %arg9[%dma_start3A_1749, %dma_start3A_1750, %dma_start3A_1751] : memref<16x32x128xf32, #tpu.memory_space<vmem>> -> memref<1x32x128xf32, #tpu.memory_space<vmem>>
        %dma_start3A_1753 = tpu.memref_squeeze %dma_start3A_1752 : memref<1x32x128xf32, #tpu.memory_space<vmem>> -> memref<32x128xf32, #tpu.memory_space<vmem>>
        %dma_start3A_1754 = arith.constant 0 : i32
        %dma_start3A_1755 = tpu.memref_slice %arg4[%dma_start3A_1754, %mul3A_1748] : memref<32x1000000xf32, #tpu.memory_space<hbm>> -> memref<32x128xf32, #tpu.memory_space<hbm>>
        %dma_start3A_1756 = arith.constant 0 : i32
        %dma_start3A_1757 = arith.constant 0 : i32
        %dma_start3A_1758 = tpu.memref_slice %arg9[%dma_start3A_1749, %dma_start3A_1756, %dma_start3A_1757] : memref<16x32x128xf32, #tpu.memory_space<vmem>> -> memref<1x32x128xf32, #tpu.memory_space<vmem>>
        %dma_start3A_1759 = tpu.memref_squeeze %dma_start3A_1758 : memref<1x32x128xf32, #tpu.memory_space<vmem>> -> memref<32x128xf32, #tpu.memory_space<vmem>>
        %dma_start3A_1760 = arith.constant 0 : i32
        %dma_start3A_1761 = tpu.memref_slice %arg4[%dma_start3A_1760, %mul3A_1748] : memref<32x1000000xf32, #tpu.memory_space<hbm>> -> memref<32x128xf32, #tpu.memory_space<hbm>>
        tpu.enqueue_dma source(%dma_start3A_1761 : memref<32x128xf32, #tpu.memory_space<hbm>>) target(%dma_start3A_1759 : memref<32x128xf32, #tpu.memory_space<vmem>>) target_semaphore(%arg12 : memref<!tpu.dma_semaphore, #tpu.memory_space<semaphore_mem>>)
        %slice3A_1762 = vector.extract_strided_slice %shift_right_logical3A_1744 {offsets = [0], sizes = [1], strides = [1]} : vector<16xi32> to vector<1xi32>
        %squeeze3A_1763 = vector.extract %slice3A_1762[0] : i32 from vector<1xi32>
        %mul3A_1764 = arith.constant 128 : i32
        %mul3A_1765 = arith.muli %squeeze3A_1763, %mul3A_1764 : i32
        %dma_start3A_1766 = arith.constant 12 : i32
        %dma_start3A_1767 = arith.constant 0 : i32
        %dma_start3A_1768 = arith.constant 0 : i32
        %dma_start3A_1769 = tpu.memref_slice %arg9[%dma_start3A_1766, %dma_start3A_1767, %dma_start3A_1768] : memref<16x32x128xf32, #tpu.memory_space<vmem>> -> memref<1x32x128xf32, #tpu.memory_space<vmem>>
        %dma_start3A_1770 = tpu.memref_squeeze %dma_start3A_1769 : memref<1x32x128xf32, #tpu.memory_space<vmem>> -> memref<32x128xf32, #tpu.memory_space<vmem>>
        %dma_start3A_1771 = arith.constant 0 : i32
        %dma_start3A_1772 = tpu.memref_slice %arg5[%dma_start3A_1771, %mul3A_1765] : memref<32x1000000xf32, #tpu.memory_space<hbm>> -> memref<32x128xf32, #tpu.memory_space<hbm>>
        %dma_start3A_1773 = arith.constant 0 : i32
        %dma_start3A_1774 = arith.constant 0 : i32
        %dma_start3A_1775 = tpu.memref_slice %arg9[%dma_start3A_1766, %dma_start3A_1773, %dma_start3A_1774] : memref<16x32x128xf32, #tpu.memory_space<vmem>> -> memref<1x32x128xf32, #tpu.memory_space<vmem>>
        %dma_start3A_1776 = tpu.memref_squeeze %dma_start3A_1775 : memref<1x32x128xf32, #tpu.memory_space<vmem>> -> memref<32x128xf32, #tpu.memory_space<vmem>>
        %dma_start3A_1777 = arith.constant 0 : i32
        %dma_start3A_1778 = tpu.memref_slice %arg5[%dma_start3A_1777, %mul3A_1765] : memref<32x1000000xf32, #tpu.memory_space<hbm>> -> memref<32x128xf32, #tpu.memory_space<hbm>>
        tpu.enqueue_dma source(%dma_start3A_1778 : memref<32x128xf32, #tpu.memory_space<hbm>>) target(%dma_start3A_1776 : memref<32x128xf32, #tpu.memory_space<vmem>>) target_semaphore(%arg12 : memref<!tpu.dma_semaphore, #tpu.memory_space<semaphore_mem>>)
        %slice3A_1779 = vector.extract_strided_slice %shift_right_logical3A_1741 {offsets = [1], sizes = [1], strides = [1]} : vector<16xi32> to vector<1xi32>
        %squeeze3A_1780 = vector.extract %slice3A_1779[0] : i32 from vector<1xi32>
        %mul3A_1781 = arith.constant 128 : i32
        %mul3A_1782 = arith.muli %squeeze3A_1780, %mul3A_1781 : i32
        %dma_start3A_1783 = arith.constant 9 : i32
        %dma_start3A_1784 = arith.constant 0 : i32
        %dma_start3A_1785 = arith.constant 0 : i32
        %dma_start3A_1786 = tpu.memref_slice %arg9[%dma_start3A_1783, %dma_start3A_1784, %dma_start3A_1785] : memref<16x32x128xf32, #tpu.memory_space<vmem>> -> memref<1x32x128xf32, #tpu.memory_space<vmem>>
        %dma_start3A_1787 = tpu.memref_squeeze %dma_start3A_1786 : memref<1x32x128xf32, #tpu.memory_space<vmem>> -> memref<32x128xf32, #tpu.memory_space<vmem>>
        %dma_start3A_1788 = arith.constant 0 : i32
        %dma_start3A_1789 = tpu.memref_slice %arg4[%dma_start3A_1788, %mul3A_1782] : memref<32x1000000xf32, #tpu.memory_space<hbm>> -> memref<32x128xf32, #tpu.memory_space<hbm>>
        %dma_start3A_1790 = arith.constant 0 : i32
        %dma_start3A_1791 = arith.constant 0 : i32
        %dma_start3A_1792 = tpu.memref_slice %arg9[%dma_start3A_1783, %dma_start3A_1790, %dma_start3A_1791] : memref<16x32x128xf32, #tpu.memory_space<vmem>> -> memref<1x32x128xf32, #tpu.memory_space<vmem>>
        %dma_start3A_1793 = tpu.memref_squeeze %dma_start3A_1792 : memref<1x32x128xf32, #tpu.memory_space<vmem>> -> memref<32x128xf32, #tpu.memory_space<vmem>>
        %dma_start3A_1794 = arith.constant 0 : i32
        %dma_start3A_1795 = tpu.memref_slice %arg4[%dma_start3A_1794, %mul3A_1782] : memref<32x1000000xf32, #tpu.memory_space<hbm>> -> memref<32x128xf32, #tpu.memory_space<hbm>>
        tpu.enqueue_dma source(%dma_start3A_1795 : memref<32x128xf32, #tpu.memory_space<hbm>>) target(%dma_start3A_1793 : memref<32x128xf32, #tpu.memory_space<vmem>>) target_semaphore(%arg12 : memref<!tpu.dma_semaphore, #tpu.memory_space<semaphore_mem>>)
        %slice3A_1796 = vector.extract_strided_slice %shift_right_logical3A_1744 {offsets = [1], sizes = [1], strides = [1]} : vector<16xi32> to vector<1xi32>
        %squeeze3A_1797 = vector.extract %slice3A_1796[0] : i32 from vector<1xi32>
        %mul3A_1798 = arith.constant 128 : i32
        %mul3A_1799 = arith.muli %squeeze3A_1797, %mul3A_1798 : i32
        %dma_start3A_1800 = arith.constant 13 : i32
        %dma_start3A_1801 = arith.constant 0 : i32
        %dma_start3A_1802 = arith.constant 0 : i32
        %dma_start3A_1803 = tpu.memref_slice %arg9[%dma_start3A_1800, %dma_start3A_1801, %dma_start3A_1802] : memref<16x32x128xf32, #tpu.memory_space<vmem>> -> memref<1x32x128xf32, #tpu.memory_space<vmem>>
        %dma_start3A_1804 = tpu.memref_squeeze %dma_start3A_1803 : memref<1x32x128xf32, #tpu.memory_space<vmem>> -> memref<32x128xf32, #tpu.memory_space<vmem>>
        %dma_start3A_1805 = arith.constant 0 : i32
        %dma_start3A_1806 = tpu.memref_slice %arg5[%dma_start3A_1805, %mul3A_1799] : memref<32x1000000xf32, #tpu.memory_space<hbm>> -> memref<32x128xf32, #tpu.memory_space<hbm>>
        %dma_start3A_1807 = arith.constant 0 : i32
        %dma_start3A_1808 = arith.constant 0 : i32
        %dma_start3A_1809 = tpu.memref_slice %arg9[%dma_start3A_1800, %dma_start3A_1807, %dma_start3A_1808] : memref<16x32x128xf32, #tpu.memory_space<vmem>> -> memref<1x32x128xf32, #tpu.memory_space<vmem>>
        %dma_start3A_1810 = tpu.memref_squeeze %dma_start3A_1809 : memref<1x32x128xf32, #tpu.memory_space<vmem>> -> memref<32x128xf32, #tpu.memory_space<vmem>>
        %dma_start3A_1811 = arith.constant 0 : i32
        %dma_start3A_1812 = tpu.memref_slice %arg5[%dma_start3A_1811, %mul3A_1799] : memref<32x1000000xf32, #tpu.memory_space<hbm>> -> memref<32x128xf32, #tpu.memory_space<hbm>>
        tpu.enqueue_dma source(%dma_start3A_1812 : memref<32x128xf32, #tpu.memory_space<hbm>>) target(%dma_start3A_1810 : memref<32x128xf32, #tpu.memory_space<vmem>>) target_semaphore(%arg12 : memref<!tpu.dma_semaphore, #tpu.memory_space<semaphore_mem>>)
        %slice3A_1813 = vector.extract_strided_slice %shift_right_logical3A_1741 {offsets = [2], sizes = [1], strides = [1]} : vector<16xi32> to vector<1xi32>
        %squeeze3A_1814 = vector.extract %slice3A_1813[0] : i32 from vector<1xi32>
        %mul3A_1815 = arith.constant 128 : i32
        %mul3A_1816 = arith.muli %squeeze3A_1814, %mul3A_1815 : i32
        %dma_start3A_1817 = arith.constant 10 : i32
        %dma_start3A_1818 = arith.constant 0 : i32
        %dma_start3A_1819 = arith.constant 0 : i32
        %dma_start3A_1820 = tpu.memref_slice %arg9[%dma_start3A_1817, %dma_start3A_1818, %dma_start3A_1819] : memref<16x32x128xf32, #tpu.memory_space<vmem>> -> memref<1x32x128xf32, #tpu.memory_space<vmem>>
        %dma_start3A_1821 = tpu.memref_squeeze %dma_start3A_1820 : memref<1x32x128xf32, #tpu.memory_space<vmem>> -> memref<32x128xf32, #tpu.memory_space<vmem>>
        %dma_start3A_1822 = arith.constant 0 : i32
        %dma_start3A_1823 = tpu.memref_slice %arg4[%dma_start3A_1822, %mul3A_1816] : memref<32x1000000xf32, #tpu.memory_space<hbm>> -> memref<32x128xf32, #tpu.memory_space<hbm>>
        %dma_start3A_1824 = arith.constant 0 : i32
        %dma_start3A_1825 = arith.constant 0 : i32
        %dma_start3A_1826 = tpu.memref_slice %arg9[%dma_start3A_1817, %dma_start3A_1824, %dma_start3A_1825] : memref<16x32x128xf32, #tpu.memory_space<vmem>> -> memref<1x32x128xf32, #tpu.memory_space<vmem>>
        %dma_start3A_1827 = tpu.memref_squeeze %dma_start3A_1826 : memref<1x32x128xf32, #tpu.memory_space<vmem>> -> memref<32x128xf32, #tpu.memory_space<vmem>>
        %dma_start3A_1828 = arith.constant 0 : i32
        %dma_start3A_1829 = tpu.memref_slice %arg4[%dma_start3A_1828, %mul3A_1816] : memref<32x1000000xf32, #tpu.memory_space<hbm>> -> memref<32x128xf32, #tpu.memory_space<hbm>>
        tpu.enqueue_dma source(%dma_start3A_1829 : memref<32x128xf32, #tpu.memory_space<hbm>>) target(%dma_start3A_1827 : memref<32x128xf32, #tpu.memory_space<vmem>>) target_semaphore(%arg12 : memref<!tpu.dma_semaphore, #tpu.memory_space<semaphore_mem>>)
        %slice3A_1830 = vector.extract_strided_slice %shift_right_logical3A_1744 {offsets = [2], sizes = [1], strides = [1]} : vector<16xi32> to vector<1xi32>
        %squeeze3A_1831 = vector.extract %slice3A_1830[0] : i32 from vector<1xi32>
        %mul3A_1832 = arith.constant 128 : i32
        %mul3A_1833 = arith.muli %squeeze3A_1831, %mul3A_1832 : i32
        %dma_start3A_1834 = arith.constant 14 : i32
        %dma_start3A_1835 = arith.constant 0 : i32
        %dma_start3A_1836 = arith.constant 0 : i32
        %dma_start3A_1837 = tpu.memref_slice %arg9[%dma_start3A_1834, %dma_start3A_1835, %dma_start3A_1836] : memref<16x32x128xf32, #tpu.memory_space<vmem>> -> memref<1x32x128xf32, #tpu.memory_space<vmem>>
        %dma_start3A_1838 = tpu.memref_squeeze %dma_start3A_1837 : memref<1x32x128xf32, #tpu.memory_space<vmem>> -> memref<32x128xf32, #tpu.memory_space<vmem>>
        %dma_start3A_1839 = arith.constant 0 : i32
        %dma_start3A_1840 = tpu.memref_slice %arg5[%dma_start3A_1839, %mul3A_1833] : memref<32x1000000xf32, #tpu.memory_space<hbm>> -> memref<32x128xf32, #tpu.memory_space<hbm>>
        %dma_start3A_1841 = arith.constant 0 : i32
        %dma_start3A_1842 = arith.constant 0 : i32
        %dma_start3A_1843 = tpu.memref_slice %arg9[%dma_start3A_1834, %dma_start3A_1841, %dma_start3A_1842] : memref<16x32x128xf32, #tpu.memory_space<vmem>> -> memref<1x32x128xf32, #tpu.memory_space<vmem>>
        %dma_start3A_1844 = tpu.memref_squeeze %dma_start3A_1843 : memref<1x32x128xf32, #tpu.memory_space<vmem>> -> memref<32x128xf32, #tpu.memory_space<vmem>>
        %dma_start3A_1845 = arith.constant 0 : i32
        %dma_start3A_1846 = tpu.memref_slice %arg5[%dma_start3A_1845, %mul3A_1833] : memref<32x1000000xf32, #tpu.memory_space<hbm>> -> memref<32x128xf32, #tpu.memory_space<hbm>>
        tpu.enqueue_dma source(%dma_start3A_1846 : memref<32x128xf32, #tpu.memory_space<hbm>>) target(%dma_start3A_1844 : memref<32x128xf32, #tpu.memory_space<vmem>>) target_semaphore(%arg12 : memref<!tpu.dma_semaphore, #tpu.memory_space<semaphore_mem>>)
        %slice3A_1847 = vector.extract_strided_slice %shift_right_logical3A_1741 {offsets = [3], sizes = [1], strides = [1]} : vector<16xi32> to vector<1xi32>
        %squeeze3A_1848 = vector.extract %slice3A_1847[0] : i32 from vector<1xi32>
        %mul3A_1849 = arith.constant 128 : i32
        %mul3A_1850 = arith.muli %squeeze3A_1848, %mul3A_1849 : i32
        %dma_start3A_1851 = arith.constant 11 : i32
        %dma_start3A_1852 = arith.constant 0 : i32
        %dma_start3A_1853 = arith.constant 0 : i32
        %dma_start3A_1854 = tpu.memref_slice %arg9[%dma_start3A_1851, %dma_start3A_1852, %dma_start3A_1853] : memref<16x32x128xf32, #tpu.memory_space<vmem>> -> memref<1x32x128xf32, #tpu.memory_space<vmem>>
        %dma_start3A_1855 = tpu.memref_squeeze %dma_start3A_1854 : memref<1x32x128xf32, #tpu.memory_space<vmem>> -> memref<32x128xf32, #tpu.memory_space<vmem>>
        %dma_start3A_1856 = arith.constant 0 : i32
        %dma_start3A_1857 = tpu.memref_slice %arg4[%dma_start3A_1856, %mul3A_1850] : memref<32x1000000xf32, #tpu.memory_space<hbm>> -> memref<32x128xf32, #tpu.memory_space<hbm>>
        %dma_start3A_1858 = arith.constant 0 : i32
        %dma_start3A_1859 = arith.constant 0 : i32
        %dma_start3A_1860 = tpu.memref_slice %arg9[%dma_start3A_1851, %dma_start3A_1858, %dma_start3A_1859] : memref<16x32x128xf32, #tpu.memory_space<vmem>> -> memref<1x32x128xf32, #tpu.memory_space<vmem>>
        %dma_start3A_1861 = tpu.memref_squeeze %dma_start3A_1860 : memref<1x32x128xf32, #tpu.memory_space<vmem>> -> memref<32x128xf32, #tpu.memory_space<vmem>>
        %dma_start3A_1862 = arith.constant 0 : i32
        %dma_start3A_1863 = tpu.memref_slice %arg4[%dma_start3A_1862, %mul3A_1850] : memref<32x1000000xf32, #tpu.memory_space<hbm>> -> memref<32x128xf32, #tpu.memory_space<hbm>>
        tpu.enqueue_dma source(%dma_start3A_1863 : memref<32x128xf32, #tpu.memory_space<hbm>>) target(%dma_start3A_1861 : memref<32x128xf32, #tpu.memory_space<vmem>>) target_semaphore(%arg12 : memref<!tpu.dma_semaphore, #tpu.memory_space<semaphore_mem>>)
        %slice3A_1864 = vector.extract_strided_slice %shift_right_logical3A_1744 {offsets = [3], sizes = [1], strides = [1]} : vector<16xi32> to vector<1xi32>
        %squeeze3A_1865 = vector.extract %slice3A_1864[0] : i32 from vector<1xi32>
        %mul3A_1866 = arith.constant 128 : i32
        %mul3A_1867 = arith.muli %squeeze3A_1865, %mul3A_1866 : i32
        %dma_start3A_1868 = arith.constant 15 : i32
        %dma_start3A_1869 = arith.constant 0 : i32
        %dma_start3A_1870 = arith.constant 0 : i32
        %dma_start3A_1871 = tpu.memref_slice %arg9[%dma_start3A_1868, %dma_start3A_1869, %dma_start3A_1870] : memref<16x32x128xf32, #tpu.memory_space<vmem>> -> memref<1x32x128xf32, #tpu.memory_space<vmem>>
        %dma_start3A_1872 = tpu.memref_squeeze %dma_start3A_1871 : memref<1x32x128xf32, #tpu.memory_space<vmem>> -> memref<32x128xf32, #tpu.memory_space<vmem>>
        %dma_start3A_1873 = arith.constant 0 : i32
        %dma_start3A_1874 = tpu.memref_slice %arg5[%dma_start3A_1873, %mul3A_1867] : memref<32x1000000xf32, #tpu.memory_space<hbm>> -> memref<32x128xf32, #tpu.memory_space<hbm>>
        %dma_start3A_1875 = arith.constant 0 : i32
        %dma_start3A_1876 = arith.constant 0 : i32
        %dma_start3A_1877 = tpu.memref_slice %arg9[%dma_start3A_1868, %dma_start3A_1875, %dma_start3A_1876] : memref<16x32x128xf32, #tpu.memory_space<vmem>> -> memref<1x32x128xf32, #tpu.memory_space<vmem>>
        %dma_start3A_1878 = tpu.memref_squeeze %dma_start3A_1877 : memref<1x32x128xf32, #tpu.memory_space<vmem>> -> memref<32x128xf32, #tpu.memory_space<vmem>>
        %dma_start3A_1879 = arith.constant 0 : i32
        %dma_start3A_1880 = tpu.memref_slice %arg5[%dma_start3A_1879, %mul3A_1867] : memref<32x1000000xf32, #tpu.memory_space<hbm>> -> memref<32x128xf32, #tpu.memory_space<hbm>>
        tpu.enqueue_dma source(%dma_start3A_1880 : memref<32x128xf32, #tpu.memory_space<hbm>>) target(%dma_start3A_1878 : memref<32x128xf32, #tpu.memory_space<vmem>>) target_semaphore(%arg12 : memref<!tpu.dma_semaphore, #tpu.memory_space<semaphore_mem>>)
      } else {
      }
      %eq3A = arith.constant 0 : i32
      %eq3A_1707 = vector.broadcast %eq3A : i32 to vector<16xi32>
      %eq3A_1708 = arith.cmpi eq, %shift_right_logical3A_6, %eq3A_1707 : vector<16xi32>
      %eq3A_1709 = arith.constant 1 : i32
      %eq3A_1710 = vector.broadcast %eq3A_1709 : i32 to vector<16xi32>
      %eq3A_1711 = arith.cmpi eq, %shift_right_logical3A_6, %eq3A_1710 : vector<16xi32>
      %eq3A_1712 = arith.constant 2 : i32
      %eq3A_1713 = vector.broadcast %eq3A_1712 : i32 to vector<16xi32>
      %eq3A_1714 = arith.cmpi eq, %shift_right_logical3A_6, %eq3A_1713 : vector<16xi32>
      %select_n3A = arith.select %eq3A_1714, %add3A_1347, %add3A_1697 : vector<16xi1>, vector<16xf32>
      %select_n3A_1715 = arith.select %eq3A_1711, %add3A_997, %select_n3A : vector<16xi1>, vector<16xf32>
      %select_n3A_1716 = arith.select %eq3A_1708, %add3A_650, %select_n3A_1715 : vector<16xi1>, vector<16xf32>
      %neg3A = arith.constant 0.000000e+00 : f32
      %neg3A_1717 = vector.broadcast %neg3A : f32 to vector<16xf32>
      %neg3A_1718 = arith.subf %neg3A_1717, %select_n3A_1716 : vector<16xf32>
      %exp3A = math.exp %neg3A_1718 : vector<16xf32>
      %add3A_1719 = arith.constant 1.000000e+00 : f32
      %add3A_1720 = vector.broadcast %add3A_1719 : f32 to vector<16xf32>
      %add3A_1721 = arith.addf %add3A_1720, %exp3A : vector<16xf32>
      %div3A = arith.constant 1.000000e+01 : f32
      %div3A_1722 = vector.broadcast %div3A : f32 to vector<16xf32>
      %div3A_1723 = arith.divf %div3A_1722, %add3A_1721 : vector<16xf32>
      %mul3A_1724 = arith.constant 4 : i32
      %mul3A_1725 = arith.muli %add3A_311, %mul3A_1724 : i32
      %swap3A = arith.index_cast %mul3A_1725 : i32 to index
      %swap3A_1726 = tpu.vector_load %arg10[%swap3A] {strides = array<i32>} : memref<512xf32, #tpu.memory_space<vmem>>, vector<16xf32>,
      tpu.vector_store %arg10[%swap3A], %div3A_1723 {strides = array<i32>} : memref<512xf32, #tpu.memory_space<vmem>>, vector<16xf32>,
    }
    %scan3A_306 = arith.constant 32 : i32
    "tpu.region"() ({
      %run_scoped3A = tpu.sem_alloc : memref<!tpu.dma_semaphore, #tpu.memory_space<semaphore_mem>>
      %dma_start3A_307 = tpu.memref_slice %arg6[%mul3A_2] : memref<16384xf32, #tpu.memory_space<hbm>> -> memref<512xf32, #tpu.memory_space<hbm>>
      %dma_start3A_308 = tpu.memref_slice %arg6[%mul3A_2] : memref<16384xf32, #tpu.memory_space<hbm>> -> memref<512xf32, #tpu.memory_space<hbm>>
      tpu.enqueue_dma source(%arg10 : memref<512xf32, #tpu.memory_space<vmem>>) target(%dma_start3A_308 : memref<512xf32, #tpu.memory_space<hbm>>) target_semaphore(%run_scoped3A : memref<!tpu.dma_semaphore, #tpu.memory_space<semaphore_mem>>)
      %dma_wait3A = tpu.memref_slice %arg6[%mul3A_2] : memref<16384xf32, #tpu.memory_space<hbm>> -> memref<512xf32, #tpu.memory_space<hbm>>
      %dma_wait3A_309 = tpu.memref_slice %arg6[%mul3A_2] : memref<16384xf32, #tpu.memory_space<hbm>> -> memref<512xf32, #tpu.memory_space<hbm>>
      tpu.wait_dma2 semaphore(%run_scoped3A : memref<!tpu.dma_semaphore, #tpu.memory_space<semaphore_mem>>) src(%arg10 : memref<512xf32, #tpu.memory_space<vmem>>) dst(%dma_wait3A_309 : memref<512xf32, #tpu.memory_space<hbm>>)
      tpu.yield
    }) : () -> ()
    return
  }
}

</mosaic_0001>

<sc_bundles>
// kernel: kernel.3.cloned.1.call-start
scs
__scs_entry_jumppad:
0x0: {  	(pc) =	sbr.rel $0x88, $3  }
0x1: {  	(tag) =	ssettag $0x0;
	lr =	simm.s32 $0x1  }
0x2: {  	[smem:$0x3F9D] =	sst lr;
	_ =	strace $0xD0000000  }
0x3: {  	_ = 	snop  }
0x4: {  	_ = 	snop  }
0x5: {  	_ = 	snop  }
0x6: {  	_ = 	snop  }
0x7: {  	_ = 	snop  }
__scs_overlays_trampoline_lowered:
0x8: {  	[smem:$0x3FAC] =	sst s0  }
0x9: {  	[smem:$0x3FAD] =	sst s1  }
0xa: {  	[smem:$0x3FAE] =	sst s2  }
0xb: {  	[smem:$0x3FAF] =	sst s3  }
0xc: {  	[smem:$0x3FB0] =	sst s4  }
0xd: {  	[smem:$0x3FB1] =	sst s5  }
0xe: {  	[smem:$0x3FB2] =	sst s6  }
0xf: {  	[smem:$0x3FB3] =	sst s7  }
0x10: {  	[smem:$0x3FB4] =	sst s8  }
0x11: {  	[smem:$0x3FB5] =	sst s9;
	s0 =	simm.s32 @!p0 $0x0  }
0x12: {  	s1 =	sld [smem:$0x3F9B];
	s0 =	simm.s32 @p0 $0x1  }
0x13: {  	[smem:$0x3FB6] =	sst s0;
	s0 =	simm.s32 @!p1 $0x0  }
0x14: {  	s2 =	sld [smem:$0x3F9A];
	s0 =	simm.s32 @p1 $0x1  }
0x15: {  	[smem:$0x3FB7] =	sst s0;
	s0 =	simm.s32 @!p2 $0x0  }
0x16: {  	s3 =	sld [smem:$0x3FDB];
	s0 =	simm.s32 @p2 $0x1  }
0x17: {  	s4 =	simm.s32 $0x1BF5;
	[smem:$0x3FB9] =	sst s0  }
0x18: {  	s0 =	sld [smem:$0x3F9C];
	_ =	swait.ge [sflag:s4], $0x0  }
0x19: {  	s7 =	sld [smem:$0x3F9D]  }
0x1a: {  	s8 =	sadd.s32 $0xFFFFE003, lr  }
0x1b: {  	s9 =	sadd.s32 $0xFFFFFEF7, lr;
	s5 =	simm.s32 $0xFFFFFFFF;
	p2 =	slt.u32 s8, $0xFFFFF086  }
0x1c: {  	p1 =	slt.u32 s9, $0xF7A;
	s5 =	simm.s32 @!p2 $0x0  }
0x1d: {  	s5 =	simm.s32 @p1 $0x1;
	p0 =	seq.s32 s7, s2  }
0x1e: {  	s7 =	smul.u32 @!p0 $0xF7A, s2;
	p2 =	seq.s32 @!p0 s5, $0x0  }
0x1f: {  	s9 =	smul.u32 $0xF7A, s1;
	s8 =	simm.s32 @!p0 $0x1BF5;
	p2 =	por !p2, p0  }
0x20: {  	[sflag:s8] =	ssyncset.s32 @!p0 $0xFFFFF086;
	s6 =	sadd.s32 @!p0 s3, s7;
	s7 =	simm.s32 @!p0 $0x108  }
0x21: {  	s3 =	sadd.s32 s3, s9;
	s6 =	sadd.s32 @!p0 $0x88, s6;
	s7 =	simm.s32 @p2 $0x1082  }
0x22: {  	[simem:s7], [sflag:s8] =	dma.local @!p0 [hbm:s6], $0xF7A  }
0x23: {  	s9 =	sor.u32 $0xD0000000, s2;
	s6 =	simm.s32 $0x108;
	_ =	swait.ge @!p0 [sflag:s8], $0x0  }
0x24: {  	s3 =	sadd.s32 $0x88, s3;
	s6 =	simm.s32 @!p1 $0x1082;
	[sflag:s4] =	ssyncset.s32 $0xFFFFF086  }
0x25: {  	[simem:s6], [sflag:s4] =	dma.local [hbm:s3], $0xF7A  }
0x26: {  	[smem:$0x3F9D] =	sst s1;
	(tag) =	ssettag s2;
	_ =	strace s9  }
0x27: {  	s1 =	sld [smem:$0x3FAD]  }
0x28: {  	s2 =	sld [smem:$0x3FAE]  }
0x29: {  	s4 =	sld [smem:$0x3FB0]  }
0x2a: {  	p0 =	seq.s32 s5, $0x0;
	s5 =	sld [smem:$0x3FB1]  }
0x2b: {  	s6 =	sld [smem:$0x3FB2]  }
0x2c: {  	s7 =	sld [smem:$0x3FB3]  }
0x2d: {  	s3 =	simm.s32 $0x108;
	s8 =	sld [smem:$0x3FB4]  }
0x2e: {  	s3 =	simm.s32 @!p0 $0x1082;
	s9 =	sld [smem:$0x3FB5]  }
0x2f: {  	lr =	sadd.s32 s0, s3;
	s0 =	sld [smem:$0x3FAC]  }
0x30: {  	s3 =	sld [smem:$0x3FAF]  }
0x31: {  	[smem:$0x3FB8] =	sst s10  }
0x32: {  	s10 =	sld [smem:$0x3FB6];
	_ =	sdelay $0x3  }
0x33: {  	p0 =	seq.s32 s10, $0x1;
	s10 =	sld [smem:$0x3FB8];
	_ =	sdelay $0x3  }
0x34: {  	[smem:$0x3FB8] =	sst s10  }
0x35: {  	s10 =	sld [smem:$0x3FB7];
	_ =	sdelay $0x3  }
0x36: {  	p1 =	seq.s32 s10, $0x1;
	s10 =	sld [smem:$0x3FB8];
	_ =	sdelay $0x3  }
0x37: {  	[smem:$0x3FB8] =	sst s10  }
0x38: {  	s10 =	sld [smem:$0x3FB9]  }
0x39: {  	_ = 	snop;
	(pc) =	sbr.ind lr, $3  }
0x3a: {  	_ = 	snop  }
0x3b: {  	_ = 	snop  }
0x3c: {  	p2 =	seq.s32 s10, $0x1;
	s10 =	sld [smem:$0x3FB8]  }
0x3d: {  	_ =	shalt  }
0x3e: {  	_ =	shalt  }
0x3f: {  	_ =	shalt  }
0x40: {  	_ =	shalt  }
0x41: {  	_ =	shalt  }
0x42: {  	_ =	shalt  }
0x43: {  	_ =	shalt  }
0x44: {  	_ =	shalt  }
0x45: {  	_ =	shalt  }
0x46: {  	_ =	shalt  }
0x47: {  	_ =	shalt  }
0x48: {  	_ =	shalt  }
0x49: {  	_ =	shalt  }
0x4a: {  	_ =	shalt  }
0x4b: {  	_ =	shalt  }
0x4c: {  	_ =	shalt  }
0x4d: {  	_ =	shalt  }
0x4e: {  	_ =	shalt  }
0x4f: {  	_ =	shalt  }
0x50: {  	_ =	shalt  }
0x51: {  	_ =	shalt  }
0x52: {  	_ =	shalt  }
0x53: {  	_ =	shalt  }
0x54: {  	_ =	shalt  }
0x55: {  	_ =	shalt  }
0x56: {  	_ =	shalt  }
0x57: {  	_ =	shalt  }
0x58: {  	_ =	shalt  }
0x59: {  	_ =	shalt  }
0x5a: {  	_ =	shalt  }
0x5b: {  	_ =	shalt  }
0x5c: {  	_ =	shalt  }
0x5d: {  	_ =	shalt  }
0x5e: {  	_ =	shalt  }
0x5f: {  	_ =	shalt  }
0x60: {  	_ =	shalt  }
0x61: {  	_ =	shalt  }
0x62: {  	_ =	shalt  }
0x63: {  	_ =	shalt  }
0x64: {  	_ =	shalt  }
0x65: {  	_ =	shalt  }
0x66: {  	_ =	shalt  }
0x67: {  	_ =	shalt  }
0x68: {  	_ =	shalt  }
0x69: {  	_ =	shalt  }
0x6a: {  	_ =	shalt  }
0x6b: {  	_ =	shalt  }
0x6c: {  	_ =	shalt  }
0x6d: {  	_ =	shalt  }
0x6e: {  	_ =	shalt  }
0x6f: {  	_ =	shalt  }
0x70: {  	_ =	shalt  }
0x71: {  	_ =	shalt  }
0x72: {  	_ =	shalt  }
0x73: {  	_ =	shalt  }
0x74: {  	_ =	shalt  }
0x75: {  	_ =	shalt  }
0x76: {  	_ =	shalt  }
0x77: {  	_ =	shalt  }
0x78: {  	_ =	shalt  }
0x79: {  	_ =	shalt  }
0x7a: {  	_ =	shalt  }
0x7b: {  	_ =	shalt  }
0x7c: {  	_ =	shalt  }
0x7d: {  	_ =	shalt  }
0x7e: {  	_ =	shalt  }
0x7f: {  	_ =	shalt  }
0x80: {  	_ =	shalt  }
0x81: {  	_ =	shalt  }
0x82: {  	_ =	shalt  }
0x83: {  	_ =	shalt  }
0x84: {  	_ =	shalt  }
0x85: {  	_ =	shalt  }
0x86: {  	_ =	shalt  }
0x87: {  	_ =	shalt  }
.Lfunc_end0:
.L_simem_size_0:
called_computation_lowered:
.L_overlay_start_0:
0x88: {  	s2 =	sld [smem:$0x3FD9]  }
0x89: {  	s3 =	sld [smem:$0x3FFE];
	_ =	sdelay $0x1  }
0x8a: {  	s1 =	srdreg.scid  }
0x8b: {  	s0 =	sand.u32 $0x1, s1  }
0x8c: {  	s18 =	sshll.u32 s0, $0xA;
	s2 =	sadd.s32 s3, s2  }
0x8d: {  	s2 =	sadd.s32 s2, s18  }
0x8e: {  	[smem:$0x3FC4] =	sst s2  }
0x8f: {  	_ = 	snop  }
0x90: {  	s2 =	sld [smem:$0x3FC9]  }
0x91: {  	s19 =	sld [smem:$0x3FC8]  }
0x92: {  	s4 =	sld [smem:$0x3FC7]  }
0x93: {  	s5 =	sld [smem:$0x3FC6]  }
0x94: {  	s6 =	sld [smem:$0x3FD0];
	(tm) =	ssettm $0x1  }
0x95: {  	s7 =	sld [smem:$0x3FFB];
	_ =	sdelay $0x3  }
0x96: {  	_ =	strace s7  }
0x97: {  	s7 =	sld [smem:$0x3FFC];
	_ =	sdelay $0x3  }
0x98: {  	_ =	strace s7  }
0x99: {  	s7 =	sld [smem:$0x3FFD];
	_ =	sdelay $0x3  }
0x9a: {  	_ =	strace s7  }
0x9b: {  	_ =	strace $0x8FFFFFFF  }
0x9c: {  	s20 =	sld [smem:$0x3FDB];
	_ =	sdelay $0x1  }
0x9d: {  	s8 =	simm.s32 $_scs_section_size  }
0x9e: {  	s9 =	simm.s32 $_size__tile_overlayer_lowered;
	s10 =	simm.s32 $_tile_overlayer_lowered  }
0x9f: {  	s23 =	simm.s32 $0x1BFF;
	s22 =	sshll.u32 s10, $0x1;
	s7 =	sadd.s32 s8, s20  }
0xa0: {  	s11 =	simm.s32 $0x0;
	s21 =	sshll.u32 s9, $0x1;
	s9 =	sadd.s32 s22, s7  }
0xa1: {  	[timem:s11], [sflag:s23] =	dma.local [hbm:s9], s21  }
0xa2: {  	_ =	swait.ge [sflag:s23], s21  }
0xa3: {  	s8 =	ssub.s32 $0x0, s21;
	[sflag:s23] =	ssyncset.done $0x0  }
0xa4: {  	[sflag:s23] =	ssyncadd.s32 s8;
	_ =	sdelay $0x1  }
0xa5: {  	s24 =	simm.s32 $0x1B8B  }
0xa6: {  	_ =	swait.ge [sflag:s24], $0x1  }
0xa7: {  	[sflag:s24] =	ssyncset.done $0x0  }
0xa8: {  	s25 =	simm.s32 $0x1B8E;
	[sflag:s24] =	ssyncadd.s32 $0xFFFFFFFF  }
0xa9: {  	s26 =	simm.s32 $execute0_lowered;
	[smem:$0x3FD2] =	sst s25  }
0xaa: {  	s8 =	sshll.u32 s26, $0x1;
	_ =	strace $0x80000046;
	[dreg:$0x1] =	wrdreg $0xFFFFFFFF  }
0xab: {  	s28 =	simm.s32 $_size_execute0_lowered;
	s7 =	sadd.s32 s7, s8;
	[dreg:$0x0] =	wrdreg $0x0  }
0xac: {  	s8 =	sshll.u32 s28, $0x1;
	[dreg:$0x2] =	wrdreg s7  }
0xad: {  	[dreg:$0x3] =	wrdreg s8  }
0xae: {  	[dreg:$0x4] =	wrdreg $0xC0  }
0xaf: {  	_ =	task [dreg:s11], $0x5FFFF  }
0xb0: {  	[dreg:$0x1] =	wrdreg $0xFFFFFFFF  }
0xb1: {  	[dreg:$0x0] =	wrdreg $0x60  }
0xb2: {  	[dreg:$0x2] =	wrdreg s2  }
0xb3: {  	[dreg:$0x3] =	wrdreg s19  }
0xb4: {  	[dreg:$0x4] =	wrdreg s4  }
0xb5: {  	[dreg:$0x5] =	wrdreg s5  }
0xb6: {  	[dreg:$0x6] =	wrdreg s6  }
0xb7: {  	[dreg:$0x7] =	wrdreg $0x9  }
0xb8: {  	_ =	task.clear_ibuf [dreg:s11], $0x8FFFF;
	_ =	strace $0x90000046  }
0xb9: {  	s29 =	simm.s32 $0x9;
	_ =	strace $0x80000048  }
0xba: {  	_ =	swait.ge [sflag:s29], $0x1  }
0xbb: {  	[sflag:s29] =	ssyncadd.s32 $0xFFFFFFFF  }
0xbc: {  	_ =	strace $0x90000048  }
0xbd: {  	_ =	sfence  }
0xbe: {  	s30 =	sld [smem:$0x0];
	_ =	sdelay $0x2  }
0xbf: {  	s31 =	sshll.u32 s1, $0xD;
	s1 =	sshrl.u32 s1, $0x2  }
0xc0: {  	s3 =	sand.u32 $0x4000, s31;
	s1 =	sadd.s32 s1, s30  }
0xc1: {  	s0 =	sor.u32 s3, s0;
	s1 =	sshll.u32 s1, $0x11  }
0xc2: {  	s0 =	sor.u32 s1, s0  }
0xc3: {  	s0 =	sadd.s32 $0x8F2B, s0  }
0xc4: {  	[sflag:s0] =	ssyncadd.remote.s32 $0x1  }
0xc5: {  	_ =	sfence.sel $0xFFFF  }
0xc6: {  	[dreg:$0x0] =	wrdreg $0xFFFFFFFF;
	(pc) =	sbr.abs _section_cstart, $3  }
0xc7: {  	[dreg:$0x1] =	wrdreg $0xFFFFFFFF  }
0xc8: {  	_ =	task.clear_ibuf [dreg:s11], $0x2FFFF;
	_ =	strace $0x9FFFFFFF  }
0xc9: {  	(tm) =	ssettm $0x7FFFFFFF  }
tec
execute0_lowered:
.L_overlay_start_1:
0x0: {  	(tag) =	ssettag $0x1  }
0x1: {  	v0 =	vlaneseq.u32  }
0x2: {  	s2 =	rddreg [dreg:$0x0];
	v10 =	vand.u32 $0x3, v0  }
0x3: {  	s4 =	rddreg [dreg:$0x1];
	v62 =	vmul.u32 $0x1000, v10  }
0x4: {  	s0 =	rddreg [dreg:$0x2];
	v0 =	vor.u32 $0x4, v10  }
0x5: {  	s1 =	rddreg [dreg:$0x3];
	s3 =	simm.s32 $0x0;
	[tilespmem:$0x1FD00] =	vst v0;
	v38 =	vor.u32 $0x4600, v62  }
0x6: {  	[smem:$0x7FF] =	sst s3;
	v40 =	vor.u32 $0xE00, v62;
	[tilespmem:$0x1FD10] =	vst v38  }
0x7: {  	s5 =	rddreg [dreg:$0x4];
	_ =	strace $0x80000047;
	[tilespmem:$0x1FD20] =	vst v40  }
0x8: {  	v18 =	vor.u32 $0x4000, v62;
	[tilespmem:$0x1FD40] =	vst v10  }
0x9: {  	v19 =	vor.u32 $0x80, v62;
	[tilespmem:$0x1FD50] =	vst v18  }
0xa: {  	v20 =	vor.u32 $0x4080, v62;
	[tilespmem:$0x1FD60] =	vst v19  }
0xb: {  	v22 =	vor.u32 $0x100, v62;
	[tilespmem:$0x1FD70] =	vst v20  }
0xc: {  	v23 =	vor.u32 $0x4100, v62;
	[tilespmem:$0x1FD80] =	vst v22  }
0xd: {  	v32 =	vor.u32 $0x300, v62;
	[tilespmem:$0x1FD90] =	vst v23  }
0xe: {  	v36 =	vor.u32 $0x380, v62;
	[tilespmem:$0x1FDA0] =	vst v32  }
0xf: {  	v39 =	vor.u32 $0x4380, v62;
	[tilespmem:$0x1FDB0] =	vst v36  }
0x10: {  	v43 =	vor.u32 $0x480, v62;
	[tilespmem:$0x1FDC0] =	vst v39  }
0x11: {  	v33 =	vor.u32 $0x4300, v62;
	[tilespmem:$0x1FDD0] =	vst v43  }
0x12: {  	v51 =	vor.u32 $0x500, v62;
	[tilespmem:$0x1FDE0] =	vst v33  }
0x13: {  	v55 =	vor.u32 $0x4500, v62;
	[tilespmem:$0x1FDF0] =	vst v51  }
0x14: {  	v30 =	vor.u32 $0x4280, v62;
	[tilespmem:$0x1FE00] =	vst v55  }
0x15: {  	v28 =	vor.u32 $0x4200, v62;
	[tilespmem:$0x1FE10] =	vst v30  }
0x16: {  	v59 =	vor.u32 $0x600, v62;
	[tilespmem:$0x1FE20] =	vst v28  }
0x17: {  	v29 =	vor.u32 $0x280, v62;
	[tilespmem:$0x1FE30] =	vst v59  }
0x18: {  	v17 =	vor.u32 $0x680, v62;
	[tilespmem:$0x1FE40] =	vst v29  }
0x19: {  	v7 =	vor.u32 $0x4680, v62;
	[tilespmem:$0x1FE50] =	vst v17  }
0x1a: {  	v8 =	vor.u32 $0x700, v62;
	[tilespmem:$0x1FE60] =	vst v7  }
0x1b: {  	v9 =	vor.u32 $0x4700, v62;
	[tilespmem:$0x1FE70] =	vst v8  }
0x1c: {  	v11 =	vor.u32 $0x780, v62;
	[tilespmem:$0x1FE80] =	vst v9  }
0x1d: {  	v12 =	vor.u32 $0x4780, v62;
	[tilespmem:$0x1FE90] =	vst v11  }
0x1e: {  	v13 =	vor.u32 $0x800, v62;
	[tilespmem:$0x1FEA0] =	vst v12  }
0x1f: {  	v14 =	vor.u32 $0x4800, v62;
	[tilespmem:$0x1FEB0] =	vst v13  }
0x20: {  	v15 =	vor.u32 $0x880, v62;
	[tilespmem:$0x1FEC0] =	vst v14  }
0x21: {  	v16 =	vor.u32 $0x4880, v62;
	[tilespmem:$0x1FED0] =	vst v15  }
0x22: {  	v21 =	vor.u32 $0x900, v62;
	[tilespmem:$0x1FEE0] =	vst v16  }
0x23: {  	v27 =	vor.u32 $0x4900, v62;
	[tilespmem:$0x1FEF0] =	vst v21  }
0x24: {  	v31 =	vor.u32 $0x980, v62;
	[tilespmem:$0x1FF00] =	vst v27  }
0x25: {  	v34 =	vor.u32 $0x4980, v62;
	[tilespmem:$0x1FF10] =	vst v31  }
0x26: {  	v35 =	vor.u32 $0xA00, v62;
	[tilespmem:$0x1FF20] =	vst v34  }
0x27: {  	v37 =	vor.u32 $0x4A00, v62;
	[tilespmem:$0x1FF30] =	vst v35  }
0x28: {  	s6 =	srdreg.scid;
	s9 =	stileid.u32;
	s10 =	simm.s32 $0x7A1400;
	v42 =	vor.u32 $0x4A80, v62;
	[tilespmem:$0x1FF40] =	vst v37  }
0x29: {  	s11 =	simm.s32 $0x200;
	s12 =	simm.s32 $0x400;
	s13 =	simm.s32 $0x4400;
	v44 =	vor.u32 $0xB00, v62;
	[tilespmem:$0x1FF50] =	vst v42  }
0x2a: {  	s14 =	simm.s32 $0x1400;
	s15 =	simm.s32 $0x5400;
	s16 =	simm.s32 $0x2400;
	v45 =	vor.u32 $0x4B00, v62;
	[tilespmem:$0x1FF60] =	vst v44  }
0x2b: {  	s17 =	simm.s32 $0x6400;
	s18 =	simm.s32 $0x3400;
	s19 =	simm.s32 $0x7400;
	v46 =	vor.u32 $0xB80, v62;
	[tilespmem:$0x1FF70] =	vst v45  }
0x2c: {  	s20 =	simm.s32 $0x8400;
	s21 =	simm.s32 $0xC400;
	s22 =	simm.s32 $0x9400;
	v47 =	vor.u32 $0x4B80, v62;
	[tilespmem:$0x1FF80] =	vst v46  }
0x2d: {  	s23 =	simm.s32 $0xD400;
	s24 =	simm.s32 $0xA400;
	s6 =	sand.u32 $0x1, s6;
	v48 =	vor.u32 $0xC00, v62;
	[tilespmem:$0x1FF90] =	vst v47  }
0x2e: {  	vm0 =	vcmask $0x3F30;
	s9 =	sshll.u32 s9, $0x7;
	s7 =	ssub.s32 $0x2, s6;
	s6 =	sshll.u32 s6, $0x6;
	v49 =	vor.u32 $0x4C00, v62;
	[tilespmem:$0x1FFA0] =	vst v48  }
0x2f: {  	s28 =	simm.s32 $0xF400;
	s29 =	simm.s32 $0x1;
	vm1 =	vcmask $0x3F20;
	vm2 =	vmmov $0xf;
	s6 =	sor.u32 s6, s9;
	v26 =	vor.u32 $0x200, v62;
	[tilespmem:$0x1FFB0] =	vst v49  }
0x30: {  	s30 =	simm.s32 $0x2;
	s8 =	sshrl.u32 s7, $0x1;
	v24 =	vor.u32 $0x180, v62;
	v25 =	vor.u32 $0x4180, v62;
	v41 =	vor.u32 $0x400, v62;
	s2 =	sadd.s32 s2, s6;
	[tilespmem:$0x1FFC0] =	vst v26  }
0x31: {  	v63 =	vor.u32 $0x4400, v62;
	v50 =	vor.u32 $0x4480, v62;
	v57 =	vor.u32 $0x580, v62;
	s7 =	ssub.s32 s7, s8;
	s25 =	sadd.s32 s4, s6;
	[dreg:$0x6] =	wrdreg s2;
	[tilespmem:$0x1FFD0] =	vst v24  }
0x32: {  	v58 =	vor.u32 $0x4580, v62;
	s26 =	sadd.s32 s5, s6;
	s4 =	simm.s32 $0x3;
	v52 =	vor.u32 $0xC80, v62;
	v53 =	vor.u32 $0x4C80, v62;
	[dreg:$0x7] =	wrdreg s25;
	[tilespmem:$0x1FFE0] =	vst v25  }
0x33: {  	v54 =	vor.u32 $0xD00, v62;
	v56 =	vor.u32 $0x4D00, v62;
	s5 =	simm.s32 $0x0;
	s31 =	smax.u32 s7, $0x1;
	[dreg:$0x8] =	wrdreg s26;
	v40 =	vor.u32 $0x4E00, v62;
	[tilespmem:$0x1FFF0] =	vst v63  }
0x34: {  	v60 =	vor.u32 $0xD80, v62;
	v61 =	vor.u32 $0x4D80, v62;
	v38 =	vor.u32 $0xA80, v62;
	[dreg:$0x9] =	wrdreg s31;
	s25 =	simm.s32 $0xE400;
	s26 =	simm.s32 $0xB400;
	[tilespmem:$0x1FD30] =	vst v40  }
.LBB2_1:
0x35: {  	[dreg:$0xa] =	wrdreg s5  }
0x36: {  	s2 =	rddreg [dreg:$0x6]  }
0x37: {  	[tilespmem:s3], [sflag:$0x3] =	stream.linear.gather [hbm4b:s2+s3], $0x200, $0x38;
	[tilespmem:$0x10600] =	vst v63  }
0x38: {  	_ =	swait.ge [sflag:s4], $0x200  }
0x39: {  	[sflag:s4] =	ssyncset.done $0x0  }
0x3a: {  	s6 =	rddreg [dreg:$0x7];
	[sflag:s4] =	ssyncadd.s32 $0xFFFFFE00  }
0x3b: {  	[tilespmem:s11], [sflag:$0x3] =	stream.linear.gather [hbm4b:s6+s3], $0x200, $0x38;
	[tilespmem:$0x10600] =	vst v63  }
0x3c: {  	_ =	swait.ge [sflag:s4], $0x200  }
0x3d: {  	[sflag:s4] =	ssyncset.done $0x0  }
0x3e: {  	[sflag:s4] =	ssyncadd.s32 $0xFFFFFE00  }
0x3f: {  	v0 =	vld.idx.msk [tilespmem:v10+s3+$0x0], $0xffff;
	_ =	sdelay $0x1  }
0x40: {  	v1 =	vld.idx.msk [tilespmem:v10+s11+$0x0], $0xffff;
	_ =	sdelay $0x2  }
0x41: {  	v0 =	vshrl.u32 v0, $0x7  }
0x42: {  	v0 =	vshll.u32 v0, $0x7  }
0x43: {  	v1 =	vshrl.u32 v1, $0x7;
	(v2sf) =	vpush v0, $0x0  }
0x44: {  	v1 =	vshll.u32 v1, $0x7  }
0x45: {  	(v2sf) =	vpush v1, $0x0;
	_ =	sdelay $0x1  }
0x46: {  	(v2sf) =	vpush v0, $0x1;
	_ =	sdelay $0x5  }
0x47: {  	(v2sf) =	vpush v1, $0x1;
	_ =	sdelay $0x4  }
0x48: {  	s7 =	spop (v2sf);
	(v2sf) =	vpush v0, $0x2;
	_ =	sdelay $0x1  }
0x49: {  	s8 =	spop (v2sf);
	(v2sf) =	vpush v1, $0x2  }
0x4a: {  	s4 =	sand.u32 $0x1FFFFF80, s7  }
0x4b: {  	s4 =	sadd.s32 s0, s4;
	s9 =	spop (v2sf)  }
0x4c: {  	(v2sf) =	vpush v0, $0x3;
	[tilespmem:s12], [sflag:$0x1] =	stream.strided.gather [hbm4b:s4+s12], $0x1000, s10, s12, $0x38;
	[tilespmem:$0x10600] =	vst v63  }
0x4d: {  	s4 =	sand.u32 $0x1FFFFF80, s8  }
0x4e: {  	s4 =	sadd.s32 s1, s4  }
0x4f: {  	(v2sf) =	vpush v1, $0x3;
	[tilespmem:s13], [sflag:$0x1] =	stream.strided.gather [hbm4b:s4+s12], $0x1000, s10, s12, $0x38;
	[tilespmem:$0x10600] =	vst v63  }
0x50: {  	s4 =	sand.u32 $0x1FFFFF80, s9  }
0x51: {  	s2 =	spop (v2sf);
	s4 =	sadd.s32 s0, s4  }
0x52: {  	[tilespmem:s14], [sflag:$0x1] =	stream.strided.gather [hbm4b:s4+s12], $0x1000, s10, s12, $0x38;
	[tilespmem:$0x10600] =	vst v63  }
0x53: {  	s4 =	sand.u32 $0x1FFFFF80, s2  }
0x54: {  	s4 =	sadd.s32 s1, s4  }
0x55: {  	[tilespmem:s15], [sflag:$0x1] =	stream.strided.gather [hbm4b:s4+s12], $0x1000, s10, s12, $0x38;
	[tilespmem:$0x10600] =	vst v63  }
0x56: {  	s5 =	spop (v2sf)  }
0x57: {  	s4 =	sand.u32 $0x1FFFFF80, s5  }
0x58: {  	s6 =	spop (v2sf);
	s4 =	sadd.s32 s0, s4  }
0x59: {  	[tilespmem:s16], [sflag:$0x1] =	stream.strided.gather [hbm4b:s4+s12], $0x1000, s10, s12, $0x38;
	[tilespmem:$0x10600] =	vst v63  }
0x5a: {  	s4 =	sand.u32 $0x1FFFFF80, s6  }
0x5b: {  	v1 =	vld [tilespmem:$0x1FD00];
	s7 =	spop (v2sf);
	s4 =	sadd.s32 s1, s4  }
0x5c: {  	[tilespmem:s17], [sflag:$0x1] =	stream.strided.gather [hbm4b:s4+s12], $0x1000, s10, s12, $0x38;
	[tilespmem:$0x10600] =	vst v63  }
0x5d: {  	s4 =	sand.u32 $0x1FFFFF80, s7  }
0x5e: {  	s8 =	spop (v2sf);
	s4 =	sadd.s32 s0, s4  }
0x5f: {  	[tilespmem:s18], [sflag:$0x1] =	stream.strided.gather [hbm4b:s4+s12], $0x1000, s10, s12, $0x38;
	[tilespmem:$0x10600] =	vst v63  }
0x60: {  	s4 =	sand.u32 $0x1FFFFF80, s8  }
0x61: {  	s4 =	sadd.s32 s1, s4  }
0x62: {  	[tilespmem:s19], [sflag:$0x1] =	stream.strided.gather [hbm4b:s4+s12], $0x1000, s10, s12, $0x38;
	[tilespmem:$0x10600] =	vst v63  }
0x63: {  	v40 =	vld.idx.msk [tilespmem:v1+s3+$0x0], $0xffff  }
0x64: {  	v1 =	vld.idx.msk [tilespmem:v1+s11+$0x0], $0xffff;
	_ =	sdelay $0x3  }
0x65: {  	v0 =	vshrl.u32 v40, $0x7  }
0x66: {  	v1 =	vshrl.u32 v1, $0x7;
	v0 =	vshll.u32 v0, $0x7  }
0x67: {  	v1 =	vshll.u32 v1, $0x7;
	(v2sf) =	vpush v0, $0x0  }
0x68: {  	(v2sf) =	vpush v1, $0x0;
	_ =	sdelay $0x1  }
0x69: {  	(v2sf) =	vpush v0, $0x1;
	_ =	sdelay $0x4  }
0x6a: {  	(v2sf) =	vpush v1, $0x1  }
0x6b: {  	(v2sf) =	vpush v0, $0x2;
	_ =	sdelay $0x5  }
0x6c: {  	s9 =	spop (v2sf);
	(v2sf) =	vpush v1, $0x2  }
0x6d: {  	s2 =	spop (v2sf);
	(v2sf) =	vpush v0, $0x3  }
0x6e: {  	s4 =	sand.u32 $0x1FFFFF80, s9  }
0x6f: {  	s4 =	sadd.s32 s0, s4;
	s5 =	spop (v2sf)  }
0x70: {  	(v2sf) =	vpush v1, $0x3;
	[tilespmem:s20], [sflag:$0x2] =	stream.strided.gather [hbm4b:s4+s12], $0x1000, s10, s12, $0x38;
	[tilespmem:$0x10600] =	vst v63  }
0x71: {  	s4 =	sand.u32 $0x1FFFFF80, s2  }
0x72: {  	s4 =	sadd.s32 s1, s4  }
0x73: {  	[tilespmem:s21], [sflag:$0x2] =	stream.strided.gather [hbm4b:s4+s12], $0x1000, s10, s12, $0x38;
	[tilespmem:$0x10600] =	vst v63  }
0x74: {  	s6 =	spop (v2sf);
	s4 =	sand.u32 $0x1FFFFF80, s5  }
0x75: {  	s7 =	sand.u32 $0x1FFFFF80, s6;
	s8 =	spop (v2sf);
	s4 =	sadd.s32 s0, s4  }
0x76: {  	[tilespmem:s22], [sflag:$0x2] =	stream.strided.gather [hbm4b:s4+s12], $0x1000, s10, s12, $0x38;
	[tilespmem:$0x10600] =	vst v63  }
0x77: {  	s9 =	sand.u32 $0x1FFFFF80, s8;
	s4 =	sadd.s32 s1, s7  }
0x78: {  	[tilespmem:s23], [sflag:$0x2] =	stream.strided.gather [hbm4b:s4+s12], $0x1000, s10, s12, $0x38;
	[tilespmem:$0x10600] =	vst v63  }
0x79: {  	s4 =	sadd.s32 s0, s9  }
0x7a: {  	[tilespmem:s24], [sflag:$0x2] =	stream.strided.gather [hbm4b:s4+s12], $0x1000, s10, s12, $0x38;
	[tilespmem:$0x10600] =	vst v63  }
0x7b: {  	s2 =	spop (v2sf)  }
0x7c: {  	s6 =	sand.u32 $0x1FFFFF80, s2;
	s7 =	spop (v2sf)  }
0x7d: {  	s4 =	sadd.s32 s1, s6;
	s8 =	sand.u32 $0x1FFFFF80, s7  }
0x7e: {  	[tilespmem:s25], [sflag:$0x2] =	stream.strided.gather [hbm4b:s4+s12], $0x1000, s10, s12, $0x38;
	[tilespmem:$0x10600] =	vst v63  }
0x7f: {  	s9 =	spop (v2sf);
	s4 =	sadd.s32 s0, s8  }
0x80: {  	[tilespmem:s26], [sflag:$0x2] =	stream.strided.gather [hbm4b:s4+s12], $0x1000, s10, s12, $0x38;
	[tilespmem:$0x10600] =	vst v63  }
0x81: {  	s4 =	sand.u32 $0x1FFFFF80, s9  }
0x82: {  	s4 =	sadd.s32 s1, s4  }
0x83: {  	[tilespmem:s28], [sflag:$0x2] =	stream.strided.gather [hbm4b:s4+s12], $0x1000, s10, s12, $0x38;
	[tilespmem:$0x10600] =	vst v63  }
0x84: {  	s31 =	simm.s32 $0x0;
	s4 =	simm.s32 $0x10400  }
.LBB2_2:
0x85: {  	_ =	swait.ge [sflag:s29], $0x1000  }
0x86: {  	[sflag:s29] =	ssyncset.done $0x0  }
0x87: {  	[sflag:s29] =	ssyncadd.s32 $0xFFFFF000  }
0x88: {  	_ =	swait.ge [sflag:s29], $0x1000  }
0x89: {  	[sflag:s29] =	ssyncset.done $0x0  }
0x8a: {  	[sflag:s29] =	ssyncadd.s32 $0xFFFFF000  }
0x8b: {  	_ =	swait.ge [sflag:s29], $0x1000  }
0x8c: {  	[sflag:s29] =	ssyncset.done $0x0  }
0x8d: {  	[sflag:s29] =	ssyncadd.s32 $0xFFFFF000  }
0x8e: {  	_ =	swait.ge [sflag:s29], $0x1000  }
0x8f: {  	[sflag:s29] =	ssyncset.done $0x0  }
0x90: {  	[sflag:s29] =	ssyncadd.s32 $0xFFFFF000  }
0x91: {  	_ =	swait.ge [sflag:s29], $0x1000  }
0x92: {  	[sflag:s29] =	ssyncset.done $0x0  }
0x93: {  	[sflag:s29] =	ssyncadd.s32 $0xFFFFF000  }
0x94: {  	_ =	swait.ge [sflag:s29], $0x1000  }
0x95: {  	[sflag:s29] =	ssyncset.done $0x0  }
0x96: {  	[sflag:s29] =	ssyncadd.s32 $0xFFFFF000  }
0x97: {  	_ =	swait.ge [sflag:s29], $0x1000  }
0x98: {  	v0 =	vor.u32 s31, v10;
	[sflag:s29] =	ssyncset.done $0x0  }
0x99: {  	[sflag:s29] =	ssyncadd.s32 $0xFFFFF000  }
0x9a: {  	_ =	swait.ge [sflag:s29], $0x1000  }
0x9b: {  	[sflag:s29] =	ssyncset.done $0x0  }
0x9c: {  	[sflag:s29] =	ssyncadd.s32 $0xFFFFF000  }
0x9d: {  	v1 =	vld.idx.msk [tilespmem:v0+s3+$0x0], $0xffff  }
0x9e: {  	v0 =	vld.idx.msk [tilespmem:v0+s11+$0x0], $0xffff;
	_ =	sdelay $0x3  }
0x9f: {  	v1 =	vand.u32 $0x7F, v1  }
0xa0: {  	v0 =	vand.u32 $0x7F, v0;
	v4 =	vor.u32 v19, v1  }
0xa1: {  	v5 =	vor.u32 v20, v0;
	_ =	sdelay $0x3  }
0xa2: {  	v4 =	vld.idx.msk [tilespmem:v4+s12+$0x0], $0xffff  }
0xa3: {  	v5 =	vld.idx.msk [tilespmem:v5+s12+$0x0], $0xffff;
	_ =	sdelay $0x3  }
0xa4: {  	[tilespmem:$0x1EF70] =	vst v4;
	v4 =	vor.u32 v25, v0  }
0xa5: {  	[tilespmem:$0x1EF80] =	vst v5;
	v5 =	vor.u32 v26, v1;
	_ =	sdelay $0x2  }
0xa6: {  	v6 =	vor.u32 v22, v1  }
0xa7: {  	v4 =	vld.idx.msk [tilespmem:v4+s12+$0x0], $0xffff  }
0xa8: {  	v5 =	vld.idx.msk [tilespmem:v5+s12+$0x0], $0xffff;
	_ =	sdelay $0x2  }
0xa9: {  	v6 =	vld.idx.msk [tilespmem:v6+s12+$0x0], $0xffff  }
0xaa: {  	[tilespmem:$0x1EFC0] =	vst v4;
	v4 =	vor.u32 v32, v1  }
0xab: {  	[tilespmem:$0x1EFD0] =	vst v5;
	v5 =	vor.u32 v33, v0;
	_ =	sdelay $0x2  }
0xac: {  	[tilespmem:$0x1EF90] =	vst v6;
	v6 =	vor.u32 v28, v0  }
0xad: {  	v4 =	vld.idx.msk [tilespmem:v4+s12+$0x0], $0xffff  }
0xae: {  	v3 =	vor.u32 v18, v0;
	v5 =	vld.idx.msk [tilespmem:v5+s12+$0x0], $0xffff;
	_ =	sdelay $0x2  }
0xaf: {  	v6 =	vld.idx.msk [tilespmem:v6+s12+$0x0], $0xffff  }
0xb0: {  	[tilespmem:$0x1F030] =	vst v4;
	v4 =	vor.u32 v63, v0  }
0xb1: {  	v3 =	vld.idx.msk [tilespmem:v3+s12+$0x0], $0xffff;
	[tilespmem:$0x1F040] =	vst v5;
	v5 =	vor.u32 v43, v1;
	_ =	sdelay $0x1  }
0xb2: {  	v2 =	vor.u32 v62, v1  }
0xb3: {  	[tilespmem:$0x1EFE0] =	vst v6;
	v6 =	vor.u32 v36, v1  }
0xb4: {  	v4 =	vld.idx.msk [tilespmem:v4+s12+$0x0], $0xffff  }
0xb5: {  	[tilespmem:$0x1EF60] =	vst v3;
	v3 =	vor.u32 v24, v1;
	v5 =	vld.idx.msk [tilespmem:v5+s12+$0x0], $0xffff;
	_ =	sdelay $0x1  }
0xb6: {  	v40 =	vor.u32 v23, v0;
	v2 =	vld.idx.msk [tilespmem:v2+s12+$0x0], $0xffff  }
0xb7: {  	v6 =	vld.idx.msk [tilespmem:v6+s12+$0x0], $0xffff  }
0xb8: {  	[tilespmem:$0x1F0C0] =	vst v4;
	v4 =	vor.u32 v57, v1  }
0xb9: {  	v3 =	vld.idx.msk [tilespmem:v3+s12+$0x0], $0xffff;
	[tilespmem:$0x1F0F0] =	vst v5;
	v5 =	vor.u32 v58, v0;
	_ =	sdelay $0x1  }
0xba: {  	[tilespmem:$0x1EF50] =	vst v2;
	v2 =	vld.idx.msk [tilespmem:v40+s12+$0x0], $0xffff;
	v40 =	vor.u32 v29, v1  }
0xbb: {  	[tilespmem:$0x1F070] =	vst v6;
	v6 =	vor.u32 v50, v0  }
0xbc: {  	v4 =	vld.idx.msk [tilespmem:v4+s12+$0x0], $0xffff  }
0xbd: {  	[tilespmem:$0x1EFB0] =	vst v3;
	v3 =	vor.u32 v30, v0;
	v5 =	vld.idx.msk [tilespmem:v5+s12+$0x0], $0xffff;
	_ =	sdelay $0x1  }
0xbe: {  	[tilespmem:$0x1EFA0] =	vst v2;
	v2 =	vld.idx.msk [tilespmem:v40+s12+$0x0], $0xffff  }
0xbf: {  	v40 =	vor.u32 v39, v0;
	v6 =	vld.idx.msk [tilespmem:v6+s12+$0x0], $0xffff  }
0xc0: {  	[tilespmem:$0x1F170] =	vst v4;
	v4 =	vor.u32 v7, v0  }
0xc1: {  	v3 =	vld.idx.msk [tilespmem:v3+s12+$0x0], $0xffff;
	[tilespmem:$0x1F180] =	vst v5;
	v5 =	vor.u32 v8, v1;
	_ =	sdelay $0x1  }
0xc2: {  	[tilespmem:$0x1EFF0] =	vst v2  }
0xc3: {  	v2 =	vld.idx.msk [tilespmem:v40+s12+$0x0], $0xffff;
	[tilespmem:$0x1F100] =	vst v6;
	v6 =	vor.u32 v59, v1  }
0xc4: {  	v40 =	vor.u32 v51, v1;
	v4 =	vld.idx.msk [tilespmem:v4+s12+$0x0], $0xffff  }
0xc5: {  	[tilespmem:$0x1F000] =	vst v3;
	v3 =	vor.u32 v41, v1;
	v5 =	vld.idx.msk [tilespmem:v5+s12+$0x0], $0xffff;
	_ =	sdelay $0x2  }
0xc6: {  	[tilespmem:$0x1F080] =	vst v2;
	v6 =	vld.idx.msk [tilespmem:v6+s12+$0x0], $0xffff  }
0xc7: {  	v2 =	vld.idx.msk [tilespmem:v40+s12+$0x0], $0xffff;
	[tilespmem:$0x1F200] =	vst v4;
	v4 =	vor.u32 v13, v1  }
0xc8: {  	v3 =	vld.idx.msk [tilespmem:v3+s12+$0x0], $0xffff;
	[tilespmem:$0x1F230] =	vst v5;
	v5 =	vor.u32 v14, v0  }
0xc9: {  	v40 =	vld [tilespmem:$0x1FD10];
	_ =	sdelay $0x1  }
0xca: {  	[tilespmem:$0x1F1B0] =	vst v6;
	v6 =	vor.u32 v9, v0  }
0xcb: {  	v4 =	vld.idx.msk [tilespmem:v4+s12+$0x0], $0xffff  }
0xcc: {  	[tilespmem:$0x1F0B0] =	vst v3;
	v3 =	vor.u32 v55, v0;
	v5 =	vld.idx.msk [tilespmem:v5+s12+$0x0], $0xffff  }
0xcd: {  	[tilespmem:$0x1F130] =	vst v2;
	v2 =	vor.u32 v40, v0;
	_ =	sdelay $0x1  }
0xce: {  	v6 =	vld.idx.msk [tilespmem:v6+s12+$0x0], $0xffff  }
0xcf: {  	[tilespmem:$0x1F2B0] =	vst v4;
	v4 =	vor.u32 v27, v0  }
0xd0: {  	v3 =	vld.idx.msk [tilespmem:v3+s12+$0x0], $0xffff;
	[tilespmem:$0x1F2C0] =	vst v5;
	v5 =	vor.u32 v31, v1  }
0xd1: {  	v2 =	vld.idx.msk [tilespmem:v2+s12+$0x0], $0xffff;
	_ =	sdelay $0x1  }
0xd2: {  	[tilespmem:$0x1F240] =	vst v6;
	v6 =	vor.u32 v15, v1  }
0xd3: {  	v7 =	vor.u32 v35, v1;
	v35 =	vld.idx.msk [tilespmem:v4+s12+$0x0], $0xffff  }
0xd4: {  	[tilespmem:$0x1F140] =	vst v3;
	v3 =	vor.u32 v17, v1;
	v4 =	vld.idx.msk [tilespmem:v5+s12+$0x0], $0xffff  }
0xd5: {  	[tilespmem:$0x1F1C0] =	vst v2;
	v2 =	vor.u32 v11, v1;
	_ =	sdelay $0x1  }
0xd6: {  	v6 =	vld.idx.msk [tilespmem:v6+s12+$0x0], $0xffff;
	_ =	sdelay $0x1  }
0xd7: {  	v3 =	vld.idx.msk [tilespmem:v3+s12+$0x0], $0xffff;
	[tilespmem:$0x1F370] =	vst v4;
	v4 =	vor.u32 v38, v1  }
0xd8: {  	v2 =	vld.idx.msk [tilespmem:v2+s12+$0x0], $0xffff;
	_ =	sdelay $0x1  }
0xd9: {  	[tilespmem:$0x1F2F0] =	vst v6;
	v6 =	vor.u32 v34, v0;
	_ =	sdelay $0x1  }
0xda: {  	[tilespmem:$0x1F1F0] =	vst v3;
	v3 =	vor.u32 v12, v0;
	v4 =	vld.idx.msk [tilespmem:v4+s12+$0x0], $0xffff  }
0xdb: {  	[tilespmem:$0x1F270] =	vst v2;
	v2 =	vor.u32 v16, v0;
	_ =	sdelay $0x1  }
0xdc: {  	v5 =	vld.idx.msk [tilespmem:v6+s12+$0x0], $0xffff;
	_ =	sdelay $0x1  }
0xdd: {  	v3 =	vld.idx.msk [tilespmem:v3+s12+$0x0], $0xffff;
	[tilespmem:$0x1F3F0] =	vst v4;
	v4 =	vor.u32 v46, v1  }
0xde: {  	v2 =	vld.idx.msk [tilespmem:v2+s12+$0x0], $0xffff;
	_ =	sdelay $0x1  }
0xdf: {  	[tilespmem:$0x1F380] =	vst v5;
	v5 =	vor.u32 v42, v0;
	_ =	sdelay $0x1  }
0xe0: {  	s5 =	sadd.s32 $0x8, s31;
	[tilespmem:$0x1F280] =	vst v3;
	v3 =	vor.u32 v21, v1;
	v4 =	vld.idx.msk [tilespmem:v4+s12+$0x0], $0xffff  }
0xe1: {  	[tilespmem:$0x1F300] =	vst v2;
	v2 =	vor.u32 s5, v10  }
0xe2: {  	v6 =	vld.idx.msk [tilespmem:v7+s12+$0x0], $0xffff  }
0xe3: {  	v5 =	vld.idx.msk [tilespmem:v5+s12+$0x0], $0xffff;
	_ =	sdelay $0x1  }
0xe4: {  	v34 =	vld.idx.msk [tilespmem:v3+s12+$0x0], $0xffff;
	[tilespmem:$0x1F470] =	vst v4;
	v4 =	vor.u32 v53, v0  }
0xe5: {  	v37 =	vor.u32 v37, v0;
	v7 =	vld.idx.msk [tilespmem:v2+s3+$0x0], $0xffff  }
0xe6: {  	[tilespmem:$0x1F3B0] =	vst v6;
	v6 =	vor.u32 v44, v1  }
0xe7: {  	v9 =	vld.idx.msk [tilespmem:v2+s11+$0x0], $0xffff;
	[tilespmem:$0x1F400] =	vst v5;
	v5 =	vor.u32 v47, v0  }
0xe8: {  	v8 =	vor.u32 v48, v1;
	v31 =	vld [tilespmem:$0x1FD20]  }
0xe9: {  	v4 =	vld.idx.msk [tilespmem:v4+s12+$0x0], $0xffff  }
0xea: {  	v3 =	vld.idx.msk [tilespmem:v37+s12+$0x0], $0xffff;
	[tilespmem:$0x1F330] =	vst v34;
	v34 =	vor.u32 v45, v0;
	v7 =	vshrl.u32 v7, $0x7  }
0xeb: {  	v11 =	vshll.u32 v7, $0x7;
	v6 =	vld.idx.msk [tilespmem:v6+s12+$0x0], $0xffff  }
0xec: {  	(v2sf) =	vpush v11, $0x0;
	v5 =	vld.idx.msk [tilespmem:v5+s12+$0x0], $0xffff  }
0xed: {  	[tilespmem:$0x1F340] =	vst v35;
	v7 =	vld.idx.msk [tilespmem:v8+s12+$0x0], $0xffff;
	v8 =	vshrl.u32 v9, $0x7  }
0xee: {  	v27 =	vld [tilespmem:$0x1FD30];
	v9 =	vshll.u32 v8, $0x7;
	[tilespmem:$0x1F500] =	vst v4;
	v4 =	vor.u32 v31, v1  }
0xef: {  	[tilespmem:$0x1F3C0] =	vst v3;
	v35 =	vor.u32 v52, v1;
	(v2sf) =	vpush v9, $0x0;
	v3 =	vld.idx.msk [tilespmem:v34+s12+$0x0], $0xffff  }
0xf0: {  	[tilespmem:$0x1F430] =	vst v6;
	v6 =	vor.u32 v49, v0  }
0xf1: {  	[tilespmem:$0x1F480] =	vst v5;
	v5 =	vor.u32 v54, v1  }
0xf2: {  	(v2sf) =	vpush v11, $0x1  }
0xf3: {  	v12 =	vor.u32 v27, v0;
	v4 =	vld.idx.msk [tilespmem:v4+s12+$0x0], $0xffff  }
0xf4: {  	v37 =	vor.u32 v61, v0;
	[tilespmem:$0x1F440] =	vst v3;
	v3 =	vld.idx.msk [tilespmem:v35+s12+$0x0], $0xffff  }
0xf5: {  	(v2sf) =	vpush v9, $0x1;
	v6 =	vld.idx.msk [tilespmem:v6+s12+$0x0], $0xffff  }
0xf6: {  	v42 =	vor.u32 $0x4F00, v62;
	[tilespmem:$0x1F4B0] =	vst v7;
	v7 =	vor.u32 v56, v0;
	v5 =	vld.idx.msk [tilespmem:v5+s12+$0x0], $0xffff  }
0xf7: {  	v15 =	vor.u32 v42, v0;
	v35 =	vor.u32 $0xE80, v62  }
0xf8: {  	v44 =	vor.u32 $0xF00, v62;
	v13 =	vor.u32 v35, v1;
	[tilespmem:$0x1F5D0] =	vst v4;
	v4 =	vld.idx.msk [tilespmem:v12+s12+$0x0], $0xffff  }
0xf9: {  	v21 =	vor.u32 $0x4F80, v62;
	v34 =	vor.u32 $0x4E80, v62;
	v46 =	vor.u32 v44, v1;
	[tilespmem:$0x1F4F0] =	vst v3;
	v3 =	vld.idx.msk [tilespmem:v37+s12+$0x0], $0xffff  }
0xfa: {  	v14 =	vor.u32 v34, v0;
	[tilespmem:$0x1F4C0] =	vst v6;
	v0 =	vor.u32 v21, v0  }
0xfb: {  	v37 =	vor.u32 $0xF80, v62;
	s7 =	spop (v2sf);
	(v2sf) =	vpush v11, $0x2;
	v6 =	vor.u32 v60, v1;
	[tilespmem:$0x1F550] =	vst v5;
	v5 =	vld.idx.msk [tilespmem:v7+s12+$0x0], $0xffff  }
0xfc: {  	v47 =	vld.idx.msk [tilespmem:v15+s12+$0x0], $0xffff;
	v1 =	vor.u32 v37, v1  }
0xfd: {  	[tilespmem:$0x1F5E0] =	vst v4;
	v4 =	vld.idx.msk [tilespmem:v13+s12+$0x0], $0xffff  }
0xfe: {  	s8 =	spop (v2sf);
	(v2sf) =	vpush v9, $0x2;
	[tilespmem:$0x1F5A0] =	vst v3;
	v3 =	vld.idx.msk [tilespmem:v46+s12+$0x0], $0xffff  }
0xff: {  	v0 =	vld.idx.msk [tilespmem:v0+s12+$0x0], $0xffff  }
0x100: {  	s5 =	sand.u32 $0x1FFFFF80, s7;
	[tilespmem:$0x1F560] =	vst v5;
	v5 =	vld.idx.msk [tilespmem:v6+s12+$0x0], $0xffff  }
0x101: {  	s5 =	sadd.s32 s0, s5;
	s9 =	spop (v2sf);
	(v2sf) =	vpush v11, $0x3;
	v1 =	vld.idx.msk [tilespmem:v1+s12+$0x0], $0xffff  }
0x102: {  	[tilespmem:$0x1F660] =	vst v4;
	v4 =	vld.idx.msk [tilespmem:v14+s12+$0x0], $0xffff;
	[tilespmem:s12], [sflag:$0x1] =	stream.strided.gather [hbm4b:s5+s12], $0x1000, s10, s12, $0x38  }
0x103: {  	s5 =	sand.u32 $0x1FFFFF80, s8  }
0x104: {  	s2 =	spop (v2sf);
	(v2sf) =	vpush v9, $0x3;
	s5 =	sadd.s32 s1, s5  }
0x105: {  	[tilespmem:s13], [sflag:$0x1] =	stream.strided.gather [hbm4b:s5+s12], $0x1000, s10, s12, $0x38;
	[tilespmem:$0x10600] =	vst v63  }
0x106: {  	s5 =	sand.u32 $0x1FFFFF80, s9  }
0x107: {  	s5 =	sadd.s32 s0, s5  }
0x108: {  	[tilespmem:s14], [sflag:$0x1] =	stream.strided.gather [hbm4b:s5+s12], $0x1000, s10, s12, $0x38;
	[tilespmem:$0x10600] =	vst v63  }
0x109: {  	s5 =	sand.u32 $0x1FFFFF80, s2  }
0x10a: {  	s6 =	spop (v2sf);
	s5 =	sadd.s32 s1, s5  }
0x10b: {  	[tilespmem:s15], [sflag:$0x1] =	stream.strided.gather [hbm4b:s5+s12], $0x1000, s10, s12, $0x38;
	[tilespmem:$0x10600] =	vst v63  }
0x10c: {  	s5 =	sand.u32 $0x1FFFFF80, s6  }
0x10d: {  	s7 =	spop (v2sf);
	s5 =	sadd.s32 s0, s5  }
0x10e: {  	[tilespmem:s16], [sflag:$0x1] =	stream.strided.gather [hbm4b:s5+s12], $0x1000, s10, s12, $0x38;
	[tilespmem:$0x10600] =	vst v63  }
0x10f: {  	[tilespmem:$0x1FC50] =	vst v47;
	s5 =	sand.u32 $0x1FFFFF80, s7  }
0x110: {  	[tilespmem:$0x1FC40] =	vst v3;
	s8 =	spop (v2sf);
	s5 =	sadd.s32 s1, s5  }
0x111: {  	[tilespmem:s17], [sflag:$0x1] =	stream.strided.gather [hbm4b:s5+s12], $0x1000, s10, s12, $0x38;
	[tilespmem:$0x10600] =	vst v63  }
0x112: {  	[tilespmem:$0x1FCF0] =	vst v0;
	s5 =	sand.u32 $0x1FFFFF80, s8  }
0x113: {  	[tilespmem:$0x1F590] =	vst v5;
	s9 =	spop (v2sf);
	s5 =	sadd.s32 s0, s5  }
0x114: {  	[tilespmem:s18], [sflag:$0x1] =	stream.strided.gather [hbm4b:s5+s12], $0x1000, s10, s12, $0x38;
	[tilespmem:$0x10600] =	vst v63  }
0x115: {  	[tilespmem:$0x1FCE0] =	vst v1;
	s5 =	sand.u32 $0x1FFFFF80, s9  }
0x116: {  	[tilespmem:$0x1F670] =	vst v4;
	s5 =	sadd.s32 s1, s5  }
0x117: {  	[tilespmem:s19], [sflag:$0x1] =	stream.strided.gather [hbm4b:s5+s12], $0x1000, s10, s12, $0x38;
	[tilespmem:$0x10600] =	vst v63  }
0x118: {  	_ =	swait.ge [sflag:s30], $0x1000  }
0x119: {  	[sflag:s30] =	ssyncset.done $0x0  }
0x11a: {  	[sflag:s30] =	ssyncadd.s32 $0xFFFFF000  }
0x11b: {  	_ =	swait.ge [sflag:s30], $0x1000  }
0x11c: {  	[sflag:s30] =	ssyncset.done $0x0  }
0x11d: {  	[sflag:s30] =	ssyncadd.s32 $0xFFFFF000  }
0x11e: {  	_ =	swait.ge [sflag:s30], $0x1000  }
0x11f: {  	[sflag:s30] =	ssyncset.done $0x0  }
0x120: {  	[sflag:s30] =	ssyncadd.s32 $0xFFFFF000  }
0x121: {  	_ =	swait.ge [sflag:s30], $0x1000  }
0x122: {  	[sflag:s30] =	ssyncset.done $0x0  }
0x123: {  	[sflag:s30] =	ssyncadd.s32 $0xFFFFF000  }
0x124: {  	_ =	swait.ge [sflag:s30], $0x1000  }
0x125: {  	[sflag:s30] =	ssyncset.done $0x0  }
0x126: {  	[sflag:s30] =	ssyncadd.s32 $0xFFFFF000  }
0x127: {  	_ =	swait.ge [sflag:s30], $0x1000  }
0x128: {  	[sflag:s30] =	ssyncset.done $0x0  }
0x129: {  	[sflag:s30] =	ssyncadd.s32 $0xFFFFF000  }
0x12a: {  	s2 =	sadd.s32 $0x4, s31;
	_ =	swait.ge [sflag:s30], $0x1000  }
0x12b: {  	v48 =	vor.u32 s2, v10;
	[sflag:s30] =	ssyncset.done $0x0  }
0x12c: {  	[sflag:s30] =	ssyncadd.s32 $0xFFFFF000  }
0x12d: {  	_ =	swait.ge [sflag:s30], $0x1000  }
0x12e: {  	[sflag:s30] =	ssyncset.done $0x0  }
0x12f: {  	[sflag:s30] =	ssyncadd.s32 $0xFFFFF000  }
0x130: {  	v49 =	vld.idx.msk [tilespmem:v48+s3+$0x0], $0xffff;
	_ =	sdelay $0x2  }
0x131: {  	v0 =	vld.idx.msk [tilespmem:v48+s11+$0x0], $0xffff;
	_ =	sdelay $0x1  }
0x132: {  	v47 =	vor.u32 $0x8080, v62;
	v9 =	vand.u32 $0x7F, v49  }
0x133: {  	v11 =	vor.u32 v47, v9  }
0x134: {  	v46 =	vor.u32 $0x8000, v62  }
0x135: {  	v45 =	vor.u32 $0xC000, v62;
	v1 =	vand.u32 $0x7F, v0;
	v0 =	vor.u32 v46, v9  }
0x136: {  	v3 =	vor.u32 v45, v1  }
0x137: {  	v48 =	vor.u32 $0xC080, v62  }
0x138: {  	v12 =	vor.u32 v48, v1;
	v5 =	vld.idx.msk [tilespmem:v11+s12+$0x0], $0xffff;
	_ =	sdelay $0x1  }
0x139: {  	v0 =	vld.idx.msk [tilespmem:v0+s12+$0x0], $0xffff  }
0x13a: {  	v3 =	vld.idx.msk [tilespmem:v3+s12+$0x0], $0xffff  }
0x13b: {  	v49 =	vor.u32 $0x8100, v62  }
0x13c: {  	v4 =	vor.u32 $0xC100, v62;
	v13 =	vor.u32 v49, v9;
	[tilespmem:$0x1F050] =	vst v5;
	v5 =	vld.idx.msk [tilespmem:v12+s12+$0x0], $0xffff  }
0x13d: {  	[tilespmem:$0x1F610] =	vst v4  }
0x13e: {  	[tilespmem:$0x1F010] =	vst v0  }
0x13f: {  	v0 =	vor.u32 v4, v1;
	v4 =	vor.u32 $0x8180, v62;
	[tilespmem:$0x1F020] =	vst v3  }
0x140: {  	[tilespmem:$0x1F620] =	vst v4;
	v3 =	vor.u32 v4, v9;
	v4 =	vor.u32 $0xC180, v62  }
0x141: {  	v11 =	vor.u32 v4, v1;
	[tilespmem:$0x1F060] =	vst v5;
	v5 =	vld.idx.msk [tilespmem:v13+s12+$0x0], $0xffff;
	_ =	sdelay $0x3  }
0x142: {  	[tilespmem:$0x1F650] =	vst v4;
	v4 =	vor.u32 $0x8200, v62  }
0x143: {  	v12 =	vor.u32 v4, v9;
	[tilespmem:$0x1F090] =	vst v5;
	v5 =	vld.idx.msk [tilespmem:v11+s12+$0x0], $0xffff;
	_ =	sdelay $0x1  }
0x144: {  	v0 =	vld.idx.msk [tilespmem:v0+s12+$0x0], $0xffff  }
0x145: {  	[tilespmem:$0x1F680] =	vst v4;
	v4 =	vor.u32 $0xC200, v62  }
0x146: {  	[tilespmem:$0x1F6B0] =	vst v4;
	v3 =	vld.idx.msk [tilespmem:v3+s12+$0x0], $0xffff  }
0x147: {  	v13 =	vor.u32 v4, v1;
	v4 =	vor.u32 $0x8280, v62;
	[tilespmem:$0x1F0E0] =	vst v5;
	v5 =	vld.idx.msk [tilespmem:v12+s12+$0x0], $0xffff  }
0x148: {  	[tilespmem:$0x1F6C0] =	vst v4  }
0x149: {  	[tilespmem:$0x1F0A0] =	vst v0;
	v0 =	vor.u32 v4, v9;
	v4 =	vor.u32 $0xC280, v62  }
0x14a: {  	[tilespmem:$0x1F6D0] =	vst v4  }
0x14b: {  	[tilespmem:$0x1F0D0] =	vst v3;
	v3 =	vor.u32 v4, v1;
	v4 =	vor.u32 $0x8300, v62  }
0x14c: {  	v11 =	vor.u32 v4, v9;
	[tilespmem:$0x1F110] =	vst v5;
	v5 =	vld.idx.msk [tilespmem:v13+s12+$0x0], $0xffff;
	_ =	sdelay $0x3  }
0x14d: {  	[tilespmem:$0x1F6E0] =	vst v4;
	v4 =	vor.u32 $0xC300, v62  }
0x14e: {  	v12 =	vor.u32 v4, v1;
	[tilespmem:$0x1F120] =	vst v5;
	v5 =	vld.idx.msk [tilespmem:v11+s12+$0x0], $0xffff  }
0x14f: {  	v0 =	vld.idx.msk [tilespmem:v0+s12+$0x0], $0xffff;
	_ =	sdelay $0x1  }
0x150: {  	[tilespmem:$0x1F6F0] =	vst v4;
	v4 =	vor.u32 $0x8380, v62;
	v3 =	vld.idx.msk [tilespmem:v3+s12+$0x0], $0xffff  }
0x151: {  	[tilespmem:$0x1F710] =	vst v4  }
0x152: {  	v13 =	vor.u32 v4, v9;
	[tilespmem:$0x1F190] =	vst v5;
	v5 =	vld.idx.msk [tilespmem:v12+s12+$0x0], $0xffff  }
0x153: {  	v4 =	vor.u32 $0xC380, v62;
	[tilespmem:$0x1F150] =	vst v0  }
0x154: {  	[tilespmem:$0x1F720] =	vst v4  }
0x155: {  	v0 =	vor.u32 v4, v1;
	v4 =	vor.u32 $0x8400, v62;
	[tilespmem:$0x1F160] =	vst v3  }
0x156: {  	[tilespmem:$0x1F730] =	vst v4;
	v3 =	vor.u32 v4, v9;
	v4 =	vor.u32 $0xC400, v62  }
0x157: {  	v11 =	vor.u32 v4, v1;
	[tilespmem:$0x1F1A0] =	vst v5;
	v5 =	vld.idx.msk [tilespmem:v13+s12+$0x0], $0xffff;
	_ =	sdelay $0x3  }
0x158: {  	[tilespmem:$0x1F740] =	vst v4;
	v4 =	vor.u32 $0x8480, v62  }
0x159: {  	v12 =	vor.u32 v4, v9;
	[tilespmem:$0x1F1D0] =	vst v5;
	v5 =	vld.idx.msk [tilespmem:v11+s12+$0x0], $0xffff  }
0x15a: {  	v0 =	vld.idx.msk [tilespmem:v0+s12+$0x0], $0xffff  }
0x15b: {  	v3 =	vld.idx.msk [tilespmem:v3+s12+$0x0], $0xffff  }
0x15c: {  	[tilespmem:$0x1F760] =	vst v4;
	v4 =	vor.u32 $0xC480, v62  }
0x15d: {  	[tilespmem:$0x1F770] =	vst v4  }
0x15e: {  	v13 =	vor.u32 v4, v1;
	[tilespmem:$0x1F220] =	vst v5;
	v5 =	vld.idx.msk [tilespmem:v12+s12+$0x0], $0xffff  }
0x15f: {  	[tilespmem:$0x1F1E0] =	vst v0  }
0x160: {  	[tilespmem:$0x1F210] =	vst v3;
	v4 =	vor.u32 $0x8500, v62  }
0x161: {  	[tilespmem:$0x1F780] =	vst v4;
	v0 =	vor.u32 v4, v9;
	v4 =	vor.u32 $0xC500, v62  }
0x162: {  	[tilespmem:$0x1F790] =	vst v4;
	v3 =	vor.u32 v4, v1;
	v4 =	vor.u32 $0x8580, v62  }
0x163: {  	v11 =	vor.u32 v4, v9;
	[tilespmem:$0x1F250] =	vst v5;
	v5 =	vld.idx.msk [tilespmem:v13+s12+$0x0], $0xffff;
	_ =	sdelay $0x3  }
0x164: {  	[tilespmem:$0x1F7A0] =	vst v4;
	v4 =	vor.u32 $0xC580, v62  }
0x165: {  	v12 =	vor.u32 v4, v1;
	[tilespmem:$0x1F260] =	vst v5;
	v5 =	vld.idx.msk [tilespmem:v11+s12+$0x0], $0xffff  }
0x166: {  	v0 =	vld.idx.msk [tilespmem:v0+s12+$0x0], $0xffff  }
0x167: {  	v3 =	vld.idx.msk [tilespmem:v3+s12+$0x0], $0xffff  }
0x168: {  	[tilespmem:$0x1F7B0] =	vst v4;
	v4 =	vor.u32 $0x8600, v62  }
0x169: {  	[tilespmem:$0x1F7D0] =	vst v4  }
0x16a: {  	v13 =	vor.u32 v4, v9;
	[tilespmem:$0x1F2D0] =	vst v5;
	v5 =	vld.idx.msk [tilespmem:v12+s12+$0x0], $0xffff  }
0x16b: {  	[tilespmem:$0x1F290] =	vst v0  }
0x16c: {  	[tilespmem:$0x1F2A0] =	vst v3;
	v4 =	vor.u32 $0xC600, v62  }
0x16d: {  	[tilespmem:$0x1F7E0] =	vst v4;
	v0 =	vor.u32 v4, v1;
	v4 =	vor.u32 $0x8680, v62  }
0x16e: {  	[tilespmem:$0x1F7F0] =	vst v4;
	v3 =	vor.u32 v4, v9;
	v4 =	vor.u32 $0xC680, v62  }
0x16f: {  	v11 =	vor.u32 v4, v1;
	[tilespmem:$0x1F2E0] =	vst v5;
	v5 =	vld.idx.msk [tilespmem:v13+s12+$0x0], $0xffff;
	_ =	sdelay $0x3  }
0x170: {  	[tilespmem:$0x1F800] =	vst v4;
	v4 =	vor.u32 $0x8700, v62;
	v0 =	vld.idx.msk [tilespmem:v0+s12+$0x0], $0xffff  }
0x171: {  	v12 =	vor.u32 v4, v9;
	[tilespmem:$0x1F310] =	vst v5;
	v5 =	vld.idx.msk [tilespmem:v11+s12+$0x0], $0xffff;
	_ =	sdelay $0x1  }
0x172: {  	[tilespmem:$0x1F820] =	vst v4;
	v3 =	vld.idx.msk [tilespmem:v3+s12+$0x0], $0xffff;
	v4 =	vor.u32 $0xC700, v62  }
0x173: {  	[tilespmem:$0x1F830] =	vst v4;
	v13 =	vor.u32 v4, v1;
	v4 =	vor.u32 $0x8780, v62  }
0x174: {  	[tilespmem:$0x1F320] =	vst v0;
	v0 =	vor.u32 v4, v9  }
0x175: {  	[tilespmem:$0x1F360] =	vst v5;
	v5 =	vld.idx.msk [tilespmem:v12+s12+$0x0], $0xffff  }
0x176: {  	[tilespmem:$0x1F840] =	vst v4;
	v4 =	vor.u32 $0xC780, v62  }
0x177: {  	[tilespmem:$0x1F350] =	vst v3;
	v3 =	vor.u32 v4, v1;
	_ =	sdelay $0x1  }
0x178: {  	[tilespmem:$0x1F850] =	vst v4;
	v4 =	vor.u32 $0x8800, v62;
	v0 =	vld.idx.msk [tilespmem:v0+s12+$0x0], $0xffff  }
0x179: {  	v11 =	vor.u32 v4, v9;
	[tilespmem:$0x1F390] =	vst v5;
	v5 =	vld.idx.msk [tilespmem:v13+s12+$0x0], $0xffff  }
0x17a: {  	[tilespmem:$0x1F860] =	vst v4;
	v4 =	vor.u32 $0xC800, v62  }
0x17b: {  	[tilespmem:$0x1F870] =	vst v4;
	v3 =	vld.idx.msk [tilespmem:v3+s12+$0x0], $0xffff;
	v12 =	vor.u32 v4, v1;
	v4 =	vor.u32 $0x8880, v62  }
0x17c: {  	[tilespmem:$0x1F890] =	vst v4;
	v13 =	vor.u32 v4, v9;
	v4 =	vor.u32 $0xC880, v62  }
0x17d: {  	[tilespmem:$0x1F3D0] =	vst v0;
	v0 =	vor.u32 v4, v1  }
0x17e: {  	[tilespmem:$0x1F3A0] =	vst v5;
	v5 =	vld.idx.msk [tilespmem:v11+s12+$0x0], $0xffff;
	_ =	sdelay $0x1  }
0x17f: {  	[tilespmem:$0x1F3E0] =	vst v3  }
0x180: {  	[tilespmem:$0x1F8A0] =	vst v4;
	v4 =	vor.u32 $0x8900, v62  }
0x181: {  	[tilespmem:$0x1F8B0] =	vst v4;
	v0 =	vld.idx.msk [tilespmem:v0+s12+$0x0], $0xffff  }
0x182: {  	v3 =	vor.u32 v4, v9;
	v4 =	vor.u32 $0xC900, v62;
	[tilespmem:$0x1F410] =	vst v5;
	v5 =	vld.idx.msk [tilespmem:v12+s12+$0x0], $0xffff  }
0x183: {  	[tilespmem:$0x1F8C0] =	vst v4;
	v11 =	vor.u32 v4, v1;
	v4 =	vor.u32 $0x8980, v62  }
0x184: {  	[tilespmem:$0x1F8E0] =	vst v4;
	v12 =	vor.u32 v4, v9;
	v4 =	vor.u32 $0xC980, v62  }
0x185: {  	[tilespmem:$0x1F8F0] =	vst v4  }
0x186: {  	[tilespmem:$0x1F460] =	vst v0  }
0x187: {  	[tilespmem:$0x1F420] =	vst v5;
	v5 =	vld.idx.msk [tilespmem:v13+s12+$0x0], $0xffff;
	v13 =	vor.u32 v4, v1;
	v4 =	vor.u32 $0x8A00, v62  }
0x188: {  	[tilespmem:$0x1F920] =	vst v4;
	v0 =	vor.u32 v4, v9;
	v4 =	vld.idx.msk [tilespmem:v11+s12+$0x0], $0xffff;
	_ =	sdelay $0x3  }
0x189: {  	v3 =	vld.idx.msk [tilespmem:v3+s12+$0x0], $0xffff  }
0x18a: {  	[tilespmem:$0x1F4A0] =	vst v4;
	v4 =	vld.idx.msk [tilespmem:v12+s12+$0x0], $0xffff;
	_ =	sdelay $0x3  }
0x18b: {  	[tilespmem:$0x1F490] =	vst v3;
	v3 =	vor.u32 $0xCA00, v62  }
0x18c: {  	v11 =	vor.u32 v3, v1;
	[tilespmem:$0x1F4D0] =	vst v4;
	v4 =	vld.idx.msk [tilespmem:v13+s12+$0x0], $0xffff;
	_ =	sdelay $0x3  }
0x18d: {  	[tilespmem:$0x1F930] =	vst v3;
	v3 =	vor.u32 $0x8A80, v62  }
0x18e: {  	v12 =	vor.u32 v3, v9;
	[tilespmem:$0x1F4E0] =	vst v4;
	v4 =	vld.idx.msk [tilespmem:v11+s12+$0x0], $0xffff;
	_ =	sdelay $0x3  }
0x18f: {  	[tilespmem:$0x1F960] =	vst v3;
	v3 =	vor.u32 $0xCA80, v62  }
0x190: {  	v13 =	vor.u32 v3, v1;
	[tilespmem:$0x1F520] =	vst v4;
	v4 =	vld.idx.msk [tilespmem:v12+s12+$0x0], $0xffff;
	_ =	sdelay $0x3  }
0x191: {  	[tilespmem:$0x1F970] =	vst v3;
	v3 =	vor.u32 $0xCB00, v62  }
0x192: {  	v11 =	vor.u32 v3, v1;
	[tilespmem:$0x1F530] =	vst v4;
	v4 =	vld.idx.msk [tilespmem:v13+s12+$0x0], $0xffff;
	_ =	sdelay $0x1  }
0x193: {  	v0 =	vld.idx.msk [tilespmem:v0+s12+$0x0], $0xffff;
	_ =	sdelay $0x1  }
0x194: {  	[tilespmem:$0x1F9B0] =	vst v3;
	v3 =	vor.u32 $0x8B80, v62  }
0x195: {  	v12 =	vor.u32 v3, v9;
	[tilespmem:$0x1F540] =	vst v4;
	v4 =	vld.idx.msk [tilespmem:v11+s12+$0x0], $0xffff;
	_ =	sdelay $0x1  }
0x196: {  	[tilespmem:$0x1F510] =	vst v0;
	v0 =	vor.u32 $0x8B00, v62  }
0x197: {  	s6 =	sadd.s32 $0xC, s31;
	[tilespmem:$0x1F9A0] =	vst v0;
	v0 =	vor.u32 v0, v9  }
0x198: {  	v10 =	vor.u32 s6, v10;
	[tilespmem:$0x1F9E0] =	vst v3;
	v3 =	vor.u32 $0xCB80, v62  }
0x199: {  	v13 =	vor.u32 v3, v1;
	[tilespmem:$0x1F580] =	vst v4;
	v4 =	vld.idx.msk [tilespmem:v12+s12+$0x0], $0xffff;
	_ =	sdelay $0x2  }
0x19a: {  	v0 =	vld.idx.msk [tilespmem:v0+s12+$0x0], $0xffff  }
0x19b: {  	v14 =	vld.idx.msk [tilespmem:v10+s3+$0x0], $0xffff;
	[tilespmem:$0x1F9F0] =	vst v3;
	v3 =	vor.u32 $0x8C00, v62  }
0x19c: {  	v15 =	vor.u32 v3, v9;
	[tilespmem:$0x1F5B0] =	vst v4;
	v4 =	vld.idx.msk [tilespmem:v13+s12+$0x0], $0xffff;
	_ =	sdelay $0x2  }
0x19d: {  	[tilespmem:$0x1F570] =	vst v0  }
0x19e: {  	[tilespmem:$0x1FA20] =	vst v3;
	v3 =	vor.u32 $0xCC00, v62  }
0x19f: {  	v0 =	vshrl.u32 v14, $0x7;
	v14 =	vor.u32 v3, v1;
	[tilespmem:$0x1F5C0] =	vst v4;
	v4 =	vld.idx.msk [tilespmem:v15+s12+$0x0], $0xffff;
	_ =	sdelay $0x3  }
0x1a0: {  	[tilespmem:$0x1FA30] =	vst v3;
	v3 =	vor.u32 $0x8C80, v62  }
0x1a1: {  	v11 =	vor.u32 v3, v9;
	[tilespmem:$0x1F5F0] =	vst v4;
	v4 =	vld.idx.msk [tilespmem:v14+s12+$0x0], $0xffff;
	_ =	sdelay $0x3  }
0x1a2: {  	[tilespmem:$0x1FA60] =	vst v3;
	v3 =	vor.u32 $0xCC80, v62  }
0x1a3: {  	v12 =	vor.u32 v3, v1;
	[tilespmem:$0x1F600] =	vst v4;
	v4 =	vld.idx.msk [tilespmem:v11+s12+$0x0], $0xffff;
	_ =	sdelay $0x3  }
0x1a4: {  	v16 =	vld.idx.msk [tilespmem:v10+s11+$0x0], $0xffff;
	[tilespmem:$0x1FA90] =	vst v3;
	v3 =	vor.u32 $0x8D00, v62  }
0x1a5: {  	v13 =	vor.u32 v3, v9;
	[tilespmem:$0x1F630] =	vst v4;
	v4 =	vld.idx.msk [tilespmem:v12+s12+$0x0], $0xffff;
	_ =	sdelay $0x3  }
0x1a6: {  	[tilespmem:$0x1FAA0] =	vst v3;
	v3 =	vor.u32 $0xCD00, v62  }
0x1a7: {  	v15 =	vshrl.u32 v16, $0x7;
	v16 =	vor.u32 v3, v1;
	[tilespmem:$0x1F640] =	vst v4;
	v4 =	vld.idx.msk [tilespmem:v13+s12+$0x0], $0xffff;
	_ =	sdelay $0x3  }
0x1a8: {  	[tilespmem:$0x1FAF0] =	vst v3;
	v3 =	vor.u32 $0x8D80, v62  }
0x1a9: {  	v14 =	vshll.u32 v15, $0x7;
	v15 =	vor.u32 v3, v9;
	[tilespmem:$0x1F690] =	vst v4;
	v4 =	vld.idx.msk [tilespmem:v16+s12+$0x0], $0xffff;
	_ =	sdelay $0x2  }
0x1aa: {  	[tilespmem:$0x1FB20] =	vst v3;
	v3 =	vor.u32 $0xCD80, v62  }
0x1ab: {  	[tilespmem:$0x1FB30] =	vst v3  }
0x1ac: {  	v11 =	vor.u32 v3, v1;
	v3 =	vor.u32 $0x8E00, v62;
	[tilespmem:$0x1F6A0] =	vst v4;
	v4 =	vld.idx.msk [tilespmem:v15+s12+$0x0], $0xffff  }
0x1ad: {  	[tilespmem:$0x1FB40] =	vst v3;
	v12 =	vor.u32 v3, v9;
	v3 =	vor.u32 $0xCE00, v62  }
0x1ae: {  	[tilespmem:$0x1FB50] =	vst v3;
	v13 =	vor.u32 v3, v1;
	v3 =	vor.u32 $0x8E80, v62  }
0x1af: {  	[tilespmem:$0x1FB80] =	vst v3;
	v16 =	vor.u32 v3, v9;
	v3 =	vor.u32 $0xCE80, v62  }
0x1b0: {  	[tilespmem:$0x1FB90] =	vst v3  }
0x1b1: {  	v15 =	vor.u32 v3, v1;
	v3 =	vor.u32 $0x8F00, v62;
	[tilespmem:$0x1FAB0] =	vst v4;
	v4 =	vld.idx.msk [tilespmem:v11+s12+$0x0], $0xffff  }
0x1b2: {  	[tilespmem:$0x1FBA0] =	vst v3;
	v11 =	vor.u32 v3, v9;
	v3 =	vld.idx.msk [tilespmem:v12+s12+$0x0], $0xffff;
	_ =	sdelay $0x4  }
0x1b3: {  	[tilespmem:$0x1FBF0] =	vst v3;
	v3 =	vld.idx.msk [tilespmem:v13+s12+$0x0], $0xffff;
	_ =	sdelay $0x1  }
0x1b4: {  	v0 =	vshll.u32 v0, $0x7  }
0x1b5: {  	(v2sf) =	vpush v0, $0x0;
	_ =	sdelay $0x1  }
0x1b6: {  	[tilespmem:$0x1FC00] =	vst v3;
	v3 =	vld.idx.msk [tilespmem:v16+s12+$0x0], $0xffff  }
0x1b7: {  	(v2sf) =	vpush v14, $0x0;
	_ =	sdelay $0x2  }
0x1b8: {  	(v2sf) =	vpush v0, $0x1  }
0x1b9: {  	[tilespmem:$0x1FC20] =	vst v3;
	v3 =	vld.idx.msk [tilespmem:v15+s12+$0x0], $0xffff;
	_ =	sdelay $0x1  }
0x1ba: {  	(v2sf) =	vpush v14, $0x1;
	_ =	sdelay $0x1  }
0x1bb: {  	[tilespmem:$0x1FAC0] =	vst v4;
	v4 =	vor.u32 $0xCF00, v62  }
0x1bc: {  	v12 =	vor.u32 v4, v1;
	[tilespmem:$0x1FC30] =	vst v3;
	v3 =	vld.idx.msk [tilespmem:v11+s12+$0x0], $0xffff;
	_ =	sdelay $0x1  }
0x1bd: {  	[tilespmem:$0x1FBC0] =	vst v4;
	v4 =	vor.u32 $0x8F80, v62  }
0x1be: {  	s7 =	spop (v2sf);
	(v2sf) =	vpush v0, $0x2;
	[tilespmem:$0x1FBD0] =	vst v4;
	v9 =	vor.u32 v4, v9;
	v4 =	vor.u32 $0xCF80, v62  }
0x1bf: {  	v1 =	vor.u32 v4, v1  }
0x1c0: {  	[tilespmem:$0x1FC80] =	vst v3;
	v3 =	vld.idx.msk [tilespmem:v12+s12+$0x0], $0xffff  }
0x1c1: {  	s8 =	spop (v2sf);
	(v2sf) =	vpush v14, $0x2;
	_ =	sdelay $0x1  }
0x1c2: {  	s5 =	sand.u32 $0x1FFFFF80, s7  }
0x1c3: {  	s5 =	sadd.s32 s0, s5;
	s9 =	spop (v2sf);
	(v2sf) =	vpush v0, $0x3;
	v1 =	vld.idx.msk [tilespmem:v1+s12+$0x0], $0xffff  }
0x1c4: {  	[tilespmem:$0x1FC90] =	vst v3;
	v3 =	vld.idx.msk [tilespmem:v9+s12+$0x0], $0xffff;
	[tilespmem:s20], [sflag:$0x2] =	stream.strided.gather [hbm4b:s5+s12], $0x1000, s10, s12, $0x38  }
0x1c5: {  	s5 =	sand.u32 $0x1FFFFF80, s8  }
0x1c6: {  	s2 =	spop (v2sf);
	(v2sf) =	vpush v14, $0x3;
	s5 =	sadd.s32 s1, s5  }
0x1c7: {  	[tilespmem:s21], [sflag:$0x2] =	stream.strided.gather [hbm4b:s5+s12], $0x1000, s10, s12, $0x38;
	[tilespmem:$0x10600] =	vst v63  }
0x1c8: {  	s5 =	sand.u32 $0x1FFFFF80, s9  }
0x1c9: {  	s5 =	sadd.s32 s0, s5  }
0x1ca: {  	[tilespmem:s22], [sflag:$0x2] =	stream.strided.gather [hbm4b:s5+s12], $0x1000, s10, s12, $0x38;
	[tilespmem:$0x10600] =	vst v63  }
0x1cb: {  	s5 =	sand.u32 $0x1FFFFF80, s2  }
0x1cc: {  	s6 =	spop (v2sf);
	s5 =	sadd.s32 s1, s5  }
0x1cd: {  	[tilespmem:s23], [sflag:$0x2] =	stream.strided.gather [hbm4b:s5+s12], $0x1000, s10, s12, $0x38;
	[tilespmem:$0x10600] =	vst v63  }
0x1ce: {  	s5 =	sand.u32 $0x1FFFFF80, s6  }
0x1cf: {  	s7 =	spop (v2sf);
	s5 =	sadd.s32 s0, s5  }
0x1d0: {  	[tilespmem:s24], [sflag:$0x2] =	stream.strided.gather [hbm4b:s5+s12], $0x1000, s10, s12, $0x38;
	[tilespmem:$0x10600] =	vst v63  }
0x1d1: {  	s5 =	sand.u32 $0x1FFFFF80, s7  }
0x1d2: {  	s8 =	spop (v2sf);
	s5 =	sadd.s32 s1, s5  }
0x1d3: {  	[tilespmem:s25], [sflag:$0x2] =	stream.strided.gather [hbm4b:s5+s12], $0x1000, s10, s12, $0x38;
	[tilespmem:$0x10600] =	vst v63  }
0x1d4: {  	[tilespmem:$0x1F450] =	vst v5;
	s5 =	sand.u32 $0x1FFFFF80, s8  }
0x1d5: {  	[tilespmem:$0x1FBE0] =	vst v4;
	s9 =	spop (v2sf);
	s5 =	sadd.s32 s0, s5  }
0x1d6: {  	[tilespmem:s26], [sflag:$0x2] =	stream.strided.gather [hbm4b:s5+s12], $0x1000, s10, s12, $0x38;
	[tilespmem:$0x10600] =	vst v63  }
0x1d7: {  	[tilespmem:$0x1FCD0] =	vst v1;
	s5 =	sand.u32 $0x1FFFFF80, s9  }
0x1d8: {  	[tilespmem:$0x1FCC0] =	vst v3;
	s5 =	sadd.s32 s1, s5  }
0x1d9: {  	[tilespmem:s28], [sflag:$0x2] =	stream.strided.gather [hbm4b:s5+s12], $0x1000, s10, s12, $0x38;
	[tilespmem:$0x10600] =	vst v63  }
0x1da: {  	_ =	swait.ge [sflag:s29], $0x1000  }
0x1db: {  	[sflag:s29] =	ssyncset.done $0x0  }
0x1dc: {  	[sflag:s29] =	ssyncadd.s32 $0xFFFFF000  }
0x1dd: {  	_ =	swait.ge [sflag:s29], $0x1000  }
0x1de: {  	[sflag:s29] =	ssyncset.done $0x0  }
0x1df: {  	[sflag:s29] =	ssyncadd.s32 $0xFFFFF000  }
0x1e0: {  	_ =	swait.ge [sflag:s29], $0x1000  }
0x1e1: {  	[sflag:s29] =	ssyncset.done $0x0  }
0x1e2: {  	[sflag:s29] =	ssyncadd.s32 $0xFFFFF000  }
0x1e3: {  	_ =	swait.ge [sflag:s29], $0x1000  }
0x1e4: {  	[sflag:s29] =	ssyncset.done $0x0  }
0x1e5: {  	[sflag:s29] =	ssyncadd.s32 $0xFFFFF000  }
0x1e6: {  	_ =	swait.ge [sflag:s29], $0x1000  }
0x1e7: {  	[sflag:s29] =	ssyncset.done $0x0  }
0x1e8: {  	[sflag:s29] =	ssyncadd.s32 $0xFFFFF000  }
0x1e9: {  	_ =	swait.ge [sflag:s29], $0x1000  }
0x1ea: {  	[sflag:s29] =	ssyncset.done $0x0  }
0x1eb: {  	[sflag:s29] =	ssyncadd.s32 $0xFFFFF000  }
0x1ec: {  	_ =	swait.ge [sflag:s29], $0x1000  }
0x1ed: {  	[sflag:s29] =	ssyncset.done $0x0  }
0x1ee: {  	[sflag:s29] =	ssyncadd.s32 $0xFFFFF000  }
0x1ef: {  	_ =	swait.ge [sflag:s29], $0x1000  }
0x1f0: {  	[sflag:s29] =	ssyncset.done $0x0  }
0x1f1: {  	[sflag:s29] =	ssyncadd.s32 $0xFFFFF000  }
0x1f2: {  	v0 =	vld.idx.msk [tilespmem:v2+s3+$0x0], $0xffff;
	_ =	sdelay $0x1  }
0x1f3: {  	v1 =	vld.idx.msk [tilespmem:v2+s11+$0x0], $0xffff;
	_ =	sdelay $0x2  }
0x1f4: {  	v0 =	vand.u32 $0x7F, v0  }
0x1f5: {  	v2 =	vor.u32 v62, v0  }
0x1f6: {  	v1 =	vand.u32 $0x7F, v1;
	v12 =	vor.u32 v19, v0  }
0x1f7: {  	v14 =	vor.u32 v20, v1  }
0x1f8: {  	v16 =	vor.u32 v24, v0  }
0x1f9: {  	v9 =	vor.u32 v18, v1;
	v18 =	vor.u32 v25, v1  }
0x1fa: {  	v20 =	vor.u32 v28, v1;
	v11 =	vld.idx.msk [tilespmem:v2+s12+$0x0], $0xffff  }
0x1fb: {  	v2 =	vor.u32 v23, v1;
	v13 =	vld.idx.msk [tilespmem:v12+s12+$0x0], $0xffff  }
0x1fc: {  	v15 =	vor.u32 v22, v0;
	v22 =	vor.u32 v30, v1;
	v12 =	vld.idx.msk [tilespmem:v14+s12+$0x0], $0xffff  }
0x1fd: {  	v24 =	vor.u32 v33, v1;
	v3 =	vld.idx.msk [tilespmem:v16+s12+$0x0], $0xffff  }
0x1fe: {  	v39 =	vor.u32 v39, v1;
	v16 =	vld.idx.msk [tilespmem:v18+s12+$0x0], $0xffff  }
0x1ff: {  	v19 =	vor.u32 v26, v0;
	v26 =	vor.u32 v41, v0;
	v18 =	vld.idx.msk [tilespmem:v20+s12+$0x0], $0xffff  }
0x200: {  	v14 =	vld.idx.msk [tilespmem:v2+s12+$0x0], $0xffff;
	v2 =	vor.u32 v29, v0  }
0x201: {  	v20 =	vld.idx.msk [tilespmem:v22+s12+$0x0], $0xffff  }
0x202: {  	v22 =	vld.idx.msk [tilespmem:v24+s12+$0x0], $0xffff  }
0x203: {  	v24 =	vld.idx.msk [tilespmem:v39+s12+$0x0], $0xffff  }
0x204: {  	v25 =	vor.u32 v36, v0;
	v39 =	vld.idx.msk [tilespmem:v26+s12+$0x0], $0xffff  }
0x205: {  	v23 =	vor.u32 v32, v0;
	v2 =	vld.idx.msk [tilespmem:v2+s12+$0x0], $0xffff  }
0x206: {  	v28 =	vor.u32 v63, v1;
	v9 =	vld.idx.msk [tilespmem:v9+s12+$0x0], $0xffff  }
0x207: {  	v30 =	vor.u32 v50, v1;
	v15 =	vld.idx.msk [tilespmem:v15+s12+$0x0], $0xffff  }
0x208: {  	v63 =	vor.u32 v51, v0;
	v19 =	vld.idx.msk [tilespmem:v19+s12+$0x0], $0xffff;
	[tilespmem:$0x1F700] =	vst v3  }
0x209: {  	v25 =	vld.idx.msk [tilespmem:v25+s12+$0x0], $0xffff;
	v29 =	vor.u32 v43, v0;
	[tilespmem:$0x1F7C0] =	vst v39;
	v43 =	vor.u32 v55, v1  }
0x20a: {  	v51 =	vor.u32 v57, v0;
	v23 =	vld.idx.msk [tilespmem:v23+s12+$0x0], $0xffff;
	[tilespmem:$0x1F750] =	vst v2  }
0x20b: {  	v26 =	vld.idx.msk [tilespmem:v28+s12+$0x0], $0xffff  }
0x20c: {  	v28 =	vld.idx.msk [tilespmem:v30+s12+$0x0], $0xffff  }
0x20d: {  	v2 =	vld.idx.msk [tilespmem:v63+s12+$0x0], $0xffff  }
0x20e: {  	v63 =	vor.u32 v40, v1;
	v30 =	vld.idx.msk [tilespmem:v43+s12+$0x0], $0xffff  }
0x20f: {  	v33 =	vld.idx.msk [tilespmem:v51+s12+$0x0], $0xffff  }
0x210: {  	v59 =	vor.u32 v59, v0;
	v4 =	vld [tilespmem:$0x1FEB0]  }
0x211: {  	v51 =	vld [tilespmem:$0x1FE60]  }
0x212: {  	v43 =	vor.u32 v17, v0;
	v5 =	vld [tilespmem:$0x1FEC0]  }
0x213: {  	v36 =	vld.idx.msk [tilespmem:v63+s12+$0x0], $0xffff  }
0x214: {  	v63 =	vld [tilespmem:$0x1FE90]  }
0x215: {  	v39 =	vld.idx.msk [tilespmem:v59+s12+$0x0], $0xffff;
	v4 =	vor.u32 v4, v0  }
0x216: {  	v59 =	vld [tilespmem:$0x1FE80]  }
0x217: {  	v40 =	vld.idx.msk [tilespmem:v43+s12+$0x0], $0xffff  }
0x218: {  	v43 =	vld [tilespmem:$0x1FEA0];
	v5 =	vor.u32 v5, v1  }
0x219: {  	v6 =	vld [tilespmem:$0x1FED0];
	[tilespmem:$0x1F810] =	vst v2;
	v2 =	vor.u32 v63, v0  }
0x21a: {  	v4 =	vld.idx.msk [tilespmem:v4+s12+$0x0], $0xffff  }
0x21b: {  	v51 =	vor.u32 v51, v1;
	v63 =	vld [tilespmem:$0x1FEE0]  }
0x21c: {  	v59 =	vor.u32 v59, v1;
	[tilespmem:$0x1F880] =	vst v40;
	v40 =	vld [tilespmem:$0x1FEF0]  }
0x21d: {  	v3 =	vor.u32 v43, v1;
	v5 =	vld.idx.msk [tilespmem:v5+s12+$0x0], $0xffff  }
0x21e: {  	v2 =	vld.idx.msk [tilespmem:v2+s12+$0x0], $0xffff  }
0x21f: {  	[tilespmem:$0x1F900] =	vst v4;
	v4 =	vld [tilespmem:$0x1FF00]  }
0x220: {  	v43 =	vld.idx.msk [tilespmem:v51+s12+$0x0], $0xffff  }
0x221: {  	v51 =	vld.idx.msk [tilespmem:v59+s12+$0x0], $0xffff  }
0x222: {  	v6 =	vor.u32 v6, v0;
	v59 =	vld.idx.msk [tilespmem:v3+s12+$0x0], $0xffff  }
0x223: {  	v3 =	vor.u32 v40, v0;
	[tilespmem:$0x1F910] =	vst v5;
	v5 =	vld [tilespmem:$0x1FF10]  }
0x224: {  	[tilespmem:$0x1F8D0] =	vst v2;
	v2 =	vor.u32 v63, v1;
	v4 =	vor.u32 v4, v1;
	v63 =	vld [tilespmem:$0x1FF30];
	_ =	sdelay $0x2  }
0x225: {  	p0 =	seq.s32 s31, $0x1F0;
	v6 =	vld.idx.msk [tilespmem:v6+s12+$0x0], $0xffff  }
0x226: {  	v7 =	vlaneseq.u32 @!p0;
	v40 =	vld.idx.msk [tilespmem:v3+s12+$0x0], $0xffff  }
0x227: {  	v17 =	vand.u32 @!p0 $0x3, v7;
	v5 =	vor.u32 v5, v0;
	v7 =	vor.u32 v63, v0;
	v63 =	vld.idx.msk [tilespmem:v4+s12+$0x0], $0xffff;
	_ =	sdelay $0x2  }
0x228: {  	[tilespmem:$0x1F940] =	vst v6;
	v6 =	vld [tilespmem:$0x1FF20]  }
0x229: {  	[tilespmem:$0x1F980] =	vst v40;
	v40 =	vld [tilespmem:$0x1FF40]  }
0x22a: {  	[tilespmem:$0x1F990] =	vst v63;
	v63 =	vld.idx.msk [tilespmem:v5+s12+$0x0], $0xffff;
	_ =	sdelay $0x1  }
0x22b: {  	v5 =	vor.u32 v38, v0  }
0x22c: {  	v6 =	vor.u32 v6, v1  }
0x22d: {  	v4 =	vor.u32 v40, v1  }
0x22e: {  	[tilespmem:$0x1F9C0] =	vst v63;
	v63 =	vld [tilespmem:$0x1FF50];
	_ =	sdelay $0x1  }
0x22f: {  	v5 =	vld.idx.msk [tilespmem:v5+s12+$0x0], $0xffff  }
0x230: {  	v40 =	vld.idx.msk [tilespmem:v6+s12+$0x0], $0xffff  }
0x231: {  	v4 =	vld.idx.msk [tilespmem:v4+s12+$0x0], $0xffff  }
0x232: {  	v6 =	vor.u32 v63, v1;
	v63 =	vld [tilespmem:$0x1FF60];
	_ =	sdelay $0x1  }
0x233: {  	[tilespmem:$0x1FA40] =	vst v5;
	v5 =	vld [tilespmem:$0x1FF80];
	_ =	sdelay $0x1  }
0x234: {  	[tilespmem:$0x1F9D0] =	vst v40;
	v40 =	vld.idx.msk [tilespmem:v7+s12+$0x0], $0xffff  }
0x235: {  	[tilespmem:$0x1FA10] =	vst v4;
	v4 =	vld [tilespmem:$0x1FF70];
	v7 =	vor.u32 v63, v0  }
0x236: {  	v6 =	vld.idx.msk [tilespmem:v6+s12+$0x0], $0xffff  }
0x237: {  	v5 =	vor.u32 v5, v0  }
0x238: {  	s5 =	sadd.s32 @!p0 $0x10, s31;
	v55 =	vor.u32 v58, v1;
	v2 =	vld.idx.msk [tilespmem:v2+s12+$0x0], $0xffff  }
0x239: {  	v3 =	vor.u32 @!p0 s5, v17;
	[tilespmem:$0x1FA00] =	vst v40;
	v40 =	vld [tilespmem:$0x1FFA0]  }
0x23a: {  	v7 =	vld.idx.msk [tilespmem:v7+s12+$0x0], $0xffff  }
0x23b: {  	v4 =	vor.u32 v4, v1;
	[tilespmem:$0x1FA50] =	vst v6;
	v6 =	vld [tilespmem:$0x1FF90]  }
0x23c: {  	v5 =	vld.idx.msk [tilespmem:v5+s12+$0x0], $0xffff  }
0x23d: {  	s8 =	simm.s32 @!p0 $0x0;
	v32 =	vld.idx.msk [tilespmem:v55+s12+$0x0], $0xffff  }
0x23e: {  	[tilespmem:$0x1F950] =	vst v2;
	v2 =	vld.idx.msk @!p0 [tilespmem:v3+s8+$0x0], $0xffff;
	v63 =	vor.u32 v40, v0  }
0x23f: {  	[tilespmem:$0x1FA70] =	vst v7;
	v7 =	vld [tilespmem:$0x1FFB0]  }
0x240: {  	v4 =	vld.idx.msk [tilespmem:v4+s12+$0x0], $0xffff;
	v6 =	vor.u32 v6, v1  }
0x241: {  	s7 =	simm.s32 @!p0 $0x200;
	v55 =	vld [tilespmem:$0x1FE70];
	[tilespmem:$0x1FAD0] =	vst v5;
	v5 =	vor.u32 v53, v1  }
0x242: {  	v3 =	vld.idx.msk @!p0 [tilespmem:v3+s7+$0x0], $0xffff;
	v40 =	vor.u32 v52, v0  }
0x243: {  	v8 =	vld.idx.msk [tilespmem:v63+s12+$0x0], $0xffff;
	v63 =	vor.u32 v56, v1  }
0x244: {  	v2 =	vshrl.u32 @!p0 v2, $0x7;
	v7 =	vor.u32 v7, v1  }
0x245: {  	[tilespmem:$0x1FA80] =	vst v4;
	v4 =	vshll.u32 @!p0 v2, $0x7;
	v6 =	vld.idx.msk [tilespmem:v6+s12+$0x0], $0xffff  }
0x246: {  	(v2sf) =	vpush @!p0 v4, $0x0;
	v5 =	vld.idx.msk [tilespmem:v5+s12+$0x0], $0xffff  }
0x247: {  	v2 =	vld.idx.msk [tilespmem:v40+s12+$0x0], $0xffff  }
0x248: {  	v55 =	vor.u32 v55, v0;
	v3 =	vshrl.u32 @!p0 v3, $0x7;
	[tilespmem:$0x1FB00] =	vst v8;
	v8 =	vld.idx.msk [tilespmem:v63+s12+$0x0], $0xffff  }
0x249: {  	v44 =	vor.u32 v44, v0;
	v3 =	vshll.u32 @!p0 v3, $0x7;
	v7 =	vld.idx.msk [tilespmem:v7+s12+$0x0], $0xffff  }
0x24a: {  	(v2sf) =	vpush @!p0 v3, $0x0;
	[tilespmem:$0x1FAE0] =	vst v6;
	v6 =	vor.u32 v54, v0  }
0x24b: {  	[tilespmem:$0x1FB70] =	vst v5;
	v5 =	vor.u32 v31, v0  }
0x24c: {  	v29 =	vld.idx.msk [tilespmem:v29+s12+$0x0], $0xffff;
	[tilespmem:$0x1FB60] =	vst v2;
	v2 =	vor.u32 v61, v1  }
0x24d: {  	v35 =	vor.u32 v35, v0;
	v55 =	vld.idx.msk [tilespmem:v55+s12+$0x0], $0xffff;
	[tilespmem:$0x1FBB0] =	vst v8  }
0x24e: {  	(v2sf) =	vpush @!p0 v4, $0x1;
	v8 =	vld.idx.msk [tilespmem:v44+s12+$0x0], $0xffff;
	[tilespmem:$0x1FB10] =	vst v7;
	v7 =	vor.u32 v60, v0  }
0x24f: {  	v40 =	vld.idx.msk [tilespmem:v6+s12+$0x0], $0xffff;
	v6 =	vor.u32 v27, v1  }
0x250: {  	v34 =	vor.u32 v34, v1;
	v5 =	vld.idx.msk [tilespmem:v5+s12+$0x0], $0xffff  }
0x251: {  	v2 =	vld.idx.msk [tilespmem:v2+s12+$0x0], $0xffff;
	v27 =	vor.u32 v42, v1  }
0x252: {  	v31 =	vld.idx.msk [tilespmem:v35+s12+$0x0], $0xffff;
	v0 =	vor.u32 v37, v0  }
0x253: {  	v1 =	vor.u32 v21, v1;
	v7 =	vld.idx.msk [tilespmem:v7+s12+$0x0], $0xffff  }
0x254: {  	v6 =	vld.idx.msk [tilespmem:v6+s12+$0x0], $0xffff  }
0x255: {  	s5 =	spop @!p0 (v2sf);
	[tilespmem:$0x1FC10] =	vst v5;
	v5 =	vld.idx.msk [tilespmem:v34+s12+$0x0], $0xffff  }
0x256: {  	[tilespmem:$0x1FC60] =	vst v8;
	s5 =	sand.u32 @!p0 $0x1FFFFF80, s5;
	v8 =	vld.idx.msk [tilespmem:v27+s12+$0x0], $0xffff  }
0x257: {  	s6 =	simm.s32 @!p0 $0x400;
	s9 =	sadd.s32 @!p0 s0, s5;
	s5 =	simm.s32 @!p0 $0x7A1400;
	v0 =	vld.idx.msk [tilespmem:v0+s12+$0x0], $0xffff  }
0x258: {  	v34 =	vld.idx.msk [tilespmem:v1+s12+$0x0], $0xffff;
	[tilespmem:s6], [sflag:$0x1] =	stream.strided.gather @!p0 [hbm4b:s9+s6], $0x1000, s5, s6, $0x38  }
0x259: {  	s9 =	spop @!p0 (v2sf)  }
0x25a: {  	(v2sf) =	vpush @!p0 v3, $0x1;
	s9 =	sand.u32 @!p0 $0x1FFFFF80, s9  }
0x25b: {  	s2 =	simm.s32 @!p0 $0x4400;
	v35 =	vld [tilespmem:$0x1EF50];
	(v2sf) =	vpush @!p0 v4, $0x2;
	s9 =	sadd.s32 @!p0 s1, s9  }
0x25c: {  	v42 =	vld [tilespmem:$0x1EF70];
	(v2sf) =	vpush @!p0 v3, $0x2;
	[tilespmem:s2], [sflag:$0x1] =	stream.strided.gather @!p0 [hbm4b:s9+s6], $0x1000, s5, s6, $0x38  }
0x25d: {  	s2 =	spop @!p0 (v2sf);
	(v2sf) =	vpush @!p0 v4, $0x3;
	v4 =	vld [tilespmem:$0x1EF80]  }
0x25e: {  	v37 =	vld [tilespmem:$0x1EF60];
	_ =	sdelay $0x2  }
0x25f: {  	v44 =	vld [tilespmem:$0x1EF90]  }
0x260: {  	v1 =	vmul.f32 v4, v42;
	v4 =	vld [tilespmem:$0x1EFA0]  }
0x261: {  	v63 =	vld [tilespmem:$0x1EFB0];
	[tilespmem:$0x1FCA0] =	vst v0;
	v0 =	vmul.f32 v37, v35  }
0x262: {  	[tilespmem:$0x1FCB0] =	vst v34;
	v34 =	vld [tilespmem:$0x1EFC0]  }
0x263: {  	v0 =	vadd.f32 $0.0e+00, v0;
	_ =	sdelay $0x1  }
0x264: {  	v35 =	vld [tilespmem:$0x1EFD0];
	v0 =	vadd.f32 v1, v0;
	v1 =	vmul.f32 v4, v44  }
0x265: {  	v4 =	vld [tilespmem:$0x1F020]  }
0x266: {  	v0 =	vadd.f32 v1, v0;
	v1 =	vmul.f32 v34, v63;
	v63 =	vld [tilespmem:$0x1F010]  }
0x267: {  	v37 =	vld [tilespmem:$0x1EFE0]  }
0x268: {  	s2 =	sand.u32 @!p0 $0x1FFFFF80, s2;
	v42 =	vld [tilespmem:$0x1EFF0]  }
0x269: {  	s9 =	simm.s32 @!p0 $0x1400;
	s2 =	sadd.s32 @!p0 s0, s2;
	v44 =	vld [tilespmem:$0x1F000]  }
0x26a: {  	[tilespmem:s9], [sflag:$0x1] =	stream.strided.gather @!p0 [hbm4b:s2+s6], $0x1000, s5, s6, $0x38;
	v34 =	vld [tilespmem:$0x1F030]  }
0x26b: {  	s2 =	spop @!p0 (v2sf);
	(v2sf) =	vpush @!p0 v3, $0x3;
	v3 =	vmul.f32 v4, v63;
	v4 =	vld [tilespmem:$0x1F040]  }
0x26c: {  	v0 =	vadd.f32 v1, v0;
	v1 =	vmul.f32 v37, v35;
	_ =	sdelay $0x1  }
0x26d: {  	v0 =	vadd.f32 v1, v0;
	v1 =	vmul.f32 v44, v42  }
0x26e: {  	[tilespmem:$0x1FC70] =	vst v8;
	v8 =	vld [tilespmem:$0x1F060]  }
0x26f: {  	v0 =	vadd.f32 v1, v0;
	v1 =	vmul.f32 v4, v34;
	v4 =	vld [tilespmem:$0x1F050];
	_ =	sdelay $0x3  }
0x270: {  	v35 =	vld [tilespmem:$0x1F070]  }
0x271: {  	v4 =	vmul.f32 v8, v4;
	v8 =	vld [tilespmem:$0x1F080];
	_ =	sdelay $0x1  }
0x272: {  	v3 =	vadd.f32 $0.0e+00, v3;
	_ =	sdelay $0x1  }
0x273: {  	v3 =	vadd.f32 v4, v3;
	v4 =	vld [tilespmem:$0x1F090]  }
0x274: {  	v0 =	vadd.f32 v1, v0;
	v1 =	vmul.f32 v8, v35;
	v8 =	vld [tilespmem:$0x1F0A0];
	_ =	sdelay $0x3  }
0x275: {  	v37 =	vld [tilespmem:$0x1F0B0]  }
0x276: {  	v4 =	vmul.f32 v8, v4;
	v8 =	vld [tilespmem:$0x1F0C0];
	_ =	sdelay $0x3  }
0x277: {  	v3 =	vadd.f32 v4, v3;
	v4 =	vld [tilespmem:$0x1F0D0]  }
0x278: {  	v0 =	vadd.f32 v1, v0;
	v1 =	vmul.f32 v8, v37;
	v8 =	vld [tilespmem:$0x1F0E0];
	_ =	sdelay $0x3  }
0x279: {  	v42 =	vld [tilespmem:$0x1F0F0]  }
0x27a: {  	v4 =	vmul.f32 v8, v4;
	v8 =	vld [tilespmem:$0x1F100];
	_ =	sdelay $0x3  }
0x27b: {  	v3 =	vadd.f32 v4, v3;
	v4 =	vld [tilespmem:$0x1F110]  }
0x27c: {  	v0 =	vadd.f32 v1, v0;
	v1 =	vmul.f32 v8, v42;
	v8 =	vld [tilespmem:$0x1F120];
	_ =	sdelay $0x3  }
0x27d: {  	v44 =	vld [tilespmem:$0x1F130]  }
0x27e: {  	v4 =	vmul.f32 v8, v4;
	v8 =	vld [tilespmem:$0x1F140];
	_ =	sdelay $0x3  }
0x27f: {  	s2 =	sand.u32 @!p0 $0x1FFFFF80, s2;
	v3 =	vadd.f32 v4, v3;
	v4 =	vld [tilespmem:$0x1F150]  }
0x280: {  	s9 =	simm.s32 @!p0 $0x5400;
	s2 =	sadd.s32 @!p0 s1, s2;
	v0 =	vadd.f32 v1, v0;
	v1 =	vmul.f32 v8, v44;
	v8 =	vld [tilespmem:$0x1F160]  }
0x281: {  	[tilespmem:s9], [sflag:$0x1] =	stream.strided.gather @!p0 [hbm4b:s2+s6], $0x1000, s5, s6, $0x38;
	[tilespmem:$0x10600] =	vst v63  }
0x282: {  	s2 =	spop @!p0 (v2sf)  }
0x283: {  	s2 =	sand.u32 @!p0 $0x1FFFFF80, s2  }
0x284: {  	s9 =	simm.s32 @!p0 $0x2400;
	s2 =	sadd.s32 @!p0 s0, s2;
	v63 =	vld [tilespmem:$0x1F170]  }
0x285: {  	[tilespmem:s9], [sflag:$0x1] =	stream.strided.gather @!p0 [hbm4b:s2+s6], $0x1000, s5, s6, $0x38;
	v4 =	vmul.f32 v8, v4;
	v8 =	vld [tilespmem:$0x1F180]  }
0x286: {  	s2 =	spop @!p0 (v2sf)  }
0x287: {  	s2 =	sand.u32 @!p0 $0x1FFFFF80, s2  }
0x288: {  	s9 =	simm.s32 @!p0 $0x6400;
	s2 =	sadd.s32 @!p0 s1, s2  }
0x289: {  	[tilespmem:s9], [sflag:$0x1] =	stream.strided.gather @!p0 [hbm4b:s2+s6], $0x1000, s5, s6, $0x38;
	v3 =	vadd.f32 v4, v3;
	v4 =	vld [tilespmem:$0x1F190]  }
0x28a: {  	s2 =	spop @!p0 (v2sf);
	v0 =	vadd.f32 v1, v0;
	v1 =	vmul.f32 v8, v63;
	v8 =	vld [tilespmem:$0x1F1A0]  }
0x28b: {  	s2 =	sand.u32 @!p0 $0x1FFFFF80, s2  }
0x28c: {  	s9 =	simm.s32 @!p0 $0x3400;
	s2 =	sadd.s32 @!p0 s0, s2  }
0x28d: {  	[tilespmem:s9], [sflag:$0x1] =	stream.strided.gather @!p0 [hbm4b:s2+s6], $0x1000, s5, s6, $0x38;
	[tilespmem:$0x10600] =	vst v63  }
0x28e: {  	s2 =	spop @!p0 (v2sf);
	v34 =	vld [tilespmem:$0x1F1B0]  }
0x28f: {  	s2 =	sand.u32 @!p0 $0x1FFFFF80, s2;
	v4 =	vmul.f32 v8, v4;
	v8 =	vld [tilespmem:$0x1F1C0]  }
0x290: {  	s9 =	simm.s32 @!p0 $0x7400;
	s2 =	sadd.s32 @!p0 s1, s2  }
0x291: {  	[tilespmem:s9], [sflag:$0x1] =	stream.strided.gather @!p0 [hbm4b:s2+s6], $0x1000, s5, s6, $0x38;
	[tilespmem:$0x10600] =	vst v63  }
0x292: {  	_ =	swait.ge [sflag:s30], $0x1000  }
0x293: {  	v3 =	vadd.f32 v4, v3;
	v4 =	vld [tilespmem:$0x1F1D0]  }
0x294: {  	v0 =	vadd.f32 v1, v0;
	v1 =	vmul.f32 v8, v34;
	v8 =	vld [tilespmem:$0x1F1E0];
	_ =	sdelay $0x3  }
0x295: {  	v35 =	vld [tilespmem:$0x1F1F0]  }
0x296: {  	v4 =	vmul.f32 v8, v4;
	v8 =	vld [tilespmem:$0x1F200];
	_ =	sdelay $0x3  }
0x297: {  	v3 =	vadd.f32 v4, v3;
	v4 =	vld [tilespmem:$0x1F210]  }
0x298: {  	v0 =	vadd.f32 v1, v0;
	v1 =	vmul.f32 v8, v35;
	v8 =	vld [tilespmem:$0x1F220]  }
0x299: {  	[sflag:s30] =	ssyncset.done $0x0  }
0x29a: {  	[sflag:s30] =	ssyncadd.s32 $0xFFFFF000  }
0x29b: {  	_ =	swait.ge [sflag:s30], $0x1000  }
0x29c: {  	v37 =	vld [tilespmem:$0x1F230]  }
0x29d: {  	v4 =	vmul.f32 v8, v4;
	v8 =	vld [tilespmem:$0x1F240];
	_ =	sdelay $0x3  }
0x29e: {  	v3 =	vadd.f32 v4, v3;
	v4 =	vld [tilespmem:$0x1F250]  }
0x29f: {  	v0 =	vadd.f32 v1, v0;
	v1 =	vmul.f32 v8, v37;
	v8 =	vld [tilespmem:$0x1F260];
	_ =	sdelay $0x3  }
0x2a0: {  	v42 =	vld [tilespmem:$0x1F270]  }
0x2a1: {  	v4 =	vmul.f32 v8, v4;
	v8 =	vld [tilespmem:$0x1F280]  }
0x2a2: {  	[sflag:s30] =	ssyncset.done $0x0  }
0x2a3: {  	[sflag:s30] =	ssyncadd.s32 $0xFFFFF000  }
0x2a4: {  	_ =	swait.ge [sflag:s30], $0x1000  }
0x2a5: {  	v3 =	vadd.f32 v4, v3;
	v4 =	vld [tilespmem:$0x1F290]  }
0x2a6: {  	v0 =	vadd.f32 v1, v0;
	v1 =	vmul.f32 v8, v42;
	v8 =	vld [tilespmem:$0x1F2A0];
	_ =	sdelay $0x3  }
0x2a7: {  	v44 =	vld [tilespmem:$0x1F2B0]  }
0x2a8: {  	v4 =	vmul.f32 v8, v4;
	v8 =	vld [tilespmem:$0x1F2C0];
	_ =	sdelay $0x3  }
0x2a9: {  	v3 =	vadd.f32 v4, v3;
	v4 =	vld [tilespmem:$0x1F2D0]  }
0x2aa: {  	v0 =	vadd.f32 v1, v0;
	v1 =	vmul.f32 v8, v44;
	v8 =	vld [tilespmem:$0x1F2E0]  }
0x2ab: {  	[sflag:s30] =	ssyncset.done $0x0  }
0x2ac: {  	[sflag:s30] =	ssyncadd.s32 $0xFFFFF000  }
0x2ad: {  	_ =	swait.ge [sflag:s30], $0x1000  }
0x2ae: {  	v63 =	vld [tilespmem:$0x1F2F0]  }
0x2af: {  	v4 =	vmul.f32 v8, v4;
	v8 =	vld [tilespmem:$0x1F300];
	_ =	sdelay $0x3  }
0x2b0: {  	v3 =	vadd.f32 v4, v3;
	v4 =	vld [tilespmem:$0x1F310]  }
0x2b1: {  	v0 =	vadd.f32 v1, v0;
	v1 =	vmul.f32 v8, v63;
	v8 =	vld [tilespmem:$0x1F320];
	_ =	sdelay $0x3  }
0x2b2: {  	v34 =	vld [tilespmem:$0x1F330]  }
0x2b3: {  	v4 =	vmul.f32 v8, v4;
	v8 =	vld [tilespmem:$0x1F340]  }
0x2b4: {  	[sflag:s30] =	ssyncset.done $0x0  }
0x2b5: {  	[sflag:s30] =	ssyncadd.s32 $0xFFFFF000  }
0x2b6: {  	_ =	swait.ge [sflag:s30], $0x1000  }
0x2b7: {  	v3 =	vadd.f32 v4, v3;
	v4 =	vld [tilespmem:$0x1F350]  }
0x2b8: {  	v0 =	vadd.f32 v1, v0;
	v1 =	vmul.f32 v8, v34;
	v8 =	vld [tilespmem:$0x1F360];
	_ =	sdelay $0x3  }
0x2b9: {  	v35 =	vld [tilespmem:$0x1F370]  }
0x2ba: {  	v4 =	vmul.f32 v8, v4;
	v8 =	vld [tilespmem:$0x1F380];
	_ =	sdelay $0x3  }
0x2bb: {  	v3 =	vadd.f32 v4, v3;
	v4 =	vld [tilespmem:$0x1F390]  }
0x2bc: {  	v0 =	vadd.f32 v1, v0;
	v1 =	vmul.f32 v8, v35;
	v8 =	vld [tilespmem:$0x1F3A0]  }
0x2bd: {  	[sflag:s30] =	ssyncset.done $0x0  }
0x2be: {  	[sflag:s30] =	ssyncadd.s32 $0xFFFFF000  }
0x2bf: {  	_ =	swait.ge [sflag:s30], $0x1000  }
0x2c0: {  	v37 =	vld [tilespmem:$0x1F3B0]  }
0x2c1: {  	v4 =	vmul.f32 v8, v4;
	v8 =	vld [tilespmem:$0x1F3C0];
	_ =	sdelay $0x3  }
0x2c2: {  	v3 =	vadd.f32 v4, v3;
	v4 =	vld [tilespmem:$0x1F3D0]  }
0x2c3: {  	v0 =	vadd.f32 v1, v0;
	v1 =	vmul.f32 v8, v37;
	v8 =	vld [tilespmem:$0x1F3E0];
	_ =	sdelay $0x3  }
0x2c4: {  	v42 =	vld [tilespmem:$0x1F3F0]  }
0x2c5: {  	v4 =	vmul.f32 v8, v4;
	v8 =	vld [tilespmem:$0x1F400]  }
0x2c6: {  	[sflag:s30] =	ssyncset.done $0x0  }
0x2c7: {  	[sflag:s30] =	ssyncadd.s32 $0xFFFFF000  }
0x2c8: {  	_ =	swait.ge [sflag:s30], $0x1000  }
0x2c9: {  	v3 =	vadd.f32 v4, v3;
	v4 =	vld [tilespmem:$0x1F410]  }
0x2ca: {  	v0 =	vadd.f32 v1, v0;
	v1 =	vmul.f32 v8, v42;
	v8 =	vld [tilespmem:$0x1F420];
	_ =	sdelay $0x3  }
0x2cb: {  	v44 =	vld [tilespmem:$0x1F430]  }
0x2cc: {  	v4 =	vmul.f32 v8, v4;
	v8 =	vld [tilespmem:$0x1F440];
	_ =	sdelay $0x3  }
0x2cd: {  	v3 =	vadd.f32 v4, v3;
	v4 =	vld [tilespmem:$0x1F450]  }
0x2ce: {  	v0 =	vadd.f32 v1, v0;
	v1 =	vmul.f32 v8, v44;
	v8 =	vld [tilespmem:$0x1F460]  }
0x2cf: {  	[sflag:s30] =	ssyncset.done $0x0  }
0x2d0: {  	[sflag:s30] =	ssyncadd.s32 $0xFFFFF000  }
0x2d1: {  	_ =	swait.ge [sflag:s30], $0x1000  }
0x2d2: {  	v63 =	vld [tilespmem:$0x1F470]  }
0x2d3: {  	v4 =	vmul.f32 v8, v4;
	v8 =	vld [tilespmem:$0x1F480];
	_ =	sdelay $0x3  }
0x2d4: {  	v3 =	vadd.f32 v4, v3;
	v4 =	vld [tilespmem:$0x1F490]  }
0x2d5: {  	v0 =	vadd.f32 v1, v0;
	v1 =	vmul.f32 v8, v63;
	v8 =	vld [tilespmem:$0x1F4A0];
	_ =	sdelay $0x3  }
0x2d6: {  	v34 =	vld [tilespmem:$0x1F4B0]  }
0x2d7: {  	v4 =	vmul.f32 v8, v4;
	v8 =	vld [tilespmem:$0x1F4C0];
	_ =	sdelay $0x3  }
0x2d8: {  	v3 =	vadd.f32 v4, v3;
	v4 =	vld [tilespmem:$0x1F4D0]  }
0x2d9: {  	v0 =	vadd.f32 v1, v0;
	v1 =	vmul.f32 v8, v34;
	v8 =	vld [tilespmem:$0x1F4E0];
	_ =	sdelay $0x1  }
0x2da: {  	[sflag:s30] =	ssyncset.done $0x0  }
0x2db: {  	v35 =	vld [tilespmem:$0x1F4F0];
	[sflag:s30] =	ssyncadd.s32 $0xFFFFF000  }
0x2dc: {  	v21 =	vld.idx.msk [tilespmem:v10+s3+$0x0], $0xffff  }
0x2dd: {  	v4 =	vmul.f32 v8, v4;
	v8 =	vld.idx.msk [tilespmem:v10+s11+$0x0], $0xffff  }
0x2de: {  	v10 =	vld [tilespmem:$0x1F500];
	_ =	sdelay $0x3  }
0x2df: {  	v3 =	vadd.f32 v4, v3;
	v4 =	vld [tilespmem:$0x1F510]  }
0x2e0: {  	v0 =	vadd.f32 v1, v0;
	v1 =	vmul.f32 v10, v35;
	v10 =	vld [tilespmem:$0x1F520]  }
0x2e1: {  	v37 =	vld [tilespmem:$0x1F530]  }
0x2e2: {  	v42 =	vld [tilespmem:$0x1F540];
	_ =	sdelay $0x1  }
0x2e3: {  	v44 =	vld [tilespmem:$0x1F550]  }
0x2e4: {  	v4 =	vmul.f32 v10, v4;
	v10 =	vld [tilespmem:$0x1F560];
	_ =	sdelay $0x1  }
0x2e5: {  	v3 =	vadd.f32 v4, v3;
	v4 =	vmul.f32 v42, v37;
	_ =	sdelay $0x1  }
0x2e6: {  	v3 =	vadd.f32 v4, v3;
	v4 =	vld [tilespmem:$0x1F570]  }
0x2e7: {  	v27 =	vadd.f32 v1, v0;
	v1 =	vand.u32 $0x7F, v21;
	v21 =	vmul.f32 v10, v44;
	v10 =	vld [tilespmem:$0x1F580];
	_ =	sdelay $0x3  }
0x2e8: {  	v21 =	vadd.f32 v21, v27;
	v27 =	vld [tilespmem:$0x1F5A0]  }
0x2e9: {  	v4 =	vmul.f32 v10, v4;
	v10 =	vld [tilespmem:$0x1F590];
	_ =	sdelay $0x3  }
0x2ea: {  	v3 =	vadd.f32 v4, v3;
	v4 =	vld [tilespmem:$0x1F5B0]  }
0x2eb: {  	v27 =	vmul.f32 v27, v10;
	v10 =	vld [tilespmem:$0x1F5C0];
	_ =	sdelay $0x3  }
0x2ec: {  	v21 =	vadd.f32 v27, v21;
	v27 =	vld [tilespmem:$0x1F5E0]  }
0x2ed: {  	v4 =	vmul.f32 v10, v4;
	v10 =	vld [tilespmem:$0x1F5D0];
	_ =	sdelay $0x3  }
0x2ee: {  	v3 =	vadd.f32 v4, v3;
	v4 =	vld [tilespmem:$0x1F5F0]  }
0x2ef: {  	v27 =	vmul.f32 v27, v10;
	v10 =	vld [tilespmem:$0x1F600];
	_ =	sdelay $0x4  }
0x2f0: {  	v4 =	vmul.f32 v10, v4;
	v10 =	vld [tilespmem:$0x1F610];
	_ =	sdelay $0x3  }
0x2f1: {  	v0 =	vand.u32 $0x7F, v8  }
0x2f2: {  	v37 =	vor.u32 v10, v0;
	v10 =	vld [tilespmem:$0x1F620];
	_ =	sdelay $0x3  }
0x2f3: {  	v3 =	vadd.f32 v4, v3;
	v4 =	vld [tilespmem:$0x1F630]  }
0x2f4: {  	v34 =	vadd.f32 v27, v21;
	v27 =	vor.u32 v10, v1;
	v10 =	vld [tilespmem:$0x1F640];
	_ =	sdelay $0x4  }
0x2f5: {  	v4 =	vmul.f32 v10, v4;
	v10 =	vld [tilespmem:$0x1F650];
	_ =	sdelay $0x3  }
0x2f6: {  	v35 =	vor.u32 v45, v0;
	v63 =	vor.u32 v49, v1;
	v49 =	vld [tilespmem:$0x1F670]  }
0x2f7: {  	v42 =	vor.u32 v47, v1;
	v47 =	vor.u32 v10, v0;
	v10 =	vld [tilespmem:$0x1F660];
	_ =	sdelay $0x3  }
0x2f8: {  	v21 =	vld.idx.msk [tilespmem:v35+s12+$0x0], $0xffff  }
0x2f9: {  	v35 =	vmul.f32 v49, v10;
	v10 =	vld [tilespmem:$0x1F680];
	_ =	sdelay $0x3  }
0x2fa: {  	v3 =	vadd.f32 v4, v3;
	v4 =	vld [tilespmem:$0x1F690]  }
0x2fb: {  	v44 =	vor.u32 v10, v1;
	v10 =	vld [tilespmem:$0x1F6A0];
	_ =	sdelay $0x3  }
0x2fc: {  	v48 =	vor.u32 v48, v0  }
0x2fd: {  	v4 =	vmul.f32 v10, v4;
	v10 =	vld [tilespmem:$0x1F6B0];
	_ =	sdelay $0x3  }
0x2fe: {  	v9 =	vmul.f32 v9, v11;
	v11 =	vld.idx.msk [tilespmem:v48+s12+$0x0], $0xffff  }
0x2ff: {  	v48 =	vor.u32 v10, v0;
	v10 =	vld [tilespmem:$0x1F6E0];
	_ =	sdelay $0x2  }
0x300: {  	v12 =	vmul.f32 v12, v13;
	v13 =	vadd.f32 $0.0e+00, v9  }
0x301: {  	v9 =	vld [tilespmem:$0x1F6C0]  }
0x302: {  	v12 =	vadd.f32 v12, v13;
	v13 =	vmul.f32 v14, v15;
	v15 =	vor.u32 v10, v1;
	v10 =	vld [tilespmem:$0x1F6F0];
	_ =	sdelay $0x2  }
0x303: {  	v8 =	vor.u32 v46, v1;
	v45 =	vld.idx.msk [tilespmem:v63+s12+$0x0], $0xffff  }
0x304: {  	v63 =	vor.u32 v9, v1;
	v9 =	vadd.f32 v4, v3;
	v4 =	vld.idx.msk [tilespmem:v27+s12+$0x0], $0xffff  }
0x305: {  	v27 =	vor.u32 v10, v0;
	v10 =	vld [tilespmem:$0x1F700];
	_ =	sdelay $0x2  }
0x306: {  	v8 =	vld.idx.msk [tilespmem:v8+s12+$0x0], $0xffff;
	_ =	sdelay $0x1  }
0x307: {  	v12 =	vadd.f32 v13, v12;
	v13 =	vmul.f32 v16, v10;
	v10 =	vld [tilespmem:$0x1F710];
	_ =	sdelay $0x2  }
0x308: {  	v46 =	vld.idx.msk [tilespmem:v37+s12+$0x0], $0xffff;
	v37 =	vmul.f32 v21, v8  }
0x309: {  	v42 =	vld.idx.msk [tilespmem:v42+s12+$0x0], $0xffff  }
0x30a: {  	v3 =	vadd.f32 $0.0e+00, v37;
	v37 =	vor.u32 v10, v1;
	v10 =	vld [tilespmem:$0x1F720];
	_ =	sdelay $0x3  }
0x30b: {  	v11 =	vmul.f32 v11, v42;
	v42 =	vld.idx.msk [tilespmem:v63+s12+$0x0], $0xffff  }
0x30c: {  	v63 =	vor.u32 v10, v0;
	v10 =	vld [tilespmem:$0x1F730];
	_ =	sdelay $0x3  }
0x30d: {  	v14 =	vld.idx.msk [tilespmem:v47+s12+$0x0], $0xffff  }
0x30e: {  	v12 =	vadd.f32 v13, v12;
	v13 =	vmul.f32 v18, v19;
	v18 =	vor.u32 v10, v1;
	v10 =	vld [tilespmem:$0x1F740];
	_ =	sdelay $0x4  }
0x30f: {  	v4 =	vmul.f32 v14, v4;
	v14 =	vor.u32 v10, v0;
	v10 =	vld [tilespmem:$0x1F750];
	_ =	sdelay $0x4  }
0x310: {  	v12 =	vadd.f32 v13, v12;
	v13 =	vmul.f32 v20, v10;
	v10 =	vld [tilespmem:$0x1F760];
	_ =	sdelay $0x3  }
0x311: {  	v8 =	vld [tilespmem:$0x1F6D0]  }
0x312: {  	v19 =	vor.u32 v10, v1;
	v10 =	vld [tilespmem:$0x1F770];
	_ =	sdelay $0x3  }
0x313: {  	v8 =	vor.u32 v8, v0  }
0x314: {  	v20 =	vor.u32 v10, v0;
	v10 =	vld [tilespmem:$0x1F780]  }
0x315: {  	v21 =	vld.idx.msk [tilespmem:v44+s12+$0x0], $0xffff  }
0x316: {  	v3 =	vadd.f32 v11, v3;
	v11 =	vmul.f32 v46, v45;
	v16 =	vld.idx.msk [tilespmem:v48+s12+$0x0], $0xffff;
	_ =	sdelay $0x1  }
0x317: {  	v8 =	vld.idx.msk [tilespmem:v8+s12+$0x0], $0xffff;
	v3 =	vadd.f32 v11, v3  }
0x318: {  	v12 =	vadd.f32 v13, v12;
	v13 =	vmul.f32 v22, v23;
	v22 =	vor.u32 v10, v1;
	v10 =	vld [tilespmem:$0x1F790];
	_ =	sdelay $0x1  }
0x319: {  	v3 =	vadd.f32 v4, v3;
	v4 =	vmul.f32 v16, v21;
	_ =	sdelay $0x1  }
0x31a: {  	v3 =	vadd.f32 v4, v3;
	v4 =	vmul.f32 v8, v42;
	v8 =	vld.idx.msk [tilespmem:v18+s12+$0x0], $0xffff  }
0x31b: {  	v18 =	vor.u32 v10, v0;
	v10 =	vld [tilespmem:$0x1F7A0];
	_ =	sdelay $0x2  }
0x31c: {  	v11 =	vld.idx.msk [tilespmem:v15+s12+$0x0], $0xffff  }
0x31d: {  	v15 =	vld.idx.msk [tilespmem:v27+s12+$0x0], $0xffff  }
0x31e: {  	v23 =	vor.u32 v10, v1;
	v10 =	vld [tilespmem:$0x1F7B0];
	_ =	sdelay $0x4  }
0x31f: {  	v3 =	vadd.f32 v4, v3;
	v4 =	vmul.f32 v15, v11;
	v15 =	vor.u32 v10, v0;
	v10 =	vld [tilespmem:$0x1F7C0];
	_ =	sdelay $0x2  }
0x320: {  	v12 =	vadd.f32 v13, v12;
	v13 =	vmul.f32 v24, v25;
	_ =	sdelay $0x1  }
0x321: {  	v12 =	vadd.f32 v13, v12;
	v13 =	vmul.f32 v26, v10;
	v10 =	vld [tilespmem:$0x1F7D0]  }
0x322: {  	v16 =	vld.idx.msk [tilespmem:v37+s12+$0x0], $0xffff  }
0x323: {  	v21 =	vld.idx.msk [tilespmem:v63+s12+$0x0], $0xffff  }
0x324: {  	v11 =	vld.idx.msk [tilespmem:v19+s12+$0x0], $0xffff  }
0x325: {  	v19 =	vld.idx.msk [tilespmem:v20+s12+$0x0], $0xffff  }
0x326: {  	v20 =	vor.u32 v10, v1;
	v10 =	vld [tilespmem:$0x1F7E0];
	_ =	sdelay $0x4  }
0x327: {  	v3 =	vadd.f32 v4, v3;
	v4 =	vmul.f32 v21, v16;
	v21 =	vor.u32 v10, v0;
	v10 =	vld [tilespmem:$0x1F7F0];
	_ =	sdelay $0x2  }
0x328: {  	v14 =	vld.idx.msk [tilespmem:v14+s12+$0x0], $0xffff  }
0x329: {  	v16 =	vld.idx.msk [tilespmem:v22+s12+$0x0], $0xffff  }
0x32a: {  	v22 =	vor.u32 v10, v1;
	v10 =	vld [tilespmem:$0x1F800];
	_ =	sdelay $0x4  }
0x32b: {  	v3 =	vadd.f32 v4, v3;
	v4 =	vmul.f32 v14, v8;
	v14 =	vor.u32 v10, v0;
	v10 =	vld [tilespmem:$0x1F810];
	_ =	sdelay $0x2  }
0x32c: {  	v12 =	vadd.f32 v13, v12;
	v13 =	vmul.f32 v28, v29;
	_ =	sdelay $0x1  }
0x32d: {  	v12 =	vadd.f32 v13, v12;
	v13 =	vmul.f32 v30, v10;
	v10 =	vld [tilespmem:$0x1F820];
	_ =	sdelay $0x3  }
0x32e: {  	v8 =	vld.idx.msk [tilespmem:v23+s12+$0x0], $0xffff  }
0x32f: {  	v23 =	vor.u32 v10, v1;
	v10 =	vld [tilespmem:$0x1F830];
	_ =	sdelay $0x4  }
0x330: {  	v3 =	vadd.f32 v4, v3;
	v4 =	vmul.f32 v19, v11;
	v19 =	vor.u32 v10, v0;
	v10 =	vld [tilespmem:$0x1F840];
	_ =	sdelay $0x1  }
0x331: {  	v18 =	vld.idx.msk [tilespmem:v18+s12+$0x0], $0xffff  }
0x332: {  	v11 =	vld.idx.msk [tilespmem:v20+s12+$0x0], $0xffff  }
0x333: {  	v20 =	vld.idx.msk [tilespmem:v21+s12+$0x0], $0xffff  }
0x334: {  	v21 =	vor.u32 v10, v1;
	v10 =	vld [tilespmem:$0x1F850];
	_ =	sdelay $0x4  }
0x335: {  	v3 =	vadd.f32 v4, v3;
	v4 =	vmul.f32 v18, v16;
	v18 =	vor.u32 v10, v0;
	v10 =	vld [tilespmem:$0x1F860];
	_ =	sdelay $0x2  }
0x336: {  	v15 =	vld.idx.msk [tilespmem:v15+s12+$0x0], $0xffff  }
0x337: {  	v16 =	vld.idx.msk [tilespmem:v22+s12+$0x0], $0xffff  }
0x338: {  	v22 =	vor.u32 v10, v1;
	v10 =	vld [tilespmem:$0x1F870];
	_ =	sdelay $0x4  }
0x339: {  	v3 =	vadd.f32 v4, v3;
	v4 =	vmul.f32 v15, v8;
	v15 =	vor.u32 v10, v0;
	v10 =	vld [tilespmem:$0x1F880]  }
0x33a: {  	v12 =	vadd.f32 v13, v12;
	v13 =	vmul.f32 v32, v33;
	_ =	sdelay $0x1  }
0x33b: {  	v12 =	vadd.f32 v13, v12;
	v13 =	vmul.f32 v36, v39;
	_ =	sdelay $0x1  }
0x33c: {  	v12 =	vadd.f32 v13, v12;
	v13 =	vmul.f32 v43, v10;
	v10 =	vld [tilespmem:$0x1F890];
	_ =	sdelay $0x3  }
0x33d: {  	v8 =	vld.idx.msk [tilespmem:v23+s12+$0x0], $0xffff  }
0x33e: {  	v23 =	vor.u32 v10, v1;
	v10 =	vld [tilespmem:$0x1F8A0];
	_ =	sdelay $0x4  }
0x33f: {  	v3 =	vadd.f32 v4, v3;
	v4 =	vmul.f32 v20, v11;
	v20 =	vor.u32 v10, v0;
	v10 =	vld [tilespmem:$0x1F8B0];
	_ =	sdelay $0x2  }
0x340: {  	v14 =	vld.idx.msk [tilespmem:v14+s12+$0x0], $0xffff  }
0x341: {  	v11 =	vld.idx.msk [tilespmem:v21+s12+$0x0], $0xffff  }
0x342: {  	v21 =	vor.u32 v10, v1;
	v10 =	vld [tilespmem:$0x1F8C0];
	_ =	sdelay $0x4  }
0x343: {  	v3 =	vadd.f32 v4, v3;
	v4 =	vmul.f32 v14, v16;
	v16 =	vor.u32 v10, v0;
	v10 =	vld [tilespmem:$0x1F8D0];
	_ =	sdelay $0x2  }
0x344: {  	v12 =	vadd.f32 v13, v12;
	v13 =	vmul.f32 v51, v55;
	_ =	sdelay $0x1  }
0x345: {  	v12 =	vadd.f32 v13, v12;
	v13 =	vmul.f32 v59, v10;
	v10 =	vld [tilespmem:$0x1F8E0];
	_ =	sdelay $0x2  }
0x346: {  	v19 =	vld.idx.msk [tilespmem:v19+s12+$0x0], $0xffff  }
0x347: {  	v14 =	vld.idx.msk [tilespmem:v22+s12+$0x0], $0xffff  }
0x348: {  	v22 =	vor.u32 v10, v1;
	v10 =	vld [tilespmem:$0x1F8F0];
	_ =	sdelay $0x3  }
0x349: {  	v12 =	vadd.f32 v13, v12;
	v13 =	vld [tilespmem:$0x1F910]  }
0x34a: {  	v3 =	vadd.f32 v4, v3;
	v4 =	vmul.f32 v19, v8;
	v19 =	vor.u32 v10, v0;
	v10 =	vld [tilespmem:$0x1F900];
	_ =	sdelay $0x4  }
0x34b: {  	v13 =	vmul.f32 v13, v10;
	v10 =	vld [tilespmem:$0x1F920];
	_ =	sdelay $0x2  }
0x34c: {  	v18 =	vld.idx.msk [tilespmem:v18+s12+$0x0], $0xffff  }
0x34d: {  	v8 =	vld.idx.msk [tilespmem:v23+s12+$0x0], $0xffff  }
0x34e: {  	v23 =	vor.u32 v10, v1;
	v10 =	vld [tilespmem:$0x1F930];
	_ =	sdelay $0x3  }
0x34f: {  	v12 =	vadd.f32 v13, v12;
	v13 =	vld [tilespmem:$0x1F950]  }
0x350: {  	v3 =	vadd.f32 v4, v3;
	v4 =	vmul.f32 v18, v11;
	v18 =	vor.u32 v10, v0;
	v10 =	vld [tilespmem:$0x1F940];
	_ =	sdelay $0x4  }
0x351: {  	v13 =	vmul.f32 v13, v10;
	v10 =	vld [tilespmem:$0x1F960];
	_ =	sdelay $0x2  }
0x352: {  	v15 =	vld.idx.msk [tilespmem:v15+s12+$0x0], $0xffff  }
0x353: {  	v11 =	vld.idx.msk [tilespmem:v21+s12+$0x0], $0xffff  }
0x354: {  	v21 =	vor.u32 v10, v1;
	v10 =	vld [tilespmem:$0x1F970];
	_ =	sdelay $0x3  }
0x355: {  	v12 =	vadd.f32 v13, v12;
	v13 =	vld [tilespmem:$0x1F990]  }
0x356: {  	v3 =	vadd.f32 v4, v3;
	v4 =	vmul.f32 v15, v14;
	v15 =	vor.u32 v10, v0;
	v10 =	vld [tilespmem:$0x1F980];
	_ =	sdelay $0x4  }
0x357: {  	v13 =	vmul.f32 v13, v10;
	v10 =	vld [tilespmem:$0x1F9A0];
	_ =	sdelay $0x2  }
0x358: {  	v20 =	vld.idx.msk [tilespmem:v20+s12+$0x0], $0xffff  }
0x359: {  	v14 =	vld.idx.msk [tilespmem:v22+s12+$0x0], $0xffff  }
0x35a: {  	v22 =	vor.u32 v10, v1;
	v10 =	vld [tilespmem:$0x1F9B0];
	_ =	sdelay $0x3  }
0x35b: {  	v12 =	vadd.f32 v13, v12;
	v13 =	vld [tilespmem:$0x1F9D0]  }
0x35c: {  	v3 =	vadd.f32 v4, v3;
	v4 =	vmul.f32 v20, v8;
	v20 =	vor.u32 v10, v0;
	v10 =	vld [tilespmem:$0x1F9C0];
	_ =	sdelay $0x4  }
0x35d: {  	v13 =	vmul.f32 v13, v10;
	v10 =	vld [tilespmem:$0x1F9E0];
	_ =	sdelay $0x2  }
0x35e: {  	v16 =	vld.idx.msk [tilespmem:v16+s12+$0x0], $0xffff  }
0x35f: {  	v8 =	vld.idx.msk [tilespmem:v23+s12+$0x0], $0xffff  }
0x360: {  	v23 =	vor.u32 v10, v1;
	v10 =	vld [tilespmem:$0x1F9F0];
	_ =	sdelay $0x3  }
0x361: {  	v12 =	vadd.f32 v13, v12;
	v13 =	vld [tilespmem:$0x1FA10]  }
0x362: {  	v3 =	vadd.f32 v4, v3;
	v4 =	vmul.f32 v16, v11;
	v16 =	vor.u32 v10, v0;
	v10 =	vld [tilespmem:$0x1FA00];
	_ =	sdelay $0x3  }
0x363: {  	v19 =	vld.idx.msk [tilespmem:v19+s12+$0x0], $0xffff  }
0x364: {  	v13 =	vmul.f32 v13, v10;
	v10 =	vld [tilespmem:$0x1FA20];
	_ =	sdelay $0x1  }
0x365: {  	v18 =	vld.idx.msk [tilespmem:v18+s12+$0x0], $0xffff;
	_ =	sdelay $0x1  }
0x366: {  	v11 =	vld.idx.msk [tilespmem:v21+s12+$0x0], $0xffff  }
0x367: {  	v3 =	vadd.f32 v4, v3;
	v4 =	vmul.f32 v19, v14;
	v21 =	vor.u32 v10, v1;
	v10 =	vld [tilespmem:$0x1FA30];
	_ =	sdelay $0x1  }
0x368: {  	v3 =	vadd.f32 v4, v3;
	v4 =	vmul.f32 v18, v8;
	v18 =	vld [tilespmem:$0x1FA60]  }
0x369: {  	v15 =	vld.idx.msk [tilespmem:v15+s12+$0x0], $0xffff  }
0x36a: {  	v12 =	vadd.f32 v13, v12;
	v13 =	vld [tilespmem:$0x1FA50]  }
0x36b: {  	v19 =	vor.u32 v10, v0;
	v10 =	vld [tilespmem:$0x1FA40]  }
0x36c: {  	v14 =	vld.idx.msk [tilespmem:v22+s12+$0x0], $0xffff  }
0x36d: {  	v22 =	vld [tilespmem:$0x1FA80]  }
0x36e: {  	v8 =	vld.idx.msk [tilespmem:v23+s12+$0x0], $0xffff  }
0x36f: {  	v23 =	vld [tilespmem:$0x1FAC0]  }
0x370: {  	v3 =	vadd.f32 v4, v3;
	v4 =	vmul.f32 v15, v11;
	v11 =	vld.idx.msk [tilespmem:v21+s12+$0x0], $0xffff;
	v13 =	vmul.f32 v13, v10  }
0x371: {  	v21 =	vld [tilespmem:$0x1FAB0]  }
0x372: {  	v12 =	vadd.f32 v13, v12;
	v13 =	vld [tilespmem:$0x1FA70];
	_ =	sdelay $0x1  }
0x373: {  	v20 =	vld.idx.msk [tilespmem:v20+s12+$0x0], $0xffff  }
0x374: {  	v18 =	vor.u32 v18, v1;
	v16 =	vld.idx.msk [tilespmem:v16+s12+$0x0], $0xffff  }
0x375: {  	v21 =	vmul.f32 v23, v21;
	v23 =	vld [tilespmem:$0x1FAE0]  }
0x376: {  	v13 =	vmul.f32 v22, v13;
	v22 =	vld [tilespmem:$0x1FA90]  }
0x377: {  	v19 =	vld.idx.msk [tilespmem:v19+s12+$0x0], $0xffff  }
0x378: {  	v12 =	vadd.f32 v13, v12;
	v13 =	vld [tilespmem:$0x1FAD0]  }
0x379: {  	v18 =	vld.idx.msk [tilespmem:v18+s12+$0x0], $0xffff;
	v3 =	vadd.f32 v4, v3;
	v4 =	vmul.f32 v20, v14  }
0x37a: {  	v15 =	vld [tilespmem:$0x1FAA0]  }
0x37b: {  	v14 =	vld [tilespmem:$0x1FAF0];
	v3 =	vadd.f32 v4, v3;
	v4 =	vmul.f32 v16, v8;
	v22 =	vor.u32 v22, v0  }
0x37c: {  	v9 =	vadd.f32 v21, v9;
	v21 =	vld [tilespmem:$0x1FB70]  }
0x37d: {  	v3 =	vadd.f32 v4, v3;
	v4 =	vmul.f32 v19, v11;
	v19 =	vld [tilespmem:$0x1FB60];
	v13 =	vmul.f32 v23, v13  }
0x37e: {  	v23 =	vld [tilespmem:$0x1FB10]  }
0x37f: {  	v12 =	vadd.f32 v13, v12;
	v13 =	vld [tilespmem:$0x1FB00]  }
0x380: {  	v8 =	vld.idx.msk [tilespmem:v22+s12+$0x0], $0xffff  }
0x381: {  	v15 =	vor.u32 v15, v1;
	v16 =	vld [tilespmem:$0x1FB30]  }
0x382: {  	v11 =	vld [tilespmem:$0x1FB50]  }
0x383: {  	v19 =	vmul.f32 v21, v19;
	v21 =	vld [tilespmem:$0x1FB80]  }
0x384: {  	v13 =	vmul.f32 v23, v13;
	v23 =	vld [tilespmem:$0x1FB20]  }
0x385: {  	v14 =	vor.u32 v14, v0;
	v8 =	vmul.f32 v8, v18;
	v18 =	vld [tilespmem:$0x1FBA0]  }
0x386: {  	v3 =	vadd.f32 v4, v3;
	v12 =	vadd.f32 v13, v12;
	v13 =	vld.idx.msk [tilespmem:v15+s12+$0x0], $0xffff  }
0x387: {  	v15 =	vld [tilespmem:$0x1FB40]  }
0x388: {  	v16 =	vor.u32 v16, v0;
	v3 =	vadd.f32 v8, v3;
	v8 =	vld [tilespmem:$0x1FBD0]  }
0x389: {  	v11 =	vor.u32 v11, v0;
	v12 =	vadd.f32 v19, v12;
	v19 =	vld [tilespmem:$0x1FBB0]  }
0x38a: {  	v14 =	vld.idx.msk [tilespmem:v14+s12+$0x0], $0xffff  }
0x38b: {  	v23 =	vor.u32 v23, v1  }
0x38c: {  	v22 =	vld [tilespmem:$0x1FB90]  }
0x38d: {  	v16 =	vld.idx.msk [tilespmem:v16+s12+$0x0], $0xffff;
	v21 =	vor.u32 v21, v1;
	v18 =	vor.u32 v18, v1  }
0x38e: {  	v15 =	vor.u32 v15, v1;
	v1 =	vor.u32 v8, v1;
	v8 =	vld.idx.msk [tilespmem:v11+s12+$0x0], $0xffff;
	v19 =	vmul.f32 v19, v40  }
0x38f: {  	v11 =	vmul.f32 v14, v13;
	v13 =	vld [tilespmem:$0x1FBE0]  }
0x390: {  	v2 =	vmul.f32 v2, v7;
	v4 =	vld.idx.msk [tilespmem:v23+s12+$0x0], $0xffff;
	v12 =	vadd.f32 v19, v12  }
0x391: {  	v22 =	vor.u32 v22, v0;
	v23 =	vld [tilespmem:$0x1FBC0]  }
0x392: {  	v2 =	vadd.f32 v2, v12;
	v12 =	vld [tilespmem:$0x1FC10]  }
0x393: {  	v15 =	vld.idx.msk [tilespmem:v15+s12+$0x0], $0xffff;
	_ =	sdelay $0x1  }
0x394: {  	s2 =	sadd.s32 @!p0 $0x14, s31  }
0x395: {  	v10 =	vor.u32 @!p0 s2, v17;
	v7 =	vld.idx.msk [tilespmem:v22+s12+$0x0], $0xffff;
	v3 =	vadd.f32 v11, v3;
	v4 =	vmul.f32 v16, v4  }
0x396: {  	v23 =	vor.u32 v23, v0;
	v0 =	vor.u32 v13, v0;
	v13 =	vld.idx.msk [tilespmem:v21+s12+$0x0], $0xffff;
	v6 =	vmul.f32 v6, v12  }
0x397: {  	v3 =	vadd.f32 v4, v3;
	v4 =	vmul.f32 v8, v15;
	v8 =	vld [tilespmem:$0x1FC30]  }
0x398: {  	v2 =	vadd.f32 v6, v2;
	v6 =	vld [tilespmem:$0x1FC20];
	_ =	sdelay $0x1  }
0x399: {  	v20 =	vld.idx.msk @!p0 [tilespmem:v10+s8+$0x0], $0xffff  }
0x39a: {  	v10 =	vld.idx.msk @!p0 [tilespmem:v10+s7+$0x0], $0xffff  }
0x39b: {  	v3 =	vadd.f32 v4, v3;
	v4 =	vmul.f32 v7, v13;
	v7 =	vld [tilespmem:$0x1FC40]  }
0x39c: {  	v6 =	vmul.f32 v8, v6;
	v8 =	vld [tilespmem:$0x1FC50]  }
0x39d: {  	v14 =	vld [tilespmem:$0x1FBF0]  }
0x39e: {  	v5 =	vmul.f32 v5, v31;
	v40 =	vld [tilespmem:$0x1FC00]  }
0x39f: {  	v11 =	vld.idx.msk [tilespmem:v18+s12+$0x0], $0xffff  }
0x3a0: {  	v2 =	vadd.f32 v5, v2;
	v5 =	vld [tilespmem:$0x1FC60]  }
0x3a1: {  	v7 =	vmul.f32 v8, v7;
	v8 =	vld [tilespmem:$0x1FC70]  }
0x3a2: {  	v20 =	vshrl.u32 @!p0 v20, $0x7;
	v1 =	vld.idx.msk [tilespmem:v1+s12+$0x0], $0xffff  }
0x3a3: {  	v20 =	vshll.u32 @!p0 v20, $0x7;
	v14 =	vmul.f32 v40, v14;
	v40 =	vld [tilespmem:$0x1FC90]  }
0x3a4: {  	(v2sf) =	vpush @!p0 v20, $0x0;
	v12 =	vld.idx.msk [tilespmem:v23+s12+$0x0], $0xffff  }
0x3a5: {  	v0 =	vld.idx.msk [tilespmem:v0+s12+$0x0], $0xffff  }
0x3a6: {  	v10 =	vshrl.u32 @!p0 v10, $0x7;
	v5 =	vmul.f32 v8, v5;
	v8 =	vld [tilespmem:$0x1FC80]  }
0x3a7: {  	v31 =	vld [tilespmem:$0x1FF10];
	v10 =	vshll.u32 @!p0 v10, $0x7  }
0x3a8: {  	v47 =	vld [tilespmem:$0x1FF90];
	(v2sf) =	vpush @!p0 v10, $0x0;
	v16 =	vadd.f32 v35, v34  }
0x3a9: {  	v49 =	vld [tilespmem:$0x1FFB0];
	v9 =	vadd.f32 v14, v9;
	v3 =	vadd.f32 v4, v3  }
0x3aa: {  	v4 =	vmul.f32 v12, v11;
	v0 =	vmul.f32 v0, v1;
	v1 =	vadd.f32 v7, v16;
	v7 =	vld [tilespmem:$0x1FCD0]  }
0x3ab: {  	v6 =	vadd.f32 v6, v9;
	v2 =	vadd.f32 v5, v2;
	v5 =	vld [tilespmem:$0x1FCA0];
	v8 =	vmul.f32 v40, v8  }
0x3ac: {  	(v2sf) =	vpush @!p0 v20, $0x1;
	v40 =	vld [tilespmem:$0x1FCB0]  }
0x3ad: {  	v3 =	vadd.f32 v4, v3;
	v4 =	vadd.f32 v8, v6;
	v6 =	vld [tilespmem:$0x1FCC0]  }
0x3ae: {  	v44 =	vld [tilespmem:$0x1FF60]  }
0x3af: {  	v46 =	vld [tilespmem:$0x1FF80]  }
0x3b0: {  	v45 =	vld [tilespmem:$0x1FF70];
	(v2sf) =	vpush @!p0 v10, $0x1  }
0x3b1: {  	v5 =	vmul.f32 v40, v5;
	v40 =	vld [tilespmem:$0x1FCF0]  }
0x3b2: {  	v6 =	vmul.f32 v7, v6;
	v7 =	vld [tilespmem:$0x1FCE0]  }
0x3b3: {  	v48 =	vld [tilespmem:$0x1FFA0];
	s2 =	spop @!p0 (v2sf)  }
0x3b4: {  	v27 =	vld [tilespmem:$0x1FF00];
	(v2sf) =	vpush @!p0 v20, $0x2;
	s2 =	sand.u32 @!p0 $0x1FFFFF80, s2  }
0x3b5: {  	v42 =	vld [tilespmem:$0x1FF50];
	s7 =	simm.s32 @!p0 $0x8400;
	s2 =	sadd.s32 @!p0 s0, s2  }
0x3b6: {  	v37 =	vld [tilespmem:$0x1FF40];
	[tilespmem:s7], [sflag:$0x2] =	stream.strided.gather @!p0 [hbm4b:s2+s6], $0x1000, s5, s6, $0x38  }
0x3b7: {  	v63 =	vld [tilespmem:$0x1FFF0];
	s2 =	spop @!p0 (v2sf);
	v0 =	vadd.f32 v0, v3;
	v2 =	vadd.f32 v5, v2;
	v7 =	vmul.f32 v40, v7  }
0x3b8: {  	v25 =	vld [tilespmem:$0x1FFE0];
	(v2sf) =	vpush @!p0 v10, $0x2;
	s2 =	sand.u32 @!p0 $0x1FFFFF80, s2;
	v40 =	vadd.f32 v6, v4  }
0x3b9: {  	v24 =	vld [tilespmem:$0x1FFD0];
	s7 =	simm.s32 @!p0 $0xC400;
	s2 =	sadd.s32 @!p0 s1, s2;
	v0 =	vsel vm0, v0, v2;
	v1 =	vadd.f32 v7, v1  }
0x3ba: {  	v26 =	vld [tilespmem:$0x1FFC0];
	[tilespmem:s7], [sflag:$0x2] =	stream.strided.gather @!p0 [hbm4b:s2+s6], $0x1000, s5, s6, $0x38;
	v0 =	vsel vm1, v0, v40  }
0x3bb: {  	v29 =	vld [tilespmem:$0x1FE40];
	s2 =	spop @!p0 (v2sf);
	v0 =	vsel vm2, v1, v0  }
0x3bc: {  	v28 =	vld [tilespmem:$0x1FE20];
	(v2sf) =	vpush @!p0 v20, $0x3;
	s2 =	sand.u32 @!p0 $0x1FFFFF80, s2;
	v0 =	vsub.f32 $0.0e+00, v0  }
0x3bd: {  	v30 =	vld [tilespmem:$0x1FE10];
	s7 =	simm.s32 @!p0 $0x9400;
	s2 =	sadd.s32 @!p0 s0, s2  }
0x3be: {  	v33 =	vld [tilespmem:$0x1FDE0];
	[tilespmem:s7], [sflag:$0x2] =	stream.strided.gather @!p0 [hbm4b:s2+s6], $0x1000, s5, s6, $0x38;
	v0 =	vmul.f32 $1.442695020e+00, v0  }
0x3bf: {  	v32 =	vld [tilespmem:$0x1FDA0];
	s2 =	spop @!p0 (v2sf)  }
0x3c0: {  	v39 =	vld [tilespmem:$0x1FDC0];
	(v2sf) =	vpush @!p0 v10, $0x3;
	s2 =	sand.u32 @!p0 $0x1FFFFF80, s2;
	(erf) = vpow2.f32 v0  }
0x3c1: {  	v36 =	vld [tilespmem:$0x1FDB0];
	s7 =	simm.s32 @!p0 $0xD400;
	s2 =	sadd.s32 @!p0 s1, s2  }
0x3c2: {  	v43 =	vld [tilespmem:$0x1FDD0];
	[tilespmem:s7], [sflag:$0x2] =	stream.strided.gather @!p0 [hbm4b:s2+s6], $0x1000, s5, s6, $0x38  }
0x3c3: {  	v55 =	vld [tilespmem:$0x1FE00];
	s2 =	spop @!p0 (v2sf)  }
0x3c4: {  	v51 =	vld [tilespmem:$0x1FDF0];
	s2 =	sand.u32 @!p0 $0x1FFFFF80, s2  }
0x3c5: {  	v59 =	vld [tilespmem:$0x1FE30];
	s7 =	simm.s32 @!p0 $0xA400;
	s2 =	sadd.s32 @!p0 s0, s2  }
0x3c6: {  	v17 =	vld [tilespmem:$0x1FE50];
	[tilespmem:s7], [sflag:$0x2] =	stream.strided.gather @!p0 [hbm4b:s2+s6], $0x1000, s5, s6, $0x38  }
0x3c7: {  	v22 =	vld [tilespmem:$0x1FD80];
	s2 =	spop @!p0 (v2sf)  }
0x3c8: {  	v19 =	vld [tilespmem:$0x1FD60];
	s2 =	sand.u32 @!p0 $0x1FFFFF80, s2  }
0x3c9: {  	v18 =	vld [tilespmem:$0x1FD50];
	s7 =	simm.s32 @!p0 $0xE400;
	s2 =	sadd.s32 @!p0 s1, s2;
	v0 =	vpop (erf)  }
0x3ca: {  	v21 =	vld [tilespmem:$0x1FEF0];
	[tilespmem:s7], [sflag:$0x2] =	stream.strided.gather @!p0 [hbm4b:s2+s6], $0x1000, s5, s6, $0x38;
	v0 =	vadd.f32 $1.000000000e+00, v0  }
0x3cb: {  	v35 =	vld [tilespmem:$0x1FF30];
	s2 =	spop @!p0 (v2sf)  }
0x3cc: {  	v34 =	vld [tilespmem:$0x1FF20];
	s2 =	sand.u32 @!p0 $0x1FFFFF80, s2;
	(erf) = vrcp.f32 v0  }
0x3cd: {  	v14 =	vld [tilespmem:$0x1FEC0];
	s7 =	simm.s32 @!p0 $0xB400;
	s2 =	sadd.s32 @!p0 s0, s2  }
0x3ce: {  	v15 =	vld [tilespmem:$0x1FED0];
	[tilespmem:s7], [sflag:$0x2] =	stream.strided.gather @!p0 [hbm4b:s2+s6], $0x1000, s5, s6, $0x38  }
0x3cf: {  	v23 =	vld [tilespmem:$0x1FD90];
	s2 =	spop @!p0 (v2sf)  }
0x3d0: {  	v13 =	vld [tilespmem:$0x1FEB0];
	s2 =	sand.u32 @!p0 $0x1FFFFF80, s2  }
0x3d1: {  	s31 =	sadd.s32 $0x10, s31;
	v20 =	vld [tilespmem:$0x1FD70];
	s7 =	simm.s32 @!p0 $0xF400;
	s2 =	sadd.s32 @!p0 s1, s2  }
0x3d2: {  	v12 =	vld [tilespmem:$0x1FEA0];
	[tilespmem:s7], [sflag:$0x2] =	stream.strided.gather @!p0 [hbm4b:s2+s6], $0x1000, s5, s6, $0x38  }
0x3d3: {  	v11 =	vld [tilespmem:$0x1FE90];
	p0 =	sne.s32 s31, $0x200  }
.Ltmp0:
0x3d4: {  	v10 =	vld [tilespmem:$0x1FD40];
	(pc) =	sbr.rel @p0 .LBB2_2-.Ltmp0, $4  }
0x3d5: {  	v9 =	vld [tilespmem:$0x1FE80];
	v0 =	vpop (erf)  }
0x3d6: {  	v16 =	vld [tilespmem:$0x1FEE0];
	v0 =	vmul.f32 $1.000000000e+01, v0  }
0x3d7: {  	v8 =	vld [tilespmem:$0x1FE70]  }
0x3d8: {  	v7 =	vld [tilespmem:$0x1FE60];
	[tilespmem:s4+$0x0] =	vst v0;
	s4 =	sadd.s32 $0x10, s4  }
0x3d9: {  	s2 =	rddreg [dreg:$0x8];
	s4 =	simm.s32 $0x10400  }
0x3da: {  	[hbm4b:s2+s3] =	stream.linear.scatter [tilespmem:s4], [sflag:$0x3], $0x200, $0x38;
	[tilespmem:$0x10600] =	vst v63  }
0x3db: {  	s4 =	simm.s32 $0x3  }
0x3dc: {  	_ =	swait.ge [sflag:s4], $0x200  }
0x3dd: {  	s5 =	rddreg [dreg:$0xa]  }
0x3de: {  	s31 =	rddreg [dreg:$0x9];
	s5 =	sadd.s32 $0x1, s5  }
0x3df: {  	p0 =	sne.s32 s5, s31  }
.Ltmp1:
0x3e0: {  	_ = 	snop;
	(pc) =	sbr.rel @p0 .LBB2_1-.Ltmp1, $3  }
0x3e1: {  	_ =	sdelay $0x1  }
0x3e2: {  	[sflag:s4] =	ssyncset.done $0x0  }
0x3e3: {  	[sflag:s4] =	ssyncadd.s32 $0xFFFFFE00  }
0x3e4: {  	_ =	sfence.sel $0x180000  }
0x3e5: {  	[bflag:$0x0] =	sbarrier.arrive $0xFFFF  }
0x3e6: {  	_ =	strace $0x90000047  }
0x3e7: {  	s0 =	stileid.u32;
	[bflag:$0x2] =	sbarrier.arrive $0xFFFF  }
0x3e8: {  	p0 =	sne.s32 s0, $0x0;
	s0 =	rddreg [dreg:$0x5]  }
0x3e9: {  	s0 =	sadd.s32 @!p0 $0x100000, s0  }
0x3ea: {  	[sflag:s0] =	ssyncadd.tile.s32 @!p0 $0x1;
	_ =	shalt  }
.Lfunc_end2:
_tile_overlayer_lowered:
.L_overlay_start_2:
0x3eb: {  	(tag) =	ssettag $0x2  }
0x3ec: {  	s0 =	rddreg [dreg:$0x0];
	s2 =	stileid.u32  }
0x3ed: {  	s1 =	rddreg [dreg:$0x1];
	p0 =	sne.s32 s2, $0x0  }
0x3ee: {  	s3 =	rddreg [dreg:$0x2];
	[bflag:$0x3] =	sbarrier.arrive $0xFFFF;
	s2 =	simm.s32 @!p0 $0x1C03  }
0x3ef: {  	[timem:s3], [sflag:s2] =	dma.local @!p0 [hbm:s0], s1  }
0x3f0: {  	s0 =	simm.s32 @!p0 $0x3  }
0x3f1: {  	_ =	swait.ge @!p0 [sflag:s0], s1  }
0x3f2: {  	s1 =	ssub.s32 @!p0 $0x0, s1;
	[sflag:s0] =	ssyncset.done @!p0 $0x0  }
0x3f3: {  	[sflag:s0] =	ssyncadd.s32 @!p0 s1  }
0x3f4: {  	[bflag:$0x3] =	sbarrier.arrive $0xFFFF  }
0x3f5: {  	_ =	shalt  }

</sc_bundles>
